<compile_context>
chip_gen: v7x
topology: tpu7x:2x2x1
jax: 0.10.2.dev20260603
libtpu: 0.0.44.dev20260713+nightly
codegen_flags: <defaults>
</compile_context>

<pallas_src>
import functools

import numpy as np
import jax
import jax.numpy as jnp
from jax import lax
from jax.experimental import pallas as pl
from jax.experimental.pallas import tpu as pltpu
from jax.experimental.pallas import tpu_sc as plsc

_E, _NT, _NA, _NE, _D, _H, _A = 8, 64, 16, 22, 128, 512, 32
_T = _NT * _NA
_B = 64
_NB = _T // _B + _E
_SLOTS = _NB * _B
_OC = 128


def _expert_block(x, ew1, eb1, ew2, eb2, lw1, lb1, lw2, lb2, vw1, vb1, vw2r, vb2):
    def bdot(a, b):
        return jnp.dot(a.astype(jnp.bfloat16), b.astype(jnp.bfloat16),
                       preferred_element_type=jnp.float32)

    def b32(a):
        return a.astype(jnp.bfloat16).astype(jnp.float32)

    h = jnp.maximum(bdot(x, ew1) + eb1, 0.0)
    v = bdot(h, ew2) + eb2
    ge = x.shape[0] // _B
    v3 = v.reshape(_B, ge, _H)
    v3b = b32(v3)
    vs3b = lax.slice(v3b, (0, 0, 0), (_B, 1, _H))
    score3 = jnp.sum(vs3b * v3b, axis=-1, keepdims=True) / np.sqrt(_H)

    eidx = lax.broadcasted_iota(jnp.int32, (_B, ge, 1), 1)

    def conc(lo, hi):
        mask = jnp.logical_and(eidx >= lo, eidx < hi)
        m = jnp.max(jnp.where(mask, score3, -1e30), axis=1, keepdims=True)
        ex = jnp.where(mask, jnp.exp(score3 - m), 0.0)
        attn = ex / jnp.sum(ex, axis=1, keepdims=True)
        v_c = jnp.sum(b32(attn) * v3b, axis=1)
        v_m = jnp.max(jnp.where(mask, v3, -1e30), axis=1)
        return v_c, v_m

    fc, fm = conc(1, 11)
    hc, hm = conc(11, _NE)
    v_c = jnp.concatenate([fc, hc], axis=-1)
    v_m = jnp.concatenate([fm, hm], axis=-1)
    hl = jnp.maximum(bdot(v_c, lw1) + lb1, 0.0)
    logits = bdot(hl, lw2) + lb2
    hv = jnp.maximum(bdot(v_m, vw1) + vb1, 0.0)
    value = jnp.sum(b32(hv) * b32(vw2r), axis=-1, keepdims=True) + vb2
    mx = jnp.max(logits, axis=-1, keepdims=True)
    ids = lax.broadcasted_iota(jnp.int32, (_B, _A), 1)
    act = jnp.min(jnp.where(logits == mx, ids, _A), axis=-1, keepdims=True)
    logp = -jnp.log(jnp.sum(jnp.exp(logits - mx), axis=-1, keepdims=True))
    col = lax.broadcasted_iota(jnp.int32, (_B, _OC), 1)
    return jnp.where(col == 0, act.astype(jnp.float32),
                     jnp.where(col == 1, value,
                               jnp.where(col == 2, logp, 0.0)))


_GE = 24


def _tc_forward(obs, be, bv, tokf,
                ew1, eb1, ew2, eb2, lw1, lb1, lw2, lb2, vw1, vb1, vw2r, vb2):
    def body(be_r, bv_r, tokf_r, obs_r,
             ew1_r, eb1_r, ew2_r, eb2_r, lw1_r, lb1_r, lw2_r, lb2_r,
             vw1_r, vb1_r, vw2_r, vb2_r, out_r, xbuf, sem):
        j = pl.program_id(0)

        def issue(jj):
            @pl.when(bv_r[0, jj] > 0)
            def _():
                buf = jj % 2
                for i in range(_B):
                    pltpu.make_async_copy(
                        obs_r.at[tokf_r[0, jj * _B + i]],
                        xbuf.at[buf, pl.ds(i * _GE, _NE)], sem.at[buf]).start()

        def drain(jj):
            @pl.when(bv_r[0, jj] > 0)
            def _():
                buf = jj % 2
                pltpu.make_async_copy(
                    xbuf.at[(buf + 1) % 2, pl.ds(0, _B * _NE)],
                    xbuf.at[buf, pl.ds(0, _B * _NE)], sem.at[buf]).wait()

        @pl.when(j == 0)
        def _():
            xbuf[...] = jnp.zeros_like(xbuf)
            issue(0)

        @pl.when(j + 1 < _NB)
        def _():
            issue(j + 1)

        drain(j)

        @pl.when(bv_r[0, j] > 0)
        def _():
            out_r[...] = _expert_block(
                xbuf[j % 2], ew1_r[0], eb1_r[0], ew2_r[0], eb2_r[0],
                lw1_r[0], lb1_r[0], lw2_r[0], lb2_r[0],
                vw1_r[0], vb1_r[0], vw2_r[0], vb2_r[0])

    def w_idx(j, be_r, bv_r, tokf_r):
        return (be_r[0, j], 0, 0)

    grid_spec = pltpu.PrefetchScalarGridSpec(
        num_scalar_prefetch=3,
        grid=(_NB,),
        in_specs=[
            pl.BlockSpec(memory_space=pl.ANY),
            pl.BlockSpec((1, _D, _H), w_idx),
            pl.BlockSpec((1, 1, _H), w_idx),
            pl.BlockSpec((1, _H, _H), w_idx),
            pl.BlockSpec((1, 1, _H), w_idx),
            pl.BlockSpec((1, 2 * _H, _H), w_idx),
            pl.BlockSpec((1, 1, _H), w_idx),
            pl.BlockSpec((1, _H, _A), w_idx),
            pl.BlockSpec((1, 1, _A), w_idx),
            pl.BlockSpec((1, 2 * _H, _H), w_idx),
            pl.BlockSpec((1, 1, _H), w_idx),
            pl.BlockSpec((1, 1, _H), w_idx),
            pl.BlockSpec((1, 1, 1), w_idx),
        ],
        out_specs=pl.BlockSpec((_B, _OC), lambda j, be_r, bv_r, tokf_r: (j, 0)),
        scratch_shapes=[
            pltpu.VMEM((2, _B * _GE, _D), jnp.float32),
            pltpu.SemaphoreType.DMA((2,)),
        ],
    )
    return pl.pallas_call(
        body,
        grid_spec=grid_spec,
        out_shape=jax.ShapeDtypeStruct((_SLOTS, _OC), jnp.float32),
        compiler_params=pltpu.CompilerParams(dimension_semantics=("arbitrary",)),
    )(be, bv, tokf, obs, ew1, eb1, ew2, eb2, lw1, lb1, lw2, lb2, vw1, vb1, vw2r, vb2)


def _route_meta(eid_col):
    def body(eid_r, be_r, bv_r, tok_r, slot_r):
        eidc = eid_r[...]
        onehot = (eidc == lax.broadcasted_iota(jnp.int32, (_T, _E), 1)
                  ).astype(jnp.int32)
        cum = onehot
        s = 1
        while s < _T:
            shifted = lax.pad(cum, jnp.int32(0),
                              ((s, 0, 0), (0, 0, 0)))[:_T]
            cum = cum + shifted
            s *= 2
        counts = [lax.slice(cum, (_T - 1, e), (_T, e + 1)) for e in range(_E)]
        nb = [(c + (_B - 1)) // _B for c in counts]
        bst = [jnp.zeros((1, 1), jnp.int32)]
        for e in range(_E):
            bst.append(bst[e] + nb[e])
        total = bst[_E]
        pos = jnp.sum(cum * onehot, axis=1, keepdims=True) - 1
        bstart_tok = jnp.zeros((_T, 1), jnp.int32)
        for e in range(_E):
            bstart_tok = bstart_tok + lax.slice(onehot, (0, e), (_T, e + 1)) * bst[e]
        slot_col = (bstart_tok + pos // _B) * _B + (pos % _B)
        slot_r[...] = slot_col.reshape(1, _T)
        jlane = lax.broadcasted_iota(jnp.int32, (1, _NB), 1)
        be = jnp.zeros((1, _NB), jnp.int32)
        for e in range(_E):
            be = be + (jlane >= bst[e]).astype(jnp.int32)
        be = jnp.clip(be - 1, 0, _E - 1)
        cnt_at = jnp.zeros((1, _NB), jnp.int32)
        bst_at = jnp.zeros((1, _NB), jnp.int32)
        for e in range(_E):
            sel = (be == e).astype(jnp.int32)
            cnt_at = cnt_at + sel * counts[e]
            bst_at = bst_at + sel * bst[e]
        bv = jnp.where(jlane < total,
                       jnp.clip(cnt_at - (jlane - bst_at) * _B, 0, _B), 0)
        be_r[...] = be
        bv_r[...] = bv
        pmat = jnp.where(slot_col == lax.broadcasted_iota(jnp.int32, (_T, _SLOTS), 1),
                         1.0, 0.0)
        ti = lax.broadcasted_iota(jnp.int32, (1, _T), 1).astype(jnp.float32)
        tok_f = jnp.dot(ti, pmat, preferred_element_type=jnp.float32,
                        precision=lax.Precision.HIGHEST)
        tok_r[...] = tok_f.astype(jnp.int32)

    return pl.pallas_call(
        body,
        grid=(1,),
        out_shape=(
            jax.ShapeDtypeStruct((1, _NB), jnp.int32),
            jax.ShapeDtypeStruct((1, _NB), jnp.int32),
            jax.ShapeDtypeStruct((1, _SLOTS), jnp.int32),
            jax.ShapeDtypeStruct((1, _T), jnp.int32),
        ),
    )(eid_col)


def _sc_gather_rows(table, idx, chunk_rows):
    _, d_w = table.shape
    n = idx.shape[1]
    info = plsc.get_sparse_core_info()
    n_w = info.num_cores * info.num_subcores
    rpw = n // n_w
    c_rows = min(chunk_rows, rpw)
    nchunks = rpw // c_rows
    mesh = plsc.VectorSubcoreMesh(core_axis_name="c", subcore_axis_name="s")

    @functools.partial(
        pl.kernel, mesh=mesh,
        out_type=jax.ShapeDtypeStruct((n, d_w), jnp.float32),
        scratch_types=[
            pltpu.VMEM((2, c_rows), jnp.int32),
            pltpu.VMEM((2, c_rows, d_w), jnp.float32),
            pltpu.SemaphoreType.DMA,
            pltpu.SemaphoreType.DMA,
        ],
    )
    def k(tab_h, idx_h, out_h, idx_v, rows_v, sem0, sem1):
        wid = lax.axis_index("s") * info.num_cores + lax.axis_index("c")
        base = wid * rpw
        sems = (sem0, sem1)
        pltpu.sync_copy(idx_h.at[0, pl.ds(base, c_rows)], idx_v.at[0])
        h_prev = pltpu.async_copy(tab_h.at[idx_v.at[0]], rows_v.at[0], sems[0])
        for c in range(nchunks):
            b = c % 2
            h_cur = h_prev
            if c + 1 < nchunks:
                nb = (c + 1) % 2
                pltpu.sync_copy(idx_h.at[0, pl.ds(base + (c + 1) * c_rows, c_rows)],
                                idx_v.at[nb])
                h_prev = pltpu.async_copy(tab_h.at[idx_v.at[nb]], rows_v.at[nb],
                                          sems[nb])
            h_cur.wait()
            pltpu.sync_copy(rows_v.at[b], out_h.at[pl.ds(base + c * c_rows, c_rows)])

    return k(table, idx)


def kernel(obs, expert_ids, enc_w1, enc_b1, enc_w2, enc_b2,
           log_w1, log_b1, log_w2, log_b2, val_w1, val_b1, val_w2, val_b2):
    eid_col = expert_ids.reshape(_T, 1).astype(jnp.int32)

    be, bv, tokf, slot_row = _route_meta(eid_col)

    eb1r = enc_b1.reshape(_E, 1, _H)
    eb2r = enc_b2.reshape(_E, 1, _H)
    lb1r = log_b1.reshape(_E, 1, _H)
    lb2r = log_b2.reshape(_E, 1, _A)
    vb1r = val_b1.reshape(_E, 1, _H)
    vb2r = val_b2.reshape(_E, 1, 1)
    vw2r = val_w2.reshape(_E, 1, _H)
    out_sorted = _tc_forward(obs.reshape(_T, _NE, _D), be, bv, tokf,
                             enc_w1, eb1r, enc_w2, eb2r,
                             log_w1, lb1r, log_w2, lb2r,
                             val_w1, vb1r, vw2r, vb2r)

    fin = _sc_gather_rows(out_sorted, slot_row, 32)
    act = fin[:, 0].astype(jnp.int32).reshape(_NT, _NA)
    value = fin[:, 1].reshape(_NT, _NA, 1)
    logp = fin[:, 2].reshape(_NT, _NA)
    return act, value, logp

# --- scband reference (transcript-rebuilt; emitter-appended) ---
"""Pipeline reference for scband-hete-net-72593537237024 (READ-ONLY COPY).

The authoritative reference and input builder live on the scoring server;
editing this copy changes nothing except your own understanding.
"""

import jax, jax.numpy as jnp
import numpy as np

E = 8
NT, NA = 64, 16
NE = 22
D = 128
H = 512
A = 32


def setup_inputs(seed: int = 0):
    key = jax.random.key(seed)
    ks = jax.random.split(key, 12)

    def w(k, shape, fan):
        return jax.random.normal(k, shape, dtype=jnp.float32) / np.sqrt(fan)

    inp = {}
    inp['obs'] = jax.random.normal(ks[0], (NT, NA, NE, D), dtype=jnp.float32)
    inp['expert_ids'] = jax.random.randint(ks[1], (NT, NA), 0, E)
    inp['enc_w1'] = w(ks[2], (E, D, H), D)
    inp['enc_b1'] = jnp.zeros((E, H), dtype=jnp.float32)
    inp['enc_w2'] = w(ks[3], (E, H, H), H)
    inp['enc_b2'] = jnp.zeros((E, H), dtype=jnp.float32)
    inp['log_w1'] = w(ks[4], (E, 2 * H, H), 2 * H)
    inp['log_b1'] = jnp.zeros((E, H), dtype=jnp.float32)
    inp['log_w2'] = w(ks[5], (E, H, A), H)
    inp['log_b2'] = jnp.zeros((E, A), dtype=jnp.float32)
    inp['val_w1'] = w(ks[6], (E, 2 * H, H), 2 * H)
    inp['val_b1'] = jnp.zeros((E, H), dtype=jnp.float32)
    inp['val_w2'] = w(ks[7], (E, H, 1), H)
    inp['val_b2'] = jnp.zeros((E, 1), dtype=jnp.float32)
    return inp


def _conc(vs, ve):
    # Concentration: self-entity query attends over entity group; C = attended mix, M = max-pool summary
    score = jnp.einsum('th,teh->te', vs, ve) / np.sqrt(H)
    attn = jax.nn.softmax(score, axis=-1)
    v_C = jnp.einsum('te,teh->th', attn, ve)
    v_M = jnp.max(ve, axis=1)
    return v_C, v_M


def _expert(o, ew1, eb1, ew2, eb2, lw1, lb1, lw2, lb2, vw1, vb1, vw2, vb2):
    # AT_obs_encoder: Linear -> ReLU -> Linear, applied per entity
    v = jax.nn.relu(jnp.einsum('ted,dh->teh', o, ew1) + eb1)
    v = jnp.einsum('teh,hg->teg', v, ew2) + eb2
    # div_entity: self / friends / hostiles
    vs = v[:, 0, :]
    ve_f = v[:, 1:11, :]
    ve_h = v[:, 11:22, :]
    vf_C, vf_M = _conc(vs, ve_f)
    vh_C, vh_M = _conc(vs, ve_h)
    v_C = jnp.concatenate([vf_C, vh_C], axis=-1)
    v_M = jnp.concatenate([vf_M, vh_M], axis=-1)
    logits = jnp.einsum('th,ha->ta', jax.nn.relu(v_C @ lw1 + lb1), lw2) + lb2
    value = jax.nn.relu(v_M @ vw1 + vb1) @ vw2 + vb2
    return logits, value


def reference(obs, expert_ids, enc_w1, enc_b1, enc_w2, enc_b2, log_w1, log_b1, log_w2, log_b2, val_w1, val_b1, val_w2, val_b2):
    T = NT * NA
    o = obs.reshape(T, NE, D)
    eid = expert_ids.reshape(T)
    logits_out = jnp.zeros((T, A), dtype=obs.dtype)
    value_out = jnp.zeros((T, 1), dtype=obs.dtype)
    # distribute_compute: gather tokens per expert net, run its forward, scatter results back
    for e in range(E):
        lg, vl = _expert(o, enc_w1[e], enc_b1[e], enc_w2[e], enc_b2[e],
                         log_w1[e], log_b1[e], log_w2[e], log_b2[e],
                         val_w1[e], val_b1[e], val_w2[e], val_b2[e])
        mask = (eid == e)[:, None]
        logits_out = jnp.where(mask, lg, logits_out)
        value_out = jnp.where(mask, vl, value_out)
    # logit2act in test_mode: deterministic argmax
    act = jnp.argmax(logits_out, axis=-1)
    logp = jax.nn.log_softmax(logits_out, axis=-1)
    act_log_probs = jnp.take_along_axis(logp, act[:, None], axis=1)[:, 0]
    return (act.reshape(NT, NA), value_out.reshape(NT, NA, 1), act_log_probs.reshape(NT, NA))

if __name__ == "__main__":
    import jax
    _d = setup_inputs()
    print(jax.jit(kernel)(*tuple(_d.values())))

</pallas_src>

<mosaic_0001>
#map = affine_map<(d0, d1) -> (0, 0)>
module attributes {stable_mosaic.version = 14 : i64} {
  func.func @k(%arg0: i32, %arg1: i32, %arg2: memref<1536x128xf32, #tpu.memory_space<hbm>>, %arg3: memref<1x1024xi32, #tpu.memory_space<hbm>>, %arg4: memref<1024x128xf32, #tpu.memory_space<hbm>>, %arg5: memref<2x32xi32, #tpu.memory_space<vmem>>, %arg6: memref<2x32x128xf32, #tpu.memory_space<vmem>>, %arg7: memref<!tpu.dma_semaphore, #tpu.memory_space<semaphore_mem>>, %arg8: memref<!tpu.dma_semaphore, #tpu.memory_space<semaphore_mem>>) attributes {dimension_semantics = [#tpu.dimension_semantics<core_parallel>, #tpu.dimension_semantics<subcore_parallel>], iteration_bounds = array<i64: 2, 16>, scalar_prefetch = 0 : i64, scratch_operands = 4 : i64, tpu.core_type = #tpu.core_type<sc_vector_subcore>, window_params = [{transform_indices = #map}, {transform_indices = #map}, {transform_indices = #map}]} {
    %mul3A = arith.constant 2 : i32
    %mul3A_0 = arith.muli %arg1, %mul3A : i32
    %add3A = arith.addi %mul3A_0, %arg0 : i32
    %mul3A_1 = arith.constant 32 : i32
    %mul3A_2 = arith.muli %add3A, %mul3A_1 : i32
    %run_scoped3A = arith.constant 0 : i32
    %run_scoped3A_3 = arith.constant 0 : i32
    "tpu.region"() ({
      %run_scoped3A_29 = tpu.sem_alloc : memref<!tpu.dma_semaphore, #tpu.memory_space<semaphore_mem>>
      %dma_start3A_30 = arith.constant 0 : i32
      %dma_start3A_31 = tpu.memref_slice %arg5[%run_scoped3A_3, %dma_start3A_30] : memref<2x32xi32, #tpu.memory_space<vmem>> -> memref<1x32xi32, #tpu.memory_space<vmem>>
      %dma_start3A_32 = tpu.memref_squeeze %dma_start3A_31 : memref<1x32xi32, #tpu.memory_space<vmem>> -> memref<32xi32, #tpu.memory_space<vmem>>
      %dma_start3A_33 = tpu.memref_slice %arg3[%run_scoped3A, %mul3A_2] : memref<1x1024xi32, #tpu.memory_space<hbm>> -> memref<1x32xi32, #tpu.memory_space<hbm>>
      %dma_start3A_34 = tpu.memref_squeeze %dma_start3A_33 : memref<1x32xi32, #tpu.memory_space<hbm>> -> memref<32xi32, #tpu.memory_space<hbm>>
      %dma_start3A_35 = arith.constant 0 : i32
      %dma_start3A_36 = tpu.memref_slice %arg5[%run_scoped3A_3, %dma_start3A_35] : memref<2x32xi32, #tpu.memory_space<vmem>> -> memref<1x32xi32, #tpu.memory_space<vmem>>
      %dma_start3A_37 = tpu.memref_squeeze %dma_start3A_36 : memref<1x32xi32, #tpu.memory_space<vmem>> -> memref<32xi32, #tpu.memory_space<vmem>>
      %dma_start3A_38 = tpu.memref_slice %arg3[%run_scoped3A, %mul3A_2] : memref<1x1024xi32, #tpu.memory_space<hbm>> -> memref<1x32xi32, #tpu.memory_space<hbm>>
      %dma_start3A_39 = tpu.memref_squeeze %dma_start3A_38 : memref<1x32xi32, #tpu.memory_space<hbm>> -> memref<32xi32, #tpu.memory_space<hbm>>
      tpu.enqueue_dma source(%dma_start3A_39 : memref<32xi32, #tpu.memory_space<hbm>>) target(%dma_start3A_37 : memref<32xi32, #tpu.memory_space<vmem>>) target_semaphore(%run_scoped3A_29 : memref<!tpu.dma_semaphore, #tpu.memory_space<semaphore_mem>>)
      %dma_wait3A_40 = arith.constant 0 : i32
      %dma_wait3A_41 = tpu.memref_slice %arg5[%run_scoped3A_3, %dma_wait3A_40] : memref<2x32xi32, #tpu.memory_space<vmem>> -> memref<1x32xi32, #tpu.memory_space<vmem>>
      %dma_wait3A_42 = tpu.memref_squeeze %dma_wait3A_41 : memref<1x32xi32, #tpu.memory_space<vmem>> -> memref<32xi32, #tpu.memory_space<vmem>>
      %dma_wait3A_43 = tpu.memref_slice %arg3[%run_scoped3A, %mul3A_2] : memref<1x1024xi32, #tpu.memory_space<hbm>> -> memref<1x32xi32, #tpu.memory_space<hbm>>
      %dma_wait3A_44 = tpu.memref_squeeze %dma_wait3A_43 : memref<1x32xi32, #tpu.memory_space<hbm>> -> memref<32xi32, #tpu.memory_space<hbm>>
      %dma_wait3A_45 = arith.constant 0 : i32
      %dma_wait3A_46 = tpu.memref_slice %arg5[%run_scoped3A_3, %dma_wait3A_45] : memref<2x32xi32, #tpu.memory_space<vmem>> -> memref<1x32xi32, #tpu.memory_space<vmem>>
      %dma_wait3A_47 = tpu.memref_squeeze %dma_wait3A_46 : memref<1x32xi32, #tpu.memory_space<vmem>> -> memref<32xi32, #tpu.memory_space<vmem>>
      %dma_wait3A_48 = tpu.memref_slice %arg3[%run_scoped3A, %mul3A_2] : memref<1x1024xi32, #tpu.memory_space<hbm>> -> memref<1x32xi32, #tpu.memory_space<hbm>>
      %dma_wait3A_49 = tpu.memref_squeeze %dma_wait3A_48 : memref<1x32xi32, #tpu.memory_space<hbm>> -> memref<32xi32, #tpu.memory_space<hbm>>
      tpu.wait_dma2 semaphore(%run_scoped3A_29 : memref<!tpu.dma_semaphore, #tpu.memory_space<semaphore_mem>>) src(%dma_wait3A_49 : memref<32xi32, #tpu.memory_space<hbm>>) dst(%dma_wait3A_47 : memref<32xi32, #tpu.memory_space<vmem>>)
      tpu.yield
    }) : () -> ()
    %dma_start3A = arith.constant 0 : i32
    %dma_start3A_4 = arith.constant 0 : i32
    %dma_start3A_5 = arith.constant 0 : i32
    %dma_start3A_6 = arith.constant 0 : i32
    %dma_start3A_7 = tpu.memref_slice %arg6[%dma_start3A_4, %dma_start3A_5, %dma_start3A_6] : memref<2x32x128xf32, #tpu.memory_space<vmem>> -> memref<1x32x128xf32, #tpu.memory_space<vmem>>
    %dma_start3A_8 = tpu.memref_squeeze %dma_start3A_7 : memref<1x32x128xf32, #tpu.memory_space<vmem>> -> memref<32x128xf32, #tpu.memory_space<vmem>>
    %dma_start3A_9 = arith.constant 0 : i32
    %dma_start3A_10 = tpu.memref_slice %arg5[%dma_start3A, %dma_start3A_9] : memref<2x32xi32, #tpu.memory_space<vmem>> -> memref<1x32xi32, #tpu.memory_space<vmem>>
    %dma_start3A_11 = tpu.memref_squeeze %dma_start3A_10 : memref<1x32xi32, #tpu.memory_space<vmem>> -> memref<32xi32, #tpu.memory_space<vmem>>
    %dma_start3A_12 = arith.constant 0 : i32
    %dma_start3A_13 = arith.constant 0 : i32
    %dma_start3A_14 = tpu.memref_slice %arg2[%dma_start3A_12, %dma_start3A_13] : memref<1536x128xf32, #tpu.memory_space<hbm>> -> memref<1536x128xf32, #tpu.memory_space<hbm>>
    tpu.enqueue_indirect_dma source(%dma_start3A_14 : memref<1536x128xf32, #tpu.memory_space<hbm>>) target(%dma_start3A_8 : memref<32x128xf32, #tpu.memory_space<vmem>>) offsets(%dma_start3A_11 : memref<32xi32, #tpu.memory_space<vmem>>) semaphore(%arg7 : memref<!tpu.dma_semaphore, #tpu.memory_space<semaphore_mem>>)
    %dma_wait3A = arith.constant 0 : i32
    %dma_wait3A_15 = arith.constant 0 : i32
    %dma_wait3A_16 = arith.constant 0 : i32
    %dma_wait3A_17 = arith.constant 0 : i32
    %dma_wait3A_18 = tpu.memref_slice %arg6[%dma_wait3A_15, %dma_wait3A_16, %dma_wait3A_17] : memref<2x32x128xf32, #tpu.memory_space<vmem>> -> memref<1x32x128xf32, #tpu.memory_space<vmem>>
    %dma_wait3A_19 = tpu.memref_squeeze %dma_wait3A_18 : memref<1x32x128xf32, #tpu.memory_space<vmem>> -> memref<32x128xf32, #tpu.memory_space<vmem>>
    %dma_wait3A_20 = arith.constant 0 : i32
    %dma_wait3A_21 = tpu.memref_slice %arg5[%dma_wait3A, %dma_wait3A_20] : memref<2x32xi32, #tpu.memory_space<vmem>> -> memref<1x32xi32, #tpu.memory_space<vmem>>
    %dma_wait3A_22 = tpu.memref_squeeze %dma_wait3A_21 : memref<1x32xi32, #tpu.memory_space<vmem>> -> memref<32xi32, #tpu.memory_space<vmem>>
    %dma_wait3A_23 = arith.constant 0 : i32
    %dma_wait3A_24 = arith.constant 0 : i32
    %dma_wait3A_25 = tpu.memref_slice %arg2[%dma_wait3A_23, %dma_wait3A_24] : memref<1536x128xf32, #tpu.memory_space<hbm>> -> memref<1536x128xf32, #tpu.memory_space<hbm>>
    tpu.wait_indirect_dma semaphore(%arg7 : memref<!tpu.dma_semaphore, #tpu.memory_space<semaphore_mem>>) src(%dma_wait3A_25 : memref<1536x128xf32, #tpu.memory_space<hbm>>) dst(%dma_wait3A_19 : memref<32x128xf32, #tpu.memory_space<vmem>>)
    %add3A_26 = arith.constant 0 : i32
    %add3A_27 = arith.addi %mul3A_2, %add3A_26 : i32
    %run_scoped3A_28 = arith.constant 0 : i32
    "tpu.region"() ({
      %run_scoped3A_29 = tpu.sem_alloc : memref<!tpu.dma_semaphore, #tpu.memory_space<semaphore_mem>>
      %dma_start3A_30 = arith.constant 0 : i32
      %dma_start3A_31 = arith.constant 0 : i32
      %dma_start3A_32 = tpu.memref_slice %arg6[%run_scoped3A_28, %dma_start3A_30, %dma_start3A_31] : memref<2x32x128xf32, #tpu.memory_space<vmem>> -> memref<1x32x128xf32, #tpu.memory_space<vmem>>
      %dma_start3A_33 = tpu.memref_squeeze %dma_start3A_32 : memref<1x32x128xf32, #tpu.memory_space<vmem>> -> memref<32x128xf32, #tpu.memory_space<vmem>>
      %dma_start3A_34 = arith.constant 0 : i32
      %dma_start3A_35 = tpu.memref_slice %arg4[%add3A_27, %dma_start3A_34] : memref<1024x128xf32, #tpu.memory_space<hbm>> -> memref<32x128xf32, #tpu.memory_space<hbm>>
      %dma_start3A_36 = arith.constant 0 : i32
      %dma_start3A_37 = tpu.memref_slice %arg4[%add3A_27, %dma_start3A_36] : memref<1024x128xf32, #tpu.memory_space<hbm>> -> memref<32x128xf32, #tpu.memory_space<hbm>>
      %dma_start3A_38 = arith.constant 0 : i32
      %dma_start3A_39 = arith.constant 0 : i32
      %dma_start3A_40 = tpu.memref_slice %arg6[%run_scoped3A_28, %dma_start3A_38, %dma_start3A_39] : memref<2x32x128xf32, #tpu.memory_space<vmem>> -> memref<1x32x128xf32, #tpu.memory_space<vmem>>
      %dma_start3A_41 = tpu.memref_squeeze %dma_start3A_40 : memref<1x32x128xf32, #tpu.memory_space<vmem>> -> memref<32x128xf32, #tpu.memory_space<vmem>>
      tpu.enqueue_dma source(%dma_start3A_41 : memref<32x128xf32, #tpu.memory_space<vmem>>) target(%dma_start3A_37 : memref<32x128xf32, #tpu.memory_space<hbm>>) target_semaphore(%run_scoped3A_29 : memref<!tpu.dma_semaphore, #tpu.memory_space<semaphore_mem>>)
      %dma_wait3A_42 = arith.constant 0 : i32
      %dma_wait3A_43 = arith.constant 0 : i32
      %dma_wait3A_44 = tpu.memref_slice %arg6[%run_scoped3A_28, %dma_wait3A_42, %dma_wait3A_43] : memref<2x32x128xf32, #tpu.memory_space<vmem>> -> memref<1x32x128xf32, #tpu.memory_space<vmem>>
      %dma_wait3A_45 = tpu.memref_squeeze %dma_wait3A_44 : memref<1x32x128xf32, #tpu.memory_space<vmem>> -> memref<32x128xf32, #tpu.memory_space<vmem>>
      %dma_wait3A_46 = arith.constant 0 : i32
      %dma_wait3A_47 = tpu.memref_slice %arg4[%add3A_27, %dma_wait3A_46] : memref<1024x128xf32, #tpu.memory_space<hbm>> -> memref<32x128xf32, #tpu.memory_space<hbm>>
      %dma_wait3A_48 = arith.constant 0 : i32
      %dma_wait3A_49 = tpu.memref_slice %arg4[%add3A_27, %dma_wait3A_48] : memref<1024x128xf32, #tpu.memory_space<hbm>> -> memref<32x128xf32, #tpu.memory_space<hbm>>
      %dma_wait3A_50 = arith.constant 0 : i32
      %dma_wait3A_51 = arith.constant 0 : i32
      %dma_wait3A_52 = tpu.memref_slice %arg6[%run_scoped3A_28, %dma_wait3A_50, %dma_wait3A_51] : memref<2x32x128xf32, #tpu.memory_space<vmem>> -> memref<1x32x128xf32, #tpu.memory_space<vmem>>
      %dma_wait3A_53 = tpu.memref_squeeze %dma_wait3A_52 : memref<1x32x128xf32, #tpu.memory_space<vmem>> -> memref<32x128xf32, #tpu.memory_space<vmem>>
      tpu.wait_dma2 semaphore(%run_scoped3A_29 : memref<!tpu.dma_semaphore, #tpu.memory_space<semaphore_mem>>) src(%dma_wait3A_53 : memref<32x128xf32, #tpu.memory_space<vmem>>) dst(%dma_wait3A_49 : memref<32x128xf32, #tpu.memory_space<hbm>>)
      tpu.yield
    }) : () -> ()
    return
  }
}

module attributes {stable_mosaic.version = 14 : i64} {
  func.func @body(%arg0: i32, %arg1: memref<1024x1xi32, #tpu.memory_space<vmem>>, %arg2: memref<1x24xi32, #tpu.memory_space<vmem>>, %arg3: memref<1x24xi32, #tpu.memory_space<vmem>>, %arg4: memref<1x1536xi32, #tpu.memory_space<vmem>>, %arg5: memref<1x1024xi32, #tpu.memory_space<vmem>>) attributes {dimension_semantics = [#tpu.dimension_semantics<arbitrary>], iteration_bounds = array<i64: 1>, scalar_prefetch = 0 : i64, scratch_operands = 0 : i64, tpu.core_type = #tpu.core_type<tc>, window_params = [{pipeline_mode = #tpu.pipeline_mode<synchronous>, transform_indices = @transform_0, window_bounds = array<i64: 1024, 1>}, {pipeline_mode = #tpu.pipeline_mode<synchronous>, transform_indices = @transform_1, window_bounds = array<i64: 1, 24>}, {pipeline_mode = #tpu.pipeline_mode<synchronous>, transform_indices = @transform_2, window_bounds = array<i64: 1, 24>}, {pipeline_mode = #tpu.pipeline_mode<synchronous>, transform_indices = @transform_3, window_bounds = array<i64: 1, 1536>}, {pipeline_mode = #tpu.pipeline_mode<synchronous>, transform_indices = @transform_4, window_bounds = array<i64: 1, 1024>}]} {
    %get3A = arith.constant 0 : index
    %get3A_0 = arith.constant 0 : index
    %get3A_1 = vector.load %arg1[%get3A, %get3A_0] : memref<1024x1xi32, #tpu.memory_space<vmem>>, vector<1024x1xi32>
    %iota3A = tpu.iota {dimensions = array<i32: 1>} : vector<1024x8xi32>
    %eq3A = vector.broadcast %get3A_1 : vector<1024x1xi32> to vector<1024x8xi32>
    %eq3A_2 = arith.cmpi eq, %eq3A, %iota3A : vector<1024x8xi32>
    %convert_element_type3A = arith.extui %eq3A_2 : vector<1024x8xi1> to vector<1024x8xi32>
    %pad3A = arith.constant 0 : i32
    %pad3A_3 = vector.broadcast %pad3A : i32 to vector<1x8xi32>
    %pad3A_4 = tpu.concatenate %pad3A_3, %convert_element_type3A in 0 : vector<1x8xi32>, vector<1024x8xi32> -> vector<1025x8xi32>
    %slice3A = vector.extract_strided_slice %pad3A_4 {offsets = [0, 0], sizes = [1024, 8], strides = [1, 1]} : vector<1025x8xi32> to vector<1024x8xi32>
    %add3A = arith.addi %convert_element_type3A, %slice3A : vector<1024x8xi32>
    %pad3A_5 = arith.constant 0 : i32
    %pad3A_6 = vector.broadcast %pad3A_5 : i32 to vector<2x8xi32>
    %pad3A_7 = tpu.concatenate %pad3A_6, %add3A in 0 : vector<2x8xi32>, vector<1024x8xi32> -> vector<1026x8xi32>
    %slice3A_8 = vector.extract_strided_slice %pad3A_7 {offsets = [0, 0], sizes = [1024, 8], strides = [1, 1]} : vector<1026x8xi32> to vector<1024x8xi32>
    %add3A_9 = arith.addi %add3A, %slice3A_8 : vector<1024x8xi32>
    %pad3A_10 = arith.constant 0 : i32
    %pad3A_11 = vector.broadcast %pad3A_10 : i32 to vector<4x8xi32>
    %pad3A_12 = tpu.concatenate %pad3A_11, %add3A_9 in 0 : vector<4x8xi32>, vector<1024x8xi32> -> vector<1028x8xi32>
    %slice3A_13 = vector.extract_strided_slice %pad3A_12 {offsets = [0, 0], sizes = [1024, 8], strides = [1, 1]} : vector<1028x8xi32> to vector<1024x8xi32>
    %add3A_14 = arith.addi %add3A_9, %slice3A_13 : vector<1024x8xi32>
    %pad3A_15 = arith.constant 0 : i32
    %pad3A_16 = vector.broadcast %pad3A_15 : i32 to vector<8x8xi32>
    %pad3A_17 = tpu.concatenate %pad3A_16, %add3A_14 in 0 : vector<8x8xi32>, vector<1024x8xi32> -> vector<1032x8xi32>
    %slice3A_18 = vector.extract_strided_slice %pad3A_17 {offsets = [0, 0], sizes = [1024, 8], strides = [1, 1]} : vector<1032x8xi32> to vector<1024x8xi32>
    %add3A_19 = arith.addi %add3A_14, %slice3A_18 : vector<1024x8xi32>
    %pad3A_20 = arith.constant 0 : i32
    %pad3A_21 = vector.broadcast %pad3A_20 : i32 to vector<16x8xi32>
    %pad3A_22 = tpu.concatenate %pad3A_21, %add3A_19 in 0 : vector<16x8xi32>, vector<1024x8xi32> -> vector<1040x8xi32>
    %slice3A_23 = vector.extract_strided_slice %pad3A_22 {offsets = [0, 0], sizes = [1024, 8], strides = [1, 1]} : vector<1040x8xi32> to vector<1024x8xi32>
    %add3A_24 = arith.addi %add3A_19, %slice3A_23 : vector<1024x8xi32>
    %pad3A_25 = arith.constant 0 : i32
    %pad3A_26 = vector.broadcast %pad3A_25 : i32 to vector<32x8xi32>
    %pad3A_27 = tpu.concatenate %pad3A_26, %add3A_24 in 0 : vector<32x8xi32>, vector<1024x8xi32> -> vector<1056x8xi32>
    %slice3A_28 = vector.extract_strided_slice %pad3A_27 {offsets = [0, 0], sizes = [1024, 8], strides = [1, 1]} : vector<1056x8xi32> to vector<1024x8xi32>
    %add3A_29 = arith.addi %add3A_24, %slice3A_28 : vector<1024x8xi32>
    %pad3A_30 = arith.constant 0 : i32
    %pad3A_31 = vector.broadcast %pad3A_30 : i32 to vector<64x8xi32>
    %pad3A_32 = tpu.concatenate %pad3A_31, %add3A_29 in 0 : vector<64x8xi32>, vector<1024x8xi32> -> vector<1088x8xi32>
    %slice3A_33 = vector.extract_strided_slice %pad3A_32 {offsets = [0, 0], sizes = [1024, 8], strides = [1, 1]} : vector<1088x8xi32> to vector<1024x8xi32>
    %add3A_34 = arith.addi %add3A_29, %slice3A_33 : vector<1024x8xi32>
    %pad3A_35 = arith.constant 0 : i32
    %pad3A_36 = vector.broadcast %pad3A_35 : i32 to vector<128x8xi32>
    %pad3A_37 = tpu.concatenate %pad3A_36, %add3A_34 in 0 : vector<128x8xi32>, vector<1024x8xi32> -> vector<1152x8xi32>
    %slice3A_38 = vector.extract_strided_slice %pad3A_37 {offsets = [0, 0], sizes = [1024, 8], strides = [1, 1]} : vector<1152x8xi32> to vector<1024x8xi32>
    %add3A_39 = arith.addi %add3A_34, %slice3A_38 : vector<1024x8xi32>
    %pad3A_40 = arith.constant 0 : i32
    %pad3A_41 = vector.broadcast %pad3A_40 : i32 to vector<256x8xi32>
    %pad3A_42 = tpu.concatenate %pad3A_41, %add3A_39 in 0 : vector<256x8xi32>, vector<1024x8xi32> -> vector<1280x8xi32>
    %slice3A_43 = vector.extract_strided_slice %pad3A_42 {offsets = [0, 0], sizes = [1024, 8], strides = [1, 1]} : vector<1280x8xi32> to vector<1024x8xi32>
    %add3A_44 = arith.addi %add3A_39, %slice3A_43 : vector<1024x8xi32>
    %pad3A_45 = arith.constant 0 : i32
    %pad3A_46 = vector.broadcast %pad3A_45 : i32 to vector<512x8xi32>
    %pad3A_47 = tpu.concatenate %pad3A_46, %add3A_44 in 0 : vector<512x8xi32>, vector<1024x8xi32> -> vector<1536x8xi32>
    %slice3A_48 = vector.extract_strided_slice %pad3A_47 {offsets = [0, 0], sizes = [1024, 8], strides = [1, 1]} : vector<1536x8xi32> to vector<1024x8xi32>
    %add3A_49 = arith.addi %add3A_44, %slice3A_48 : vector<1024x8xi32>
    %slice3A_50 = vector.extract_strided_slice %add3A_49 {offsets = [1023, 0], sizes = [1, 1], strides = [1, 1]} : vector<1024x8xi32> to vector<1x1xi32>
    %slice3A_51 = vector.extract_strided_slice %add3A_49 {offsets = [1023, 1], sizes = [1, 1], strides = [1, 1]} : vector<1024x8xi32> to vector<1x1xi32>
    %slice3A_52 = vector.extract_strided_slice %add3A_49 {offsets = [1023, 2], sizes = [1, 1], strides = [1, 1]} : vector<1024x8xi32> to vector<1x1xi32>
    %slice3A_53 = vector.extract_strided_slice %add3A_49 {offsets = [1023, 3], sizes = [1, 1], strides = [1, 1]} : vector<1024x8xi32> to vector<1x1xi32>
    %slice3A_54 = vector.extract_strided_slice %add3A_49 {offsets = [1023, 4], sizes = [1, 1], strides = [1, 1]} : vector<1024x8xi32> to vector<1x1xi32>
    %slice3A_55 = vector.extract_strided_slice %add3A_49 {offsets = [1023, 5], sizes = [1, 1], strides = [1, 1]} : vector<1024x8xi32> to vector<1x1xi32>
    %slice3A_56 = vector.extract_strided_slice %add3A_49 {offsets = [1023, 6], sizes = [1, 1], strides = [1, 1]} : vector<1024x8xi32> to vector<1x1xi32>
    %slice3A_57 = vector.extract_strided_slice %add3A_49 {offsets = [1023, 7], sizes = [1, 1], strides = [1, 1]} : vector<1024x8xi32> to vector<1x1xi32>
    %add3A_58 = arith.constant 63 : i32
    %add3A_59 = vector.broadcast %add3A_58 : i32 to vector<1x1xi32>
    %add3A_60 = arith.addi %slice3A_50, %add3A_59 : vector<1x1xi32>
    %jit3A = arith.constant 64 : i32
    %div3A = vector.broadcast %jit3A : i32 to vector<1x1xi32>
    %div3A_61 = arith.divsi %add3A_60, %div3A : vector<1x1xi32>
    %sign3A = arith.constant 0 : i32
    %sign3A_62 = vector.broadcast %sign3A : i32 to vector<1x1xi32>
    %sign3A_63 = arith.cmpi sgt, %add3A_60, %sign3A_62 : vector<1x1xi32>
    %sign3A_64 = arith.extui %sign3A_63 : vector<1x1xi1> to vector<1x1xi32>
    %sign3A_65 = arith.constant 0 : i32
    %sign3A_66 = vector.broadcast %sign3A_65 : i32 to vector<1x1xi32>
    %sign3A_67 = arith.cmpi slt, %add3A_60, %sign3A_66 : vector<1x1xi32>
    %sign3A_68 = arith.extui %sign3A_67 : vector<1x1xi1> to vector<1x1xi32>
    %sign3A_69 = arith.subi %sign3A_64, %sign3A_68 : vector<1x1xi32>
    %sign3A_70 = arith.constant 0 : i32
    %sign3A_71 = arith.cmpi sgt, %jit3A, %sign3A_70 : i32
    %sign3A_72 = arith.extui %sign3A_71 : i1 to i32
    %sign3A_73 = arith.constant 0 : i32
    %sign3A_74 = arith.cmpi slt, %jit3A, %sign3A_73 : i32
    %sign3A_75 = arith.extui %sign3A_74 : i1 to i32
    %sign3A_76 = arith.subi %sign3A_72, %sign3A_75 : i32
    %ne3A = vector.broadcast %sign3A_76 : i32 to vector<1x1xi32>
    %ne3A_77 = arith.cmpi ne, %sign3A_69, %ne3A : vector<1x1xi32>
    %rem3A = vector.broadcast %jit3A : i32 to vector<1x1xi32>
    %rem3A_78 = arith.remsi %add3A_60, %rem3A : vector<1x1xi32>
    %ne3A_79 = arith.constant 0 : i32
    %ne3A_80 = vector.broadcast %ne3A_79 : i32 to vector<1x1xi32>
    %ne3A_81 = arith.cmpi ne, %rem3A_78, %ne3A_80 : vector<1x1xi32>
    %and3A = arith.andi %ne3A_77, %ne3A_81 : vector<1x1xi1>
    %sub3A = arith.constant 1 : i32
    %sub3A_82 = vector.broadcast %sub3A : i32 to vector<1x1xi32>
    %sub3A_83 = arith.subi %div3A_61, %sub3A_82 : vector<1x1xi32>
    %select_n3A = arith.select %and3A, %sub3A_83, %div3A_61 : vector<1x1xi1>, vector<1x1xi32>
    %add3A_84 = arith.constant 63 : i32
    %add3A_85 = vector.broadcast %add3A_84 : i32 to vector<1x1xi32>
    %add3A_86 = arith.addi %slice3A_51, %add3A_85 : vector<1x1xi32>
    %jit3A_87 = arith.constant 64 : i32
    %div3A_88 = vector.broadcast %jit3A_87 : i32 to vector<1x1xi32>
    %div3A_89 = arith.divsi %add3A_86, %div3A_88 : vector<1x1xi32>
    %sign3A_90 = arith.constant 0 : i32
    %sign3A_91 = vector.broadcast %sign3A_90 : i32 to vector<1x1xi32>
    %sign3A_92 = arith.cmpi sgt, %add3A_86, %sign3A_91 : vector<1x1xi32>
    %sign3A_93 = arith.extui %sign3A_92 : vector<1x1xi1> to vector<1x1xi32>
    %sign3A_94 = arith.constant 0 : i32
    %sign3A_95 = vector.broadcast %sign3A_94 : i32 to vector<1x1xi32>
    %sign3A_96 = arith.cmpi slt, %add3A_86, %sign3A_95 : vector<1x1xi32>
    %sign3A_97 = arith.extui %sign3A_96 : vector<1x1xi1> to vector<1x1xi32>
    %sign3A_98 = arith.subi %sign3A_93, %sign3A_97 : vector<1x1xi32>
    %sign3A_99 = arith.constant 0 : i32
    %sign3A_100 = arith.cmpi sgt, %jit3A_87, %sign3A_99 : i32
    %sign3A_101 = arith.extui %sign3A_100 : i1 to i32
    %sign3A_102 = arith.constant 0 : i32
    %sign3A_103 = arith.cmpi slt, %jit3A_87, %sign3A_102 : i32
    %sign3A_104 = arith.extui %sign3A_103 : i1 to i32
    %sign3A_105 = arith.subi %sign3A_101, %sign3A_104 : i32
    %ne3A_106 = vector.broadcast %sign3A_105 : i32 to vector<1x1xi32>
    %ne3A_107 = arith.cmpi ne, %sign3A_98, %ne3A_106 : vector<1x1xi32>
    %rem3A_108 = vector.broadcast %jit3A_87 : i32 to vector<1x1xi32>
    %rem3A_109 = arith.remsi %add3A_86, %rem3A_108 : vector<1x1xi32>
    %ne3A_110 = arith.constant 0 : i32
    %ne3A_111 = vector.broadcast %ne3A_110 : i32 to vector<1x1xi32>
    %ne3A_112 = arith.cmpi ne, %rem3A_109, %ne3A_111 : vector<1x1xi32>
    %and3A_113 = arith.andi %ne3A_107, %ne3A_112 : vector<1x1xi1>
    %sub3A_114 = arith.constant 1 : i32
    %sub3A_115 = vector.broadcast %sub3A_114 : i32 to vector<1x1xi32>
    %sub3A_116 = arith.subi %div3A_89, %sub3A_115 : vector<1x1xi32>
    %select_n3A_117 = arith.select %and3A_113, %sub3A_116, %div3A_89 : vector<1x1xi1>, vector<1x1xi32>
    %add3A_118 = arith.constant 63 : i32
    %add3A_119 = vector.broadcast %add3A_118 : i32 to vector<1x1xi32>
    %add3A_120 = arith.addi %slice3A_52, %add3A_119 : vector<1x1xi32>
    %jit3A_121 = arith.constant 64 : i32
    %div3A_122 = vector.broadcast %jit3A_121 : i32 to vector<1x1xi32>
    %div3A_123 = arith.divsi %add3A_120, %div3A_122 : vector<1x1xi32>
    %sign3A_124 = arith.constant 0 : i32
    %sign3A_125 = vector.broadcast %sign3A_124 : i32 to vector<1x1xi32>
    %sign3A_126 = arith.cmpi sgt, %add3A_120, %sign3A_125 : vector<1x1xi32>
    %sign3A_127 = arith.extui %sign3A_126 : vector<1x1xi1> to vector<1x1xi32>
    %sign3A_128 = arith.constant 0 : i32
    %sign3A_129 = vector.broadcast %sign3A_128 : i32 to vector<1x1xi32>
    %sign3A_130 = arith.cmpi slt, %add3A_120, %sign3A_129 : vector<1x1xi32>
    %sign3A_131 = arith.extui %sign3A_130 : vector<1x1xi1> to vector<1x1xi32>
    %sign3A_132 = arith.subi %sign3A_127, %sign3A_131 : vector<1x1xi32>
    %sign3A_133 = arith.constant 0 : i32
    %sign3A_134 = arith.cmpi sgt, %jit3A_121, %sign3A_133 : i32
    %sign3A_135 = arith.extui %sign3A_134 : i1 to i32
    %sign3A_136 = arith.constant 0 : i32
    %sign3A_137 = arith.cmpi slt, %jit3A_121, %sign3A_136 : i32
    %sign3A_138 = arith.extui %sign3A_137 : i1 to i32
    %sign3A_139 = arith.subi %sign3A_135, %sign3A_138 : i32
    %ne3A_140 = vector.broadcast %sign3A_139 : i32 to vector<1x1xi32>
    %ne3A_141 = arith.cmpi ne, %sign3A_132, %ne3A_140 : vector<1x1xi32>
    %rem3A_142 = vector.broadcast %jit3A_121 : i32 to vector<1x1xi32>
    %rem3A_143 = arith.remsi %add3A_120, %rem3A_142 : vector<1x1xi32>
    %ne3A_144 = arith.constant 0 : i32
    %ne3A_145 = vector.broadcast %ne3A_144 : i32 to vector<1x1xi32>
    %ne3A_146 = arith.cmpi ne, %rem3A_143, %ne3A_145 : vector<1x1xi32>
    %and3A_147 = arith.andi %ne3A_141, %ne3A_146 : vector<1x1xi1>
    %sub3A_148 = arith.constant 1 : i32
    %sub3A_149 = vector.broadcast %sub3A_148 : i32 to vector<1x1xi32>
    %sub3A_150 = arith.subi %div3A_123, %sub3A_149 : vector<1x1xi32>
    %select_n3A_151 = arith.select %and3A_147, %sub3A_150, %div3A_123 : vector<1x1xi1>, vector<1x1xi32>
    %add3A_152 = arith.constant 63 : i32
    %add3A_153 = vector.broadcast %add3A_152 : i32 to vector<1x1xi32>
    %add3A_154 = arith.addi %slice3A_53, %add3A_153 : vector<1x1xi32>
    %jit3A_155 = arith.constant 64 : i32
    %div3A_156 = vector.broadcast %jit3A_155 : i32 to vector<1x1xi32>
    %div3A_157 = arith.divsi %add3A_154, %div3A_156 : vector<1x1xi32>
    %sign3A_158 = arith.constant 0 : i32
    %sign3A_159 = vector.broadcast %sign3A_158 : i32 to vector<1x1xi32>
    %sign3A_160 = arith.cmpi sgt, %add3A_154, %sign3A_159 : vector<1x1xi32>
    %sign3A_161 = arith.extui %sign3A_160 : vector<1x1xi1> to vector<1x1xi32>
    %sign3A_162 = arith.constant 0 : i32
    %sign3A_163 = vector.broadcast %sign3A_162 : i32 to vector<1x1xi32>
    %sign3A_164 = arith.cmpi slt, %add3A_154, %sign3A_163 : vector<1x1xi32>
    %sign3A_165 = arith.extui %sign3A_164 : vector<1x1xi1> to vector<1x1xi32>
    %sign3A_166 = arith.subi %sign3A_161, %sign3A_165 : vector<1x1xi32>
    %sign3A_167 = arith.constant 0 : i32
    %sign3A_168 = arith.cmpi sgt, %jit3A_155, %sign3A_167 : i32
    %sign3A_169 = arith.extui %sign3A_168 : i1 to i32
    %sign3A_170 = arith.constant 0 : i32
    %sign3A_171 = arith.cmpi slt, %jit3A_155, %sign3A_170 : i32
    %sign3A_172 = arith.extui %sign3A_171 : i1 to i32
    %sign3A_173 = arith.subi %sign3A_169, %sign3A_172 : i32
    %ne3A_174 = vector.broadcast %sign3A_173 : i32 to vector<1x1xi32>
    %ne3A_175 = arith.cmpi ne, %sign3A_166, %ne3A_174 : vector<1x1xi32>
    %rem3A_176 = vector.broadcast %jit3A_155 : i32 to vector<1x1xi32>
    %rem3A_177 = arith.remsi %add3A_154, %rem3A_176 : vector<1x1xi32>
    %ne3A_178 = arith.constant 0 : i32
    %ne3A_179 = vector.broadcast %ne3A_178 : i32 to vector<1x1xi32>
    %ne3A_180 = arith.cmpi ne, %rem3A_177, %ne3A_179 : vector<1x1xi32>
    %and3A_181 = arith.andi %ne3A_175, %ne3A_180 : vector<1x1xi1>
    %sub3A_182 = arith.constant 1 : i32
    %sub3A_183 = vector.broadcast %sub3A_182 : i32 to vector<1x1xi32>
    %sub3A_184 = arith.subi %div3A_157, %sub3A_183 : vector<1x1xi32>
    %select_n3A_185 = arith.select %and3A_181, %sub3A_184, %div3A_157 : vector<1x1xi1>, vector<1x1xi32>
    %add3A_186 = arith.constant 63 : i32
    %add3A_187 = vector.broadcast %add3A_186 : i32 to vector<1x1xi32>
    %add3A_188 = arith.addi %slice3A_54, %add3A_187 : vector<1x1xi32>
    %jit3A_189 = arith.constant 64 : i32
    %div3A_190 = vector.broadcast %jit3A_189 : i32 to vector<1x1xi32>
    %div3A_191 = arith.divsi %add3A_188, %div3A_190 : vector<1x1xi32>
    %sign3A_192 = arith.constant 0 : i32
    %sign3A_193 = vector.broadcast %sign3A_192 : i32 to vector<1x1xi32>
    %sign3A_194 = arith.cmpi sgt, %add3A_188, %sign3A_193 : vector<1x1xi32>
    %sign3A_195 = arith.extui %sign3A_194 : vector<1x1xi1> to vector<1x1xi32>
    %sign3A_196 = arith.constant 0 : i32
    %sign3A_197 = vector.broadcast %sign3A_196 : i32 to vector<1x1xi32>
    %sign3A_198 = arith.cmpi slt, %add3A_188, %sign3A_197 : vector<1x1xi32>
    %sign3A_199 = arith.extui %sign3A_198 : vector<1x1xi1> to vector<1x1xi32>
    %sign3A_200 = arith.subi %sign3A_195, %sign3A_199 : vector<1x1xi32>
    %sign3A_201 = arith.constant 0 : i32
    %sign3A_202 = arith.cmpi sgt, %jit3A_189, %sign3A_201 : i32
    %sign3A_203 = arith.extui %sign3A_202 : i1 to i32
    %sign3A_204 = arith.constant 0 : i32
    %sign3A_205 = arith.cmpi slt, %jit3A_189, %sign3A_204 : i32
    %sign3A_206 = arith.extui %sign3A_205 : i1 to i32
    %sign3A_207 = arith.subi %sign3A_203, %sign3A_206 : i32
    %ne3A_208 = vector.broadcast %sign3A_207 : i32 to vector<1x1xi32>
    %ne3A_209 = arith.cmpi ne, %sign3A_200, %ne3A_208 : vector<1x1xi32>
    %rem3A_210 = vector.broadcast %jit3A_189 : i32 to vector<1x1xi32>
    %rem3A_211 = arith.remsi %add3A_188, %rem3A_210 : vector<1x1xi32>
    %ne3A_212 = arith.constant 0 : i32
    %ne3A_213 = vector.broadcast %ne3A_212 : i32 to vector<1x1xi32>
    %ne3A_214 = arith.cmpi ne, %rem3A_211, %ne3A_213 : vector<1x1xi32>
    %and3A_215 = arith.andi %ne3A_209, %ne3A_214 : vector<1x1xi1>
    %sub3A_216 = arith.constant 1 : i32
    %sub3A_217 = vector.broadcast %sub3A_216 : i32 to vector<1x1xi32>
    %sub3A_218 = arith.subi %div3A_191, %sub3A_217 : vector<1x1xi32>
    %select_n3A_219 = arith.select %and3A_215, %sub3A_218, %div3A_191 : vector<1x1xi1>, vector<1x1xi32>
    %add3A_220 = arith.constant 63 : i32
    %add3A_221 = vector.broadcast %add3A_220 : i32 to vector<1x1xi32>
    %add3A_222 = arith.addi %slice3A_55, %add3A_221 : vector<1x1xi32>
    %jit3A_223 = arith.constant 64 : i32
    %div3A_224 = vector.broadcast %jit3A_223 : i32 to vector<1x1xi32>
    %div3A_225 = arith.divsi %add3A_222, %div3A_224 : vector<1x1xi32>
    %sign3A_226 = arith.constant 0 : i32
    %sign3A_227 = vector.broadcast %sign3A_226 : i32 to vector<1x1xi32>
    %sign3A_228 = arith.cmpi sgt, %add3A_222, %sign3A_227 : vector<1x1xi32>
    %sign3A_229 = arith.extui %sign3A_228 : vector<1x1xi1> to vector<1x1xi32>
    %sign3A_230 = arith.constant 0 : i32
    %sign3A_231 = vector.broadcast %sign3A_230 : i32 to vector<1x1xi32>
    %sign3A_232 = arith.cmpi slt, %add3A_222, %sign3A_231 : vector<1x1xi32>
    %sign3A_233 = arith.extui %sign3A_232 : vector<1x1xi1> to vector<1x1xi32>
    %sign3A_234 = arith.subi %sign3A_229, %sign3A_233 : vector<1x1xi32>
    %sign3A_235 = arith.constant 0 : i32
    %sign3A_236 = arith.cmpi sgt, %jit3A_223, %sign3A_235 : i32
    %sign3A_237 = arith.extui %sign3A_236 : i1 to i32
    %sign3A_238 = arith.constant 0 : i32
    %sign3A_239 = arith.cmpi slt, %jit3A_223, %sign3A_238 : i32
    %sign3A_240 = arith.extui %sign3A_239 : i1 to i32
    %sign3A_241 = arith.subi %sign3A_237, %sign3A_240 : i32
    %ne3A_242 = vector.broadcast %sign3A_241 : i32 to vector<1x1xi32>
    %ne3A_243 = arith.cmpi ne, %sign3A_234, %ne3A_242 : vector<1x1xi32>
    %rem3A_244 = vector.broadcast %jit3A_223 : i32 to vector<1x1xi32>
    %rem3A_245 = arith.remsi %add3A_222, %rem3A_244 : vector<1x1xi32>
    %ne3A_246 = arith.constant 0 : i32
    %ne3A_247 = vector.broadcast %ne3A_246 : i32 to vector<1x1xi32>
    %ne3A_248 = arith.cmpi ne, %rem3A_245, %ne3A_247 : vector<1x1xi32>
    %and3A_249 = arith.andi %ne3A_243, %ne3A_248 : vector<1x1xi1>
    %sub3A_250 = arith.constant 1 : i32
    %sub3A_251 = vector.broadcast %sub3A_250 : i32 to vector<1x1xi32>
    %sub3A_252 = arith.subi %div3A_225, %sub3A_251 : vector<1x1xi32>
    %select_n3A_253 = arith.select %and3A_249, %sub3A_252, %div3A_225 : vector<1x1xi1>, vector<1x1xi32>
    %add3A_254 = arith.constant 63 : i32
    %add3A_255 = vector.broadcast %add3A_254 : i32 to vector<1x1xi32>
    %add3A_256 = arith.addi %slice3A_56, %add3A_255 : vector<1x1xi32>
    %jit3A_257 = arith.constant 64 : i32
    %div3A_258 = vector.broadcast %jit3A_257 : i32 to vector<1x1xi32>
    %div3A_259 = arith.divsi %add3A_256, %div3A_258 : vector<1x1xi32>
    %sign3A_260 = arith.constant 0 : i32
    %sign3A_261 = vector.broadcast %sign3A_260 : i32 to vector<1x1xi32>
    %sign3A_262 = arith.cmpi sgt, %add3A_256, %sign3A_261 : vector<1x1xi32>
    %sign3A_263 = arith.extui %sign3A_262 : vector<1x1xi1> to vector<1x1xi32>
    %sign3A_264 = arith.constant 0 : i32
    %sign3A_265 = vector.broadcast %sign3A_264 : i32 to vector<1x1xi32>
    %sign3A_266 = arith.cmpi slt, %add3A_256, %sign3A_265 : vector<1x1xi32>
    %sign3A_267 = arith.extui %sign3A_266 : vector<1x1xi1> to vector<1x1xi32>
    %sign3A_268 = arith.subi %sign3A_263, %sign3A_267 : vector<1x1xi32>
    %sign3A_269 = arith.constant 0 : i32
    %sign3A_270 = arith.cmpi sgt, %jit3A_257, %sign3A_269 : i32
    %sign3A_271 = arith.extui %sign3A_270 : i1 to i32
    %sign3A_272 = arith.constant 0 : i32
    %sign3A_273 = arith.cmpi slt, %jit3A_257, %sign3A_272 : i32
    %sign3A_274 = arith.extui %sign3A_273 : i1 to i32
    %sign3A_275 = arith.subi %sign3A_271, %sign3A_274 : i32
    %ne3A_276 = vector.broadcast %sign3A_275 : i32 to vector<1x1xi32>
    %ne3A_277 = arith.cmpi ne, %sign3A_268, %ne3A_276 : vector<1x1xi32>
    %rem3A_278 = vector.broadcast %jit3A_257 : i32 to vector<1x1xi32>
    %rem3A_279 = arith.remsi %add3A_256, %rem3A_278 : vector<1x1xi32>
    %ne3A_280 = arith.constant 0 : i32
    %ne3A_281 = vector.broadcast %ne3A_280 : i32 to vector<1x1xi32>
    %ne3A_282 = arith.cmpi ne, %rem3A_279, %ne3A_281 : vector<1x1xi32>
    %and3A_283 = arith.andi %ne3A_277, %ne3A_282 : vector<1x1xi1>
    %sub3A_284 = arith.constant 1 : i32
    %sub3A_285 = vector.broadcast %sub3A_284 : i32 to vector<1x1xi32>
    %sub3A_286 = arith.subi %div3A_259, %sub3A_285 : vector<1x1xi32>
    %select_n3A_287 = arith.select %and3A_283, %sub3A_286, %div3A_259 : vector<1x1xi1>, vector<1x1xi32>
    %add3A_288 = arith.constant 63 : i32
    %add3A_289 = vector.broadcast %add3A_288 : i32 to vector<1x1xi32>
    %add3A_290 = arith.addi %slice3A_57, %add3A_289 : vector<1x1xi32>
    %jit3A_291 = arith.constant 64 : i32
    %div3A_292 = vector.broadcast %jit3A_291 : i32 to vector<1x1xi32>
    %div3A_293 = arith.divsi %add3A_290, %div3A_292 : vector<1x1xi32>
    %sign3A_294 = arith.constant 0 : i32
    %sign3A_295 = vector.broadcast %sign3A_294 : i32 to vector<1x1xi32>
    %sign3A_296 = arith.cmpi sgt, %add3A_290, %sign3A_295 : vector<1x1xi32>
    %sign3A_297 = arith.extui %sign3A_296 : vector<1x1xi1> to vector<1x1xi32>
    %sign3A_298 = arith.constant 0 : i32
    %sign3A_299 = vector.broadcast %sign3A_298 : i32 to vector<1x1xi32>
    %sign3A_300 = arith.cmpi slt, %add3A_290, %sign3A_299 : vector<1x1xi32>
    %sign3A_301 = arith.extui %sign3A_300 : vector<1x1xi1> to vector<1x1xi32>
    %sign3A_302 = arith.subi %sign3A_297, %sign3A_301 : vector<1x1xi32>
    %sign3A_303 = arith.constant 0 : i32
    %sign3A_304 = arith.cmpi sgt, %jit3A_291, %sign3A_303 : i32
    %sign3A_305 = arith.extui %sign3A_304 : i1 to i32
    %sign3A_306 = arith.constant 0 : i32
    %sign3A_307 = arith.cmpi slt, %jit3A_291, %sign3A_306 : i32
    %sign3A_308 = arith.extui %sign3A_307 : i1 to i32
    %sign3A_309 = arith.subi %sign3A_305, %sign3A_308 : i32
    %ne3A_310 = vector.broadcast %sign3A_309 : i32 to vector<1x1xi32>
    %ne3A_311 = arith.cmpi ne, %sign3A_302, %ne3A_310 : vector<1x1xi32>
    %rem3A_312 = vector.broadcast %jit3A_291 : i32 to vector<1x1xi32>
    %rem3A_313 = arith.remsi %add3A_290, %rem3A_312 : vector<1x1xi32>
    %ne3A_314 = arith.constant 0 : i32
    %ne3A_315 = vector.broadcast %ne3A_314 : i32 to vector<1x1xi32>
    %ne3A_316 = arith.cmpi ne, %rem3A_313, %ne3A_315 : vector<1x1xi32>
    %and3A_317 = arith.andi %ne3A_311, %ne3A_316 : vector<1x1xi1>
    %sub3A_318 = arith.constant 1 : i32
    %sub3A_319 = vector.broadcast %sub3A_318 : i32 to vector<1x1xi32>
    %sub3A_320 = arith.subi %div3A_293, %sub3A_319 : vector<1x1xi32>
    %select_n3A_321 = arith.select %and3A_317, %sub3A_320, %div3A_293 : vector<1x1xi1>, vector<1x1xi32>
    %broadcast_in_dim3A = arith.constant 0 : i32
    %broadcast_in_dim3A_322 = vector.broadcast %broadcast_in_dim3A : i32 to vector<1x1xi32>
    %add3A_323 = arith.addi %broadcast_in_dim3A_322, %select_n3A : vector<1x1xi32>
    %add3A_324 = arith.addi %add3A_323, %select_n3A_117 : vector<1x1xi32>
    %add3A_325 = arith.addi %add3A_324, %select_n3A_151 : vector<1x1xi32>
    %add3A_326 = arith.addi %add3A_325, %select_n3A_185 : vector<1x1xi32>
    %add3A_327 = arith.addi %add3A_326, %select_n3A_219 : vector<1x1xi32>
    %add3A_328 = arith.addi %add3A_327, %select_n3A_253 : vector<1x1xi32>
    %add3A_329 = arith.addi %add3A_328, %select_n3A_287 : vector<1x1xi32>
    %add3A_330 = arith.addi %add3A_329, %select_n3A_321 : vector<1x1xi32>
    %mul3A = arith.muli %add3A_49, %convert_element_type3A : vector<1024x8xi32>
    %reduce_sum3A = arith.constant dense<0> : vector<1024xi32>
    %reduce_sum3A_331 = vector.multi_reduction <add>, %mul3A, %reduce_sum3A [1] : vector<1024x8xi32> to vector<1024xi32>
    %broadcast_in_dim3A_332 = vector.shape_cast %reduce_sum3A_331 : vector<1024xi32> to vector<1024x1xi32>
    %sub3A_333 = arith.constant 1 : i32
    %sub3A_334 = vector.broadcast %sub3A_333 : i32 to vector<1024x1xi32>
    %sub3A_335 = arith.subi %broadcast_in_dim3A_332, %sub3A_334 : vector<1024x1xi32>
    %broadcast_in_dim3A_336 = arith.constant 0 : i32
    %broadcast_in_dim3A_337 = vector.broadcast %broadcast_in_dim3A_336 : i32 to vector<1024x1xi32>
    %slice3A_338 = vector.extract_strided_slice %convert_element_type3A {offsets = [0, 0], sizes = [1024, 1], strides = [1, 1]} : vector<1024x8xi32> to vector<1024x1xi32>
    %mul3A_339 = vector.broadcast %broadcast_in_dim3A_322 : vector<1x1xi32> to vector<1024x1xi32>
    %mul3A_340 = arith.muli %slice3A_338, %mul3A_339 : vector<1024x1xi32>
    %add3A_341 = arith.addi %broadcast_in_dim3A_337, %mul3A_340 : vector<1024x1xi32>
    %slice3A_342 = vector.extract_strided_slice %convert_element_type3A {offsets = [0, 1], sizes = [1024, 1], strides = [1, 1]} : vector<1024x8xi32> to vector<1024x1xi32>
    %mul3A_343 = vector.broadcast %add3A_323 : vector<1x1xi32> to vector<1024x1xi32>
    %mul3A_344 = arith.muli %slice3A_342, %mul3A_343 : vector<1024x1xi32>
    %add3A_345 = arith.addi %add3A_341, %mul3A_344 : vector<1024x1xi32>
    %slice3A_346 = vector.extract_strided_slice %convert_element_type3A {offsets = [0, 2], sizes = [1024, 1], strides = [1, 1]} : vector<1024x8xi32> to vector<1024x1xi32>
    %mul3A_347 = vector.broadcast %add3A_324 : vector<1x1xi32> to vector<1024x1xi32>
    %mul3A_348 = arith.muli %slice3A_346, %mul3A_347 : vector<1024x1xi32>
    %add3A_349 = arith.addi %add3A_345, %mul3A_348 : vector<1024x1xi32>
    %slice3A_350 = vector.extract_strided_slice %convert_element_type3A {offsets = [0, 3], sizes = [1024, 1], strides = [1, 1]} : vector<1024x8xi32> to vector<1024x1xi32>
    %mul3A_351 = vector.broadcast %add3A_325 : vector<1x1xi32> to vector<1024x1xi32>
    %mul3A_352 = arith.muli %slice3A_350, %mul3A_351 : vector<1024x1xi32>
    %add3A_353 = arith.addi %add3A_349, %mul3A_352 : vector<1024x1xi32>
    %slice3A_354 = vector.extract_strided_slice %convert_element_type3A {offsets = [0, 4], sizes = [1024, 1], strides = [1, 1]} : vector<1024x8xi32> to vector<1024x1xi32>
    %mul3A_355 = vector.broadcast %add3A_326 : vector<1x1xi32> to vector<1024x1xi32>
    %mul3A_356 = arith.muli %slice3A_354, %mul3A_355 : vector<1024x1xi32>
    %add3A_357 = arith.addi %add3A_353, %mul3A_356 : vector<1024x1xi32>
    %slice3A_358 = vector.extract_strided_slice %convert_element_type3A {offsets = [0, 5], sizes = [1024, 1], strides = [1, 1]} : vector<1024x8xi32> to vector<1024x1xi32>
    %mul3A_359 = vector.broadcast %add3A_327 : vector<1x1xi32> to vector<1024x1xi32>
    %mul3A_360 = arith.muli %slice3A_358, %mul3A_359 : vector<1024x1xi32>
    %add3A_361 = arith.addi %add3A_357, %mul3A_360 : vector<1024x1xi32>
    %slice3A_362 = vector.extract_strided_slice %convert_element_type3A {offsets = [0, 6], sizes = [1024, 1], strides = [1, 1]} : vector<1024x8xi32> to vector<1024x1xi32>
    %mul3A_363 = vector.broadcast %add3A_328 : vector<1x1xi32> to vector<1024x1xi32>
    %mul3A_364 = arith.muli %slice3A_362, %mul3A_363 : vector<1024x1xi32>
    %add3A_365 = arith.addi %add3A_361, %mul3A_364 : vector<1024x1xi32>
    %slice3A_366 = vector.extract_strided_slice %convert_element_type3A {offsets = [0, 7], sizes = [1024, 1], strides = [1, 1]} : vector<1024x8xi32> to vector<1024x1xi32>
    %mul3A_367 = vector.broadcast %add3A_329 : vector<1x1xi32> to vector<1024x1xi32>
    %mul3A_368 = arith.muli %slice3A_366, %mul3A_367 : vector<1024x1xi32>
    %add3A_369 = arith.addi %add3A_365, %mul3A_368 : vector<1024x1xi32>
    %jit3A_370 = arith.constant 64 : i32
    %div3A_371 = vector.broadcast %jit3A_370 : i32 to vector<1024x1xi32>
    %div3A_372 = arith.divsi %sub3A_335, %div3A_371 : vector<1024x1xi32>
    %sign3A_373 = arith.constant 0 : i32
    %sign3A_374 = vector.broadcast %sign3A_373 : i32 to vector<1024x1xi32>
    %sign3A_375 = arith.cmpi sgt, %sub3A_335, %sign3A_374 : vector<1024x1xi32>
    %sign3A_376 = arith.extui %sign3A_375 : vector<1024x1xi1> to vector<1024x1xi32>
    %sign3A_377 = arith.constant 0 : i32
    %sign3A_378 = vector.broadcast %sign3A_377 : i32 to vector<1024x1xi32>
    %sign3A_379 = arith.cmpi slt, %sub3A_335, %sign3A_378 : vector<1024x1xi32>
    %sign3A_380 = arith.extui %sign3A_379 : vector<1024x1xi1> to vector<1024x1xi32>
    %sign3A_381 = arith.subi %sign3A_376, %sign3A_380 : vector<1024x1xi32>
    %sign3A_382 = arith.constant 0 : i32
    %sign3A_383 = arith.cmpi sgt, %jit3A_370, %sign3A_382 : i32
    %sign3A_384 = arith.extui %sign3A_383 : i1 to i32
    %sign3A_385 = arith.constant 0 : i32
    %sign3A_386 = arith.cmpi slt, %jit3A_370, %sign3A_385 : i32
    %sign3A_387 = arith.extui %sign3A_386 : i1 to i32
    %sign3A_388 = arith.subi %sign3A_384, %sign3A_387 : i32
    %ne3A_389 = vector.broadcast %sign3A_388 : i32 to vector<1024x1xi32>
    %ne3A_390 = arith.cmpi ne, %sign3A_381, %ne3A_389 : vector<1024x1xi32>
    %rem3A_391 = vector.broadcast %jit3A_370 : i32 to vector<1024x1xi32>
    %rem3A_392 = arith.remsi %sub3A_335, %rem3A_391 : vector<1024x1xi32>
    %ne3A_393 = arith.constant 0 : i32
    %ne3A_394 = vector.broadcast %ne3A_393 : i32 to vector<1024x1xi32>
    %ne3A_395 = arith.cmpi ne, %rem3A_392, %ne3A_394 : vector<1024x1xi32>
    %and3A_396 = arith.andi %ne3A_390, %ne3A_395 : vector<1024x1xi1>
    %sub3A_397 = arith.constant 1 : i32
    %sub3A_398 = vector.broadcast %sub3A_397 : i32 to vector<1024x1xi32>
    %sub3A_399 = arith.subi %div3A_372, %sub3A_398 : vector<1024x1xi32>
    %select_n3A_400 = arith.select %and3A_396, %sub3A_399, %div3A_372 : vector<1024x1xi1>, vector<1024x1xi32>
    %add3A_401 = arith.addi %add3A_369, %select_n3A_400 : vector<1024x1xi32>
    %mul3A_402 = arith.constant 64 : i32
    %mul3A_403 = vector.broadcast %mul3A_402 : i32 to vector<1024x1xi32>
    %mul3A_404 = arith.muli %add3A_401, %mul3A_403 : vector<1024x1xi32>
    %jit3A_405 = arith.constant 64 : i32
    %eq3A_406 = arith.constant 0 : i32
    %eq3A_407 = arith.cmpi eq, %jit3A_405, %eq3A_406 : i32
    %jit3A_408 = arith.constant 1 : i32
    %select_n3A_409 = arith.select %eq3A_407, %jit3A_408, %jit3A_405 : i32
    %rem3A_410 = vector.broadcast %select_n3A_409 : i32 to vector<1024x1xi32>
    %rem3A_411 = arith.remsi %sub3A_335, %rem3A_410 : vector<1024x1xi32>
    %ne3A_412 = arith.constant 0 : i32
    %ne3A_413 = vector.broadcast %ne3A_412 : i32 to vector<1024x1xi32>
    %ne3A_414 = arith.cmpi ne, %rem3A_411, %ne3A_413 : vector<1024x1xi32>
    %lt3A = arith.constant 0 : i32
    %lt3A_415 = vector.broadcast %lt3A : i32 to vector<1024x1xi32>
    %lt3A_416 = arith.cmpi slt, %rem3A_411, %lt3A_415 : vector<1024x1xi32>
    %lt3A_417 = arith.constant 0 : i32
    %lt3A_418 = arith.cmpi slt, %select_n3A_409, %lt3A_417 : i32
    %ne3A_419 = vector.broadcast %lt3A_418 : i1 to vector<1024x1xi1>
    %ne3A_420 = vector.broadcast %ne3A_419 : vector<1024x1xi1> to vector<1024x1xi1>
    %ne3A_421 = arith.xori %lt3A_416, %ne3A_420 : vector<1024x1xi1>
    %and3A_422 = arith.andi %ne3A_421, %ne3A_414 : vector<1024x1xi1>
    %add3A_423 = vector.broadcast %select_n3A_409 : i32 to vector<1024x1xi32>
    %add3A_424 = arith.addi %rem3A_411, %add3A_423 : vector<1024x1xi32>
    %select_n3A_425 = arith.select %and3A_422, %add3A_424, %rem3A_411 : vector<1024x1xi1>, vector<1024x1xi32>
    %add3A_426 = arith.addi %mul3A_404, %select_n3A_425 : vector<1024x1xi32>
    %reshape3A = vector.shape_cast %add3A_426 : vector<1024x1xi32> to vector<1x1024xi32>
    %swap3A = arith.constant 0 : index
    %swap3A_427 = arith.constant 0 : index
    %swap3A_428 = vector.load %arg5[%swap3A, %swap3A_427] : memref<1x1024xi32, #tpu.memory_space<vmem>>, vector<1x1024xi32>
    tpu.vector_store %arg5[%swap3A, %swap3A_427], %reshape3A {strides = array<i32>} : memref<1x1024xi32, #tpu.memory_space<vmem>>, vector<1x1024xi32>,
    %iota3A_429 = tpu.iota {dimensions = array<i32: 1>} : vector<1x24xi32>
    %broadcast_in_dim3A_430 = arith.constant 0 : i32
    %broadcast_in_dim3A_431 = vector.broadcast %broadcast_in_dim3A_430 : i32 to vector<1x24xi32>
    %ge3A = vector.broadcast %broadcast_in_dim3A_322 : vector<1x1xi32> to vector<1x24xi32>
    %ge3A_432 = arith.cmpi sge, %iota3A_429, %ge3A : vector<1x24xi32>
    %convert_element_type3A_433 = arith.extui %ge3A_432 : vector<1x24xi1> to vector<1x24xi32>
    %add3A_434 = arith.addi %broadcast_in_dim3A_431, %convert_element_type3A_433 : vector<1x24xi32>
    %ge3A_435 = vector.broadcast %add3A_323 : vector<1x1xi32> to vector<1x24xi32>
    %ge3A_436 = arith.cmpi sge, %iota3A_429, %ge3A_435 : vector<1x24xi32>
    %convert_element_type3A_437 = arith.extui %ge3A_436 : vector<1x24xi1> to vector<1x24xi32>
    %add3A_438 = arith.addi %add3A_434, %convert_element_type3A_437 : vector<1x24xi32>
    %ge3A_439 = vector.broadcast %add3A_324 : vector<1x1xi32> to vector<1x24xi32>
    %ge3A_440 = arith.cmpi sge, %iota3A_429, %ge3A_439 : vector<1x24xi32>
    %convert_element_type3A_441 = arith.extui %ge3A_440 : vector<1x24xi1> to vector<1x24xi32>
    %add3A_442 = arith.addi %add3A_438, %convert_element_type3A_441 : vector<1x24xi32>
    %ge3A_443 = vector.broadcast %add3A_325 : vector<1x1xi32> to vector<1x24xi32>
    %ge3A_444 = arith.cmpi sge, %iota3A_429, %ge3A_443 : vector<1x24xi32>
    %convert_element_type3A_445 = arith.extui %ge3A_444 : vector<1x24xi1> to vector<1x24xi32>
    %add3A_446 = arith.addi %add3A_442, %convert_element_type3A_445 : vector<1x24xi32>
    %ge3A_447 = vector.broadcast %add3A_326 : vector<1x1xi32> to vector<1x24xi32>
    %ge3A_448 = arith.cmpi sge, %iota3A_429, %ge3A_447 : vector<1x24xi32>
    %convert_element_type3A_449 = arith.extui %ge3A_448 : vector<1x24xi1> to vector<1x24xi32>
    %add3A_450 = arith.addi %add3A_446, %convert_element_type3A_449 : vector<1x24xi32>
    %ge3A_451 = vector.broadcast %add3A_327 : vector<1x1xi32> to vector<1x24xi32>
    %ge3A_452 = arith.cmpi sge, %iota3A_429, %ge3A_451 : vector<1x24xi32>
    %convert_element_type3A_453 = arith.extui %ge3A_452 : vector<1x24xi1> to vector<1x24xi32>
    %add3A_454 = arith.addi %add3A_450, %convert_element_type3A_453 : vector<1x24xi32>
    %ge3A_455 = vector.broadcast %add3A_328 : vector<1x1xi32> to vector<1x24xi32>
    %ge3A_456 = arith.cmpi sge, %iota3A_429, %ge3A_455 : vector<1x24xi32>
    %convert_element_type3A_457 = arith.extui %ge3A_456 : vector<1x24xi1> to vector<1x24xi32>
    %add3A_458 = arith.addi %add3A_454, %convert_element_type3A_457 : vector<1x24xi32>
    %ge3A_459 = vector.broadcast %add3A_329 : vector<1x1xi32> to vector<1x24xi32>
    %ge3A_460 = arith.cmpi sge, %iota3A_429, %ge3A_459 : vector<1x24xi32>
    %convert_element_type3A_461 = arith.extui %ge3A_460 : vector<1x24xi1> to vector<1x24xi32>
    %add3A_462 = arith.addi %add3A_458, %convert_element_type3A_461 : vector<1x24xi32>
    %sub3A_463 = arith.constant 1 : i32
    %sub3A_464 = vector.broadcast %sub3A_463 : i32 to vector<1x24xi32>
    %sub3A_465 = arith.subi %add3A_462, %sub3A_464 : vector<1x24xi32>
    %jit3A_466 = arith.constant 0 : i32
    %jit3A_467 = arith.constant 7 : i32
    %max3A = vector.broadcast %jit3A_466 : i32 to vector<1x24xi32>
    %max3A_468 = arith.maxsi %max3A, %sub3A_465 : vector<1x24xi32>
    %min3A = vector.broadcast %jit3A_467 : i32 to vector<1x24xi32>
    %min3A_469 = arith.minsi %min3A, %max3A_468 : vector<1x24xi32>
    %broadcast_in_dim3A_470 = arith.constant 0 : i32
    %broadcast_in_dim3A_471 = vector.broadcast %broadcast_in_dim3A_470 : i32 to vector<1x24xi32>
    %broadcast_in_dim3A_472 = arith.constant 0 : i32
    %broadcast_in_dim3A_473 = vector.broadcast %broadcast_in_dim3A_472 : i32 to vector<1x24xi32>
    %eq3A_474 = arith.constant 0 : i32
    %eq3A_475 = vector.broadcast %eq3A_474 : i32 to vector<1x24xi32>
    %eq3A_476 = arith.cmpi eq, %min3A_469, %eq3A_475 : vector<1x24xi32>
    %convert_element_type3A_477 = arith.extui %eq3A_476 : vector<1x24xi1> to vector<1x24xi32>
    %mul3A_478 = vector.broadcast %slice3A_50 : vector<1x1xi32> to vector<1x24xi32>
    %mul3A_479 = arith.muli %convert_element_type3A_477, %mul3A_478 : vector<1x24xi32>
    %add3A_480 = arith.addi %broadcast_in_dim3A_471, %mul3A_479 : vector<1x24xi32>
    %mul3A_481 = vector.broadcast %broadcast_in_dim3A_322 : vector<1x1xi32> to vector<1x24xi32>
    %mul3A_482 = arith.muli %convert_element_type3A_477, %mul3A_481 : vector<1x24xi32>
    %add3A_483 = arith.addi %broadcast_in_dim3A_473, %mul3A_482 : vector<1x24xi32>
    %eq3A_484 = arith.constant 1 : i32
    %eq3A_485 = vector.broadcast %eq3A_484 : i32 to vector<1x24xi32>
    %eq3A_486 = arith.cmpi eq, %min3A_469, %eq3A_485 : vector<1x24xi32>
    %convert_element_type3A_487 = arith.extui %eq3A_486 : vector<1x24xi1> to vector<1x24xi32>
    %mul3A_488 = vector.broadcast %slice3A_51 : vector<1x1xi32> to vector<1x24xi32>
    %mul3A_489 = arith.muli %convert_element_type3A_487, %mul3A_488 : vector<1x24xi32>
    %add3A_490 = arith.addi %add3A_480, %mul3A_489 : vector<1x24xi32>
    %mul3A_491 = vector.broadcast %add3A_323 : vector<1x1xi32> to vector<1x24xi32>
    %mul3A_492 = arith.muli %convert_element_type3A_487, %mul3A_491 : vector<1x24xi32>
    %add3A_493 = arith.addi %add3A_483, %mul3A_492 : vector<1x24xi32>
    %eq3A_494 = arith.constant 2 : i32
    %eq3A_495 = vector.broadcast %eq3A_494 : i32 to vector<1x24xi32>
    %eq3A_496 = arith.cmpi eq, %min3A_469, %eq3A_495 : vector<1x24xi32>
    %convert_element_type3A_497 = arith.extui %eq3A_496 : vector<1x24xi1> to vector<1x24xi32>
    %mul3A_498 = vector.broadcast %slice3A_52 : vector<1x1xi32> to vector<1x24xi32>
    %mul3A_499 = arith.muli %convert_element_type3A_497, %mul3A_498 : vector<1x24xi32>
    %add3A_500 = arith.addi %add3A_490, %mul3A_499 : vector<1x24xi32>
    %mul3A_501 = vector.broadcast %add3A_324 : vector<1x1xi32> to vector<1x24xi32>
    %mul3A_502 = arith.muli %convert_element_type3A_497, %mul3A_501 : vector<1x24xi32>
    %add3A_503 = arith.addi %add3A_493, %mul3A_502 : vector<1x24xi32>
    %eq3A_504 = arith.constant 3 : i32
    %eq3A_505 = vector.broadcast %eq3A_504 : i32 to vector<1x24xi32>
    %eq3A_506 = arith.cmpi eq, %min3A_469, %eq3A_505 : vector<1x24xi32>
    %convert_element_type3A_507 = arith.extui %eq3A_506 : vector<1x24xi1> to vector<1x24xi32>
    %mul3A_508 = vector.broadcast %slice3A_53 : vector<1x1xi32> to vector<1x24xi32>
    %mul3A_509 = arith.muli %convert_element_type3A_507, %mul3A_508 : vector<1x24xi32>
    %add3A_510 = arith.addi %add3A_500, %mul3A_509 : vector<1x24xi32>
    %mul3A_511 = vector.broadcast %add3A_325 : vector<1x1xi32> to vector<1x24xi32>
    %mul3A_512 = arith.muli %convert_element_type3A_507, %mul3A_511 : vector<1x24xi32>
    %add3A_513 = arith.addi %add3A_503, %mul3A_512 : vector<1x24xi32>
    %eq3A_514 = arith.constant 4 : i32
    %eq3A_515 = vector.broadcast %eq3A_514 : i32 to vector<1x24xi32>
    %eq3A_516 = arith.cmpi eq, %min3A_469, %eq3A_515 : vector<1x24xi32>
    %convert_element_type3A_517 = arith.extui %eq3A_516 : vector<1x24xi1> to vector<1x24xi32>
    %mul3A_518 = vector.broadcast %slice3A_54 : vector<1x1xi32> to vector<1x24xi32>
    %mul3A_519 = arith.muli %convert_element_type3A_517, %mul3A_518 : vector<1x24xi32>
    %add3A_520 = arith.addi %add3A_510, %mul3A_519 : vector<1x24xi32>
    %mul3A_521 = vector.broadcast %add3A_326 : vector<1x1xi32> to vector<1x24xi32>
    %mul3A_522 = arith.muli %convert_element_type3A_517, %mul3A_521 : vector<1x24xi32>
    %add3A_523 = arith.addi %add3A_513, %mul3A_522 : vector<1x24xi32>
    %eq3A_524 = arith.constant 5 : i32
    %eq3A_525 = vector.broadcast %eq3A_524 : i32 to vector<1x24xi32>
    %eq3A_526 = arith.cmpi eq, %min3A_469, %eq3A_525 : vector<1x24xi32>
    %convert_element_type3A_527 = arith.extui %eq3A_526 : vector<1x24xi1> to vector<1x24xi32>
    %mul3A_528 = vector.broadcast %slice3A_55 : vector<1x1xi32> to vector<1x24xi32>
    %mul3A_529 = arith.muli %convert_element_type3A_527, %mul3A_528 : vector<1x24xi32>
    %add3A_530 = arith.addi %add3A_520, %mul3A_529 : vector<1x24xi32>
    %mul3A_531 = vector.broadcast %add3A_327 : vector<1x1xi32> to vector<1x24xi32>
    %mul3A_532 = arith.muli %convert_element_type3A_527, %mul3A_531 : vector<1x24xi32>
    %add3A_533 = arith.addi %add3A_523, %mul3A_532 : vector<1x24xi32>
    %eq3A_534 = arith.constant 6 : i32
    %eq3A_535 = vector.broadcast %eq3A_534 : i32 to vector<1x24xi32>
    %eq3A_536 = arith.cmpi eq, %min3A_469, %eq3A_535 : vector<1x24xi32>
    %convert_element_type3A_537 = arith.extui %eq3A_536 : vector<1x24xi1> to vector<1x24xi32>
    %mul3A_538 = vector.broadcast %slice3A_56 : vector<1x1xi32> to vector<1x24xi32>
    %mul3A_539 = arith.muli %convert_element_type3A_537, %mul3A_538 : vector<1x24xi32>
    %add3A_540 = arith.addi %add3A_530, %mul3A_539 : vector<1x24xi32>
    %mul3A_541 = vector.broadcast %add3A_328 : vector<1x1xi32> to vector<1x24xi32>
    %mul3A_542 = arith.muli %convert_element_type3A_537, %mul3A_541 : vector<1x24xi32>
    %add3A_543 = arith.addi %add3A_533, %mul3A_542 : vector<1x24xi32>
    %eq3A_544 = arith.constant 7 : i32
    %eq3A_545 = vector.broadcast %eq3A_544 : i32 to vector<1x24xi32>
    %eq3A_546 = arith.cmpi eq, %min3A_469, %eq3A_545 : vector<1x24xi32>
    %convert_element_type3A_547 = arith.extui %eq3A_546 : vector<1x24xi1> to vector<1x24xi32>
    %mul3A_548 = vector.broadcast %slice3A_57 : vector<1x1xi32> to vector<1x24xi32>
    %mul3A_549 = arith.muli %convert_element_type3A_547, %mul3A_548 : vector<1x24xi32>
    %add3A_550 = arith.addi %add3A_540, %mul3A_549 : vector<1x24xi32>
    %mul3A_551 = vector.broadcast %add3A_329 : vector<1x1xi32> to vector<1x24xi32>
    %mul3A_552 = arith.muli %convert_element_type3A_547, %mul3A_551 : vector<1x24xi32>
    %add3A_553 = arith.addi %add3A_543, %mul3A_552 : vector<1x24xi32>
    %lt3A_554 = vector.broadcast %add3A_330 : vector<1x1xi32> to vector<1x24xi32>
    %lt3A_555 = arith.cmpi slt, %iota3A_429, %lt3A_554 : vector<1x24xi32>
    %sub3A_556 = arith.subi %iota3A_429, %add3A_553 : vector<1x24xi32>
    %mul3A_557 = arith.constant 64 : i32
    %mul3A_558 = vector.broadcast %mul3A_557 : i32 to vector<1x24xi32>
    %mul3A_559 = arith.muli %sub3A_556, %mul3A_558 : vector<1x24xi32>
    %sub3A_560 = arith.subi %add3A_550, %mul3A_559 : vector<1x24xi32>
    %jit3A_561 = arith.constant 0 : i32
    %jit3A_562 = arith.constant 64 : i32
    %max3A_563 = vector.broadcast %jit3A_561 : i32 to vector<1x24xi32>
    %max3A_564 = arith.maxsi %max3A_563, %sub3A_560 : vector<1x24xi32>
    %min3A_565 = vector.broadcast %jit3A_562 : i32 to vector<1x24xi32>
    %min3A_566 = arith.minsi %min3A_565, %max3A_564 : vector<1x24xi32>
    %jit3A_567 = arith.constant 0 : i32
    %broadcast_in_dim3A_568 = vector.broadcast %jit3A_567 : i32 to vector<1x24xi32>
    %select_n3A_569 = arith.select %lt3A_555, %min3A_566, %broadcast_in_dim3A_568 : vector<1x24xi1>, vector<1x24xi32>
    %swap3A_570 = arith.constant 0 : index
    %swap3A_571 = arith.constant 0 : index
    %swap3A_572 = vector.load %arg2[%swap3A_570, %swap3A_571] : memref<1x24xi32, #tpu.memory_space<vmem>>, vector<1x24xi32>
    tpu.vector_store %arg2[%swap3A_570, %swap3A_571], %min3A_469 {strides = array<i32>} : memref<1x24xi32, #tpu.memory_space<vmem>>, vector<1x24xi32>,
    %swap3A_573 = arith.constant 0 : index
    %swap3A_574 = arith.constant 0 : index
    %swap3A_575 = vector.load %arg3[%swap3A_573, %swap3A_574] : memref<1x24xi32, #tpu.memory_space<vmem>>, vector<1x24xi32>
    tpu.vector_store %arg3[%swap3A_573, %swap3A_574], %select_n3A_569 {strides = array<i32>} : memref<1x24xi32, #tpu.memory_space<vmem>>, vector<1x24xi32>,
    %iota3A_576 = tpu.iota {dimensions = array<i32: 1>} : vector<1024x1536xi32>
    %eq3A_577 = vector.broadcast %add3A_426 : vector<1024x1xi32> to vector<1024x1536xi32>
    %eq3A_578 = arith.cmpi eq, %eq3A_577, %iota3A_576 : vector<1024x1536xi32>
    %jit3A_579 = arith.constant 1.000000e+00 : f32
    %jit3A_580 = arith.constant 0.000000e+00 : f32
    %broadcast_in_dim3A_581 = vector.broadcast %jit3A_579 : f32 to vector<1024x1536xf32>
    %broadcast_in_dim3A_582 = vector.broadcast %jit3A_580 : f32 to vector<1024x1536xf32>
    %select_n3A_583 = arith.select %eq3A_578, %broadcast_in_dim3A_581, %broadcast_in_dim3A_582 : vector<1024x1536xi1>, vector<1024x1536xf32>
    %iota3A_584 = tpu.iota {dimensions = array<i32: 1>} : vector<1x1024xi32>
    %convert_element_type3A_585 = arith.sitofp %iota3A_584 : vector<1x1024xi32> to vector<1x1024xf32>
    %dot_general3A = arith.constant dense<0.000000e+00> : vector<1x1536xf32>
    %dot_general3A_586 = tpu.matmul %convert_element_type3A_585, %select_n3A_583, %dot_general3A {dimension_numbers = #tpu.dot_dimension_numbers<[1], [0], [0], [1], [0, 0, 1, 1], [], []>, precision = #tpu.contract_precision<fp32>, transpose_lhs_hint = false} : vector<1x1024xf32>, vector<1024x1536xf32>, vector<1x1536xf32> -> vector<1x1536xf32>
    %convert_element_type3A_587 = arith.fptosi %dot_general3A_586 : vector<1x1536xf32> to vector<1x1536xi32>
    %swap3A_588 = arith.constant 0 : index
    %swap3A_589 = arith.constant 0 : index
    %swap3A_590 = vector.load %arg4[%swap3A_588, %swap3A_589] : memref<1x1536xi32, #tpu.memory_space<vmem>>, vector<1x1536xi32>
    tpu.vector_store %arg4[%swap3A_588, %swap3A_589], %convert_element_type3A_587 {strides = array<i32>} : memref<1x1536xi32, #tpu.memory_space<vmem>>, vector<1x1536xi32>,
    return
  }
  func.func @transform_0(%arg0: i32) -> (i32, i32) {
    %c0_i32 = arith.constant 0 : i32
    %c0_i32_0 = arith.constant 0 : i32
    %c0_i32_1 = arith.constant 0 : i32
    return %c0_i32, %c0_i32_0 : i32, i32
  }
  func.func @transform_1(%arg0: i32) -> (i32, i32) {
    %c0_i32 = arith.constant 0 : i32
    %c0_i32_0 = arith.constant 0 : i32
    %c0_i32_1 = arith.constant 0 : i32
    return %c0_i32, %c0_i32_0 : i32, i32
  }
  func.func @transform_2(%arg0: i32) -> (i32, i32) {
    %c0_i32 = arith.constant 0 : i32
    %c0_i32_0 = arith.constant 0 : i32
    %c0_i32_1 = arith.constant 0 : i32
    return %c0_i32, %c0_i32_0 : i32, i32
  }
  func.func @transform_3(%arg0: i32) -> (i32, i32) {
    %c0_i32 = arith.constant 0 : i32
    %c0_i32_0 = arith.constant 0 : i32
    %c0_i32_1 = arith.constant 0 : i32
    return %c0_i32, %c0_i32_0 : i32, i32
  }
  func.func @transform_4(%arg0: i32) -> (i32, i32) {
    %c0_i32 = arith.constant 0 : i32
    %c0_i32_0 = arith.constant 0 : i32
    %c0_i32_1 = arith.constant 0 : i32
    return %c0_i32, %c0_i32_0 : i32, i32
  }
}

module attributes {stable_mosaic.version = 14 : i64} {
  func.func @body(%arg0: i32, %arg1: memref<1x24xi32, #tpu.memory_space<smem>>, %arg2: memref<1x24xi32, #tpu.memory_space<smem>>, %arg3: memref<1x1536xi32, #tpu.memory_space<smem>>, %arg4: memref<1024x22x128xf32, #tpu.memory_space<any>>, %arg5: memref<1x128x512xf32, #tpu.memory_space<vmem>>, %arg6: memref<1x1x512xf32, #tpu.memory_space<vmem>>, %arg7: memref<1x512x512xf32, #tpu.memory_space<vmem>>, %arg8: memref<1x1x512xf32, #tpu.memory_space<vmem>>, %arg9: memref<1x1024x512xf32, #tpu.memory_space<vmem>>, %arg10: memref<1x1x512xf32, #tpu.memory_space<vmem>>, %arg11: memref<1x512x32xf32, #tpu.memory_space<vmem>>, %arg12: memref<1x1x32xf32, #tpu.memory_space<vmem>>, %arg13: memref<1x1024x512xf32, #tpu.memory_space<vmem>>, %arg14: memref<1x1x512xf32, #tpu.memory_space<vmem>>, %arg15: memref<1x1x512xf32, #tpu.memory_space<vmem>>, %arg16: memref<1x1x1xf32, #tpu.memory_space<vmem>>, %arg17: memref<64x128xf32, #tpu.memory_space<vmem>>, %arg18: memref<2x1536x128xf32, #tpu.memory_space<vmem>>, %arg19: memref<2x!tpu.dma_semaphore, #tpu.memory_space<semaphore_mem>>) attributes {dimension_semantics = [#tpu.dimension_semantics<arbitrary>], iteration_bounds = array<i64: 24>, scalar_prefetch = 3 : i64, scratch_operands = 2 : i64, tpu.core_type = #tpu.core_type<tc>, window_params = [{}, {transform_indices = @transform_1, window_bounds = array<i64: 1, 128, 512>}, {transform_indices = @transform_2, window_bounds = array<i64: 1, 1, 512>}, {transform_indices = @transform_3, window_bounds = array<i64: 1, 512, 512>}, {transform_indices = @transform_4, window_bounds = array<i64: 1, 1, 512>}, {transform_indices = @transform_5, window_bounds = array<i64: 1, 1024, 512>}, {transform_indices = @transform_6, window_bounds = array<i64: 1, 1, 512>}, {transform_indices = @transform_7, window_bounds = array<i64: 1, 512, 32>}, {transform_indices = @transform_8, window_bounds = array<i64: 1, 1, 32>}, {transform_indices = @transform_9, window_bounds = array<i64: 1, 1024, 512>}, {transform_indices = @transform_10, window_bounds = array<i64: 1, 1, 512>}, {transform_indices = @transform_11, window_bounds = array<i64: 1, 1, 512>}, {transform_indices = @transform_12, window_bounds = array<i64: 1, 1, 1>}, {transform_indices = @transform_13, window_bounds = array<i64: 64, 128>}]} {
    %eq3A = arith.constant 0 : i32
    %eq3A_0 = arith.cmpi eq, %arg0, %eq3A : i32
    %convert_element_type3A = arith.extui %eq3A_0 : i1 to i32
    %cond3A = arith.constant 0 : i32
    %cond3A_1 = arith.cmpi ne, %convert_element_type3A, %cond3A : i32
    scf.if %cond3A_1 {
      %broadcast_in_dim3A = arith.constant 0.000000e+00 : f32
      %broadcast_in_dim3A_21 = vector.broadcast %broadcast_in_dim3A : f32 to vector<2x1536x128xf32>
      %swap3A = arith.constant 0 : index
      %swap3A_22 = arith.constant 0 : index
      %swap3A_23 = arith.constant 0 : index
      %swap3A_24 = vector.load %arg18[%swap3A, %swap3A_22, %swap3A_23] : memref<2x1536x128xf32, #tpu.memory_space<vmem>>, vector<2x1536x128xf32>
      tpu.vector_store %arg18[%swap3A, %swap3A_22, %swap3A_23], %broadcast_in_dim3A_21 {strides = array<i32>} : memref<2x1536x128xf32, #tpu.memory_space<vmem>>, vector<2x1536x128xf32>,
      %get3A_25 = arith.constant 0 : index
      %get3A_26 = arith.constant 0 : index
      %get3A_27 = memref.load %arg2[%get3A_25, %get3A_26] : memref<1x24xi32, #tpu.memory_space<smem>>
      %gt3A_28 = arith.constant 0 : i32
      %gt3A_29 = arith.cmpi sgt, %get3A_27, %gt3A_28 : i32
      %convert_element_type3A_30 = arith.extui %gt3A_29 : i1 to i32
      %cond3A_31 = arith.constant 0 : i32
      %cond3A_32 = arith.cmpi ne, %convert_element_type3A_30, %cond3A_31 : i32
      scf.if %cond3A_32 {
        %get3A_33 = arith.constant 0 : index
        %get3A_34 = arith.constant 0 : index
        %get3A_35 = memref.load %arg3[%get3A_33, %get3A_34] : memref<1x1536xi32, #tpu.memory_space<smem>>
        %dma_start3A = arith.constant 0 : i32
        %dma_start3A_36 = arith.constant 0 : i32
        %dma_start3A_37 = tpu.memref_slice %arg19[%dma_start3A_36] : memref<2x!tpu.dma_semaphore, #tpu.memory_space<semaphore_mem>> -> memref<1x!tpu.dma_semaphore, #tpu.memory_space<semaphore_mem>>
        %dma_start3A_38 = tpu.memref_squeeze %dma_start3A_37 : memref<1x!tpu.dma_semaphore, #tpu.memory_space<semaphore_mem>> -> memref<!tpu.dma_semaphore, #tpu.memory_space<semaphore_mem>>
        %dma_start3A_39 = arith.constant 0 : i32
        %dma_start3A_40 = arith.constant 0 : i32
        %dma_start3A_41 = tpu.memref_slice %arg18[%dma_start3A, %dma_start3A_39, %dma_start3A_40] : memref<2x1536x128xf32, #tpu.memory_space<vmem>> -> memref<1x22x128xf32, #tpu.memory_space<vmem>>
        %dma_start3A_42 = tpu.memref_squeeze %dma_start3A_41 : memref<1x22x128xf32, #tpu.memory_space<vmem>> -> memref<22x128xf32, #tpu.memory_space<vmem>>
        %dma_start3A_43 = arith.constant 0 : i32
        %dma_start3A_44 = arith.constant 0 : i32
        %dma_start3A_45 = tpu.memref_slice %arg4[%get3A_35, %dma_start3A_43, %dma_start3A_44] : memref<1024x22x128xf32, #tpu.memory_space<any>> -> memref<1x22x128xf32, #tpu.memory_space<any>>
        %dma_start3A_46 = tpu.memref_squeeze %dma_start3A_45 : memref<1x22x128xf32, #tpu.memory_space<any>> -> memref<22x128xf32, #tpu.memory_space<any>>
        tpu.enqueue_dma source(%dma_start3A_46 : memref<22x128xf32, #tpu.memory_space<any>>) target(%dma_start3A_42 : memref<22x128xf32, #tpu.memory_space<vmem>>) target_semaphore(%dma_start3A_38 : memref<!tpu.dma_semaphore, #tpu.memory_space<semaphore_mem>>)
        %get3A_47 = arith.constant 0 : index
        %get3A_48 = arith.constant 1 : index
        %get3A_49 = memref.load %arg3[%get3A_47, %get3A_48] : memref<1x1536xi32, #tpu.memory_space<smem>>
        %dma_start3A_50 = arith.constant 0 : i32
        %dma_start3A_51 = arith.constant 0 : i32
        %dma_start3A_52 = tpu.memref_slice %arg19[%dma_start3A_51] : memref<2x!tpu.dma_semaphore, #tpu.memory_space<semaphore_mem>> -> memref<1x!tpu.dma_semaphore, #tpu.memory_space<semaphore_mem>>
        %dma_start3A_53 = tpu.memref_squeeze %dma_start3A_52 : memref<1x!tpu.dma_semaphore, #tpu.memory_space<semaphore_mem>> -> memref<!tpu.dma_semaphore, #tpu.memory_space<semaphore_mem>>
        %dma_start3A_54 = arith.constant 24 : i32
        %dma_start3A_55 = arith.constant 0 : i32
        %dma_start3A_56 = tpu.memref_slice %arg18[%dma_start3A_50, %dma_start3A_54, %dma_start3A_55] : memref<2x1536x128xf32, #tpu.memory_space<vmem>> -> memref<1x22x128xf32, #tpu.memory_space<vmem>>
        %dma_start3A_57 = tpu.memref_squeeze %dma_start3A_56 : memref<1x22x128xf32, #tpu.memory_space<vmem>> -> memref<22x128xf32, #tpu.memory_space<vmem>>
        %dma_start3A_58 = arith.constant 0 : i32
        %dma_start3A_59 = arith.constant 0 : i32
        %dma_start3A_60 = tpu.memref_slice %arg4[%get3A_49, %dma_start3A_58, %dma_start3A_59] : memref<1024x22x128xf32, #tpu.memory_space<any>> -> memref<1x22x128xf32, #tpu.memory_space<any>>
        %dma_start3A_61 = tpu.memref_squeeze %dma_start3A_60 : memref<1x22x128xf32, #tpu.memory_space<any>> -> memref<22x128xf32, #tpu.memory_space<any>>
        tpu.enqueue_dma source(%dma_start3A_61 : memref<22x128xf32, #tpu.memory_space<any>>) target(%dma_start3A_57 : memref<22x128xf32, #tpu.memory_space<vmem>>) target_semaphore(%dma_start3A_53 : memref<!tpu.dma_semaphore, #tpu.memory_space<semaphore_mem>>)
        %get3A_62 = arith.constant 0 : index
        %get3A_63 = arith.constant 2 : index
        %get3A_64 = memref.load %arg3[%get3A_62, %get3A_63] : memref<1x1536xi32, #tpu.memory_space<smem>>
        %dma_start3A_65 = arith.constant 0 : i32
        %dma_start3A_66 = arith.constant 0 : i32
        %dma_start3A_67 = tpu.memref_slice %arg19[%dma_start3A_66] : memref<2x!tpu.dma_semaphore, #tpu.memory_space<semaphore_mem>> -> memref<1x!tpu.dma_semaphore, #tpu.memory_space<semaphore_mem>>
        %dma_start3A_68 = tpu.memref_squeeze %dma_start3A_67 : memref<1x!tpu.dma_semaphore, #tpu.memory_space<semaphore_mem>> -> memref<!tpu.dma_semaphore, #tpu.memory_space<semaphore_mem>>
        %dma_start3A_69 = arith.constant 48 : i32
        %dma_start3A_70 = arith.constant 0 : i32
        %dma_start3A_71 = tpu.memref_slice %arg18[%dma_start3A_65, %dma_start3A_69, %dma_start3A_70] : memref<2x1536x128xf32, #tpu.memory_space<vmem>> -> memref<1x22x128xf32, #tpu.memory_space<vmem>>
        %dma_start3A_72 = tpu.memref_squeeze %dma_start3A_71 : memref<1x22x128xf32, #tpu.memory_space<vmem>> -> memref<22x128xf32, #tpu.memory_space<vmem>>
        %dma_start3A_73 = arith.constant 0 : i32
        %dma_start3A_74 = arith.constant 0 : i32
        %dma_start3A_75 = tpu.memref_slice %arg4[%get3A_64, %dma_start3A_73, %dma_start3A_74] : memref<1024x22x128xf32, #tpu.memory_space<any>> -> memref<1x22x128xf32, #tpu.memory_space<any>>
        %dma_start3A_76 = tpu.memref_squeeze %dma_start3A_75 : memref<1x22x128xf32, #tpu.memory_space<any>> -> memref<22x128xf32, #tpu.memory_space<any>>
        tpu.enqueue_dma source(%dma_start3A_76 : memref<22x128xf32, #tpu.memory_space<any>>) target(%dma_start3A_72 : memref<22x128xf32, #tpu.memory_space<vmem>>) target_semaphore(%dma_start3A_68 : memref<!tpu.dma_semaphore, #tpu.memory_space<semaphore_mem>>)
        %get3A_77 = arith.constant 0 : index
        %get3A_78 = arith.constant 3 : index
        %get3A_79 = memref.load %arg3[%get3A_77, %get3A_78] : memref<1x1536xi32, #tpu.memory_space<smem>>
        %dma_start3A_80 = arith.constant 0 : i32
        %dma_start3A_81 = arith.constant 0 : i32
        %dma_start3A_82 = tpu.memref_slice %arg19[%dma_start3A_81] : memref<2x!tpu.dma_semaphore, #tpu.memory_space<semaphore_mem>> -> memref<1x!tpu.dma_semaphore, #tpu.memory_space<semaphore_mem>>
        %dma_start3A_83 = tpu.memref_squeeze %dma_start3A_82 : memref<1x!tpu.dma_semaphore, #tpu.memory_space<semaphore_mem>> -> memref<!tpu.dma_semaphore, #tpu.memory_space<semaphore_mem>>
        %dma_start3A_84 = arith.constant 72 : i32
        %dma_start3A_85 = arith.constant 0 : i32
        %dma_start3A_86 = tpu.memref_slice %arg18[%dma_start3A_80, %dma_start3A_84, %dma_start3A_85] : memref<2x1536x128xf32, #tpu.memory_space<vmem>> -> memref<1x22x128xf32, #tpu.memory_space<vmem>>
        %dma_start3A_87 = tpu.memref_squeeze %dma_start3A_86 : memref<1x22x128xf32, #tpu.memory_space<vmem>> -> memref<22x128xf32, #tpu.memory_space<vmem>>
        %dma_start3A_88 = arith.constant 0 : i32
        %dma_start3A_89 = arith.constant 0 : i32
        %dma_start3A_90 = tpu.memref_slice %arg4[%get3A_79, %dma_start3A_88, %dma_start3A_89] : memref<1024x22x128xf32, #tpu.memory_space<any>> -> memref<1x22x128xf32, #tpu.memory_space<any>>
        %dma_start3A_91 = tpu.memref_squeeze %dma_start3A_90 : memref<1x22x128xf32, #tpu.memory_space<any>> -> memref<22x128xf32, #tpu.memory_space<any>>
        tpu.enqueue_dma source(%dma_start3A_91 : memref<22x128xf32, #tpu.memory_space<any>>) target(%dma_start3A_87 : memref<22x128xf32, #tpu.memory_space<vmem>>) target_semaphore(%dma_start3A_83 : memref<!tpu.dma_semaphore, #tpu.memory_space<semaphore_mem>>)
        %get3A_92 = arith.constant 0 : index
        %get3A_93 = arith.constant 4 : index
        %get3A_94 = memref.load %arg3[%get3A_92, %get3A_93] : memref<1x1536xi32, #tpu.memory_space<smem>>
        %dma_start3A_95 = arith.constant 0 : i32
        %dma_start3A_96 = arith.constant 0 : i32
        %dma_start3A_97 = tpu.memref_slice %arg19[%dma_start3A_96] : memref<2x!tpu.dma_semaphore, #tpu.memory_space<semaphore_mem>> -> memref<1x!tpu.dma_semaphore, #tpu.memory_space<semaphore_mem>>
        %dma_start3A_98 = tpu.memref_squeeze %dma_start3A_97 : memref<1x!tpu.dma_semaphore, #tpu.memory_space<semaphore_mem>> -> memref<!tpu.dma_semaphore, #tpu.memory_space<semaphore_mem>>
        %dma_start3A_99 = arith.constant 96 : i32
        %dma_start3A_100 = arith.constant 0 : i32
        %dma_start3A_101 = tpu.memref_slice %arg18[%dma_start3A_95, %dma_start3A_99, %dma_start3A_100] : memref<2x1536x128xf32, #tpu.memory_space<vmem>> -> memref<1x22x128xf32, #tpu.memory_space<vmem>>
        %dma_start3A_102 = tpu.memref_squeeze %dma_start3A_101 : memref<1x22x128xf32, #tpu.memory_space<vmem>> -> memref<22x128xf32, #tpu.memory_space<vmem>>
        %dma_start3A_103 = arith.constant 0 : i32
        %dma_start3A_104 = arith.constant 0 : i32
        %dma_start3A_105 = tpu.memref_slice %arg4[%get3A_94, %dma_start3A_103, %dma_start3A_104] : memref<1024x22x128xf32, #tpu.memory_space<any>> -> memref<1x22x128xf32, #tpu.memory_space<any>>
        %dma_start3A_106 = tpu.memref_squeeze %dma_start3A_105 : memref<1x22x128xf32, #tpu.memory_space<any>> -> memref<22x128xf32, #tpu.memory_space<any>>
        tpu.enqueue_dma source(%dma_start3A_106 : memref<22x128xf32, #tpu.memory_space<any>>) target(%dma_start3A_102 : memref<22x128xf32, #tpu.memory_space<vmem>>) target_semaphore(%dma_start3A_98 : memref<!tpu.dma_semaphore, #tpu.memory_space<semaphore_mem>>)
        %get3A_107 = arith.constant 0 : index
        %get3A_108 = arith.constant 5 : index
        %get3A_109 = memref.load %arg3[%get3A_107, %get3A_108] : memref<1x1536xi32, #tpu.memory_space<smem>>
        %dma_start3A_110 = arith.constant 0 : i32
        %dma_start3A_111 = arith.constant 0 : i32
        %dma_start3A_112 = tpu.memref_slice %arg19[%dma_start3A_111] : memref<2x!tpu.dma_semaphore, #tpu.memory_space<semaphore_mem>> -> memref<1x!tpu.dma_semaphore, #tpu.memory_space<semaphore_mem>>
        %dma_start3A_113 = tpu.memref_squeeze %dma_start3A_112 : memref<1x!tpu.dma_semaphore, #tpu.memory_space<semaphore_mem>> -> memref<!tpu.dma_semaphore, #tpu.memory_space<semaphore_mem>>
        %dma_start3A_114 = arith.constant 120 : i32
        %dma_start3A_115 = arith.constant 0 : i32
        %dma_start3A_116 = tpu.memref_slice %arg18[%dma_start3A_110, %dma_start3A_114, %dma_start3A_115] : memref<2x1536x128xf32, #tpu.memory_space<vmem>> -> memref<1x22x128xf32, #tpu.memory_space<vmem>>
        %dma_start3A_117 = tpu.memref_squeeze %dma_start3A_116 : memref<1x22x128xf32, #tpu.memory_space<vmem>> -> memref<22x128xf32, #tpu.memory_space<vmem>>
        %dma_start3A_118 = arith.constant 0 : i32
        %dma_start3A_119 = arith.constant 0 : i32
        %dma_start3A_120 = tpu.memref_slice %arg4[%get3A_109, %dma_start3A_118, %dma_start3A_119] : memref<1024x22x128xf32, #tpu.memory_space<any>> -> memref<1x22x128xf32, #tpu.memory_space<any>>
        %dma_start3A_121 = tpu.memref_squeeze %dma_start3A_120 : memref<1x22x128xf32, #tpu.memory_space<any>> -> memref<22x128xf32, #tpu.memory_space<any>>
        tpu.enqueue_dma source(%dma_start3A_121 : memref<22x128xf32, #tpu.memory_space<any>>) target(%dma_start3A_117 : memref<22x128xf32, #tpu.memory_space<vmem>>) target_semaphore(%dma_start3A_113 : memref<!tpu.dma_semaphore, #tpu.memory_space<semaphore_mem>>)
        %get3A_122 = arith.constant 0 : index
        %get3A_123 = arith.constant 6 : index
        %get3A_124 = memref.load %arg3[%get3A_122, %get3A_123] : memref<1x1536xi32, #tpu.memory_space<smem>>
        %dma_start3A_125 = arith.constant 0 : i32
        %dma_start3A_126 = arith.constant 0 : i32
        %dma_start3A_127 = tpu.memref_slice %arg19[%dma_start3A_126] : memref<2x!tpu.dma_semaphore, #tpu.memory_space<semaphore_mem>> -> memref<1x!tpu.dma_semaphore, #tpu.memory_space<semaphore_mem>>
        %dma_start3A_128 = tpu.memref_squeeze %dma_start3A_127 : memref<1x!tpu.dma_semaphore, #tpu.memory_space<semaphore_mem>> -> memref<!tpu.dma_semaphore, #tpu.memory_space<semaphore_mem>>
        %dma_start3A_129 = arith.constant 144 : i32
        %dma_start3A_130 = arith.constant 0 : i32
        %dma_start3A_131 = tpu.memref_slice %arg18[%dma_start3A_125, %dma_start3A_129, %dma_start3A_130] : memref<2x1536x128xf32, #tpu.memory_space<vmem>> -> memref<1x22x128xf32, #tpu.memory_space<vmem>>
        %dma_start3A_132 = tpu.memref_squeeze %dma_start3A_131 : memref<1x22x128xf32, #tpu.memory_space<vmem>> -> memref<22x128xf32, #tpu.memory_space<vmem>>
        %dma_start3A_133 = arith.constant 0 : i32
        %dma_start3A_134 = arith.constant 0 : i32
        %dma_start3A_135 = tpu.memref_slice %arg4[%get3A_124, %dma_start3A_133, %dma_start3A_134] : memref<1024x22x128xf32, #tpu.memory_space<any>> -> memref<1x22x128xf32, #tpu.memory_space<any>>
        %dma_start3A_136 = tpu.memref_squeeze %dma_start3A_135 : memref<1x22x128xf32, #tpu.memory_space<any>> -> memref<22x128xf32, #tpu.memory_space<any>>
        tpu.enqueue_dma source(%dma_start3A_136 : memref<22x128xf32, #tpu.memory_space<any>>) target(%dma_start3A_132 : memref<22x128xf32, #tpu.memory_space<vmem>>) target_semaphore(%dma_start3A_128 : memref<!tpu.dma_semaphore, #tpu.memory_space<semaphore_mem>>)
        %get3A_137 = arith.constant 0 : index
        %get3A_138 = arith.constant 7 : index
        %get3A_139 = memref.load %arg3[%get3A_137, %get3A_138] : memref<1x1536xi32, #tpu.memory_space<smem>>
        %dma_start3A_140 = arith.constant 0 : i32
        %dma_start3A_141 = arith.constant 0 : i32
        %dma_start3A_142 = tpu.memref_slice %arg19[%dma_start3A_141] : memref<2x!tpu.dma_semaphore, #tpu.memory_space<semaphore_mem>> -> memref<1x!tpu.dma_semaphore, #tpu.memory_space<semaphore_mem>>
        %dma_start3A_143 = tpu.memref_squeeze %dma_start3A_142 : memref<1x!tpu.dma_semaphore, #tpu.memory_space<semaphore_mem>> -> memref<!tpu.dma_semaphore, #tpu.memory_space<semaphore_mem>>
        %dma_start3A_144 = arith.constant 168 : i32
        %dma_start3A_145 = arith.constant 0 : i32
        %dma_start3A_146 = tpu.memref_slice %arg18[%dma_start3A_140, %dma_start3A_144, %dma_start3A_145] : memref<2x1536x128xf32, #tpu.memory_space<vmem>> -> memref<1x22x128xf32, #tpu.memory_space<vmem>>
        %dma_start3A_147 = tpu.memref_squeeze %dma_start3A_146 : memref<1x22x128xf32, #tpu.memory_space<vmem>> -> memref<22x128xf32, #tpu.memory_space<vmem>>
        %dma_start3A_148 = arith.constant 0 : i32
        %dma_start3A_149 = arith.constant 0 : i32
        %dma_start3A_150 = tpu.memref_slice %arg4[%get3A_139, %dma_start3A_148, %dma_start3A_149] : memref<1024x22x128xf32, #tpu.memory_space<any>> -> memref<1x22x128xf32, #tpu.memory_space<any>>
        %dma_start3A_151 = tpu.memref_squeeze %dma_start3A_150 : memref<1x22x128xf32, #tpu.memory_space<any>> -> memref<22x128xf32, #tpu.memory_space<any>>
        tpu.enqueue_dma source(%dma_start3A_151 : memref<22x128xf32, #tpu.memory_space<any>>) target(%dma_start3A_147 : memref<22x128xf32, #tpu.memory_space<vmem>>) target_semaphore(%dma_start3A_143 : memref<!tpu.dma_semaphore, #tpu.memory_space<semaphore_mem>>)
        %get3A_152 = arith.constant 0 : index
        %get3A_153 = arith.constant 8 : index
        %get3A_154 = memref.load %arg3[%get3A_152, %get3A_153] : memref<1x1536xi32, #tpu.memory_space<smem>>
        %dma_start3A_155 = arith.constant 0 : i32
        %dma_start3A_156 = arith.constant 0 : i32
        %dma_start3A_157 = tpu.memref_slice %arg19[%dma_start3A_156] : memref<2x!tpu.dma_semaphore, #tpu.memory_space<semaphore_mem>> -> memref<1x!tpu.dma_semaphore, #tpu.memory_space<semaphore_mem>>
        %dma_start3A_158 = tpu.memref_squeeze %dma_start3A_157 : memref<1x!tpu.dma_semaphore, #tpu.memory_space<semaphore_mem>> -> memref<!tpu.dma_semaphore, #tpu.memory_space<semaphore_mem>>
        %dma_start3A_159 = arith.constant 192 : i32
        %dma_start3A_160 = arith.constant 0 : i32
        %dma_start3A_161 = tpu.memref_slice %arg18[%dma_start3A_155, %dma_start3A_159, %dma_start3A_160] : memref<2x1536x128xf32, #tpu.memory_space<vmem>> -> memref<1x22x128xf32, #tpu.memory_space<vmem>>
        %dma_start3A_162 = tpu.memref_squeeze %dma_start3A_161 : memref<1x22x128xf32, #tpu.memory_space<vmem>> -> memref<22x128xf32, #tpu.memory_space<vmem>>
        %dma_start3A_163 = arith.constant 0 : i32
        %dma_start3A_164 = arith.constant 0 : i32
        %dma_start3A_165 = tpu.memref_slice %arg4[%get3A_154, %dma_start3A_163, %dma_start3A_164] : memref<1024x22x128xf32, #tpu.memory_space<any>> -> memref<1x22x128xf32, #tpu.memory_space<any>>
        %dma_start3A_166 = tpu.memref_squeeze %dma_start3A_165 : memref<1x22x128xf32, #tpu.memory_space<any>> -> memref<22x128xf32, #tpu.memory_space<any>>
        tpu.enqueue_dma source(%dma_start3A_166 : memref<22x128xf32, #tpu.memory_space<any>>) target(%dma_start3A_162 : memref<22x128xf32, #tpu.memory_space<vmem>>) target_semaphore(%dma_start3A_158 : memref<!tpu.dma_semaphore, #tpu.memory_space<semaphore_mem>>)
        %get3A_167 = arith.constant 0 : index
        %get3A_168 = arith.constant 9 : index
        %get3A_169 = memref.load %arg3[%get3A_167, %get3A_168] : memref<1x1536xi32, #tpu.memory_space<smem>>
        %dma_start3A_170 = arith.constant 0 : i32
        %dma_start3A_171 = arith.constant 0 : i32
        %dma_start3A_172 = tpu.memref_slice %arg19[%dma_start3A_171] : memref<2x!tpu.dma_semaphore, #tpu.memory_space<semaphore_mem>> -> memref<1x!tpu.dma_semaphore, #tpu.memory_space<semaphore_mem>>
        %dma_start3A_173 = tpu.memref_squeeze %dma_start3A_172 : memref<1x!tpu.dma_semaphore, #tpu.memory_space<semaphore_mem>> -> memref<!tpu.dma_semaphore, #tpu.memory_space<semaphore_mem>>
        %dma_start3A_174 = arith.constant 216 : i32
        %dma_start3A_175 = arith.constant 0 : i32
        %dma_start3A_176 = tpu.memref_slice %arg18[%dma_start3A_170, %dma_start3A_174, %dma_start3A_175] : memref<2x1536x128xf32, #tpu.memory_space<vmem>> -> memref<1x22x128xf32, #tpu.memory_space<vmem>>
        %dma_start3A_177 = tpu.memref_squeeze %dma_start3A_176 : memref<1x22x128xf32, #tpu.memory_space<vmem>> -> memref<22x128xf32, #tpu.memory_space<vmem>>
        %dma_start3A_178 = arith.constant 0 : i32
        %dma_start3A_179 = arith.constant 0 : i32
        %dma_start3A_180 = tpu.memref_slice %arg4[%get3A_169, %dma_start3A_178, %dma_start3A_179] : memref<1024x22x128xf32, #tpu.memory_space<any>> -> memref<1x22x128xf32, #tpu.memory_space<any>>
        %dma_start3A_181 = tpu.memref_squeeze %dma_start3A_180 : memref<1x22x128xf32, #tpu.memory_space<any>> -> memref<22x128xf32, #tpu.memory_space<any>>
        tpu.enqueue_dma source(%dma_start3A_181 : memref<22x128xf32, #tpu.memory_space<any>>) target(%dma_start3A_177 : memref<22x128xf32, #tpu.memory_space<vmem>>) target_semaphore(%dma_start3A_173 : memref<!tpu.dma_semaphore, #tpu.memory_space<semaphore_mem>>)
        %get3A_182 = arith.constant 0 : index
        %get3A_183 = arith.constant 10 : index
        %get3A_184 = memref.load %arg3[%get3A_182, %get3A_183] : memref<1x1536xi32, #tpu.memory_space<smem>>
        %dma_start3A_185 = arith.constant 0 : i32
        %dma_start3A_186 = arith.constant 0 : i32
        %dma_start3A_187 = tpu.memref_slice %arg19[%dma_start3A_186] : memref<2x!tpu.dma_semaphore, #tpu.memory_space<semaphore_mem>> -> memref<1x!tpu.dma_semaphore, #tpu.memory_space<semaphore_mem>>
        %dma_start3A_188 = tpu.memref_squeeze %dma_start3A_187 : memref<1x!tpu.dma_semaphore, #tpu.memory_space<semaphore_mem>> -> memref<!tpu.dma_semaphore, #tpu.memory_space<semaphore_mem>>
        %dma_start3A_189 = arith.constant 240 : i32
        %dma_start3A_190 = arith.constant 0 : i32
        %dma_start3A_191 = tpu.memref_slice %arg18[%dma_start3A_185, %dma_start3A_189, %dma_start3A_190] : memref<2x1536x128xf32, #tpu.memory_space<vmem>> -> memref<1x22x128xf32, #tpu.memory_space<vmem>>
        %dma_start3A_192 = tpu.memref_squeeze %dma_start3A_191 : memref<1x22x128xf32, #tpu.memory_space<vmem>> -> memref<22x128xf32, #tpu.memory_space<vmem>>
        %dma_start3A_193 = arith.constant 0 : i32
        %dma_start3A_194 = arith.constant 0 : i32
        %dma_start3A_195 = tpu.memref_slice %arg4[%get3A_184, %dma_start3A_193, %dma_start3A_194] : memref<1024x22x128xf32, #tpu.memory_space<any>> -> memref<1x22x128xf32, #tpu.memory_space<any>>
        %dma_start3A_196 = tpu.memref_squeeze %dma_start3A_195 : memref<1x22x128xf32, #tpu.memory_space<any>> -> memref<22x128xf32, #tpu.memory_space<any>>
        tpu.enqueue_dma source(%dma_start3A_196 : memref<22x128xf32, #tpu.memory_space<any>>) target(%dma_start3A_192 : memref<22x128xf32, #tpu.memory_space<vmem>>) target_semaphore(%dma_start3A_188 : memref<!tpu.dma_semaphore, #tpu.memory_space<semaphore_mem>>)
        %get3A_197 = arith.constant 0 : index
        %get3A_198 = arith.constant 11 : index
        %get3A_199 = memref.load %arg3[%get3A_197, %get3A_198] : memref<1x1536xi32, #tpu.memory_space<smem>>
        %dma_start3A_200 = arith.constant 0 : i32
        %dma_start3A_201 = arith.constant 0 : i32
        %dma_start3A_202 = tpu.memref_slice %arg19[%dma_start3A_201] : memref<2x!tpu.dma_semaphore, #tpu.memory_space<semaphore_mem>> -> memref<1x!tpu.dma_semaphore, #tpu.memory_space<semaphore_mem>>
        %dma_start3A_203 = tpu.memref_squeeze %dma_start3A_202 : memref<1x!tpu.dma_semaphore, #tpu.memory_space<semaphore_mem>> -> memref<!tpu.dma_semaphore, #tpu.memory_space<semaphore_mem>>
        %dma_start3A_204 = arith.constant 264 : i32
        %dma_start3A_205 = arith.constant 0 : i32
        %dma_start3A_206 = tpu.memref_slice %arg18[%dma_start3A_200, %dma_start3A_204, %dma_start3A_205] : memref<2x1536x128xf32, #tpu.memory_space<vmem>> -> memref<1x22x128xf32, #tpu.memory_space<vmem>>
        %dma_start3A_207 = tpu.memref_squeeze %dma_start3A_206 : memref<1x22x128xf32, #tpu.memory_space<vmem>> -> memref<22x128xf32, #tpu.memory_space<vmem>>
        %dma_start3A_208 = arith.constant 0 : i32
        %dma_start3A_209 = arith.constant 0 : i32
        %dma_start3A_210 = tpu.memref_slice %arg4[%get3A_199, %dma_start3A_208, %dma_start3A_209] : memref<1024x22x128xf32, #tpu.memory_space<any>> -> memref<1x22x128xf32, #tpu.memory_space<any>>
        %dma_start3A_211 = tpu.memref_squeeze %dma_start3A_210 : memref<1x22x128xf32, #tpu.memory_space<any>> -> memref<22x128xf32, #tpu.memory_space<any>>
        tpu.enqueue_dma source(%dma_start3A_211 : memref<22x128xf32, #tpu.memory_space<any>>) target(%dma_start3A_207 : memref<22x128xf32, #tpu.memory_space<vmem>>) target_semaphore(%dma_start3A_203 : memref<!tpu.dma_semaphore, #tpu.memory_space<semaphore_mem>>)
        %get3A_212 = arith.constant 0 : index
        %get3A_213 = arith.constant 12 : index
        %get3A_214 = memref.load %arg3[%get3A_212, %get3A_213] : memref<1x1536xi32, #tpu.memory_space<smem>>
        %dma_start3A_215 = arith.constant 0 : i32
        %dma_start3A_216 = arith.constant 0 : i32
        %dma_start3A_217 = tpu.memref_slice %arg19[%dma_start3A_216] : memref<2x!tpu.dma_semaphore, #tpu.memory_space<semaphore_mem>> -> memref<1x!tpu.dma_semaphore, #tpu.memory_space<semaphore_mem>>
        %dma_start3A_218 = tpu.memref_squeeze %dma_start3A_217 : memref<1x!tpu.dma_semaphore, #tpu.memory_space<semaphore_mem>> -> memref<!tpu.dma_semaphore, #tpu.memory_space<semaphore_mem>>
        %dma_start3A_219 = arith.constant 288 : i32
        %dma_start3A_220 = arith.constant 0 : i32
        %dma_start3A_221 = tpu.memref_slice %arg18[%dma_start3A_215, %dma_start3A_219, %dma_start3A_220] : memref<2x1536x128xf32, #tpu.memory_space<vmem>> -> memref<1x22x128xf32, #tpu.memory_space<vmem>>
        %dma_start3A_222 = tpu.memref_squeeze %dma_start3A_221 : memref<1x22x128xf32, #tpu.memory_space<vmem>> -> memref<22x128xf32, #tpu.memory_space<vmem>>
        %dma_start3A_223 = arith.constant 0 : i32
        %dma_start3A_224 = arith.constant 0 : i32
        %dma_start3A_225 = tpu.memref_slice %arg4[%get3A_214, %dma_start3A_223, %dma_start3A_224] : memref<1024x22x128xf32, #tpu.memory_space<any>> -> memref<1x22x128xf32, #tpu.memory_space<any>>
        %dma_start3A_226 = tpu.memref_squeeze %dma_start3A_225 : memref<1x22x128xf32, #tpu.memory_space<any>> -> memref<22x128xf32, #tpu.memory_space<any>>
        tpu.enqueue_dma source(%dma_start3A_226 : memref<22x128xf32, #tpu.memory_space<any>>) target(%dma_start3A_222 : memref<22x128xf32, #tpu.memory_space<vmem>>) target_semaphore(%dma_start3A_218 : memref<!tpu.dma_semaphore, #tpu.memory_space<semaphore_mem>>)
        %get3A_227 = arith.constant 0 : index
        %get3A_228 = arith.constant 13 : index
        %get3A_229 = memref.load %arg3[%get3A_227, %get3A_228] : memref<1x1536xi32, #tpu.memory_space<smem>>
        %dma_start3A_230 = arith.constant 0 : i32
        %dma_start3A_231 = arith.constant 0 : i32
        %dma_start3A_232 = tpu.memref_slice %arg19[%dma_start3A_231] : memref<2x!tpu.dma_semaphore, #tpu.memory_space<semaphore_mem>> -> memref<1x!tpu.dma_semaphore, #tpu.memory_space<semaphore_mem>>
        %dma_start3A_233 = tpu.memref_squeeze %dma_start3A_232 : memref<1x!tpu.dma_semaphore, #tpu.memory_space<semaphore_mem>> -> memref<!tpu.dma_semaphore, #tpu.memory_space<semaphore_mem>>
        %dma_start3A_234 = arith.constant 312 : i32
        %dma_start3A_235 = arith.constant 0 : i32
        %dma_start3A_236 = tpu.memref_slice %arg18[%dma_start3A_230, %dma_start3A_234, %dma_start3A_235] : memref<2x1536x128xf32, #tpu.memory_space<vmem>> -> memref<1x22x128xf32, #tpu.memory_space<vmem>>
        %dma_start3A_237 = tpu.memref_squeeze %dma_start3A_236 : memref<1x22x128xf32, #tpu.memory_space<vmem>> -> memref<22x128xf32, #tpu.memory_space<vmem>>
        %dma_start3A_238 = arith.constant 0 : i32
        %dma_start3A_239 = arith.constant 0 : i32
        %dma_start3A_240 = tpu.memref_slice %arg4[%get3A_229, %dma_start3A_238, %dma_start3A_239] : memref<1024x22x128xf32, #tpu.memory_space<any>> -> memref<1x22x128xf32, #tpu.memory_space<any>>
        %dma_start3A_241 = tpu.memref_squeeze %dma_start3A_240 : memref<1x22x128xf32, #tpu.memory_space<any>> -> memref<22x128xf32, #tpu.memory_space<any>>
        tpu.enqueue_dma source(%dma_start3A_241 : memref<22x128xf32, #tpu.memory_space<any>>) target(%dma_start3A_237 : memref<22x128xf32, #tpu.memory_space<vmem>>) target_semaphore(%dma_start3A_233 : memref<!tpu.dma_semaphore, #tpu.memory_space<semaphore_mem>>)
        %get3A_242 = arith.constant 0 : index
        %get3A_243 = arith.constant 14 : index
        %get3A_244 = memref.load %arg3[%get3A_242, %get3A_243] : memref<1x1536xi32, #tpu.memory_space<smem>>
        %dma_start3A_245 = arith.constant 0 : i32
        %dma_start3A_246 = arith.constant 0 : i32
        %dma_start3A_247 = tpu.memref_slice %arg19[%dma_start3A_246] : memref<2x!tpu.dma_semaphore, #tpu.memory_space<semaphore_mem>> -> memref<1x!tpu.dma_semaphore, #tpu.memory_space<semaphore_mem>>
        %dma_start3A_248 = tpu.memref_squeeze %dma_start3A_247 : memref<1x!tpu.dma_semaphore, #tpu.memory_space<semaphore_mem>> -> memref<!tpu.dma_semaphore, #tpu.memory_space<semaphore_mem>>
        %dma_start3A_249 = arith.constant 336 : i32
        %dma_start3A_250 = arith.constant 0 : i32
        %dma_start3A_251 = tpu.memref_slice %arg18[%dma_start3A_245, %dma_start3A_249, %dma_start3A_250] : memref<2x1536x128xf32, #tpu.memory_space<vmem>> -> memref<1x22x128xf32, #tpu.memory_space<vmem>>
        %dma_start3A_252 = tpu.memref_squeeze %dma_start3A_251 : memref<1x22x128xf32, #tpu.memory_space<vmem>> -> memref<22x128xf32, #tpu.memory_space<vmem>>
        %dma_start3A_253 = arith.constant 0 : i32
        %dma_start3A_254 = arith.constant 0 : i32
        %dma_start3A_255 = tpu.memref_slice %arg4[%get3A_244, %dma_start3A_253, %dma_start3A_254] : memref<1024x22x128xf32, #tpu.memory_space<any>> -> memref<1x22x128xf32, #tpu.memory_space<any>>
        %dma_start3A_256 = tpu.memref_squeeze %dma_start3A_255 : memref<1x22x128xf32, #tpu.memory_space<any>> -> memref<22x128xf32, #tpu.memory_space<any>>
        tpu.enqueue_dma source(%dma_start3A_256 : memref<22x128xf32, #tpu.memory_space<any>>) target(%dma_start3A_252 : memref<22x128xf32, #tpu.memory_space<vmem>>) target_semaphore(%dma_start3A_248 : memref<!tpu.dma_semaphore, #tpu.memory_space<semaphore_mem>>)
        %get3A_257 = arith.constant 0 : index
        %get3A_258 = arith.constant 15 : index
        %get3A_259 = memref.load %arg3[%get3A_257, %get3A_258] : memref<1x1536xi32, #tpu.memory_space<smem>>
        %dma_start3A_260 = arith.constant 0 : i32
        %dma_start3A_261 = arith.constant 0 : i32
        %dma_start3A_262 = tpu.memref_slice %arg19[%dma_start3A_261] : memref<2x!tpu.dma_semaphore, #tpu.memory_space<semaphore_mem>> -> memref<1x!tpu.dma_semaphore, #tpu.memory_space<semaphore_mem>>
        %dma_start3A_263 = tpu.memref_squeeze %dma_start3A_262 : memref<1x!tpu.dma_semaphore, #tpu.memory_space<semaphore_mem>> -> memref<!tpu.dma_semaphore, #tpu.memory_space<semaphore_mem>>
        %dma_start3A_264 = arith.constant 360 : i32
        %dma_start3A_265 = arith.constant 0 : i32
        %dma_start3A_266 = tpu.memref_slice %arg18[%dma_start3A_260, %dma_start3A_264, %dma_start3A_265] : memref<2x1536x128xf32, #tpu.memory_space<vmem>> -> memref<1x22x128xf32, #tpu.memory_space<vmem>>
        %dma_start3A_267 = tpu.memref_squeeze %dma_start3A_266 : memref<1x22x128xf32, #tpu.memory_space<vmem>> -> memref<22x128xf32, #tpu.memory_space<vmem>>
        %dma_start3A_268 = arith.constant 0 : i32
        %dma_start3A_269 = arith.constant 0 : i32
        %dma_start3A_270 = tpu.memref_slice %arg4[%get3A_259, %dma_start3A_268, %dma_start3A_269] : memref<1024x22x128xf32, #tpu.memory_space<any>> -> memref<1x22x128xf32, #tpu.memory_space<any>>
        %dma_start3A_271 = tpu.memref_squeeze %dma_start3A_270 : memref<1x22x128xf32, #tpu.memory_space<any>> -> memref<22x128xf32, #tpu.memory_space<any>>
        tpu.enqueue_dma source(%dma_start3A_271 : memref<22x128xf32, #tpu.memory_space<any>>) target(%dma_start3A_267 : memref<22x128xf32, #tpu.memory_space<vmem>>) target_semaphore(%dma_start3A_263 : memref<!tpu.dma_semaphore, #tpu.memory_space<semaphore_mem>>)
        %get3A_272 = arith.constant 0 : index
        %get3A_273 = arith.constant 16 : index
        %get3A_274 = memref.load %arg3[%get3A_272, %get3A_273] : memref<1x1536xi32, #tpu.memory_space<smem>>
        %dma_start3A_275 = arith.constant 0 : i32
        %dma_start3A_276 = arith.constant 0 : i32
        %dma_start3A_277 = tpu.memref_slice %arg19[%dma_start3A_276] : memref<2x!tpu.dma_semaphore, #tpu.memory_space<semaphore_mem>> -> memref<1x!tpu.dma_semaphore, #tpu.memory_space<semaphore_mem>>
        %dma_start3A_278 = tpu.memref_squeeze %dma_start3A_277 : memref<1x!tpu.dma_semaphore, #tpu.memory_space<semaphore_mem>> -> memref<!tpu.dma_semaphore, #tpu.memory_space<semaphore_mem>>
        %dma_start3A_279 = arith.constant 384 : i32
        %dma_start3A_280 = arith.constant 0 : i32
        %dma_start3A_281 = tpu.memref_slice %arg18[%dma_start3A_275, %dma_start3A_279, %dma_start3A_280] : memref<2x1536x128xf32, #tpu.memory_space<vmem>> -> memref<1x22x128xf32, #tpu.memory_space<vmem>>
        %dma_start3A_282 = tpu.memref_squeeze %dma_start3A_281 : memref<1x22x128xf32, #tpu.memory_space<vmem>> -> memref<22x128xf32, #tpu.memory_space<vmem>>
        %dma_start3A_283 = arith.constant 0 : i32
        %dma_start3A_284 = arith.constant 0 : i32
        %dma_start3A_285 = tpu.memref_slice %arg4[%get3A_274, %dma_start3A_283, %dma_start3A_284] : memref<1024x22x128xf32, #tpu.memory_space<any>> -> memref<1x22x128xf32, #tpu.memory_space<any>>
        %dma_start3A_286 = tpu.memref_squeeze %dma_start3A_285 : memref<1x22x128xf32, #tpu.memory_space<any>> -> memref<22x128xf32, #tpu.memory_space<any>>
        tpu.enqueue_dma source(%dma_start3A_286 : memref<22x128xf32, #tpu.memory_space<any>>) target(%dma_start3A_282 : memref<22x128xf32, #tpu.memory_space<vmem>>) target_semaphore(%dma_start3A_278 : memref<!tpu.dma_semaphore, #tpu.memory_space<semaphore_mem>>)
        %get3A_287 = arith.constant 0 : index
        %get3A_288 = arith.constant 17 : index
        %get3A_289 = memref.load %arg3[%get3A_287, %get3A_288] : memref<1x1536xi32, #tpu.memory_space<smem>>
        %dma_start3A_290 = arith.constant 0 : i32
        %dma_start3A_291 = arith.constant 0 : i32
        %dma_start3A_292 = tpu.memref_slice %arg19[%dma_start3A_291] : memref<2x!tpu.dma_semaphore, #tpu.memory_space<semaphore_mem>> -> memref<1x!tpu.dma_semaphore, #tpu.memory_space<semaphore_mem>>
        %dma_start3A_293 = tpu.memref_squeeze %dma_start3A_292 : memref<1x!tpu.dma_semaphore, #tpu.memory_space<semaphore_mem>> -> memref<!tpu.dma_semaphore, #tpu.memory_space<semaphore_mem>>
        %dma_start3A_294 = arith.constant 408 : i32
        %dma_start3A_295 = arith.constant 0 : i32
        %dma_start3A_296 = tpu.memref_slice %arg18[%dma_start3A_290, %dma_start3A_294, %dma_start3A_295] : memref<2x1536x128xf32, #tpu.memory_space<vmem>> -> memref<1x22x128xf32, #tpu.memory_space<vmem>>
        %dma_start3A_297 = tpu.memref_squeeze %dma_start3A_296 : memref<1x22x128xf32, #tpu.memory_space<vmem>> -> memref<22x128xf32, #tpu.memory_space<vmem>>
        %dma_start3A_298 = arith.constant 0 : i32
        %dma_start3A_299 = arith.constant 0 : i32
        %dma_start3A_300 = tpu.memref_slice %arg4[%get3A_289, %dma_start3A_298, %dma_start3A_299] : memref<1024x22x128xf32, #tpu.memory_space<any>> -> memref<1x22x128xf32, #tpu.memory_space<any>>
        %dma_start3A_301 = tpu.memref_squeeze %dma_start3A_300 : memref<1x22x128xf32, #tpu.memory_space<any>> -> memref<22x128xf32, #tpu.memory_space<any>>
        tpu.enqueue_dma source(%dma_start3A_301 : memref<22x128xf32, #tpu.memory_space<any>>) target(%dma_start3A_297 : memref<22x128xf32, #tpu.memory_space<vmem>>) target_semaphore(%dma_start3A_293 : memref<!tpu.dma_semaphore, #tpu.memory_space<semaphore_mem>>)
        %get3A_302 = arith.constant 0 : index
        %get3A_303 = arith.constant 18 : index
        %get3A_304 = memref.load %arg3[%get3A_302, %get3A_303] : memref<1x1536xi32, #tpu.memory_space<smem>>
        %dma_start3A_305 = arith.constant 0 : i32
        %dma_start3A_306 = arith.constant 0 : i32
        %dma_start3A_307 = tpu.memref_slice %arg19[%dma_start3A_306] : memref<2x!tpu.dma_semaphore, #tpu.memory_space<semaphore_mem>> -> memref<1x!tpu.dma_semaphore, #tpu.memory_space<semaphore_mem>>
        %dma_start3A_308 = tpu.memref_squeeze %dma_start3A_307 : memref<1x!tpu.dma_semaphore, #tpu.memory_space<semaphore_mem>> -> memref<!tpu.dma_semaphore, #tpu.memory_space<semaphore_mem>>
        %dma_start3A_309 = arith.constant 432 : i32
        %dma_start3A_310 = arith.constant 0 : i32
        %dma_start3A_311 = tpu.memref_slice %arg18[%dma_start3A_305, %dma_start3A_309, %dma_start3A_310] : memref<2x1536x128xf32, #tpu.memory_space<vmem>> -> memref<1x22x128xf32, #tpu.memory_space<vmem>>
        %dma_start3A_312 = tpu.memref_squeeze %dma_start3A_311 : memref<1x22x128xf32, #tpu.memory_space<vmem>> -> memref<22x128xf32, #tpu.memory_space<vmem>>
        %dma_start3A_313 = arith.constant 0 : i32
        %dma_start3A_314 = arith.constant 0 : i32
        %dma_start3A_315 = tpu.memref_slice %arg4[%get3A_304, %dma_start3A_313, %dma_start3A_314] : memref<1024x22x128xf32, #tpu.memory_space<any>> -> memref<1x22x128xf32, #tpu.memory_space<any>>
        %dma_start3A_316 = tpu.memref_squeeze %dma_start3A_315 : memref<1x22x128xf32, #tpu.memory_space<any>> -> memref<22x128xf32, #tpu.memory_space<any>>
        tpu.enqueue_dma source(%dma_start3A_316 : memref<22x128xf32, #tpu.memory_space<any>>) target(%dma_start3A_312 : memref<22x128xf32, #tpu.memory_space<vmem>>) target_semaphore(%dma_start3A_308 : memref<!tpu.dma_semaphore, #tpu.memory_space<semaphore_mem>>)
        %get3A_317 = arith.constant 0 : index
        %get3A_318 = arith.constant 19 : index
        %get3A_319 = memref.load %arg3[%get3A_317, %get3A_318] : memref<1x1536xi32, #tpu.memory_space<smem>>
        %dma_start3A_320 = arith.constant 0 : i32
        %dma_start3A_321 = arith.constant 0 : i32
        %dma_start3A_322 = tpu.memref_slice %arg19[%dma_start3A_321] : memref<2x!tpu.dma_semaphore, #tpu.memory_space<semaphore_mem>> -> memref<1x!tpu.dma_semaphore, #tpu.memory_space<semaphore_mem>>
        %dma_start3A_323 = tpu.memref_squeeze %dma_start3A_322 : memref<1x!tpu.dma_semaphore, #tpu.memory_space<semaphore_mem>> -> memref<!tpu.dma_semaphore, #tpu.memory_space<semaphore_mem>>
        %dma_start3A_324 = arith.constant 456 : i32
        %dma_start3A_325 = arith.constant 0 : i32
        %dma_start3A_326 = tpu.memref_slice %arg18[%dma_start3A_320, %dma_start3A_324, %dma_start3A_325] : memref<2x1536x128xf32, #tpu.memory_space<vmem>> -> memref<1x22x128xf32, #tpu.memory_space<vmem>>
        %dma_start3A_327 = tpu.memref_squeeze %dma_start3A_326 : memref<1x22x128xf32, #tpu.memory_space<vmem>> -> memref<22x128xf32, #tpu.memory_space<vmem>>
        %dma_start3A_328 = arith.constant 0 : i32
        %dma_start3A_329 = arith.constant 0 : i32
        %dma_start3A_330 = tpu.memref_slice %arg4[%get3A_319, %dma_start3A_328, %dma_start3A_329] : memref<1024x22x128xf32, #tpu.memory_space<any>> -> memref<1x22x128xf32, #tpu.memory_space<any>>
        %dma_start3A_331 = tpu.memref_squeeze %dma_start3A_330 : memref<1x22x128xf32, #tpu.memory_space<any>> -> memref<22x128xf32, #tpu.memory_space<any>>
        tpu.enqueue_dma source(%dma_start3A_331 : memref<22x128xf32, #tpu.memory_space<any>>) target(%dma_start3A_327 : memref<22x128xf32, #tpu.memory_space<vmem>>) target_semaphore(%dma_start3A_323 : memref<!tpu.dma_semaphore, #tpu.memory_space<semaphore_mem>>)
        %get3A_332 = arith.constant 0 : index
        %get3A_333 = arith.constant 20 : index
        %get3A_334 = memref.load %arg3[%get3A_332, %get3A_333] : memref<1x1536xi32, #tpu.memory_space<smem>>
        %dma_start3A_335 = arith.constant 0 : i32
        %dma_start3A_336 = arith.constant 0 : i32
        %dma_start3A_337 = tpu.memref_slice %arg19[%dma_start3A_336] : memref<2x!tpu.dma_semaphore, #tpu.memory_space<semaphore_mem>> -> memref<1x!tpu.dma_semaphore, #tpu.memory_space<semaphore_mem>>
        %dma_start3A_338 = tpu.memref_squeeze %dma_start3A_337 : memref<1x!tpu.dma_semaphore, #tpu.memory_space<semaphore_mem>> -> memref<!tpu.dma_semaphore, #tpu.memory_space<semaphore_mem>>
        %dma_start3A_339 = arith.constant 480 : i32
        %dma_start3A_340 = arith.constant 0 : i32
        %dma_start3A_341 = tpu.memref_slice %arg18[%dma_start3A_335, %dma_start3A_339, %dma_start3A_340] : memref<2x1536x128xf32, #tpu.memory_space<vmem>> -> memref<1x22x128xf32, #tpu.memory_space<vmem>>
        %dma_start3A_342 = tpu.memref_squeeze %dma_start3A_341 : memref<1x22x128xf32, #tpu.memory_space<vmem>> -> memref<22x128xf32, #tpu.memory_space<vmem>>
        %dma_start3A_343 = arith.constant 0 : i32
        %dma_start3A_344 = arith.constant 0 : i32
        %dma_start3A_345 = tpu.memref_slice %arg4[%get3A_334, %dma_start3A_343, %dma_start3A_344] : memref<1024x22x128xf32, #tpu.memory_space<any>> -> memref<1x22x128xf32, #tpu.memory_space<any>>
        %dma_start3A_346 = tpu.memref_squeeze %dma_start3A_345 : memref<1x22x128xf32, #tpu.memory_space<any>> -> memref<22x128xf32, #tpu.memory_space<any>>
        tpu.enqueue_dma source(%dma_start3A_346 : memref<22x128xf32, #tpu.memory_space<any>>) target(%dma_start3A_342 : memref<22x128xf32, #tpu.memory_space<vmem>>) target_semaphore(%dma_start3A_338 : memref<!tpu.dma_semaphore, #tpu.memory_space<semaphore_mem>>)
        %get3A_347 = arith.constant 0 : index
        %get3A_348 = arith.constant 21 : index
        %get3A_349 = memref.load %arg3[%get3A_347, %get3A_348] : memref<1x1536xi32, #tpu.memory_space<smem>>
        %dma_start3A_350 = arith.constant 0 : i32
        %dma_start3A_351 = arith.constant 0 : i32
        %dma_start3A_352 = tpu.memref_slice %arg19[%dma_start3A_351] : memref<2x!tpu.dma_semaphore, #tpu.memory_space<semaphore_mem>> -> memref<1x!tpu.dma_semaphore, #tpu.memory_space<semaphore_mem>>
        %dma_start3A_353 = tpu.memref_squeeze %dma_start3A_352 : memref<1x!tpu.dma_semaphore, #tpu.memory_space<semaphore_mem>> -> memref<!tpu.dma_semaphore, #tpu.memory_space<semaphore_mem>>
        %dma_start3A_354 = arith.constant 504 : i32
        %dma_start3A_355 = arith.constant 0 : i32
        %dma_start3A_356 = tpu.memref_slice %arg18[%dma_start3A_350, %dma_start3A_354, %dma_start3A_355] : memref<2x1536x128xf32, #tpu.memory_space<vmem>> -> memref<1x22x128xf32, #tpu.memory_space<vmem>>
        %dma_start3A_357 = tpu.memref_squeeze %dma_start3A_356 : memref<1x22x128xf32, #tpu.memory_space<vmem>> -> memref<22x128xf32, #tpu.memory_space<vmem>>
        %dma_start3A_358 = arith.constant 0 : i32
        %dma_start3A_359 = arith.constant 0 : i32
        %dma_start3A_360 = tpu.memref_slice %arg4[%get3A_349, %dma_start3A_358, %dma_start3A_359] : memref<1024x22x128xf32, #tpu.memory_space<any>> -> memref<1x22x128xf32, #tpu.memory_space<any>>
        %dma_start3A_361 = tpu.memref_squeeze %dma_start3A_360 : memref<1x22x128xf32, #tpu.memory_space<any>> -> memref<22x128xf32, #tpu.memory_space<any>>
        tpu.enqueue_dma source(%dma_start3A_361 : memref<22x128xf32, #tpu.memory_space<any>>) target(%dma_start3A_357 : memref<22x128xf32, #tpu.memory_space<vmem>>) target_semaphore(%dma_start3A_353 : memref<!tpu.dma_semaphore, #tpu.memory_space<semaphore_mem>>)
        %get3A_362 = arith.constant 0 : index
        %get3A_363 = arith.constant 22 : index
        %get3A_364 = memref.load %arg3[%get3A_362, %get3A_363] : memref<1x1536xi32, #tpu.memory_space<smem>>
        %dma_start3A_365 = arith.constant 0 : i32
        %dma_start3A_366 = arith.constant 0 : i32
        %dma_start3A_367 = tpu.memref_slice %arg19[%dma_start3A_366] : memref<2x!tpu.dma_semaphore, #tpu.memory_space<semaphore_mem>> -> memref<1x!tpu.dma_semaphore, #tpu.memory_space<semaphore_mem>>
        %dma_start3A_368 = tpu.memref_squeeze %dma_start3A_367 : memref<1x!tpu.dma_semaphore, #tpu.memory_space<semaphore_mem>> -> memref<!tpu.dma_semaphore, #tpu.memory_space<semaphore_mem>>
        %dma_start3A_369 = arith.constant 528 : i32
        %dma_start3A_370 = arith.constant 0 : i32
        %dma_start3A_371 = tpu.memref_slice %arg18[%dma_start3A_365, %dma_start3A_369, %dma_start3A_370] : memref<2x1536x128xf32, #tpu.memory_space<vmem>> -> memref<1x22x128xf32, #tpu.memory_space<vmem>>
        %dma_start3A_372 = tpu.memref_squeeze %dma_start3A_371 : memref<1x22x128xf32, #tpu.memory_space<vmem>> -> memref<22x128xf32, #tpu.memory_space<vmem>>
        %dma_start3A_373 = arith.constant 0 : i32
        %dma_start3A_374 = arith.constant 0 : i32
        %dma_start3A_375 = tpu.memref_slice %arg4[%get3A_364, %dma_start3A_373, %dma_start3A_374] : memref<1024x22x128xf32, #tpu.memory_space<any>> -> memref<1x22x128xf32, #tpu.memory_space<any>>
        %dma_start3A_376 = tpu.memref_squeeze %dma_start3A_375 : memref<1x22x128xf32, #tpu.memory_space<any>> -> memref<22x128xf32, #tpu.memory_space<any>>
        tpu.enqueue_dma source(%dma_start3A_376 : memref<22x128xf32, #tpu.memory_space<any>>) target(%dma_start3A_372 : memref<22x128xf32, #tpu.memory_space<vmem>>) target_semaphore(%dma_start3A_368 : memref<!tpu.dma_semaphore, #tpu.memory_space<semaphore_mem>>)
        %get3A_377 = arith.constant 0 : index
        %get3A_378 = arith.constant 23 : index
        %get3A_379 = memref.load %arg3[%get3A_377, %get3A_378] : memref<1x1536xi32, #tpu.memory_space<smem>>
        %dma_start3A_380 = arith.constant 0 : i32
        %dma_start3A_381 = arith.constant 0 : i32
        %dma_start3A_382 = tpu.memref_slice %arg19[%dma_start3A_381] : memref<2x!tpu.dma_semaphore, #tpu.memory_space<semaphore_mem>> -> memref<1x!tpu.dma_semaphore, #tpu.memory_space<semaphore_mem>>
        %dma_start3A_383 = tpu.memref_squeeze %dma_start3A_382 : memref<1x!tpu.dma_semaphore, #tpu.memory_space<semaphore_mem>> -> memref<!tpu.dma_semaphore, #tpu.memory_space<semaphore_mem>>
        %dma_start3A_384 = arith.constant 552 : i32
        %dma_start3A_385 = arith.constant 0 : i32
        %dma_start3A_386 = tpu.memref_slice %arg18[%dma_start3A_380, %dma_start3A_384, %dma_start3A_385] : memref<2x1536x128xf32, #tpu.memory_space<vmem>> -> memref<1x22x128xf32, #tpu.memory_space<vmem>>
        %dma_start3A_387 = tpu.memref_squeeze %dma_start3A_386 : memref<1x22x128xf32, #tpu.memory_space<vmem>> -> memref<22x128xf32, #tpu.memory_space<vmem>>
        %dma_start3A_388 = arith.constant 0 : i32
        %dma_start3A_389 = arith.constant 0 : i32
        %dma_start3A_390 = tpu.memref_slice %arg4[%get3A_379, %dma_start3A_388, %dma_start3A_389] : memref<1024x22x128xf32, #tpu.memory_space<any>> -> memref<1x22x128xf32, #tpu.memory_space<any>>
        %dma_start3A_391 = tpu.memref_squeeze %dma_start3A_390 : memref<1x22x128xf32, #tpu.memory_space<any>> -> memref<22x128xf32, #tpu.memory_space<any>>
        tpu.enqueue_dma source(%dma_start3A_391 : memref<22x128xf32, #tpu.memory_space<any>>) target(%dma_start3A_387 : memref<22x128xf32, #tpu.memory_space<vmem>>) target_semaphore(%dma_start3A_383 : memref<!tpu.dma_semaphore, #tpu.memory_space<semaphore_mem>>)
        %get3A_392 = arith.constant 0 : index
        %get3A_393 = arith.constant 24 : index
        %get3A_394 = memref.load %arg3[%get3A_392, %get3A_393] : memref<1x1536xi32, #tpu.memory_space<smem>>
        %dma_start3A_395 = arith.constant 0 : i32
        %dma_start3A_396 = arith.constant 0 : i32
        %dma_start3A_397 = tpu.memref_slice %arg19[%dma_start3A_396] : memref<2x!tpu.dma_semaphore, #tpu.memory_space<semaphore_mem>> -> memref<1x!tpu.dma_semaphore, #tpu.memory_space<semaphore_mem>>
        %dma_start3A_398 = tpu.memref_squeeze %dma_start3A_397 : memref<1x!tpu.dma_semaphore, #tpu.memory_space<semaphore_mem>> -> memref<!tpu.dma_semaphore, #tpu.memory_space<semaphore_mem>>
        %dma_start3A_399 = arith.constant 576 : i32
        %dma_start3A_400 = arith.constant 0 : i32
        %dma_start3A_401 = tpu.memref_slice %arg18[%dma_start3A_395, %dma_start3A_399, %dma_start3A_400] : memref<2x1536x128xf32, #tpu.memory_space<vmem>> -> memref<1x22x128xf32, #tpu.memory_space<vmem>>
        %dma_start3A_402 = tpu.memref_squeeze %dma_start3A_401 : memref<1x22x128xf32, #tpu.memory_space<vmem>> -> memref<22x128xf32, #tpu.memory_space<vmem>>
        %dma_start3A_403 = arith.constant 0 : i32
        %dma_start3A_404 = arith.constant 0 : i32
        %dma_start3A_405 = tpu.memref_slice %arg4[%get3A_394, %dma_start3A_403, %dma_start3A_404] : memref<1024x22x128xf32, #tpu.memory_space<any>> -> memref<1x22x128xf32, #tpu.memory_space<any>>
        %dma_start3A_406 = tpu.memref_squeeze %dma_start3A_405 : memref<1x22x128xf32, #tpu.memory_space<any>> -> memref<22x128xf32, #tpu.memory_space<any>>
        tpu.enqueue_dma source(%dma_start3A_406 : memref<22x128xf32, #tpu.memory_space<any>>) target(%dma_start3A_402 : memref<22x128xf32, #tpu.memory_space<vmem>>) target_semaphore(%dma_start3A_398 : memref<!tpu.dma_semaphore, #tpu.memory_space<semaphore_mem>>)
        %get3A_407 = arith.constant 0 : index
        %get3A_408 = arith.constant 25 : index
        %get3A_409 = memref.load %arg3[%get3A_407, %get3A_408] : memref<1x1536xi32, #tpu.memory_space<smem>>
        %dma_start3A_410 = arith.constant 0 : i32
        %dma_start3A_411 = arith.constant 0 : i32
        %dma_start3A_412 = tpu.memref_slice %arg19[%dma_start3A_411] : memref<2x!tpu.dma_semaphore, #tpu.memory_space<semaphore_mem>> -> memref<1x!tpu.dma_semaphore, #tpu.memory_space<semaphore_mem>>
        %dma_start3A_413 = tpu.memref_squeeze %dma_start3A_412 : memref<1x!tpu.dma_semaphore, #tpu.memory_space<semaphore_mem>> -> memref<!tpu.dma_semaphore, #tpu.memory_space<semaphore_mem>>
        %dma_start3A_414 = arith.constant 600 : i32
        %dma_start3A_415 = arith.constant 0 : i32
        %dma_start3A_416 = tpu.memref_slice %arg18[%dma_start3A_410, %dma_start3A_414, %dma_start3A_415] : memref<2x1536x128xf32, #tpu.memory_space<vmem>> -> memref<1x22x128xf32, #tpu.memory_space<vmem>>
        %dma_start3A_417 = tpu.memref_squeeze %dma_start3A_416 : memref<1x22x128xf32, #tpu.memory_space<vmem>> -> memref<22x128xf32, #tpu.memory_space<vmem>>
        %dma_start3A_418 = arith.constant 0 : i32
        %dma_start3A_419 = arith.constant 0 : i32
        %dma_start3A_420 = tpu.memref_slice %arg4[%get3A_409, %dma_start3A_418, %dma_start3A_419] : memref<1024x22x128xf32, #tpu.memory_space<any>> -> memref<1x22x128xf32, #tpu.memory_space<any>>
        %dma_start3A_421 = tpu.memref_squeeze %dma_start3A_420 : memref<1x22x128xf32, #tpu.memory_space<any>> -> memref<22x128xf32, #tpu.memory_space<any>>
        tpu.enqueue_dma source(%dma_start3A_421 : memref<22x128xf32, #tpu.memory_space<any>>) target(%dma_start3A_417 : memref<22x128xf32, #tpu.memory_space<vmem>>) target_semaphore(%dma_start3A_413 : memref<!tpu.dma_semaphore, #tpu.memory_space<semaphore_mem>>)
        %get3A_422 = arith.constant 0 : index
        %get3A_423 = arith.constant 26 : index
        %get3A_424 = memref.load %arg3[%get3A_422, %get3A_423] : memref<1x1536xi32, #tpu.memory_space<smem>>
        %dma_start3A_425 = arith.constant 0 : i32
        %dma_start3A_426 = arith.constant 0 : i32
        %dma_start3A_427 = tpu.memref_slice %arg19[%dma_start3A_426] : memref<2x!tpu.dma_semaphore, #tpu.memory_space<semaphore_mem>> -> memref<1x!tpu.dma_semaphore, #tpu.memory_space<semaphore_mem>>
        %dma_start3A_428 = tpu.memref_squeeze %dma_start3A_427 : memref<1x!tpu.dma_semaphore, #tpu.memory_space<semaphore_mem>> -> memref<!tpu.dma_semaphore, #tpu.memory_space<semaphore_mem>>
        %dma_start3A_429 = arith.constant 624 : i32
        %dma_start3A_430 = arith.constant 0 : i32
        %dma_start3A_431 = tpu.memref_slice %arg18[%dma_start3A_425, %dma_start3A_429, %dma_start3A_430] : memref<2x1536x128xf32, #tpu.memory_space<vmem>> -> memref<1x22x128xf32, #tpu.memory_space<vmem>>
        %dma_start3A_432 = tpu.memref_squeeze %dma_start3A_431 : memref<1x22x128xf32, #tpu.memory_space<vmem>> -> memref<22x128xf32, #tpu.memory_space<vmem>>
        %dma_start3A_433 = arith.constant 0 : i32
        %dma_start3A_434 = arith.constant 0 : i32
        %dma_start3A_435 = tpu.memref_slice %arg4[%get3A_424, %dma_start3A_433, %dma_start3A_434] : memref<1024x22x128xf32, #tpu.memory_space<any>> -> memref<1x22x128xf32, #tpu.memory_space<any>>
        %dma_start3A_436 = tpu.memref_squeeze %dma_start3A_435 : memref<1x22x128xf32, #tpu.memory_space<any>> -> memref<22x128xf32, #tpu.memory_space<any>>
        tpu.enqueue_dma source(%dma_start3A_436 : memref<22x128xf32, #tpu.memory_space<any>>) target(%dma_start3A_432 : memref<22x128xf32, #tpu.memory_space<vmem>>) target_semaphore(%dma_start3A_428 : memref<!tpu.dma_semaphore, #tpu.memory_space<semaphore_mem>>)
        %get3A_437 = arith.constant 0 : index
        %get3A_438 = arith.constant 27 : index
        %get3A_439 = memref.load %arg3[%get3A_437, %get3A_438] : memref<1x1536xi32, #tpu.memory_space<smem>>
        %dma_start3A_440 = arith.constant 0 : i32
        %dma_start3A_441 = arith.constant 0 : i32
        %dma_start3A_442 = tpu.memref_slice %arg19[%dma_start3A_441] : memref<2x!tpu.dma_semaphore, #tpu.memory_space<semaphore_mem>> -> memref<1x!tpu.dma_semaphore, #tpu.memory_space<semaphore_mem>>
        %dma_start3A_443 = tpu.memref_squeeze %dma_start3A_442 : memref<1x!tpu.dma_semaphore, #tpu.memory_space<semaphore_mem>> -> memref<!tpu.dma_semaphore, #tpu.memory_space<semaphore_mem>>
        %dma_start3A_444 = arith.constant 648 : i32
        %dma_start3A_445 = arith.constant 0 : i32
        %dma_start3A_446 = tpu.memref_slice %arg18[%dma_start3A_440, %dma_start3A_444, %dma_start3A_445] : memref<2x1536x128xf32, #tpu.memory_space<vmem>> -> memref<1x22x128xf32, #tpu.memory_space<vmem>>
        %dma_start3A_447 = tpu.memref_squeeze %dma_start3A_446 : memref<1x22x128xf32, #tpu.memory_space<vmem>> -> memref<22x128xf32, #tpu.memory_space<vmem>>
        %dma_start3A_448 = arith.constant 0 : i32
        %dma_start3A_449 = arith.constant 0 : i32
        %dma_start3A_450 = tpu.memref_slice %arg4[%get3A_439, %dma_start3A_448, %dma_start3A_449] : memref<1024x22x128xf32, #tpu.memory_space<any>> -> memref<1x22x128xf32, #tpu.memory_space<any>>
        %dma_start3A_451 = tpu.memref_squeeze %dma_start3A_450 : memref<1x22x128xf32, #tpu.memory_space<any>> -> memref<22x128xf32, #tpu.memory_space<any>>
        tpu.enqueue_dma source(%dma_start3A_451 : memref<22x128xf32, #tpu.memory_space<any>>) target(%dma_start3A_447 : memref<22x128xf32, #tpu.memory_space<vmem>>) target_semaphore(%dma_start3A_443 : memref<!tpu.dma_semaphore, #tpu.memory_space<semaphore_mem>>)
        %get3A_452 = arith.constant 0 : index
        %get3A_453 = arith.constant 28 : index
        %get3A_454 = memref.load %arg3[%get3A_452, %get3A_453] : memref<1x1536xi32, #tpu.memory_space<smem>>
        %dma_start3A_455 = arith.constant 0 : i32
        %dma_start3A_456 = arith.constant 0 : i32
        %dma_start3A_457 = tpu.memref_slice %arg19[%dma_start3A_456] : memref<2x!tpu.dma_semaphore, #tpu.memory_space<semaphore_mem>> -> memref<1x!tpu.dma_semaphore, #tpu.memory_space<semaphore_mem>>
        %dma_start3A_458 = tpu.memref_squeeze %dma_start3A_457 : memref<1x!tpu.dma_semaphore, #tpu.memory_space<semaphore_mem>> -> memref<!tpu.dma_semaphore, #tpu.memory_space<semaphore_mem>>
        %dma_start3A_459 = arith.constant 672 : i32
        %dma_start3A_460 = arith.constant 0 : i32
        %dma_start3A_461 = tpu.memref_slice %arg18[%dma_start3A_455, %dma_start3A_459, %dma_start3A_460] : memref<2x1536x128xf32, #tpu.memory_space<vmem>> -> memref<1x22x128xf32, #tpu.memory_space<vmem>>
        %dma_start3A_462 = tpu.memref_squeeze %dma_start3A_461 : memref<1x22x128xf32, #tpu.memory_space<vmem>> -> memref<22x128xf32, #tpu.memory_space<vmem>>
        %dma_start3A_463 = arith.constant 0 : i32
        %dma_start3A_464 = arith.constant 0 : i32
        %dma_start3A_465 = tpu.memref_slice %arg4[%get3A_454, %dma_start3A_463, %dma_start3A_464] : memref<1024x22x128xf32, #tpu.memory_space<any>> -> memref<1x22x128xf32, #tpu.memory_space<any>>
        %dma_start3A_466 = tpu.memref_squeeze %dma_start3A_465 : memref<1x22x128xf32, #tpu.memory_space<any>> -> memref<22x128xf32, #tpu.memory_space<any>>
        tpu.enqueue_dma source(%dma_start3A_466 : memref<22x128xf32, #tpu.memory_space<any>>) target(%dma_start3A_462 : memref<22x128xf32, #tpu.memory_space<vmem>>) target_semaphore(%dma_start3A_458 : memref<!tpu.dma_semaphore, #tpu.memory_space<semaphore_mem>>)
        %get3A_467 = arith.constant 0 : index
        %get3A_468 = arith.constant 29 : index
        %get3A_469 = memref.load %arg3[%get3A_467, %get3A_468] : memref<1x1536xi32, #tpu.memory_space<smem>>
        %dma_start3A_470 = arith.constant 0 : i32
        %dma_start3A_471 = arith.constant 0 : i32
        %dma_start3A_472 = tpu.memref_slice %arg19[%dma_start3A_471] : memref<2x!tpu.dma_semaphore, #tpu.memory_space<semaphore_mem>> -> memref<1x!tpu.dma_semaphore, #tpu.memory_space<semaphore_mem>>
        %dma_start3A_473 = tpu.memref_squeeze %dma_start3A_472 : memref<1x!tpu.dma_semaphore, #tpu.memory_space<semaphore_mem>> -> memref<!tpu.dma_semaphore, #tpu.memory_space<semaphore_mem>>
        %dma_start3A_474 = arith.constant 696 : i32
        %dma_start3A_475 = arith.constant 0 : i32
        %dma_start3A_476 = tpu.memref_slice %arg18[%dma_start3A_470, %dma_start3A_474, %dma_start3A_475] : memref<2x1536x128xf32, #tpu.memory_space<vmem>> -> memref<1x22x128xf32, #tpu.memory_space<vmem>>
        %dma_start3A_477 = tpu.memref_squeeze %dma_start3A_476 : memref<1x22x128xf32, #tpu.memory_space<vmem>> -> memref<22x128xf32, #tpu.memory_space<vmem>>
        %dma_start3A_478 = arith.constant 0 : i32
        %dma_start3A_479 = arith.constant 0 : i32
        %dma_start3A_480 = tpu.memref_slice %arg4[%get3A_469, %dma_start3A_478, %dma_start3A_479] : memref<1024x22x128xf32, #tpu.memory_space<any>> -> memref<1x22x128xf32, #tpu.memory_space<any>>
        %dma_start3A_481 = tpu.memref_squeeze %dma_start3A_480 : memref<1x22x128xf32, #tpu.memory_space<any>> -> memref<22x128xf32, #tpu.memory_space<any>>
        tpu.enqueue_dma source(%dma_start3A_481 : memref<22x128xf32, #tpu.memory_space<any>>) target(%dma_start3A_477 : memref<22x128xf32, #tpu.memory_space<vmem>>) target_semaphore(%dma_start3A_473 : memref<!tpu.dma_semaphore, #tpu.memory_space<semaphore_mem>>)
        %get3A_482 = arith.constant 0 : index
        %get3A_483 = arith.constant 30 : index
        %get3A_484 = memref.load %arg3[%get3A_482, %get3A_483] : memref<1x1536xi32, #tpu.memory_space<smem>>
        %dma_start3A_485 = arith.constant 0 : i32
        %dma_start3A_486 = arith.constant 0 : i32
        %dma_start3A_487 = tpu.memref_slice %arg19[%dma_start3A_486] : memref<2x!tpu.dma_semaphore, #tpu.memory_space<semaphore_mem>> -> memref<1x!tpu.dma_semaphore, #tpu.memory_space<semaphore_mem>>
        %dma_start3A_488 = tpu.memref_squeeze %dma_start3A_487 : memref<1x!tpu.dma_semaphore, #tpu.memory_space<semaphore_mem>> -> memref<!tpu.dma_semaphore, #tpu.memory_space<semaphore_mem>>
        %dma_start3A_489 = arith.constant 720 : i32
        %dma_start3A_490 = arith.constant 0 : i32
        %dma_start3A_491 = tpu.memref_slice %arg18[%dma_start3A_485, %dma_start3A_489, %dma_start3A_490] : memref<2x1536x128xf32, #tpu.memory_space<vmem>> -> memref<1x22x128xf32, #tpu.memory_space<vmem>>
        %dma_start3A_492 = tpu.memref_squeeze %dma_start3A_491 : memref<1x22x128xf32, #tpu.memory_space<vmem>> -> memref<22x128xf32, #tpu.memory_space<vmem>>
        %dma_start3A_493 = arith.constant 0 : i32
        %dma_start3A_494 = arith.constant 0 : i32
        %dma_start3A_495 = tpu.memref_slice %arg4[%get3A_484, %dma_start3A_493, %dma_start3A_494] : memref<1024x22x128xf32, #tpu.memory_space<any>> -> memref<1x22x128xf32, #tpu.memory_space<any>>
        %dma_start3A_496 = tpu.memref_squeeze %dma_start3A_495 : memref<1x22x128xf32, #tpu.memory_space<any>> -> memref<22x128xf32, #tpu.memory_space<any>>
        tpu.enqueue_dma source(%dma_start3A_496 : memref<22x128xf32, #tpu.memory_space<any>>) target(%dma_start3A_492 : memref<22x128xf32, #tpu.memory_space<vmem>>) target_semaphore(%dma_start3A_488 : memref<!tpu.dma_semaphore, #tpu.memory_space<semaphore_mem>>)
        %get3A_497 = arith.constant 0 : index
        %get3A_498 = arith.constant 31 : index
        %get3A_499 = memref.load %arg3[%get3A_497, %get3A_498] : memref<1x1536xi32, #tpu.memory_space<smem>>
        %dma_start3A_500 = arith.constant 0 : i32
        %dma_start3A_501 = arith.constant 0 : i32
        %dma_start3A_502 = tpu.memref_slice %arg19[%dma_start3A_501] : memref<2x!tpu.dma_semaphore, #tpu.memory_space<semaphore_mem>> -> memref<1x!tpu.dma_semaphore, #tpu.memory_space<semaphore_mem>>
        %dma_start3A_503 = tpu.memref_squeeze %dma_start3A_502 : memref<1x!tpu.dma_semaphore, #tpu.memory_space<semaphore_mem>> -> memref<!tpu.dma_semaphore, #tpu.memory_space<semaphore_mem>>
        %dma_start3A_504 = arith.constant 744 : i32
        %dma_start3A_505 = arith.constant 0 : i32
        %dma_start3A_506 = tpu.memref_slice %arg18[%dma_start3A_500, %dma_start3A_504, %dma_start3A_505] : memref<2x1536x128xf32, #tpu.memory_space<vmem>> -> memref<1x22x128xf32, #tpu.memory_space<vmem>>
        %dma_start3A_507 = tpu.memref_squeeze %dma_start3A_506 : memref<1x22x128xf32, #tpu.memory_space<vmem>> -> memref<22x128xf32, #tpu.memory_space<vmem>>
        %dma_start3A_508 = arith.constant 0 : i32
        %dma_start3A_509 = arith.constant 0 : i32
        %dma_start3A_510 = tpu.memref_slice %arg4[%get3A_499, %dma_start3A_508, %dma_start3A_509] : memref<1024x22x128xf32, #tpu.memory_space<any>> -> memref<1x22x128xf32, #tpu.memory_space<any>>
        %dma_start3A_511 = tpu.memref_squeeze %dma_start3A_510 : memref<1x22x128xf32, #tpu.memory_space<any>> -> memref<22x128xf32, #tpu.memory_space<any>>
        tpu.enqueue_dma source(%dma_start3A_511 : memref<22x128xf32, #tpu.memory_space<any>>) target(%dma_start3A_507 : memref<22x128xf32, #tpu.memory_space<vmem>>) target_semaphore(%dma_start3A_503 : memref<!tpu.dma_semaphore, #tpu.memory_space<semaphore_mem>>)
        %get3A_512 = arith.constant 0 : index
        %get3A_513 = arith.constant 32 : index
        %get3A_514 = memref.load %arg3[%get3A_512, %get3A_513] : memref<1x1536xi32, #tpu.memory_space<smem>>
        %dma_start3A_515 = arith.constant 0 : i32
        %dma_start3A_516 = arith.constant 0 : i32
        %dma_start3A_517 = tpu.memref_slice %arg19[%dma_start3A_516] : memref<2x!tpu.dma_semaphore, #tpu.memory_space<semaphore_mem>> -> memref<1x!tpu.dma_semaphore, #tpu.memory_space<semaphore_mem>>
        %dma_start3A_518 = tpu.memref_squeeze %dma_start3A_517 : memref<1x!tpu.dma_semaphore, #tpu.memory_space<semaphore_mem>> -> memref<!tpu.dma_semaphore, #tpu.memory_space<semaphore_mem>>
        %dma_start3A_519 = arith.constant 768 : i32
        %dma_start3A_520 = arith.constant 0 : i32
        %dma_start3A_521 = tpu.memref_slice %arg18[%dma_start3A_515, %dma_start3A_519, %dma_start3A_520] : memref<2x1536x128xf32, #tpu.memory_space<vmem>> -> memref<1x22x128xf32, #tpu.memory_space<vmem>>
        %dma_start3A_522 = tpu.memref_squeeze %dma_start3A_521 : memref<1x22x128xf32, #tpu.memory_space<vmem>> -> memref<22x128xf32, #tpu.memory_space<vmem>>
        %dma_start3A_523 = arith.constant 0 : i32
        %dma_start3A_524 = arith.constant 0 : i32
        %dma_start3A_525 = tpu.memref_slice %arg4[%get3A_514, %dma_start3A_523, %dma_start3A_524] : memref<1024x22x128xf32, #tpu.memory_space<any>> -> memref<1x22x128xf32, #tpu.memory_space<any>>
        %dma_start3A_526 = tpu.memref_squeeze %dma_start3A_525 : memref<1x22x128xf32, #tpu.memory_space<any>> -> memref<22x128xf32, #tpu.memory_space<any>>
        tpu.enqueue_dma source(%dma_start3A_526 : memref<22x128xf32, #tpu.memory_space<any>>) target(%dma_start3A_522 : memref<22x128xf32, #tpu.memory_space<vmem>>) target_semaphore(%dma_start3A_518 : memref<!tpu.dma_semaphore, #tpu.memory_space<semaphore_mem>>)
        %get3A_527 = arith.constant 0 : index
        %get3A_528 = arith.constant 33 : index
        %get3A_529 = memref.load %arg3[%get3A_527, %get3A_528] : memref<1x1536xi32, #tpu.memory_space<smem>>
        %dma_start3A_530 = arith.constant 0 : i32
        %dma_start3A_531 = arith.constant 0 : i32
        %dma_start3A_532 = tpu.memref_slice %arg19[%dma_start3A_531] : memref<2x!tpu.dma_semaphore, #tpu.memory_space<semaphore_mem>> -> memref<1x!tpu.dma_semaphore, #tpu.memory_space<semaphore_mem>>
        %dma_start3A_533 = tpu.memref_squeeze %dma_start3A_532 : memref<1x!tpu.dma_semaphore, #tpu.memory_space<semaphore_mem>> -> memref<!tpu.dma_semaphore, #tpu.memory_space<semaphore_mem>>
        %dma_start3A_534 = arith.constant 792 : i32
        %dma_start3A_535 = arith.constant 0 : i32
        %dma_start3A_536 = tpu.memref_slice %arg18[%dma_start3A_530, %dma_start3A_534, %dma_start3A_535] : memref<2x1536x128xf32, #tpu.memory_space<vmem>> -> memref<1x22x128xf32, #tpu.memory_space<vmem>>
        %dma_start3A_537 = tpu.memref_squeeze %dma_start3A_536 : memref<1x22x128xf32, #tpu.memory_space<vmem>> -> memref<22x128xf32, #tpu.memory_space<vmem>>
        %dma_start3A_538 = arith.constant 0 : i32
        %dma_start3A_539 = arith.constant 0 : i32
        %dma_start3A_540 = tpu.memref_slice %arg4[%get3A_529, %dma_start3A_538, %dma_start3A_539] : memref<1024x22x128xf32, #tpu.memory_space<any>> -> memref<1x22x128xf32, #tpu.memory_space<any>>
        %dma_start3A_541 = tpu.memref_squeeze %dma_start3A_540 : memref<1x22x128xf32, #tpu.memory_space<any>> -> memref<22x128xf32, #tpu.memory_space<any>>
        tpu.enqueue_dma source(%dma_start3A_541 : memref<22x128xf32, #tpu.memory_space<any>>) target(%dma_start3A_537 : memref<22x128xf32, #tpu.memory_space<vmem>>) target_semaphore(%dma_start3A_533 : memref<!tpu.dma_semaphore, #tpu.memory_space<semaphore_mem>>)
        %get3A_542 = arith.constant 0 : index
        %get3A_543 = arith.constant 34 : index
        %get3A_544 = memref.load %arg3[%get3A_542, %get3A_543] : memref<1x1536xi32, #tpu.memory_space<smem>>
        %dma_start3A_545 = arith.constant 0 : i32
        %dma_start3A_546 = arith.constant 0 : i32
        %dma_start3A_547 = tpu.memref_slice %arg19[%dma_start3A_546] : memref<2x!tpu.dma_semaphore, #tpu.memory_space<semaphore_mem>> -> memref<1x!tpu.dma_semaphore, #tpu.memory_space<semaphore_mem>>
        %dma_start3A_548 = tpu.memref_squeeze %dma_start3A_547 : memref<1x!tpu.dma_semaphore, #tpu.memory_space<semaphore_mem>> -> memref<!tpu.dma_semaphore, #tpu.memory_space<semaphore_mem>>
        %dma_start3A_549 = arith.constant 816 : i32
        %dma_start3A_550 = arith.constant 0 : i32
        %dma_start3A_551 = tpu.memref_slice %arg18[%dma_start3A_545, %dma_start3A_549, %dma_start3A_550] : memref<2x1536x128xf32, #tpu.memory_space<vmem>> -> memref<1x22x128xf32, #tpu.memory_space<vmem>>
        %dma_start3A_552 = tpu.memref_squeeze %dma_start3A_551 : memref<1x22x128xf32, #tpu.memory_space<vmem>> -> memref<22x128xf32, #tpu.memory_space<vmem>>
        %dma_start3A_553 = arith.constant 0 : i32
        %dma_start3A_554 = arith.constant 0 : i32
        %dma_start3A_555 = tpu.memref_slice %arg4[%get3A_544, %dma_start3A_553, %dma_start3A_554] : memref<1024x22x128xf32, #tpu.memory_space<any>> -> memref<1x22x128xf32, #tpu.memory_space<any>>
        %dma_start3A_556 = tpu.memref_squeeze %dma_start3A_555 : memref<1x22x128xf32, #tpu.memory_space<any>> -> memref<22x128xf32, #tpu.memory_space<any>>
        tpu.enqueue_dma source(%dma_start3A_556 : memref<22x128xf32, #tpu.memory_space<any>>) target(%dma_start3A_552 : memref<22x128xf32, #tpu.memory_space<vmem>>) target_semaphore(%dma_start3A_548 : memref<!tpu.dma_semaphore, #tpu.memory_space<semaphore_mem>>)
        %get3A_557 = arith.constant 0 : index
        %get3A_558 = arith.constant 35 : index
        %get3A_559 = memref.load %arg3[%get3A_557, %get3A_558] : memref<1x1536xi32, #tpu.memory_space<smem>>
        %dma_start3A_560 = arith.constant 0 : i32
        %dma_start3A_561 = arith.constant 0 : i32
        %dma_start3A_562 = tpu.memref_slice %arg19[%dma_start3A_561] : memref<2x!tpu.dma_semaphore, #tpu.memory_space<semaphore_mem>> -> memref<1x!tpu.dma_semaphore, #tpu.memory_space<semaphore_mem>>
        %dma_start3A_563 = tpu.memref_squeeze %dma_start3A_562 : memref<1x!tpu.dma_semaphore, #tpu.memory_space<semaphore_mem>> -> memref<!tpu.dma_semaphore, #tpu.memory_space<semaphore_mem>>
        %dma_start3A_564 = arith.constant 840 : i32
        %dma_start3A_565 = arith.constant 0 : i32
        %dma_start3A_566 = tpu.memref_slice %arg18[%dma_start3A_560, %dma_start3A_564, %dma_start3A_565] : memref<2x1536x128xf32, #tpu.memory_space<vmem>> -> memref<1x22x128xf32, #tpu.memory_space<vmem>>
        %dma_start3A_567 = tpu.memref_squeeze %dma_start3A_566 : memref<1x22x128xf32, #tpu.memory_space<vmem>> -> memref<22x128xf32, #tpu.memory_space<vmem>>
        %dma_start3A_568 = arith.constant 0 : i32
        %dma_start3A_569 = arith.constant 0 : i32
        %dma_start3A_570 = tpu.memref_slice %arg4[%get3A_559, %dma_start3A_568, %dma_start3A_569] : memref<1024x22x128xf32, #tpu.memory_space<any>> -> memref<1x22x128xf32, #tpu.memory_space<any>>
        %dma_start3A_571 = tpu.memref_squeeze %dma_start3A_570 : memref<1x22x128xf32, #tpu.memory_space<any>> -> memref<22x128xf32, #tpu.memory_space<any>>
        tpu.enqueue_dma source(%dma_start3A_571 : memref<22x128xf32, #tpu.memory_space<any>>) target(%dma_start3A_567 : memref<22x128xf32, #tpu.memory_space<vmem>>) target_semaphore(%dma_start3A_563 : memref<!tpu.dma_semaphore, #tpu.memory_space<semaphore_mem>>)
        %get3A_572 = arith.constant 0 : index
        %get3A_573 = arith.constant 36 : index
        %get3A_574 = memref.load %arg3[%get3A_572, %get3A_573] : memref<1x1536xi32, #tpu.memory_space<smem>>
        %dma_start3A_575 = arith.constant 0 : i32
        %dma_start3A_576 = arith.constant 0 : i32
        %dma_start3A_577 = tpu.memref_slice %arg19[%dma_start3A_576] : memref<2x!tpu.dma_semaphore, #tpu.memory_space<semaphore_mem>> -> memref<1x!tpu.dma_semaphore, #tpu.memory_space<semaphore_mem>>
        %dma_start3A_578 = tpu.memref_squeeze %dma_start3A_577 : memref<1x!tpu.dma_semaphore, #tpu.memory_space<semaphore_mem>> -> memref<!tpu.dma_semaphore, #tpu.memory_space<semaphore_mem>>
        %dma_start3A_579 = arith.constant 864 : i32
        %dma_start3A_580 = arith.constant 0 : i32
        %dma_start3A_581 = tpu.memref_slice %arg18[%dma_start3A_575, %dma_start3A_579, %dma_start3A_580] : memref<2x1536x128xf32, #tpu.memory_space<vmem>> -> memref<1x22x128xf32, #tpu.memory_space<vmem>>
        %dma_start3A_582 = tpu.memref_squeeze %dma_start3A_581 : memref<1x22x128xf32, #tpu.memory_space<vmem>> -> memref<22x128xf32, #tpu.memory_space<vmem>>
        %dma_start3A_583 = arith.constant 0 : i32
        %dma_start3A_584 = arith.constant 0 : i32
        %dma_start3A_585 = tpu.memref_slice %arg4[%get3A_574, %dma_start3A_583, %dma_start3A_584] : memref<1024x22x128xf32, #tpu.memory_space<any>> -> memref<1x22x128xf32, #tpu.memory_space<any>>
        %dma_start3A_586 = tpu.memref_squeeze %dma_start3A_585 : memref<1x22x128xf32, #tpu.memory_space<any>> -> memref<22x128xf32, #tpu.memory_space<any>>
        tpu.enqueue_dma source(%dma_start3A_586 : memref<22x128xf32, #tpu.memory_space<any>>) target(%dma_start3A_582 : memref<22x128xf32, #tpu.memory_space<vmem>>) target_semaphore(%dma_start3A_578 : memref<!tpu.dma_semaphore, #tpu.memory_space<semaphore_mem>>)
        %get3A_587 = arith.constant 0 : index
        %get3A_588 = arith.constant 37 : index
        %get3A_589 = memref.load %arg3[%get3A_587, %get3A_588] : memref<1x1536xi32, #tpu.memory_space<smem>>
        %dma_start3A_590 = arith.constant 0 : i32
        %dma_start3A_591 = arith.constant 0 : i32
        %dma_start3A_592 = tpu.memref_slice %arg19[%dma_start3A_591] : memref<2x!tpu.dma_semaphore, #tpu.memory_space<semaphore_mem>> -> memref<1x!tpu.dma_semaphore, #tpu.memory_space<semaphore_mem>>
        %dma_start3A_593 = tpu.memref_squeeze %dma_start3A_592 : memref<1x!tpu.dma_semaphore, #tpu.memory_space<semaphore_mem>> -> memref<!tpu.dma_semaphore, #tpu.memory_space<semaphore_mem>>
        %dma_start3A_594 = arith.constant 888 : i32
        %dma_start3A_595 = arith.constant 0 : i32
        %dma_start3A_596 = tpu.memref_slice %arg18[%dma_start3A_590, %dma_start3A_594, %dma_start3A_595] : memref<2x1536x128xf32, #tpu.memory_space<vmem>> -> memref<1x22x128xf32, #tpu.memory_space<vmem>>
        %dma_start3A_597 = tpu.memref_squeeze %dma_start3A_596 : memref<1x22x128xf32, #tpu.memory_space<vmem>> -> memref<22x128xf32, #tpu.memory_space<vmem>>
        %dma_start3A_598 = arith.constant 0 : i32
        %dma_start3A_599 = arith.constant 0 : i32
        %dma_start3A_600 = tpu.memref_slice %arg4[%get3A_589, %dma_start3A_598, %dma_start3A_599] : memref<1024x22x128xf32, #tpu.memory_space<any>> -> memref<1x22x128xf32, #tpu.memory_space<any>>
        %dma_start3A_601 = tpu.memref_squeeze %dma_start3A_600 : memref<1x22x128xf32, #tpu.memory_space<any>> -> memref<22x128xf32, #tpu.memory_space<any>>
        tpu.enqueue_dma source(%dma_start3A_601 : memref<22x128xf32, #tpu.memory_space<any>>) target(%dma_start3A_597 : memref<22x128xf32, #tpu.memory_space<vmem>>) target_semaphore(%dma_start3A_593 : memref<!tpu.dma_semaphore, #tpu.memory_space<semaphore_mem>>)
        %get3A_602 = arith.constant 0 : index
        %get3A_603 = arith.constant 38 : index
        %get3A_604 = memref.load %arg3[%get3A_602, %get3A_603] : memref<1x1536xi32, #tpu.memory_space<smem>>
        %dma_start3A_605 = arith.constant 0 : i32
        %dma_start3A_606 = arith.constant 0 : i32
        %dma_start3A_607 = tpu.memref_slice %arg19[%dma_start3A_606] : memref<2x!tpu.dma_semaphore, #tpu.memory_space<semaphore_mem>> -> memref<1x!tpu.dma_semaphore, #tpu.memory_space<semaphore_mem>>
        %dma_start3A_608 = tpu.memref_squeeze %dma_start3A_607 : memref<1x!tpu.dma_semaphore, #tpu.memory_space<semaphore_mem>> -> memref<!tpu.dma_semaphore, #tpu.memory_space<semaphore_mem>>
        %dma_start3A_609 = arith.constant 912 : i32
        %dma_start3A_610 = arith.constant 0 : i32
        %dma_start3A_611 = tpu.memref_slice %arg18[%dma_start3A_605, %dma_start3A_609, %dma_start3A_610] : memref<2x1536x128xf32, #tpu.memory_space<vmem>> -> memref<1x22x128xf32, #tpu.memory_space<vmem>>
        %dma_start3A_612 = tpu.memref_squeeze %dma_start3A_611 : memref<1x22x128xf32, #tpu.memory_space<vmem>> -> memref<22x128xf32, #tpu.memory_space<vmem>>
        %dma_start3A_613 = arith.constant 0 : i32
        %dma_start3A_614 = arith.constant 0 : i32
        %dma_start3A_615 = tpu.memref_slice %arg4[%get3A_604, %dma_start3A_613, %dma_start3A_614] : memref<1024x22x128xf32, #tpu.memory_space<any>> -> memref<1x22x128xf32, #tpu.memory_space<any>>
        %dma_start3A_616 = tpu.memref_squeeze %dma_start3A_615 : memref<1x22x128xf32, #tpu.memory_space<any>> -> memref<22x128xf32, #tpu.memory_space<any>>
        tpu.enqueue_dma source(%dma_start3A_616 : memref<22x128xf32, #tpu.memory_space<any>>) target(%dma_start3A_612 : memref<22x128xf32, #tpu.memory_space<vmem>>) target_semaphore(%dma_start3A_608 : memref<!tpu.dma_semaphore, #tpu.memory_space<semaphore_mem>>)
        %get3A_617 = arith.constant 0 : index
        %get3A_618 = arith.constant 39 : index
        %get3A_619 = memref.load %arg3[%get3A_617, %get3A_618] : memref<1x1536xi32, #tpu.memory_space<smem>>
        %dma_start3A_620 = arith.constant 0 : i32
        %dma_start3A_621 = arith.constant 0 : i32
        %dma_start3A_622 = tpu.memref_slice %arg19[%dma_start3A_621] : memref<2x!tpu.dma_semaphore, #tpu.memory_space<semaphore_mem>> -> memref<1x!tpu.dma_semaphore, #tpu.memory_space<semaphore_mem>>
        %dma_start3A_623 = tpu.memref_squeeze %dma_start3A_622 : memref<1x!tpu.dma_semaphore, #tpu.memory_space<semaphore_mem>> -> memref<!tpu.dma_semaphore, #tpu.memory_space<semaphore_mem>>
        %dma_start3A_624 = arith.constant 936 : i32
        %dma_start3A_625 = arith.constant 0 : i32
        %dma_start3A_626 = tpu.memref_slice %arg18[%dma_start3A_620, %dma_start3A_624, %dma_start3A_625] : memref<2x1536x128xf32, #tpu.memory_space<vmem>> -> memref<1x22x128xf32, #tpu.memory_space<vmem>>
        %dma_start3A_627 = tpu.memref_squeeze %dma_start3A_626 : memref<1x22x128xf32, #tpu.memory_space<vmem>> -> memref<22x128xf32, #tpu.memory_space<vmem>>
        %dma_start3A_628 = arith.constant 0 : i32
        %dma_start3A_629 = arith.constant 0 : i32
        %dma_start3A_630 = tpu.memref_slice %arg4[%get3A_619, %dma_start3A_628, %dma_start3A_629] : memref<1024x22x128xf32, #tpu.memory_space<any>> -> memref<1x22x128xf32, #tpu.memory_space<any>>
        %dma_start3A_631 = tpu.memref_squeeze %dma_start3A_630 : memref<1x22x128xf32, #tpu.memory_space<any>> -> memref<22x128xf32, #tpu.memory_space<any>>
        tpu.enqueue_dma source(%dma_start3A_631 : memref<22x128xf32, #tpu.memory_space<any>>) target(%dma_start3A_627 : memref<22x128xf32, #tpu.memory_space<vmem>>) target_semaphore(%dma_start3A_623 : memref<!tpu.dma_semaphore, #tpu.memory_space<semaphore_mem>>)
        %get3A_632 = arith.constant 0 : index
        %get3A_633 = arith.constant 40 : index
        %get3A_634 = memref.load %arg3[%get3A_632, %get3A_633] : memref<1x1536xi32, #tpu.memory_space<smem>>
        %dma_start3A_635 = arith.constant 0 : i32
        %dma_start3A_636 = arith.constant 0 : i32
        %dma_start3A_637 = tpu.memref_slice %arg19[%dma_start3A_636] : memref<2x!tpu.dma_semaphore, #tpu.memory_space<semaphore_mem>> -> memref<1x!tpu.dma_semaphore, #tpu.memory_space<semaphore_mem>>
        %dma_start3A_638 = tpu.memref_squeeze %dma_start3A_637 : memref<1x!tpu.dma_semaphore, #tpu.memory_space<semaphore_mem>> -> memref<!tpu.dma_semaphore, #tpu.memory_space<semaphore_mem>>
        %dma_start3A_639 = arith.constant 960 : i32
        %dma_start3A_640 = arith.constant 0 : i32
        %dma_start3A_641 = tpu.memref_slice %arg18[%dma_start3A_635, %dma_start3A_639, %dma_start3A_640] : memref<2x1536x128xf32, #tpu.memory_space<vmem>> -> memref<1x22x128xf32, #tpu.memory_space<vmem>>
        %dma_start3A_642 = tpu.memref_squeeze %dma_start3A_641 : memref<1x22x128xf32, #tpu.memory_space<vmem>> -> memref<22x128xf32, #tpu.memory_space<vmem>>
        %dma_start3A_643 = arith.constant 0 : i32
        %dma_start3A_644 = arith.constant 0 : i32
        %dma_start3A_645 = tpu.memref_slice %arg4[%get3A_634, %dma_start3A_643, %dma_start3A_644] : memref<1024x22x128xf32, #tpu.memory_space<any>> -> memref<1x22x128xf32, #tpu.memory_space<any>>
        %dma_start3A_646 = tpu.memref_squeeze %dma_start3A_645 : memref<1x22x128xf32, #tpu.memory_space<any>> -> memref<22x128xf32, #tpu.memory_space<any>>
        tpu.enqueue_dma source(%dma_start3A_646 : memref<22x128xf32, #tpu.memory_space<any>>) target(%dma_start3A_642 : memref<22x128xf32, #tpu.memory_space<vmem>>) target_semaphore(%dma_start3A_638 : memref<!tpu.dma_semaphore, #tpu.memory_space<semaphore_mem>>)
        %get3A_647 = arith.constant 0 : index
        %get3A_648 = arith.constant 41 : index
        %get3A_649 = memref.load %arg3[%get3A_647, %get3A_648] : memref<1x1536xi32, #tpu.memory_space<smem>>
        %dma_start3A_650 = arith.constant 0 : i32
        %dma_start3A_651 = arith.constant 0 : i32
        %dma_start3A_652 = tpu.memref_slice %arg19[%dma_start3A_651] : memref<2x!tpu.dma_semaphore, #tpu.memory_space<semaphore_mem>> -> memref<1x!tpu.dma_semaphore, #tpu.memory_space<semaphore_mem>>
        %dma_start3A_653 = tpu.memref_squeeze %dma_start3A_652 : memref<1x!tpu.dma_semaphore, #tpu.memory_space<semaphore_mem>> -> memref<!tpu.dma_semaphore, #tpu.memory_space<semaphore_mem>>
        %dma_start3A_654 = arith.constant 984 : i32
        %dma_start3A_655 = arith.constant 0 : i32
        %dma_start3A_656 = tpu.memref_slice %arg18[%dma_start3A_650, %dma_start3A_654, %dma_start3A_655] : memref<2x1536x128xf32, #tpu.memory_space<vmem>> -> memref<1x22x128xf32, #tpu.memory_space<vmem>>
        %dma_start3A_657 = tpu.memref_squeeze %dma_start3A_656 : memref<1x22x128xf32, #tpu.memory_space<vmem>> -> memref<22x128xf32, #tpu.memory_space<vmem>>
        %dma_start3A_658 = arith.constant 0 : i32
        %dma_start3A_659 = arith.constant 0 : i32
        %dma_start3A_660 = tpu.memref_slice %arg4[%get3A_649, %dma_start3A_658, %dma_start3A_659] : memref<1024x22x128xf32, #tpu.memory_space<any>> -> memref<1x22x128xf32, #tpu.memory_space<any>>
        %dma_start3A_661 = tpu.memref_squeeze %dma_start3A_660 : memref<1x22x128xf32, #tpu.memory_space<any>> -> memref<22x128xf32, #tpu.memory_space<any>>
        tpu.enqueue_dma source(%dma_start3A_661 : memref<22x128xf32, #tpu.memory_space<any>>) target(%dma_start3A_657 : memref<22x128xf32, #tpu.memory_space<vmem>>) target_semaphore(%dma_start3A_653 : memref<!tpu.dma_semaphore, #tpu.memory_space<semaphore_mem>>)
        %get3A_662 = arith.constant 0 : index
        %get3A_663 = arith.constant 42 : index
        %get3A_664 = memref.load %arg3[%get3A_662, %get3A_663] : memref<1x1536xi32, #tpu.memory_space<smem>>
        %dma_start3A_665 = arith.constant 0 : i32
        %dma_start3A_666 = arith.constant 0 : i32
        %dma_start3A_667 = tpu.memref_slice %arg19[%dma_start3A_666] : memref<2x!tpu.dma_semaphore, #tpu.memory_space<semaphore_mem>> -> memref<1x!tpu.dma_semaphore, #tpu.memory_space<semaphore_mem>>
        %dma_start3A_668 = tpu.memref_squeeze %dma_start3A_667 : memref<1x!tpu.dma_semaphore, #tpu.memory_space<semaphore_mem>> -> memref<!tpu.dma_semaphore, #tpu.memory_space<semaphore_mem>>
        %dma_start3A_669 = arith.constant 1008 : i32
        %dma_start3A_670 = arith.constant 0 : i32
        %dma_start3A_671 = tpu.memref_slice %arg18[%dma_start3A_665, %dma_start3A_669, %dma_start3A_670] : memref<2x1536x128xf32, #tpu.memory_space<vmem>> -> memref<1x22x128xf32, #tpu.memory_space<vmem>>
        %dma_start3A_672 = tpu.memref_squeeze %dma_start3A_671 : memref<1x22x128xf32, #tpu.memory_space<vmem>> -> memref<22x128xf32, #tpu.memory_space<vmem>>
        %dma_start3A_673 = arith.constant 0 : i32
        %dma_start3A_674 = arith.constant 0 : i32
        %dma_start3A_675 = tpu.memref_slice %arg4[%get3A_664, %dma_start3A_673, %dma_start3A_674] : memref<1024x22x128xf32, #tpu.memory_space<any>> -> memref<1x22x128xf32, #tpu.memory_space<any>>
        %dma_start3A_676 = tpu.memref_squeeze %dma_start3A_675 : memref<1x22x128xf32, #tpu.memory_space<any>> -> memref<22x128xf32, #tpu.memory_space<any>>
        tpu.enqueue_dma source(%dma_start3A_676 : memref<22x128xf32, #tpu.memory_space<any>>) target(%dma_start3A_672 : memref<22x128xf32, #tpu.memory_space<vmem>>) target_semaphore(%dma_start3A_668 : memref<!tpu.dma_semaphore, #tpu.memory_space<semaphore_mem>>)
        %get3A_677 = arith.constant 0 : index
        %get3A_678 = arith.constant 43 : index
        %get3A_679 = memref.load %arg3[%get3A_677, %get3A_678] : memref<1x1536xi32, #tpu.memory_space<smem>>
        %dma_start3A_680 = arith.constant 0 : i32
        %dma_start3A_681 = arith.constant 0 : i32
        %dma_start3A_682 = tpu.memref_slice %arg19[%dma_start3A_681] : memref<2x!tpu.dma_semaphore, #tpu.memory_space<semaphore_mem>> -> memref<1x!tpu.dma_semaphore, #tpu.memory_space<semaphore_mem>>
        %dma_start3A_683 = tpu.memref_squeeze %dma_start3A_682 : memref<1x!tpu.dma_semaphore, #tpu.memory_space<semaphore_mem>> -> memref<!tpu.dma_semaphore, #tpu.memory_space<semaphore_mem>>
        %dma_start3A_684 = arith.constant 1032 : i32
        %dma_start3A_685 = arith.constant 0 : i32
        %dma_start3A_686 = tpu.memref_slice %arg18[%dma_start3A_680, %dma_start3A_684, %dma_start3A_685] : memref<2x1536x128xf32, #tpu.memory_space<vmem>> -> memref<1x22x128xf32, #tpu.memory_space<vmem>>
        %dma_start3A_687 = tpu.memref_squeeze %dma_start3A_686 : memref<1x22x128xf32, #tpu.memory_space<vmem>> -> memref<22x128xf32, #tpu.memory_space<vmem>>
        %dma_start3A_688 = arith.constant 0 : i32
        %dma_start3A_689 = arith.constant 0 : i32
        %dma_start3A_690 = tpu.memref_slice %arg4[%get3A_679, %dma_start3A_688, %dma_start3A_689] : memref<1024x22x128xf32, #tpu.memory_space<any>> -> memref<1x22x128xf32, #tpu.memory_space<any>>
        %dma_start3A_691 = tpu.memref_squeeze %dma_start3A_690 : memref<1x22x128xf32, #tpu.memory_space<any>> -> memref<22x128xf32, #tpu.memory_space<any>>
        tpu.enqueue_dma source(%dma_start3A_691 : memref<22x128xf32, #tpu.memory_space<any>>) target(%dma_start3A_687 : memref<22x128xf32, #tpu.memory_space<vmem>>) target_semaphore(%dma_start3A_683 : memref<!tpu.dma_semaphore, #tpu.memory_space<semaphore_mem>>)
        %get3A_692 = arith.constant 0 : index
        %get3A_693 = arith.constant 44 : index
        %get3A_694 = memref.load %arg3[%get3A_692, %get3A_693] : memref<1x1536xi32, #tpu.memory_space<smem>>
        %dma_start3A_695 = arith.constant 0 : i32
        %dma_start3A_696 = arith.constant 0 : i32
        %dma_start3A_697 = tpu.memref_slice %arg19[%dma_start3A_696] : memref<2x!tpu.dma_semaphore, #tpu.memory_space<semaphore_mem>> -> memref<1x!tpu.dma_semaphore, #tpu.memory_space<semaphore_mem>>
        %dma_start3A_698 = tpu.memref_squeeze %dma_start3A_697 : memref<1x!tpu.dma_semaphore, #tpu.memory_space<semaphore_mem>> -> memref<!tpu.dma_semaphore, #tpu.memory_space<semaphore_mem>>
        %dma_start3A_699 = arith.constant 1056 : i32
        %dma_start3A_700 = arith.constant 0 : i32
        %dma_start3A_701 = tpu.memref_slice %arg18[%dma_start3A_695, %dma_start3A_699, %dma_start3A_700] : memref<2x1536x128xf32, #tpu.memory_space<vmem>> -> memref<1x22x128xf32, #tpu.memory_space<vmem>>
        %dma_start3A_702 = tpu.memref_squeeze %dma_start3A_701 : memref<1x22x128xf32, #tpu.memory_space<vmem>> -> memref<22x128xf32, #tpu.memory_space<vmem>>
        %dma_start3A_703 = arith.constant 0 : i32
        %dma_start3A_704 = arith.constant 0 : i32
        %dma_start3A_705 = tpu.memref_slice %arg4[%get3A_694, %dma_start3A_703, %dma_start3A_704] : memref<1024x22x128xf32, #tpu.memory_space<any>> -> memref<1x22x128xf32, #tpu.memory_space<any>>
        %dma_start3A_706 = tpu.memref_squeeze %dma_start3A_705 : memref<1x22x128xf32, #tpu.memory_space<any>> -> memref<22x128xf32, #tpu.memory_space<any>>
        tpu.enqueue_dma source(%dma_start3A_706 : memref<22x128xf32, #tpu.memory_space<any>>) target(%dma_start3A_702 : memref<22x128xf32, #tpu.memory_space<vmem>>) target_semaphore(%dma_start3A_698 : memref<!tpu.dma_semaphore, #tpu.memory_space<semaphore_mem>>)
        %get3A_707 = arith.constant 0 : index
        %get3A_708 = arith.constant 45 : index
        %get3A_709 = memref.load %arg3[%get3A_707, %get3A_708] : memref<1x1536xi32, #tpu.memory_space<smem>>
        %dma_start3A_710 = arith.constant 0 : i32
        %dma_start3A_711 = arith.constant 0 : i32
        %dma_start3A_712 = tpu.memref_slice %arg19[%dma_start3A_711] : memref<2x!tpu.dma_semaphore, #tpu.memory_space<semaphore_mem>> -> memref<1x!tpu.dma_semaphore, #tpu.memory_space<semaphore_mem>>
        %dma_start3A_713 = tpu.memref_squeeze %dma_start3A_712 : memref<1x!tpu.dma_semaphore, #tpu.memory_space<semaphore_mem>> -> memref<!tpu.dma_semaphore, #tpu.memory_space<semaphore_mem>>
        %dma_start3A_714 = arith.constant 1080 : i32
        %dma_start3A_715 = arith.constant 0 : i32
        %dma_start3A_716 = tpu.memref_slice %arg18[%dma_start3A_710, %dma_start3A_714, %dma_start3A_715] : memref<2x1536x128xf32, #tpu.memory_space<vmem>> -> memref<1x22x128xf32, #tpu.memory_space<vmem>>
        %dma_start3A_717 = tpu.memref_squeeze %dma_start3A_716 : memref<1x22x128xf32, #tpu.memory_space<vmem>> -> memref<22x128xf32, #tpu.memory_space<vmem>>
        %dma_start3A_718 = arith.constant 0 : i32
        %dma_start3A_719 = arith.constant 0 : i32
        %dma_start3A_720 = tpu.memref_slice %arg4[%get3A_709, %dma_start3A_718, %dma_start3A_719] : memref<1024x22x128xf32, #tpu.memory_space<any>> -> memref<1x22x128xf32, #tpu.memory_space<any>>
        %dma_start3A_721 = tpu.memref_squeeze %dma_start3A_720 : memref<1x22x128xf32, #tpu.memory_space<any>> -> memref<22x128xf32, #tpu.memory_space<any>>
        tpu.enqueue_dma source(%dma_start3A_721 : memref<22x128xf32, #tpu.memory_space<any>>) target(%dma_start3A_717 : memref<22x128xf32, #tpu.memory_space<vmem>>) target_semaphore(%dma_start3A_713 : memref<!tpu.dma_semaphore, #tpu.memory_space<semaphore_mem>>)
        %get3A_722 = arith.constant 0 : index
        %get3A_723 = arith.constant 46 : index
        %get3A_724 = memref.load %arg3[%get3A_722, %get3A_723] : memref<1x1536xi32, #tpu.memory_space<smem>>
        %dma_start3A_725 = arith.constant 0 : i32
        %dma_start3A_726 = arith.constant 0 : i32
        %dma_start3A_727 = tpu.memref_slice %arg19[%dma_start3A_726] : memref<2x!tpu.dma_semaphore, #tpu.memory_space<semaphore_mem>> -> memref<1x!tpu.dma_semaphore, #tpu.memory_space<semaphore_mem>>
        %dma_start3A_728 = tpu.memref_squeeze %dma_start3A_727 : memref<1x!tpu.dma_semaphore, #tpu.memory_space<semaphore_mem>> -> memref<!tpu.dma_semaphore, #tpu.memory_space<semaphore_mem>>
        %dma_start3A_729 = arith.constant 1104 : i32
        %dma_start3A_730 = arith.constant 0 : i32
        %dma_start3A_731 = tpu.memref_slice %arg18[%dma_start3A_725, %dma_start3A_729, %dma_start3A_730] : memref<2x1536x128xf32, #tpu.memory_space<vmem>> -> memref<1x22x128xf32, #tpu.memory_space<vmem>>
        %dma_start3A_732 = tpu.memref_squeeze %dma_start3A_731 : memref<1x22x128xf32, #tpu.memory_space<vmem>> -> memref<22x128xf32, #tpu.memory_space<vmem>>
        %dma_start3A_733 = arith.constant 0 : i32
        %dma_start3A_734 = arith.constant 0 : i32
        %dma_start3A_735 = tpu.memref_slice %arg4[%get3A_724, %dma_start3A_733, %dma_start3A_734] : memref<1024x22x128xf32, #tpu.memory_space<any>> -> memref<1x22x128xf32, #tpu.memory_space<any>>
        %dma_start3A_736 = tpu.memref_squeeze %dma_start3A_735 : memref<1x22x128xf32, #tpu.memory_space<any>> -> memref<22x128xf32, #tpu.memory_space<any>>
        tpu.enqueue_dma source(%dma_start3A_736 : memref<22x128xf32, #tpu.memory_space<any>>) target(%dma_start3A_732 : memref<22x128xf32, #tpu.memory_space<vmem>>) target_semaphore(%dma_start3A_728 : memref<!tpu.dma_semaphore, #tpu.memory_space<semaphore_mem>>)
        %get3A_737 = arith.constant 0 : index
        %get3A_738 = arith.constant 47 : index
        %get3A_739 = memref.load %arg3[%get3A_737, %get3A_738] : memref<1x1536xi32, #tpu.memory_space<smem>>
        %dma_start3A_740 = arith.constant 0 : i32
        %dma_start3A_741 = arith.constant 0 : i32
        %dma_start3A_742 = tpu.memref_slice %arg19[%dma_start3A_741] : memref<2x!tpu.dma_semaphore, #tpu.memory_space<semaphore_mem>> -> memref<1x!tpu.dma_semaphore, #tpu.memory_space<semaphore_mem>>
        %dma_start3A_743 = tpu.memref_squeeze %dma_start3A_742 : memref<1x!tpu.dma_semaphore, #tpu.memory_space<semaphore_mem>> -> memref<!tpu.dma_semaphore, #tpu.memory_space<semaphore_mem>>
        %dma_start3A_744 = arith.constant 1128 : i32
        %dma_start3A_745 = arith.constant 0 : i32
        %dma_start3A_746 = tpu.memref_slice %arg18[%dma_start3A_740, %dma_start3A_744, %dma_start3A_745] : memref<2x1536x128xf32, #tpu.memory_space<vmem>> -> memref<1x22x128xf32, #tpu.memory_space<vmem>>
        %dma_start3A_747 = tpu.memref_squeeze %dma_start3A_746 : memref<1x22x128xf32, #tpu.memory_space<vmem>> -> memref<22x128xf32, #tpu.memory_space<vmem>>
        %dma_start3A_748 = arith.constant 0 : i32
        %dma_start3A_749 = arith.constant 0 : i32
        %dma_start3A_750 = tpu.memref_slice %arg4[%get3A_739, %dma_start3A_748, %dma_start3A_749] : memref<1024x22x128xf32, #tpu.memory_space<any>> -> memref<1x22x128xf32, #tpu.memory_space<any>>
        %dma_start3A_751 = tpu.memref_squeeze %dma_start3A_750 : memref<1x22x128xf32, #tpu.memory_space<any>> -> memref<22x128xf32, #tpu.memory_space<any>>
        tpu.enqueue_dma source(%dma_start3A_751 : memref<22x128xf32, #tpu.memory_space<any>>) target(%dma_start3A_747 : memref<22x128xf32, #tpu.memory_space<vmem>>) target_semaphore(%dma_start3A_743 : memref<!tpu.dma_semaphore, #tpu.memory_space<semaphore_mem>>)
        %get3A_752 = arith.constant 0 : index
        %get3A_753 = arith.constant 48 : index
        %get3A_754 = memref.load %arg3[%get3A_752, %get3A_753] : memref<1x1536xi32, #tpu.memory_space<smem>>
        %dma_start3A_755 = arith.constant 0 : i32
        %dma_start3A_756 = arith.constant 0 : i32
        %dma_start3A_757 = tpu.memref_slice %arg19[%dma_start3A_756] : memref<2x!tpu.dma_semaphore, #tpu.memory_space<semaphore_mem>> -> memref<1x!tpu.dma_semaphore, #tpu.memory_space<semaphore_mem>>
        %dma_start3A_758 = tpu.memref_squeeze %dma_start3A_757 : memref<1x!tpu.dma_semaphore, #tpu.memory_space<semaphore_mem>> -> memref<!tpu.dma_semaphore, #tpu.memory_space<semaphore_mem>>
        %dma_start3A_759 = arith.constant 1152 : i32
        %dma_start3A_760 = arith.constant 0 : i32
        %dma_start3A_761 = tpu.memref_slice %arg18[%dma_start3A_755, %dma_start3A_759, %dma_start3A_760] : memref<2x1536x128xf32, #tpu.memory_space<vmem>> -> memref<1x22x128xf32, #tpu.memory_space<vmem>>
        %dma_start3A_762 = tpu.memref_squeeze %dma_start3A_761 : memref<1x22x128xf32, #tpu.memory_space<vmem>> -> memref<22x128xf32, #tpu.memory_space<vmem>>
        %dma_start3A_763 = arith.constant 0 : i32
        %dma_start3A_764 = arith.constant 0 : i32
        %dma_start3A_765 = tpu.memref_slice %arg4[%get3A_754, %dma_start3A_763, %dma_start3A_764] : memref<1024x22x128xf32, #tpu.memory_space<any>> -> memref<1x22x128xf32, #tpu.memory_space<any>>
        %dma_start3A_766 = tpu.memref_squeeze %dma_start3A_765 : memref<1x22x128xf32, #tpu.memory_space<any>> -> memref<22x128xf32, #tpu.memory_space<any>>
        tpu.enqueue_dma source(%dma_start3A_766 : memref<22x128xf32, #tpu.memory_space<any>>) target(%dma_start3A_762 : memref<22x128xf32, #tpu.memory_space<vmem>>) target_semaphore(%dma_start3A_758 : memref<!tpu.dma_semaphore, #tpu.memory_space<semaphore_mem>>)
        %get3A_767 = arith.constant 0 : index
        %get3A_768 = arith.constant 49 : index
        %get3A_769 = memref.load %arg3[%get3A_767, %get3A_768] : memref<1x1536xi32, #tpu.memory_space<smem>>
        %dma_start3A_770 = arith.constant 0 : i32
        %dma_start3A_771 = arith.constant 0 : i32
        %dma_start3A_772 = tpu.memref_slice %arg19[%dma_start3A_771] : memref<2x!tpu.dma_semaphore, #tpu.memory_space<semaphore_mem>> -> memref<1x!tpu.dma_semaphore, #tpu.memory_space<semaphore_mem>>
        %dma_start3A_773 = tpu.memref_squeeze %dma_start3A_772 : memref<1x!tpu.dma_semaphore, #tpu.memory_space<semaphore_mem>> -> memref<!tpu.dma_semaphore, #tpu.memory_space<semaphore_mem>>
        %dma_start3A_774 = arith.constant 1176 : i32
        %dma_start3A_775 = arith.constant 0 : i32
        %dma_start3A_776 = tpu.memref_slice %arg18[%dma_start3A_770, %dma_start3A_774, %dma_start3A_775] : memref<2x1536x128xf32, #tpu.memory_space<vmem>> -> memref<1x22x128xf32, #tpu.memory_space<vmem>>
        %dma_start3A_777 = tpu.memref_squeeze %dma_start3A_776 : memref<1x22x128xf32, #tpu.memory_space<vmem>> -> memref<22x128xf32, #tpu.memory_space<vmem>>
        %dma_start3A_778 = arith.constant 0 : i32
        %dma_start3A_779 = arith.constant 0 : i32
        %dma_start3A_780 = tpu.memref_slice %arg4[%get3A_769, %dma_start3A_778, %dma_start3A_779] : memref<1024x22x128xf32, #tpu.memory_space<any>> -> memref<1x22x128xf32, #tpu.memory_space<any>>
        %dma_start3A_781 = tpu.memref_squeeze %dma_start3A_780 : memref<1x22x128xf32, #tpu.memory_space<any>> -> memref<22x128xf32, #tpu.memory_space<any>>
        tpu.enqueue_dma source(%dma_start3A_781 : memref<22x128xf32, #tpu.memory_space<any>>) target(%dma_start3A_777 : memref<22x128xf32, #tpu.memory_space<vmem>>) target_semaphore(%dma_start3A_773 : memref<!tpu.dma_semaphore, #tpu.memory_space<semaphore_mem>>)
        %get3A_782 = arith.constant 0 : index
        %get3A_783 = arith.constant 50 : index
        %get3A_784 = memref.load %arg3[%get3A_782, %get3A_783] : memref<1x1536xi32, #tpu.memory_space<smem>>
        %dma_start3A_785 = arith.constant 0 : i32
        %dma_start3A_786 = arith.constant 0 : i32
        %dma_start3A_787 = tpu.memref_slice %arg19[%dma_start3A_786] : memref<2x!tpu.dma_semaphore, #tpu.memory_space<semaphore_mem>> -> memref<1x!tpu.dma_semaphore, #tpu.memory_space<semaphore_mem>>
        %dma_start3A_788 = tpu.memref_squeeze %dma_start3A_787 : memref<1x!tpu.dma_semaphore, #tpu.memory_space<semaphore_mem>> -> memref<!tpu.dma_semaphore, #tpu.memory_space<semaphore_mem>>
        %dma_start3A_789 = arith.constant 1200 : i32
        %dma_start3A_790 = arith.constant 0 : i32
        %dma_start3A_791 = tpu.memref_slice %arg18[%dma_start3A_785, %dma_start3A_789, %dma_start3A_790] : memref<2x1536x128xf32, #tpu.memory_space<vmem>> -> memref<1x22x128xf32, #tpu.memory_space<vmem>>
        %dma_start3A_792 = tpu.memref_squeeze %dma_start3A_791 : memref<1x22x128xf32, #tpu.memory_space<vmem>> -> memref<22x128xf32, #tpu.memory_space<vmem>>
        %dma_start3A_793 = arith.constant 0 : i32
        %dma_start3A_794 = arith.constant 0 : i32
        %dma_start3A_795 = tpu.memref_slice %arg4[%get3A_784, %dma_start3A_793, %dma_start3A_794] : memref<1024x22x128xf32, #tpu.memory_space<any>> -> memref<1x22x128xf32, #tpu.memory_space<any>>
        %dma_start3A_796 = tpu.memref_squeeze %dma_start3A_795 : memref<1x22x128xf32, #tpu.memory_space<any>> -> memref<22x128xf32, #tpu.memory_space<any>>
        tpu.enqueue_dma source(%dma_start3A_796 : memref<22x128xf32, #tpu.memory_space<any>>) target(%dma_start3A_792 : memref<22x128xf32, #tpu.memory_space<vmem>>) target_semaphore(%dma_start3A_788 : memref<!tpu.dma_semaphore, #tpu.memory_space<semaphore_mem>>)
        %get3A_797 = arith.constant 0 : index
        %get3A_798 = arith.constant 51 : index
        %get3A_799 = memref.load %arg3[%get3A_797, %get3A_798] : memref<1x1536xi32, #tpu.memory_space<smem>>
        %dma_start3A_800 = arith.constant 0 : i32
        %dma_start3A_801 = arith.constant 0 : i32
        %dma_start3A_802 = tpu.memref_slice %arg19[%dma_start3A_801] : memref<2x!tpu.dma_semaphore, #tpu.memory_space<semaphore_mem>> -> memref<1x!tpu.dma_semaphore, #tpu.memory_space<semaphore_mem>>
        %dma_start3A_803 = tpu.memref_squeeze %dma_start3A_802 : memref<1x!tpu.dma_semaphore, #tpu.memory_space<semaphore_mem>> -> memref<!tpu.dma_semaphore, #tpu.memory_space<semaphore_mem>>
        %dma_start3A_804 = arith.constant 1224 : i32
        %dma_start3A_805 = arith.constant 0 : i32
        %dma_start3A_806 = tpu.memref_slice %arg18[%dma_start3A_800, %dma_start3A_804, %dma_start3A_805] : memref<2x1536x128xf32, #tpu.memory_space<vmem>> -> memref<1x22x128xf32, #tpu.memory_space<vmem>>
        %dma_start3A_807 = tpu.memref_squeeze %dma_start3A_806 : memref<1x22x128xf32, #tpu.memory_space<vmem>> -> memref<22x128xf32, #tpu.memory_space<vmem>>
        %dma_start3A_808 = arith.constant 0 : i32
        %dma_start3A_809 = arith.constant 0 : i32
        %dma_start3A_810 = tpu.memref_slice %arg4[%get3A_799, %dma_start3A_808, %dma_start3A_809] : memref<1024x22x128xf32, #tpu.memory_space<any>> -> memref<1x22x128xf32, #tpu.memory_space<any>>
        %dma_start3A_811 = tpu.memref_squeeze %dma_start3A_810 : memref<1x22x128xf32, #tpu.memory_space<any>> -> memref<22x128xf32, #tpu.memory_space<any>>
        tpu.enqueue_dma source(%dma_start3A_811 : memref<22x128xf32, #tpu.memory_space<any>>) target(%dma_start3A_807 : memref<22x128xf32, #tpu.memory_space<vmem>>) target_semaphore(%dma_start3A_803 : memref<!tpu.dma_semaphore, #tpu.memory_space<semaphore_mem>>)
        %get3A_812 = arith.constant 0 : index
        %get3A_813 = arith.constant 52 : index
        %get3A_814 = memref.load %arg3[%get3A_812, %get3A_813] : memref<1x1536xi32, #tpu.memory_space<smem>>
        %dma_start3A_815 = arith.constant 0 : i32
        %dma_start3A_816 = arith.constant 0 : i32
        %dma_start3A_817 = tpu.memref_slice %arg19[%dma_start3A_816] : memref<2x!tpu.dma_semaphore, #tpu.memory_space<semaphore_mem>> -> memref<1x!tpu.dma_semaphore, #tpu.memory_space<semaphore_mem>>
        %dma_start3A_818 = tpu.memref_squeeze %dma_start3A_817 : memref<1x!tpu.dma_semaphore, #tpu.memory_space<semaphore_mem>> -> memref<!tpu.dma_semaphore, #tpu.memory_space<semaphore_mem>>
        %dma_start3A_819 = arith.constant 1248 : i32
        %dma_start3A_820 = arith.constant 0 : i32
        %dma_start3A_821 = tpu.memref_slice %arg18[%dma_start3A_815, %dma_start3A_819, %dma_start3A_820] : memref<2x1536x128xf32, #tpu.memory_space<vmem>> -> memref<1x22x128xf32, #tpu.memory_space<vmem>>
        %dma_start3A_822 = tpu.memref_squeeze %dma_start3A_821 : memref<1x22x128xf32, #tpu.memory_space<vmem>> -> memref<22x128xf32, #tpu.memory_space<vmem>>
        %dma_start3A_823 = arith.constant 0 : i32
        %dma_start3A_824 = arith.constant 0 : i32
        %dma_start3A_825 = tpu.memref_slice %arg4[%get3A_814, %dma_start3A_823, %dma_start3A_824] : memref<1024x22x128xf32, #tpu.memory_space<any>> -> memref<1x22x128xf32, #tpu.memory_space<any>>
        %dma_start3A_826 = tpu.memref_squeeze %dma_start3A_825 : memref<1x22x128xf32, #tpu.memory_space<any>> -> memref<22x128xf32, #tpu.memory_space<any>>
        tpu.enqueue_dma source(%dma_start3A_826 : memref<22x128xf32, #tpu.memory_space<any>>) target(%dma_start3A_822 : memref<22x128xf32, #tpu.memory_space<vmem>>) target_semaphore(%dma_start3A_818 : memref<!tpu.dma_semaphore, #tpu.memory_space<semaphore_mem>>)
        %get3A_827 = arith.constant 0 : index
        %get3A_828 = arith.constant 53 : index
        %get3A_829 = memref.load %arg3[%get3A_827, %get3A_828] : memref<1x1536xi32, #tpu.memory_space<smem>>
        %dma_start3A_830 = arith.constant 0 : i32
        %dma_start3A_831 = arith.constant 0 : i32
        %dma_start3A_832 = tpu.memref_slice %arg19[%dma_start3A_831] : memref<2x!tpu.dma_semaphore, #tpu.memory_space<semaphore_mem>> -> memref<1x!tpu.dma_semaphore, #tpu.memory_space<semaphore_mem>>
        %dma_start3A_833 = tpu.memref_squeeze %dma_start3A_832 : memref<1x!tpu.dma_semaphore, #tpu.memory_space<semaphore_mem>> -> memref<!tpu.dma_semaphore, #tpu.memory_space<semaphore_mem>>
        %dma_start3A_834 = arith.constant 1272 : i32
        %dma_start3A_835 = arith.constant 0 : i32
        %dma_start3A_836 = tpu.memref_slice %arg18[%dma_start3A_830, %dma_start3A_834, %dma_start3A_835] : memref<2x1536x128xf32, #tpu.memory_space<vmem>> -> memref<1x22x128xf32, #tpu.memory_space<vmem>>
        %dma_start3A_837 = tpu.memref_squeeze %dma_start3A_836 : memref<1x22x128xf32, #tpu.memory_space<vmem>> -> memref<22x128xf32, #tpu.memory_space<vmem>>
        %dma_start3A_838 = arith.constant 0 : i32
        %dma_start3A_839 = arith.constant 0 : i32
        %dma_start3A_840 = tpu.memref_slice %arg4[%get3A_829, %dma_start3A_838, %dma_start3A_839] : memref<1024x22x128xf32, #tpu.memory_space<any>> -> memref<1x22x128xf32, #tpu.memory_space<any>>
        %dma_start3A_841 = tpu.memref_squeeze %dma_start3A_840 : memref<1x22x128xf32, #tpu.memory_space<any>> -> memref<22x128xf32, #tpu.memory_space<any>>
        tpu.enqueue_dma source(%dma_start3A_841 : memref<22x128xf32, #tpu.memory_space<any>>) target(%dma_start3A_837 : memref<22x128xf32, #tpu.memory_space<vmem>>) target_semaphore(%dma_start3A_833 : memref<!tpu.dma_semaphore, #tpu.memory_space<semaphore_mem>>)
        %get3A_842 = arith.constant 0 : index
        %get3A_843 = arith.constant 54 : index
        %get3A_844 = memref.load %arg3[%get3A_842, %get3A_843] : memref<1x1536xi32, #tpu.memory_space<smem>>
        %dma_start3A_845 = arith.constant 0 : i32
        %dma_start3A_846 = arith.constant 0 : i32
        %dma_start3A_847 = tpu.memref_slice %arg19[%dma_start3A_846] : memref<2x!tpu.dma_semaphore, #tpu.memory_space<semaphore_mem>> -> memref<1x!tpu.dma_semaphore, #tpu.memory_space<semaphore_mem>>
        %dma_start3A_848 = tpu.memref_squeeze %dma_start3A_847 : memref<1x!tpu.dma_semaphore, #tpu.memory_space<semaphore_mem>> -> memref<!tpu.dma_semaphore, #tpu.memory_space<semaphore_mem>>
        %dma_start3A_849 = arith.constant 1296 : i32
        %dma_start3A_850 = arith.constant 0 : i32
        %dma_start3A_851 = tpu.memref_slice %arg18[%dma_start3A_845, %dma_start3A_849, %dma_start3A_850] : memref<2x1536x128xf32, #tpu.memory_space<vmem>> -> memref<1x22x128xf32, #tpu.memory_space<vmem>>
        %dma_start3A_852 = tpu.memref_squeeze %dma_start3A_851 : memref<1x22x128xf32, #tpu.memory_space<vmem>> -> memref<22x128xf32, #tpu.memory_space<vmem>>
        %dma_start3A_853 = arith.constant 0 : i32
        %dma_start3A_854 = arith.constant 0 : i32
        %dma_start3A_855 = tpu.memref_slice %arg4[%get3A_844, %dma_start3A_853, %dma_start3A_854] : memref<1024x22x128xf32, #tpu.memory_space<any>> -> memref<1x22x128xf32, #tpu.memory_space<any>>
        %dma_start3A_856 = tpu.memref_squeeze %dma_start3A_855 : memref<1x22x128xf32, #tpu.memory_space<any>> -> memref<22x128xf32, #tpu.memory_space<any>>
        tpu.enqueue_dma source(%dma_start3A_856 : memref<22x128xf32, #tpu.memory_space<any>>) target(%dma_start3A_852 : memref<22x128xf32, #tpu.memory_space<vmem>>) target_semaphore(%dma_start3A_848 : memref<!tpu.dma_semaphore, #tpu.memory_space<semaphore_mem>>)
        %get3A_857 = arith.constant 0 : index
        %get3A_858 = arith.constant 55 : index
        %get3A_859 = memref.load %arg3[%get3A_857, %get3A_858] : memref<1x1536xi32, #tpu.memory_space<smem>>
        %dma_start3A_860 = arith.constant 0 : i32
        %dma_start3A_861 = arith.constant 0 : i32
        %dma_start3A_862 = tpu.memref_slice %arg19[%dma_start3A_861] : memref<2x!tpu.dma_semaphore, #tpu.memory_space<semaphore_mem>> -> memref<1x!tpu.dma_semaphore, #tpu.memory_space<semaphore_mem>>
        %dma_start3A_863 = tpu.memref_squeeze %dma_start3A_862 : memref<1x!tpu.dma_semaphore, #tpu.memory_space<semaphore_mem>> -> memref<!tpu.dma_semaphore, #tpu.memory_space<semaphore_mem>>
        %dma_start3A_864 = arith.constant 1320 : i32
        %dma_start3A_865 = arith.constant 0 : i32
        %dma_start3A_866 = tpu.memref_slice %arg18[%dma_start3A_860, %dma_start3A_864, %dma_start3A_865] : memref<2x1536x128xf32, #tpu.memory_space<vmem>> -> memref<1x22x128xf32, #tpu.memory_space<vmem>>
        %dma_start3A_867 = tpu.memref_squeeze %dma_start3A_866 : memref<1x22x128xf32, #tpu.memory_space<vmem>> -> memref<22x128xf32, #tpu.memory_space<vmem>>
        %dma_start3A_868 = arith.constant 0 : i32
        %dma_start3A_869 = arith.constant 0 : i32
        %dma_start3A_870 = tpu.memref_slice %arg4[%get3A_859, %dma_start3A_868, %dma_start3A_869] : memref<1024x22x128xf32, #tpu.memory_space<any>> -> memref<1x22x128xf32, #tpu.memory_space<any>>
        %dma_start3A_871 = tpu.memref_squeeze %dma_start3A_870 : memref<1x22x128xf32, #tpu.memory_space<any>> -> memref<22x128xf32, #tpu.memory_space<any>>
        tpu.enqueue_dma source(%dma_start3A_871 : memref<22x128xf32, #tpu.memory_space<any>>) target(%dma_start3A_867 : memref<22x128xf32, #tpu.memory_space<vmem>>) target_semaphore(%dma_start3A_863 : memref<!tpu.dma_semaphore, #tpu.memory_space<semaphore_mem>>)
        %get3A_872 = arith.constant 0 : index
        %get3A_873 = arith.constant 56 : index
        %get3A_874 = memref.load %arg3[%get3A_872, %get3A_873] : memref<1x1536xi32, #tpu.memory_space<smem>>
        %dma_start3A_875 = arith.constant 0 : i32
        %dma_start3A_876 = arith.constant 0 : i32
        %dma_start3A_877 = tpu.memref_slice %arg19[%dma_start3A_876] : memref<2x!tpu.dma_semaphore, #tpu.memory_space<semaphore_mem>> -> memref<1x!tpu.dma_semaphore, #tpu.memory_space<semaphore_mem>>
        %dma_start3A_878 = tpu.memref_squeeze %dma_start3A_877 : memref<1x!tpu.dma_semaphore, #tpu.memory_space<semaphore_mem>> -> memref<!tpu.dma_semaphore, #tpu.memory_space<semaphore_mem>>
        %dma_start3A_879 = arith.constant 1344 : i32
        %dma_start3A_880 = arith.constant 0 : i32
        %dma_start3A_881 = tpu.memref_slice %arg18[%dma_start3A_875, %dma_start3A_879, %dma_start3A_880] : memref<2x1536x128xf32, #tpu.memory_space<vmem>> -> memref<1x22x128xf32, #tpu.memory_space<vmem>>
        %dma_start3A_882 = tpu.memref_squeeze %dma_start3A_881 : memref<1x22x128xf32, #tpu.memory_space<vmem>> -> memref<22x128xf32, #tpu.memory_space<vmem>>
        %dma_start3A_883 = arith.constant 0 : i32
        %dma_start3A_884 = arith.constant 0 : i32
        %dma_start3A_885 = tpu.memref_slice %arg4[%get3A_874, %dma_start3A_883, %dma_start3A_884] : memref<1024x22x128xf32, #tpu.memory_space<any>> -> memref<1x22x128xf32, #tpu.memory_space<any>>
        %dma_start3A_886 = tpu.memref_squeeze %dma_start3A_885 : memref<1x22x128xf32, #tpu.memory_space<any>> -> memref<22x128xf32, #tpu.memory_space<any>>
        tpu.enqueue_dma source(%dma_start3A_886 : memref<22x128xf32, #tpu.memory_space<any>>) target(%dma_start3A_882 : memref<22x128xf32, #tpu.memory_space<vmem>>) target_semaphore(%dma_start3A_878 : memref<!tpu.dma_semaphore, #tpu.memory_space<semaphore_mem>>)
        %get3A_887 = arith.constant 0 : index
        %get3A_888 = arith.constant 57 : index
        %get3A_889 = memref.load %arg3[%get3A_887, %get3A_888] : memref<1x1536xi32, #tpu.memory_space<smem>>
        %dma_start3A_890 = arith.constant 0 : i32
        %dma_start3A_891 = arith.constant 0 : i32
        %dma_start3A_892 = tpu.memref_slice %arg19[%dma_start3A_891] : memref<2x!tpu.dma_semaphore, #tpu.memory_space<semaphore_mem>> -> memref<1x!tpu.dma_semaphore, #tpu.memory_space<semaphore_mem>>
        %dma_start3A_893 = tpu.memref_squeeze %dma_start3A_892 : memref<1x!tpu.dma_semaphore, #tpu.memory_space<semaphore_mem>> -> memref<!tpu.dma_semaphore, #tpu.memory_space<semaphore_mem>>
        %dma_start3A_894 = arith.constant 1368 : i32
        %dma_start3A_895 = arith.constant 0 : i32
        %dma_start3A_896 = tpu.memref_slice %arg18[%dma_start3A_890, %dma_start3A_894, %dma_start3A_895] : memref<2x1536x128xf32, #tpu.memory_space<vmem>> -> memref<1x22x128xf32, #tpu.memory_space<vmem>>
        %dma_start3A_897 = tpu.memref_squeeze %dma_start3A_896 : memref<1x22x128xf32, #tpu.memory_space<vmem>> -> memref<22x128xf32, #tpu.memory_space<vmem>>
        %dma_start3A_898 = arith.constant 0 : i32
        %dma_start3A_899 = arith.constant 0 : i32
        %dma_start3A_900 = tpu.memref_slice %arg4[%get3A_889, %dma_start3A_898, %dma_start3A_899] : memref<1024x22x128xf32, #tpu.memory_space<any>> -> memref<1x22x128xf32, #tpu.memory_space<any>>
        %dma_start3A_901 = tpu.memref_squeeze %dma_start3A_900 : memref<1x22x128xf32, #tpu.memory_space<any>> -> memref<22x128xf32, #tpu.memory_space<any>>
        tpu.enqueue_dma source(%dma_start3A_901 : memref<22x128xf32, #tpu.memory_space<any>>) target(%dma_start3A_897 : memref<22x128xf32, #tpu.memory_space<vmem>>) target_semaphore(%dma_start3A_893 : memref<!tpu.dma_semaphore, #tpu.memory_space<semaphore_mem>>)
        %get3A_902 = arith.constant 0 : index
        %get3A_903 = arith.constant 58 : index
        %get3A_904 = memref.load %arg3[%get3A_902, %get3A_903] : memref<1x1536xi32, #tpu.memory_space<smem>>
        %dma_start3A_905 = arith.constant 0 : i32
        %dma_start3A_906 = arith.constant 0 : i32
        %dma_start3A_907 = tpu.memref_slice %arg19[%dma_start3A_906] : memref<2x!tpu.dma_semaphore, #tpu.memory_space<semaphore_mem>> -> memref<1x!tpu.dma_semaphore, #tpu.memory_space<semaphore_mem>>
        %dma_start3A_908 = tpu.memref_squeeze %dma_start3A_907 : memref<1x!tpu.dma_semaphore, #tpu.memory_space<semaphore_mem>> -> memref<!tpu.dma_semaphore, #tpu.memory_space<semaphore_mem>>
        %dma_start3A_909 = arith.constant 1392 : i32
        %dma_start3A_910 = arith.constant 0 : i32
        %dma_start3A_911 = tpu.memref_slice %arg18[%dma_start3A_905, %dma_start3A_909, %dma_start3A_910] : memref<2x1536x128xf32, #tpu.memory_space<vmem>> -> memref<1x22x128xf32, #tpu.memory_space<vmem>>
        %dma_start3A_912 = tpu.memref_squeeze %dma_start3A_911 : memref<1x22x128xf32, #tpu.memory_space<vmem>> -> memref<22x128xf32, #tpu.memory_space<vmem>>
        %dma_start3A_913 = arith.constant 0 : i32
        %dma_start3A_914 = arith.constant 0 : i32
        %dma_start3A_915 = tpu.memref_slice %arg4[%get3A_904, %dma_start3A_913, %dma_start3A_914] : memref<1024x22x128xf32, #tpu.memory_space<any>> -> memref<1x22x128xf32, #tpu.memory_space<any>>
        %dma_start3A_916 = tpu.memref_squeeze %dma_start3A_915 : memref<1x22x128xf32, #tpu.memory_space<any>> -> memref<22x128xf32, #tpu.memory_space<any>>
        tpu.enqueue_dma source(%dma_start3A_916 : memref<22x128xf32, #tpu.memory_space<any>>) target(%dma_start3A_912 : memref<22x128xf32, #tpu.memory_space<vmem>>) target_semaphore(%dma_start3A_908 : memref<!tpu.dma_semaphore, #tpu.memory_space<semaphore_mem>>)
        %get3A_917 = arith.constant 0 : index
        %get3A_918 = arith.constant 59 : index
        %get3A_919 = memref.load %arg3[%get3A_917, %get3A_918] : memref<1x1536xi32, #tpu.memory_space<smem>>
        %dma_start3A_920 = arith.constant 0 : i32
        %dma_start3A_921 = arith.constant 0 : i32
        %dma_start3A_922 = tpu.memref_slice %arg19[%dma_start3A_921] : memref<2x!tpu.dma_semaphore, #tpu.memory_space<semaphore_mem>> -> memref<1x!tpu.dma_semaphore, #tpu.memory_space<semaphore_mem>>
        %dma_start3A_923 = tpu.memref_squeeze %dma_start3A_922 : memref<1x!tpu.dma_semaphore, #tpu.memory_space<semaphore_mem>> -> memref<!tpu.dma_semaphore, #tpu.memory_space<semaphore_mem>>
        %dma_start3A_924 = arith.constant 1416 : i32
        %dma_start3A_925 = arith.constant 0 : i32
        %dma_start3A_926 = tpu.memref_slice %arg18[%dma_start3A_920, %dma_start3A_924, %dma_start3A_925] : memref<2x1536x128xf32, #tpu.memory_space<vmem>> -> memref<1x22x128xf32, #tpu.memory_space<vmem>>
        %dma_start3A_927 = tpu.memref_squeeze %dma_start3A_926 : memref<1x22x128xf32, #tpu.memory_space<vmem>> -> memref<22x128xf32, #tpu.memory_space<vmem>>
        %dma_start3A_928 = arith.constant 0 : i32
        %dma_start3A_929 = arith.constant 0 : i32
        %dma_start3A_930 = tpu.memref_slice %arg4[%get3A_919, %dma_start3A_928, %dma_start3A_929] : memref<1024x22x128xf32, #tpu.memory_space<any>> -> memref<1x22x128xf32, #tpu.memory_space<any>>
        %dma_start3A_931 = tpu.memref_squeeze %dma_start3A_930 : memref<1x22x128xf32, #tpu.memory_space<any>> -> memref<22x128xf32, #tpu.memory_space<any>>
        tpu.enqueue_dma source(%dma_start3A_931 : memref<22x128xf32, #tpu.memory_space<any>>) target(%dma_start3A_927 : memref<22x128xf32, #tpu.memory_space<vmem>>) target_semaphore(%dma_start3A_923 : memref<!tpu.dma_semaphore, #tpu.memory_space<semaphore_mem>>)
        %get3A_932 = arith.constant 0 : index
        %get3A_933 = arith.constant 60 : index
        %get3A_934 = memref.load %arg3[%get3A_932, %get3A_933] : memref<1x1536xi32, #tpu.memory_space<smem>>
        %dma_start3A_935 = arith.constant 0 : i32
        %dma_start3A_936 = arith.constant 0 : i32
        %dma_start3A_937 = tpu.memref_slice %arg19[%dma_start3A_936] : memref<2x!tpu.dma_semaphore, #tpu.memory_space<semaphore_mem>> -> memref<1x!tpu.dma_semaphore, #tpu.memory_space<semaphore_mem>>
        %dma_start3A_938 = tpu.memref_squeeze %dma_start3A_937 : memref<1x!tpu.dma_semaphore, #tpu.memory_space<semaphore_mem>> -> memref<!tpu.dma_semaphore, #tpu.memory_space<semaphore_mem>>
        %dma_start3A_939 = arith.constant 1440 : i32
        %dma_start3A_940 = arith.constant 0 : i32
        %dma_start3A_941 = tpu.memref_slice %arg18[%dma_start3A_935, %dma_start3A_939, %dma_start3A_940] : memref<2x1536x128xf32, #tpu.memory_space<vmem>> -> memref<1x22x128xf32, #tpu.memory_space<vmem>>
        %dma_start3A_942 = tpu.memref_squeeze %dma_start3A_941 : memref<1x22x128xf32, #tpu.memory_space<vmem>> -> memref<22x128xf32, #tpu.memory_space<vmem>>
        %dma_start3A_943 = arith.constant 0 : i32
        %dma_start3A_944 = arith.constant 0 : i32
        %dma_start3A_945 = tpu.memref_slice %arg4[%get3A_934, %dma_start3A_943, %dma_start3A_944] : memref<1024x22x128xf32, #tpu.memory_space<any>> -> memref<1x22x128xf32, #tpu.memory_space<any>>
        %dma_start3A_946 = tpu.memref_squeeze %dma_start3A_945 : memref<1x22x128xf32, #tpu.memory_space<any>> -> memref<22x128xf32, #tpu.memory_space<any>>
        tpu.enqueue_dma source(%dma_start3A_946 : memref<22x128xf32, #tpu.memory_space<any>>) target(%dma_start3A_942 : memref<22x128xf32, #tpu.memory_space<vmem>>) target_semaphore(%dma_start3A_938 : memref<!tpu.dma_semaphore, #tpu.memory_space<semaphore_mem>>)
        %get3A_947 = arith.constant 0 : index
        %get3A_948 = arith.constant 61 : index
        %get3A_949 = memref.load %arg3[%get3A_947, %get3A_948] : memref<1x1536xi32, #tpu.memory_space<smem>>
        %dma_start3A_950 = arith.constant 0 : i32
        %dma_start3A_951 = arith.constant 0 : i32
        %dma_start3A_952 = tpu.memref_slice %arg19[%dma_start3A_951] : memref<2x!tpu.dma_semaphore, #tpu.memory_space<semaphore_mem>> -> memref<1x!tpu.dma_semaphore, #tpu.memory_space<semaphore_mem>>
        %dma_start3A_953 = tpu.memref_squeeze %dma_start3A_952 : memref<1x!tpu.dma_semaphore, #tpu.memory_space<semaphore_mem>> -> memref<!tpu.dma_semaphore, #tpu.memory_space<semaphore_mem>>
        %dma_start3A_954 = arith.constant 1464 : i32
        %dma_start3A_955 = arith.constant 0 : i32
        %dma_start3A_956 = tpu.memref_slice %arg18[%dma_start3A_950, %dma_start3A_954, %dma_start3A_955] : memref<2x1536x128xf32, #tpu.memory_space<vmem>> -> memref<1x22x128xf32, #tpu.memory_space<vmem>>
        %dma_start3A_957 = tpu.memref_squeeze %dma_start3A_956 : memref<1x22x128xf32, #tpu.memory_space<vmem>> -> memref<22x128xf32, #tpu.memory_space<vmem>>
        %dma_start3A_958 = arith.constant 0 : i32
        %dma_start3A_959 = arith.constant 0 : i32
        %dma_start3A_960 = tpu.memref_slice %arg4[%get3A_949, %dma_start3A_958, %dma_start3A_959] : memref<1024x22x128xf32, #tpu.memory_space<any>> -> memref<1x22x128xf32, #tpu.memory_space<any>>
        %dma_start3A_961 = tpu.memref_squeeze %dma_start3A_960 : memref<1x22x128xf32, #tpu.memory_space<any>> -> memref<22x128xf32, #tpu.memory_space<any>>
        tpu.enqueue_dma source(%dma_start3A_961 : memref<22x128xf32, #tpu.memory_space<any>>) target(%dma_start3A_957 : memref<22x128xf32, #tpu.memory_space<vmem>>) target_semaphore(%dma_start3A_953 : memref<!tpu.dma_semaphore, #tpu.memory_space<semaphore_mem>>)
        %get3A_962 = arith.constant 0 : index
        %get3A_963 = arith.constant 62 : index
        %get3A_964 = memref.load %arg3[%get3A_962, %get3A_963] : memref<1x1536xi32, #tpu.memory_space<smem>>
        %dma_start3A_965 = arith.constant 0 : i32
        %dma_start3A_966 = arith.constant 0 : i32
        %dma_start3A_967 = tpu.memref_slice %arg19[%dma_start3A_966] : memref<2x!tpu.dma_semaphore, #tpu.memory_space<semaphore_mem>> -> memref<1x!tpu.dma_semaphore, #tpu.memory_space<semaphore_mem>>
        %dma_start3A_968 = tpu.memref_squeeze %dma_start3A_967 : memref<1x!tpu.dma_semaphore, #tpu.memory_space<semaphore_mem>> -> memref<!tpu.dma_semaphore, #tpu.memory_space<semaphore_mem>>
        %dma_start3A_969 = arith.constant 1488 : i32
        %dma_start3A_970 = arith.constant 0 : i32
        %dma_start3A_971 = tpu.memref_slice %arg18[%dma_start3A_965, %dma_start3A_969, %dma_start3A_970] : memref<2x1536x128xf32, #tpu.memory_space<vmem>> -> memref<1x22x128xf32, #tpu.memory_space<vmem>>
        %dma_start3A_972 = tpu.memref_squeeze %dma_start3A_971 : memref<1x22x128xf32, #tpu.memory_space<vmem>> -> memref<22x128xf32, #tpu.memory_space<vmem>>
        %dma_start3A_973 = arith.constant 0 : i32
        %dma_start3A_974 = arith.constant 0 : i32
        %dma_start3A_975 = tpu.memref_slice %arg4[%get3A_964, %dma_start3A_973, %dma_start3A_974] : memref<1024x22x128xf32, #tpu.memory_space<any>> -> memref<1x22x128xf32, #tpu.memory_space<any>>
        %dma_start3A_976 = tpu.memref_squeeze %dma_start3A_975 : memref<1x22x128xf32, #tpu.memory_space<any>> -> memref<22x128xf32, #tpu.memory_space<any>>
        tpu.enqueue_dma source(%dma_start3A_976 : memref<22x128xf32, #tpu.memory_space<any>>) target(%dma_start3A_972 : memref<22x128xf32, #tpu.memory_space<vmem>>) target_semaphore(%dma_start3A_968 : memref<!tpu.dma_semaphore, #tpu.memory_space<semaphore_mem>>)
        %get3A_977 = arith.constant 0 : index
        %get3A_978 = arith.constant 63 : index
        %get3A_979 = memref.load %arg3[%get3A_977, %get3A_978] : memref<1x1536xi32, #tpu.memory_space<smem>>
        %dma_start3A_980 = arith.constant 0 : i32
        %dma_start3A_981 = arith.constant 0 : i32
        %dma_start3A_982 = tpu.memref_slice %arg19[%dma_start3A_981] : memref<2x!tpu.dma_semaphore, #tpu.memory_space<semaphore_mem>> -> memref<1x!tpu.dma_semaphore, #tpu.memory_space<semaphore_mem>>
        %dma_start3A_983 = tpu.memref_squeeze %dma_start3A_982 : memref<1x!tpu.dma_semaphore, #tpu.memory_space<semaphore_mem>> -> memref<!tpu.dma_semaphore, #tpu.memory_space<semaphore_mem>>
        %dma_start3A_984 = arith.constant 1512 : i32
        %dma_start3A_985 = arith.constant 0 : i32
        %dma_start3A_986 = tpu.memref_slice %arg18[%dma_start3A_980, %dma_start3A_984, %dma_start3A_985] : memref<2x1536x128xf32, #tpu.memory_space<vmem>> -> memref<1x22x128xf32, #tpu.memory_space<vmem>>
        %dma_start3A_987 = tpu.memref_squeeze %dma_start3A_986 : memref<1x22x128xf32, #tpu.memory_space<vmem>> -> memref<22x128xf32, #tpu.memory_space<vmem>>
        %dma_start3A_988 = arith.constant 0 : i32
        %dma_start3A_989 = arith.constant 0 : i32
        %dma_start3A_990 = tpu.memref_slice %arg4[%get3A_979, %dma_start3A_988, %dma_start3A_989] : memref<1024x22x128xf32, #tpu.memory_space<any>> -> memref<1x22x128xf32, #tpu.memory_space<any>>
        %dma_start3A_991 = tpu.memref_squeeze %dma_start3A_990 : memref<1x22x128xf32, #tpu.memory_space<any>> -> memref<22x128xf32, #tpu.memory_space<any>>
        tpu.enqueue_dma source(%dma_start3A_991 : memref<22x128xf32, #tpu.memory_space<any>>) target(%dma_start3A_987 : memref<22x128xf32, #tpu.memory_space<vmem>>) target_semaphore(%dma_start3A_983 : memref<!tpu.dma_semaphore, #tpu.memory_space<semaphore_mem>>)
      } else {
      }
    } else {
    }
    %add3A = arith.constant 1 : i32
    %add3A_2 = arith.addi %arg0, %add3A : i32
    %lt3A = arith.constant 24 : i32
    %lt3A_3 = arith.cmpi slt, %add3A_2, %lt3A : i32
    %convert_element_type3A_4 = arith.extui %lt3A_3 : i1 to i32
    %cond3A_5 = arith.constant 0 : i32
    %cond3A_6 = arith.cmpi ne, %convert_element_type3A_4, %cond3A_5 : i32
    scf.if %cond3A_6 {
      %add3A_21 = arith.constant 1 : i32
      %add3A_22 = arith.addi %arg0, %add3A_21 : i32
      %get3A_23 = arith.constant 0 : index
      %get3A_24 = arith.index_cast %add3A_22 : i32 to index
      %get3A_25 = memref.load %arg2[%get3A_23, %get3A_24] : memref<1x24xi32, #tpu.memory_space<smem>>
      %gt3A_26 = arith.constant 0 : i32
      %gt3A_27 = arith.cmpi sgt, %get3A_25, %gt3A_26 : i32
      %convert_element_type3A_28 = arith.extui %gt3A_27 : i1 to i32
      %cond3A_29 = arith.constant 0 : i32
      %cond3A_30 = arith.cmpi ne, %convert_element_type3A_28, %cond3A_29 : i32
      scf.if %cond3A_30 {
        %jit3A = arith.constant 2 : i32
        %eq3A_31 = arith.constant 0 : i32
        %eq3A_32 = arith.cmpi eq, %jit3A, %eq3A_31 : i32
        %jit3A_33 = arith.constant 1 : i32
        %select_n3A = arith.select %eq3A_32, %jit3A_33, %jit3A : i32
        %rem3A = arith.remsi %add3A_22, %select_n3A : i32
        %ne3A = arith.constant 0 : i32
        %ne3A_34 = arith.cmpi ne, %rem3A, %ne3A : i32
        %lt3A_35 = arith.constant 0 : i32
        %lt3A_36 = arith.cmpi slt, %rem3A, %lt3A_35 : i32
        %lt3A_37 = arith.constant 0 : i32
        %lt3A_38 = arith.cmpi slt, %select_n3A, %lt3A_37 : i32
        %ne3A_39 = arith.xori %lt3A_36, %lt3A_38 : i1
        %and3A = arith.andi %ne3A_39, %ne3A_34 : i1
        %add3A_40 = arith.addi %rem3A, %select_n3A : i32
        %select_n3A_41 = arith.select %and3A, %add3A_40, %rem3A : i32
        %mul3A = arith.constant 64 : i32
        %mul3A_42 = arith.muli %add3A_22, %mul3A : i32
        %add3A_43 = arith.constant 0 : i32
        %add3A_44 = arith.addi %mul3A_42, %add3A_43 : i32
        %get3A_45 = arith.constant 0 : index
        %get3A_46 = arith.index_cast %add3A_44 : i32 to index
        %get3A_47 = memref.load %arg3[%get3A_45, %get3A_46] : memref<1x1536xi32, #tpu.memory_space<smem>>
        %dma_start3A = tpu.memref_slice %arg19[%select_n3A_41] : memref<2x!tpu.dma_semaphore, #tpu.memory_space<semaphore_mem>> -> memref<1x!tpu.dma_semaphore, #tpu.memory_space<semaphore_mem>>
        %dma_start3A_48 = tpu.memref_squeeze %dma_start3A : memref<1x!tpu.dma_semaphore, #tpu.memory_space<semaphore_mem>> -> memref<!tpu.dma_semaphore, #tpu.memory_space<semaphore_mem>>
        %dma_start3A_49 = arith.constant 0 : i32
        %dma_start3A_50 = arith.constant 0 : i32
        %dma_start3A_51 = tpu.memref_slice %arg18[%select_n3A_41, %dma_start3A_49, %dma_start3A_50] : memref<2x1536x128xf32, #tpu.memory_space<vmem>> -> memref<1x22x128xf32, #tpu.memory_space<vmem>>
        %dma_start3A_52 = tpu.memref_squeeze %dma_start3A_51 : memref<1x22x128xf32, #tpu.memory_space<vmem>> -> memref<22x128xf32, #tpu.memory_space<vmem>>
        %dma_start3A_53 = arith.constant 0 : i32
        %dma_start3A_54 = arith.constant 0 : i32
        %dma_start3A_55 = tpu.memref_slice %arg4[%get3A_47, %dma_start3A_53, %dma_start3A_54] : memref<1024x22x128xf32, #tpu.memory_space<any>> -> memref<1x22x128xf32, #tpu.memory_space<any>>
        %dma_start3A_56 = tpu.memref_squeeze %dma_start3A_55 : memref<1x22x128xf32, #tpu.memory_space<any>> -> memref<22x128xf32, #tpu.memory_space<any>>
        tpu.enqueue_dma source(%dma_start3A_56 : memref<22x128xf32, #tpu.memory_space<any>>) target(%dma_start3A_52 : memref<22x128xf32, #tpu.memory_space<vmem>>) target_semaphore(%dma_start3A_48 : memref<!tpu.dma_semaphore, #tpu.memory_space<semaphore_mem>>)
        %mul3A_57 = arith.constant 64 : i32
        %mul3A_58 = arith.muli %add3A_22, %mul3A_57 : i32
        %add3A_59 = arith.constant 1 : i32
        %add3A_60 = arith.addi %mul3A_58, %add3A_59 : i32
        %get3A_61 = arith.constant 0 : index
        %get3A_62 = arith.index_cast %add3A_60 : i32 to index
        %get3A_63 = memref.load %arg3[%get3A_61, %get3A_62] : memref<1x1536xi32, #tpu.memory_space<smem>>
        %dma_start3A_64 = tpu.memref_slice %arg19[%select_n3A_41] : memref<2x!tpu.dma_semaphore, #tpu.memory_space<semaphore_mem>> -> memref<1x!tpu.dma_semaphore, #tpu.memory_space<semaphore_mem>>
        %dma_start3A_65 = tpu.memref_squeeze %dma_start3A_64 : memref<1x!tpu.dma_semaphore, #tpu.memory_space<semaphore_mem>> -> memref<!tpu.dma_semaphore, #tpu.memory_space<semaphore_mem>>
        %dma_start3A_66 = arith.constant 24 : i32
        %dma_start3A_67 = arith.constant 0 : i32
        %dma_start3A_68 = tpu.memref_slice %arg18[%select_n3A_41, %dma_start3A_66, %dma_start3A_67] : memref<2x1536x128xf32, #tpu.memory_space<vmem>> -> memref<1x22x128xf32, #tpu.memory_space<vmem>>
        %dma_start3A_69 = tpu.memref_squeeze %dma_start3A_68 : memref<1x22x128xf32, #tpu.memory_space<vmem>> -> memref<22x128xf32, #tpu.memory_space<vmem>>
        %dma_start3A_70 = arith.constant 0 : i32
        %dma_start3A_71 = arith.constant 0 : i32
        %dma_start3A_72 = tpu.memref_slice %arg4[%get3A_63, %dma_start3A_70, %dma_start3A_71] : memref<1024x22x128xf32, #tpu.memory_space<any>> -> memref<1x22x128xf32, #tpu.memory_space<any>>
        %dma_start3A_73 = tpu.memref_squeeze %dma_start3A_72 : memref<1x22x128xf32, #tpu.memory_space<any>> -> memref<22x128xf32, #tpu.memory_space<any>>
        tpu.enqueue_dma source(%dma_start3A_73 : memref<22x128xf32, #tpu.memory_space<any>>) target(%dma_start3A_69 : memref<22x128xf32, #tpu.memory_space<vmem>>) target_semaphore(%dma_start3A_65 : memref<!tpu.dma_semaphore, #tpu.memory_space<semaphore_mem>>)
        %mul3A_74 = arith.constant 64 : i32
        %mul3A_75 = arith.muli %add3A_22, %mul3A_74 : i32
        %add3A_76 = arith.constant 2 : i32
        %add3A_77 = arith.addi %mul3A_75, %add3A_76 : i32
        %get3A_78 = arith.constant 0 : index
        %get3A_79 = arith.index_cast %add3A_77 : i32 to index
        %get3A_80 = memref.load %arg3[%get3A_78, %get3A_79] : memref<1x1536xi32, #tpu.memory_space<smem>>
        %dma_start3A_81 = tpu.memref_slice %arg19[%select_n3A_41] : memref<2x!tpu.dma_semaphore, #tpu.memory_space<semaphore_mem>> -> memref<1x!tpu.dma_semaphore, #tpu.memory_space<semaphore_mem>>
        %dma_start3A_82 = tpu.memref_squeeze %dma_start3A_81 : memref<1x!tpu.dma_semaphore, #tpu.memory_space<semaphore_mem>> -> memref<!tpu.dma_semaphore, #tpu.memory_space<semaphore_mem>>
        %dma_start3A_83 = arith.constant 48 : i32
        %dma_start3A_84 = arith.constant 0 : i32
        %dma_start3A_85 = tpu.memref_slice %arg18[%select_n3A_41, %dma_start3A_83, %dma_start3A_84] : memref<2x1536x128xf32, #tpu.memory_space<vmem>> -> memref<1x22x128xf32, #tpu.memory_space<vmem>>
        %dma_start3A_86 = tpu.memref_squeeze %dma_start3A_85 : memref<1x22x128xf32, #tpu.memory_space<vmem>> -> memref<22x128xf32, #tpu.memory_space<vmem>>
        %dma_start3A_87 = arith.constant 0 : i32
        %dma_start3A_88 = arith.constant 0 : i32
        %dma_start3A_89 = tpu.memref_slice %arg4[%get3A_80, %dma_start3A_87, %dma_start3A_88] : memref<1024x22x128xf32, #tpu.memory_space<any>> -> memref<1x22x128xf32, #tpu.memory_space<any>>
        %dma_start3A_90 = tpu.memref_squeeze %dma_start3A_89 : memref<1x22x128xf32, #tpu.memory_space<any>> -> memref<22x128xf32, #tpu.memory_space<any>>
        tpu.enqueue_dma source(%dma_start3A_90 : memref<22x128xf32, #tpu.memory_space<any>>) target(%dma_start3A_86 : memref<22x128xf32, #tpu.memory_space<vmem>>) target_semaphore(%dma_start3A_82 : memref<!tpu.dma_semaphore, #tpu.memory_space<semaphore_mem>>)
        %mul3A_91 = arith.constant 64 : i32
        %mul3A_92 = arith.muli %add3A_22, %mul3A_91 : i32
        %add3A_93 = arith.constant 3 : i32
        %add3A_94 = arith.addi %mul3A_92, %add3A_93 : i32
        %get3A_95 = arith.constant 0 : index
        %get3A_96 = arith.index_cast %add3A_94 : i32 to index
        %get3A_97 = memref.load %arg3[%get3A_95, %get3A_96] : memref<1x1536xi32, #tpu.memory_space<smem>>
        %dma_start3A_98 = tpu.memref_slice %arg19[%select_n3A_41] : memref<2x!tpu.dma_semaphore, #tpu.memory_space<semaphore_mem>> -> memref<1x!tpu.dma_semaphore, #tpu.memory_space<semaphore_mem>>
        %dma_start3A_99 = tpu.memref_squeeze %dma_start3A_98 : memref<1x!tpu.dma_semaphore, #tpu.memory_space<semaphore_mem>> -> memref<!tpu.dma_semaphore, #tpu.memory_space<semaphore_mem>>
        %dma_start3A_100 = arith.constant 72 : i32
        %dma_start3A_101 = arith.constant 0 : i32
        %dma_start3A_102 = tpu.memref_slice %arg18[%select_n3A_41, %dma_start3A_100, %dma_start3A_101] : memref<2x1536x128xf32, #tpu.memory_space<vmem>> -> memref<1x22x128xf32, #tpu.memory_space<vmem>>
        %dma_start3A_103 = tpu.memref_squeeze %dma_start3A_102 : memref<1x22x128xf32, #tpu.memory_space<vmem>> -> memref<22x128xf32, #tpu.memory_space<vmem>>
        %dma_start3A_104 = arith.constant 0 : i32
        %dma_start3A_105 = arith.constant 0 : i32
        %dma_start3A_106 = tpu.memref_slice %arg4[%get3A_97, %dma_start3A_104, %dma_start3A_105] : memref<1024x22x128xf32, #tpu.memory_space<any>> -> memref<1x22x128xf32, #tpu.memory_space<any>>
        %dma_start3A_107 = tpu.memref_squeeze %dma_start3A_106 : memref<1x22x128xf32, #tpu.memory_space<any>> -> memref<22x128xf32, #tpu.memory_space<any>>
        tpu.enqueue_dma source(%dma_start3A_107 : memref<22x128xf32, #tpu.memory_space<any>>) target(%dma_start3A_103 : memref<22x128xf32, #tpu.memory_space<vmem>>) target_semaphore(%dma_start3A_99 : memref<!tpu.dma_semaphore, #tpu.memory_space<semaphore_mem>>)
        %mul3A_108 = arith.constant 64 : i32
        %mul3A_109 = arith.muli %add3A_22, %mul3A_108 : i32
        %add3A_110 = arith.constant 4 : i32
        %add3A_111 = arith.addi %mul3A_109, %add3A_110 : i32
        %get3A_112 = arith.constant 0 : index
        %get3A_113 = arith.index_cast %add3A_111 : i32 to index
        %get3A_114 = memref.load %arg3[%get3A_112, %get3A_113] : memref<1x1536xi32, #tpu.memory_space<smem>>
        %dma_start3A_115 = tpu.memref_slice %arg19[%select_n3A_41] : memref<2x!tpu.dma_semaphore, #tpu.memory_space<semaphore_mem>> -> memref<1x!tpu.dma_semaphore, #tpu.memory_space<semaphore_mem>>
        %dma_start3A_116 = tpu.memref_squeeze %dma_start3A_115 : memref<1x!tpu.dma_semaphore, #tpu.memory_space<semaphore_mem>> -> memref<!tpu.dma_semaphore, #tpu.memory_space<semaphore_mem>>
        %dma_start3A_117 = arith.constant 96 : i32
        %dma_start3A_118 = arith.constant 0 : i32
        %dma_start3A_119 = tpu.memref_slice %arg18[%select_n3A_41, %dma_start3A_117, %dma_start3A_118] : memref<2x1536x128xf32, #tpu.memory_space<vmem>> -> memref<1x22x128xf32, #tpu.memory_space<vmem>>
        %dma_start3A_120 = tpu.memref_squeeze %dma_start3A_119 : memref<1x22x128xf32, #tpu.memory_space<vmem>> -> memref<22x128xf32, #tpu.memory_space<vmem>>
        %dma_start3A_121 = arith.constant 0 : i32
        %dma_start3A_122 = arith.constant 0 : i32
        %dma_start3A_123 = tpu.memref_slice %arg4[%get3A_114, %dma_start3A_121, %dma_start3A_122] : memref<1024x22x128xf32, #tpu.memory_space<any>> -> memref<1x22x128xf32, #tpu.memory_space<any>>
        %dma_start3A_124 = tpu.memref_squeeze %dma_start3A_123 : memref<1x22x128xf32, #tpu.memory_space<any>> -> memref<22x128xf32, #tpu.memory_space<any>>
        tpu.enqueue_dma source(%dma_start3A_124 : memref<22x128xf32, #tpu.memory_space<any>>) target(%dma_start3A_120 : memref<22x128xf32, #tpu.memory_space<vmem>>) target_semaphore(%dma_start3A_116 : memref<!tpu.dma_semaphore, #tpu.memory_space<semaphore_mem>>)
        %mul3A_125 = arith.constant 64 : i32
        %mul3A_126 = arith.muli %add3A_22, %mul3A_125 : i32
        %add3A_127 = arith.constant 5 : i32
        %add3A_128 = arith.addi %mul3A_126, %add3A_127 : i32
        %get3A_129 = arith.constant 0 : index
        %get3A_130 = arith.index_cast %add3A_128 : i32 to index
        %get3A_131 = memref.load %arg3[%get3A_129, %get3A_130] : memref<1x1536xi32, #tpu.memory_space<smem>>
        %dma_start3A_132 = tpu.memref_slice %arg19[%select_n3A_41] : memref<2x!tpu.dma_semaphore, #tpu.memory_space<semaphore_mem>> -> memref<1x!tpu.dma_semaphore, #tpu.memory_space<semaphore_mem>>
        %dma_start3A_133 = tpu.memref_squeeze %dma_start3A_132 : memref<1x!tpu.dma_semaphore, #tpu.memory_space<semaphore_mem>> -> memref<!tpu.dma_semaphore, #tpu.memory_space<semaphore_mem>>
        %dma_start3A_134 = arith.constant 120 : i32
        %dma_start3A_135 = arith.constant 0 : i32
        %dma_start3A_136 = tpu.memref_slice %arg18[%select_n3A_41, %dma_start3A_134, %dma_start3A_135] : memref<2x1536x128xf32, #tpu.memory_space<vmem>> -> memref<1x22x128xf32, #tpu.memory_space<vmem>>
        %dma_start3A_137 = tpu.memref_squeeze %dma_start3A_136 : memref<1x22x128xf32, #tpu.memory_space<vmem>> -> memref<22x128xf32, #tpu.memory_space<vmem>>
        %dma_start3A_138 = arith.constant 0 : i32
        %dma_start3A_139 = arith.constant 0 : i32
        %dma_start3A_140 = tpu.memref_slice %arg4[%get3A_131, %dma_start3A_138, %dma_start3A_139] : memref<1024x22x128xf32, #tpu.memory_space<any>> -> memref<1x22x128xf32, #tpu.memory_space<any>>
        %dma_start3A_141 = tpu.memref_squeeze %dma_start3A_140 : memref<1x22x128xf32, #tpu.memory_space<any>> -> memref<22x128xf32, #tpu.memory_space<any>>
        tpu.enqueue_dma source(%dma_start3A_141 : memref<22x128xf32, #tpu.memory_space<any>>) target(%dma_start3A_137 : memref<22x128xf32, #tpu.memory_space<vmem>>) target_semaphore(%dma_start3A_133 : memref<!tpu.dma_semaphore, #tpu.memory_space<semaphore_mem>>)
        %mul3A_142 = arith.constant 64 : i32
        %mul3A_143 = arith.muli %add3A_22, %mul3A_142 : i32
        %add3A_144 = arith.constant 6 : i32
        %add3A_145 = arith.addi %mul3A_143, %add3A_144 : i32
        %get3A_146 = arith.constant 0 : index
        %get3A_147 = arith.index_cast %add3A_145 : i32 to index
        %get3A_148 = memref.load %arg3[%get3A_146, %get3A_147] : memref<1x1536xi32, #tpu.memory_space<smem>>
        %dma_start3A_149 = tpu.memref_slice %arg19[%select_n3A_41] : memref<2x!tpu.dma_semaphore, #tpu.memory_space<semaphore_mem>> -> memref<1x!tpu.dma_semaphore, #tpu.memory_space<semaphore_mem>>
        %dma_start3A_150 = tpu.memref_squeeze %dma_start3A_149 : memref<1x!tpu.dma_semaphore, #tpu.memory_space<semaphore_mem>> -> memref<!tpu.dma_semaphore, #tpu.memory_space<semaphore_mem>>
        %dma_start3A_151 = arith.constant 144 : i32
        %dma_start3A_152 = arith.constant 0 : i32
        %dma_start3A_153 = tpu.memref_slice %arg18[%select_n3A_41, %dma_start3A_151, %dma_start3A_152] : memref<2x1536x128xf32, #tpu.memory_space<vmem>> -> memref<1x22x128xf32, #tpu.memory_space<vmem>>
        %dma_start3A_154 = tpu.memref_squeeze %dma_start3A_153 : memref<1x22x128xf32, #tpu.memory_space<vmem>> -> memref<22x128xf32, #tpu.memory_space<vmem>>
        %dma_start3A_155 = arith.constant 0 : i32
        %dma_start3A_156 = arith.constant 0 : i32
        %dma_start3A_157 = tpu.memref_slice %arg4[%get3A_148, %dma_start3A_155, %dma_start3A_156] : memref<1024x22x128xf32, #tpu.memory_space<any>> -> memref<1x22x128xf32, #tpu.memory_space<any>>
        %dma_start3A_158 = tpu.memref_squeeze %dma_start3A_157 : memref<1x22x128xf32, #tpu.memory_space<any>> -> memref<22x128xf32, #tpu.memory_space<any>>
        tpu.enqueue_dma source(%dma_start3A_158 : memref<22x128xf32, #tpu.memory_space<any>>) target(%dma_start3A_154 : memref<22x128xf32, #tpu.memory_space<vmem>>) target_semaphore(%dma_start3A_150 : memref<!tpu.dma_semaphore, #tpu.memory_space<semaphore_mem>>)
        %mul3A_159 = arith.constant 64 : i32
        %mul3A_160 = arith.muli %add3A_22, %mul3A_159 : i32
        %add3A_161 = arith.constant 7 : i32
        %add3A_162 = arith.addi %mul3A_160, %add3A_161 : i32
        %get3A_163 = arith.constant 0 : index
        %get3A_164 = arith.index_cast %add3A_162 : i32 to index
        %get3A_165 = memref.load %arg3[%get3A_163, %get3A_164] : memref<1x1536xi32, #tpu.memory_space<smem>>
        %dma_start3A_166 = tpu.memref_slice %arg19[%select_n3A_41] : memref<2x!tpu.dma_semaphore, #tpu.memory_space<semaphore_mem>> -> memref<1x!tpu.dma_semaphore, #tpu.memory_space<semaphore_mem>>
        %dma_start3A_167 = tpu.memref_squeeze %dma_start3A_166 : memref<1x!tpu.dma_semaphore, #tpu.memory_space<semaphore_mem>> -> memref<!tpu.dma_semaphore, #tpu.memory_space<semaphore_mem>>
        %dma_start3A_168 = arith.constant 168 : i32
        %dma_start3A_169 = arith.constant 0 : i32
        %dma_start3A_170 = tpu.memref_slice %arg18[%select_n3A_41, %dma_start3A_168, %dma_start3A_169] : memref<2x1536x128xf32, #tpu.memory_space<vmem>> -> memref<1x22x128xf32, #tpu.memory_space<vmem>>
        %dma_start3A_171 = tpu.memref_squeeze %dma_start3A_170 : memref<1x22x128xf32, #tpu.memory_space<vmem>> -> memref<22x128xf32, #tpu.memory_space<vmem>>
        %dma_start3A_172 = arith.constant 0 : i32
        %dma_start3A_173 = arith.constant 0 : i32
        %dma_start3A_174 = tpu.memref_slice %arg4[%get3A_165, %dma_start3A_172, %dma_start3A_173] : memref<1024x22x128xf32, #tpu.memory_space<any>> -> memref<1x22x128xf32, #tpu.memory_space<any>>
        %dma_start3A_175 = tpu.memref_squeeze %dma_start3A_174 : memref<1x22x128xf32, #tpu.memory_space<any>> -> memref<22x128xf32, #tpu.memory_space<any>>
        tpu.enqueue_dma source(%dma_start3A_175 : memref<22x128xf32, #tpu.memory_space<any>>) target(%dma_start3A_171 : memref<22x128xf32, #tpu.memory_space<vmem>>) target_semaphore(%dma_start3A_167 : memref<!tpu.dma_semaphore, #tpu.memory_space<semaphore_mem>>)
        %mul3A_176 = arith.constant 64 : i32
        %mul3A_177 = arith.muli %add3A_22, %mul3A_176 : i32
        %add3A_178 = arith.constant 8 : i32
        %add3A_179 = arith.addi %mul3A_177, %add3A_178 : i32
        %get3A_180 = arith.constant 0 : index
        %get3A_181 = arith.index_cast %add3A_179 : i32 to index
        %get3A_182 = memref.load %arg3[%get3A_180, %get3A_181] : memref<1x1536xi32, #tpu.memory_space<smem>>
        %dma_start3A_183 = tpu.memref_slice %arg19[%select_n3A_41] : memref<2x!tpu.dma_semaphore, #tpu.memory_space<semaphore_mem>> -> memref<1x!tpu.dma_semaphore, #tpu.memory_space<semaphore_mem>>
        %dma_start3A_184 = tpu.memref_squeeze %dma_start3A_183 : memref<1x!tpu.dma_semaphore, #tpu.memory_space<semaphore_mem>> -> memref<!tpu.dma_semaphore, #tpu.memory_space<semaphore_mem>>
        %dma_start3A_185 = arith.constant 192 : i32
        %dma_start3A_186 = arith.constant 0 : i32
        %dma_start3A_187 = tpu.memref_slice %arg18[%select_n3A_41, %dma_start3A_185, %dma_start3A_186] : memref<2x1536x128xf32, #tpu.memory_space<vmem>> -> memref<1x22x128xf32, #tpu.memory_space<vmem>>
        %dma_start3A_188 = tpu.memref_squeeze %dma_start3A_187 : memref<1x22x128xf32, #tpu.memory_space<vmem>> -> memref<22x128xf32, #tpu.memory_space<vmem>>
        %dma_start3A_189 = arith.constant 0 : i32
        %dma_start3A_190 = arith.constant 0 : i32
        %dma_start3A_191 = tpu.memref_slice %arg4[%get3A_182, %dma_start3A_189, %dma_start3A_190] : memref<1024x22x128xf32, #tpu.memory_space<any>> -> memref<1x22x128xf32, #tpu.memory_space<any>>
        %dma_start3A_192 = tpu.memref_squeeze %dma_start3A_191 : memref<1x22x128xf32, #tpu.memory_space<any>> -> memref<22x128xf32, #tpu.memory_space<any>>
        tpu.enqueue_dma source(%dma_start3A_192 : memref<22x128xf32, #tpu.memory_space<any>>) target(%dma_start3A_188 : memref<22x128xf32, #tpu.memory_space<vmem>>) target_semaphore(%dma_start3A_184 : memref<!tpu.dma_semaphore, #tpu.memory_space<semaphore_mem>>)
        %mul3A_193 = arith.constant 64 : i32
        %mul3A_194 = arith.muli %add3A_22, %mul3A_193 : i32
        %add3A_195 = arith.constant 9 : i32
        %add3A_196 = arith.addi %mul3A_194, %add3A_195 : i32
        %get3A_197 = arith.constant 0 : index
        %get3A_198 = arith.index_cast %add3A_196 : i32 to index
        %get3A_199 = memref.load %arg3[%get3A_197, %get3A_198] : memref<1x1536xi32, #tpu.memory_space<smem>>
        %dma_start3A_200 = tpu.memref_slice %arg19[%select_n3A_41] : memref<2x!tpu.dma_semaphore, #tpu.memory_space<semaphore_mem>> -> memref<1x!tpu.dma_semaphore, #tpu.memory_space<semaphore_mem>>
        %dma_start3A_201 = tpu.memref_squeeze %dma_start3A_200 : memref<1x!tpu.dma_semaphore, #tpu.memory_space<semaphore_mem>> -> memref<!tpu.dma_semaphore, #tpu.memory_space<semaphore_mem>>
        %dma_start3A_202 = arith.constant 216 : i32
        %dma_start3A_203 = arith.constant 0 : i32
        %dma_start3A_204 = tpu.memref_slice %arg18[%select_n3A_41, %dma_start3A_202, %dma_start3A_203] : memref<2x1536x128xf32, #tpu.memory_space<vmem>> -> memref<1x22x128xf32, #tpu.memory_space<vmem>>
        %dma_start3A_205 = tpu.memref_squeeze %dma_start3A_204 : memref<1x22x128xf32, #tpu.memory_space<vmem>> -> memref<22x128xf32, #tpu.memory_space<vmem>>
        %dma_start3A_206 = arith.constant 0 : i32
        %dma_start3A_207 = arith.constant 0 : i32
        %dma_start3A_208 = tpu.memref_slice %arg4[%get3A_199, %dma_start3A_206, %dma_start3A_207] : memref<1024x22x128xf32, #tpu.memory_space<any>> -> memref<1x22x128xf32, #tpu.memory_space<any>>
        %dma_start3A_209 = tpu.memref_squeeze %dma_start3A_208 : memref<1x22x128xf32, #tpu.memory_space<any>> -> memref<22x128xf32, #tpu.memory_space<any>>
        tpu.enqueue_dma source(%dma_start3A_209 : memref<22x128xf32, #tpu.memory_space<any>>) target(%dma_start3A_205 : memref<22x128xf32, #tpu.memory_space<vmem>>) target_semaphore(%dma_start3A_201 : memref<!tpu.dma_semaphore, #tpu.memory_space<semaphore_mem>>)
        %mul3A_210 = arith.constant 64 : i32
        %mul3A_211 = arith.muli %add3A_22, %mul3A_210 : i32
        %add3A_212 = arith.constant 10 : i32
        %add3A_213 = arith.addi %mul3A_211, %add3A_212 : i32
        %get3A_214 = arith.constant 0 : index
        %get3A_215 = arith.index_cast %add3A_213 : i32 to index
        %get3A_216 = memref.load %arg3[%get3A_214, %get3A_215] : memref<1x1536xi32, #tpu.memory_space<smem>>
        %dma_start3A_217 = tpu.memref_slice %arg19[%select_n3A_41] : memref<2x!tpu.dma_semaphore, #tpu.memory_space<semaphore_mem>> -> memref<1x!tpu.dma_semaphore, #tpu.memory_space<semaphore_mem>>
        %dma_start3A_218 = tpu.memref_squeeze %dma_start3A_217 : memref<1x!tpu.dma_semaphore, #tpu.memory_space<semaphore_mem>> -> memref<!tpu.dma_semaphore, #tpu.memory_space<semaphore_mem>>
        %dma_start3A_219 = arith.constant 240 : i32
        %dma_start3A_220 = arith.constant 0 : i32
        %dma_start3A_221 = tpu.memref_slice %arg18[%select_n3A_41, %dma_start3A_219, %dma_start3A_220] : memref<2x1536x128xf32, #tpu.memory_space<vmem>> -> memref<1x22x128xf32, #tpu.memory_space<vmem>>
        %dma_start3A_222 = tpu.memref_squeeze %dma_start3A_221 : memref<1x22x128xf32, #tpu.memory_space<vmem>> -> memref<22x128xf32, #tpu.memory_space<vmem>>
        %dma_start3A_223 = arith.constant 0 : i32
        %dma_start3A_224 = arith.constant 0 : i32
        %dma_start3A_225 = tpu.memref_slice %arg4[%get3A_216, %dma_start3A_223, %dma_start3A_224] : memref<1024x22x128xf32, #tpu.memory_space<any>> -> memref<1x22x128xf32, #tpu.memory_space<any>>
        %dma_start3A_226 = tpu.memref_squeeze %dma_start3A_225 : memref<1x22x128xf32, #tpu.memory_space<any>> -> memref<22x128xf32, #tpu.memory_space<any>>
        tpu.enqueue_dma source(%dma_start3A_226 : memref<22x128xf32, #tpu.memory_space<any>>) target(%dma_start3A_222 : memref<22x128xf32, #tpu.memory_space<vmem>>) target_semaphore(%dma_start3A_218 : memref<!tpu.dma_semaphore, #tpu.memory_space<semaphore_mem>>)
        %mul3A_227 = arith.constant 64 : i32
        %mul3A_228 = arith.muli %add3A_22, %mul3A_227 : i32
        %add3A_229 = arith.constant 11 : i32
        %add3A_230 = arith.addi %mul3A_228, %add3A_229 : i32
        %get3A_231 = arith.constant 0 : index
        %get3A_232 = arith.index_cast %add3A_230 : i32 to index
        %get3A_233 = memref.load %arg3[%get3A_231, %get3A_232] : memref<1x1536xi32, #tpu.memory_space<smem>>
        %dma_start3A_234 = tpu.memref_slice %arg19[%select_n3A_41] : memref<2x!tpu.dma_semaphore, #tpu.memory_space<semaphore_mem>> -> memref<1x!tpu.dma_semaphore, #tpu.memory_space<semaphore_mem>>
        %dma_start3A_235 = tpu.memref_squeeze %dma_start3A_234 : memref<1x!tpu.dma_semaphore, #tpu.memory_space<semaphore_mem>> -> memref<!tpu.dma_semaphore, #tpu.memory_space<semaphore_mem>>
        %dma_start3A_236 = arith.constant 264 : i32
        %dma_start3A_237 = arith.constant 0 : i32
        %dma_start3A_238 = tpu.memref_slice %arg18[%select_n3A_41, %dma_start3A_236, %dma_start3A_237] : memref<2x1536x128xf32, #tpu.memory_space<vmem>> -> memref<1x22x128xf32, #tpu.memory_space<vmem>>
        %dma_start3A_239 = tpu.memref_squeeze %dma_start3A_238 : memref<1x22x128xf32, #tpu.memory_space<vmem>> -> memref<22x128xf32, #tpu.memory_space<vmem>>
        %dma_start3A_240 = arith.constant 0 : i32
        %dma_start3A_241 = arith.constant 0 : i32
        %dma_start3A_242 = tpu.memref_slice %arg4[%get3A_233, %dma_start3A_240, %dma_start3A_241] : memref<1024x22x128xf32, #tpu.memory_space<any>> -> memref<1x22x128xf32, #tpu.memory_space<any>>
        %dma_start3A_243 = tpu.memref_squeeze %dma_start3A_242 : memref<1x22x128xf32, #tpu.memory_space<any>> -> memref<22x128xf32, #tpu.memory_space<any>>
        tpu.enqueue_dma source(%dma_start3A_243 : memref<22x128xf32, #tpu.memory_space<any>>) target(%dma_start3A_239 : memref<22x128xf32, #tpu.memory_space<vmem>>) target_semaphore(%dma_start3A_235 : memref<!tpu.dma_semaphore, #tpu.memory_space<semaphore_mem>>)
        %mul3A_244 = arith.constant 64 : i32
        %mul3A_245 = arith.muli %add3A_22, %mul3A_244 : i32
        %add3A_246 = arith.constant 12 : i32
        %add3A_247 = arith.addi %mul3A_245, %add3A_246 : i32
        %get3A_248 = arith.constant 0 : index
        %get3A_249 = arith.index_cast %add3A_247 : i32 to index
        %get3A_250 = memref.load %arg3[%get3A_248, %get3A_249] : memref<1x1536xi32, #tpu.memory_space<smem>>
        %dma_start3A_251 = tpu.memref_slice %arg19[%select_n3A_41] : memref<2x!tpu.dma_semaphore, #tpu.memory_space<semaphore_mem>> -> memref<1x!tpu.dma_semaphore, #tpu.memory_space<semaphore_mem>>
        %dma_start3A_252 = tpu.memref_squeeze %dma_start3A_251 : memref<1x!tpu.dma_semaphore, #tpu.memory_space<semaphore_mem>> -> memref<!tpu.dma_semaphore, #tpu.memory_space<semaphore_mem>>
        %dma_start3A_253 = arith.constant 288 : i32
        %dma_start3A_254 = arith.constant 0 : i32
        %dma_start3A_255 = tpu.memref_slice %arg18[%select_n3A_41, %dma_start3A_253, %dma_start3A_254] : memref<2x1536x128xf32, #tpu.memory_space<vmem>> -> memref<1x22x128xf32, #tpu.memory_space<vmem>>
        %dma_start3A_256 = tpu.memref_squeeze %dma_start3A_255 : memref<1x22x128xf32, #tpu.memory_space<vmem>> -> memref<22x128xf32, #tpu.memory_space<vmem>>
        %dma_start3A_257 = arith.constant 0 : i32
        %dma_start3A_258 = arith.constant 0 : i32
        %dma_start3A_259 = tpu.memref_slice %arg4[%get3A_250, %dma_start3A_257, %dma_start3A_258] : memref<1024x22x128xf32, #tpu.memory_space<any>> -> memref<1x22x128xf32, #tpu.memory_space<any>>
        %dma_start3A_260 = tpu.memref_squeeze %dma_start3A_259 : memref<1x22x128xf32, #tpu.memory_space<any>> -> memref<22x128xf32, #tpu.memory_space<any>>
        tpu.enqueue_dma source(%dma_start3A_260 : memref<22x128xf32, #tpu.memory_space<any>>) target(%dma_start3A_256 : memref<22x128xf32, #tpu.memory_space<vmem>>) target_semaphore(%dma_start3A_252 : memref<!tpu.dma_semaphore, #tpu.memory_space<semaphore_mem>>)
        %mul3A_261 = arith.constant 64 : i32
        %mul3A_262 = arith.muli %add3A_22, %mul3A_261 : i32
        %add3A_263 = arith.constant 13 : i32
        %add3A_264 = arith.addi %mul3A_262, %add3A_263 : i32
        %get3A_265 = arith.constant 0 : index
        %get3A_266 = arith.index_cast %add3A_264 : i32 to index
        %get3A_267 = memref.load %arg3[%get3A_265, %get3A_266] : memref<1x1536xi32, #tpu.memory_space<smem>>
        %dma_start3A_268 = tpu.memref_slice %arg19[%select_n3A_41] : memref<2x!tpu.dma_semaphore, #tpu.memory_space<semaphore_mem>> -> memref<1x!tpu.dma_semaphore, #tpu.memory_space<semaphore_mem>>
        %dma_start3A_269 = tpu.memref_squeeze %dma_start3A_268 : memref<1x!tpu.dma_semaphore, #tpu.memory_space<semaphore_mem>> -> memref<!tpu.dma_semaphore, #tpu.memory_space<semaphore_mem>>
        %dma_start3A_270 = arith.constant 312 : i32
        %dma_start3A_271 = arith.constant 0 : i32
        %dma_start3A_272 = tpu.memref_slice %arg18[%select_n3A_41, %dma_start3A_270, %dma_start3A_271] : memref<2x1536x128xf32, #tpu.memory_space<vmem>> -> memref<1x22x128xf32, #tpu.memory_space<vmem>>
        %dma_start3A_273 = tpu.memref_squeeze %dma_start3A_272 : memref<1x22x128xf32, #tpu.memory_space<vmem>> -> memref<22x128xf32, #tpu.memory_space<vmem>>
        %dma_start3A_274 = arith.constant 0 : i32
        %dma_start3A_275 = arith.constant 0 : i32
        %dma_start3A_276 = tpu.memref_slice %arg4[%get3A_267, %dma_start3A_274, %dma_start3A_275] : memref<1024x22x128xf32, #tpu.memory_space<any>> -> memref<1x22x128xf32, #tpu.memory_space<any>>
        %dma_start3A_277 = tpu.memref_squeeze %dma_start3A_276 : memref<1x22x128xf32, #tpu.memory_space<any>> -> memref<22x128xf32, #tpu.memory_space<any>>
        tpu.enqueue_dma source(%dma_start3A_277 : memref<22x128xf32, #tpu.memory_space<any>>) target(%dma_start3A_273 : memref<22x128xf32, #tpu.memory_space<vmem>>) target_semaphore(%dma_start3A_269 : memref<!tpu.dma_semaphore, #tpu.memory_space<semaphore_mem>>)
        %mul3A_278 = arith.constant 64 : i32
        %mul3A_279 = arith.muli %add3A_22, %mul3A_278 : i32
        %add3A_280 = arith.constant 14 : i32
        %add3A_281 = arith.addi %mul3A_279, %add3A_280 : i32
        %get3A_282 = arith.constant 0 : index
        %get3A_283 = arith.index_cast %add3A_281 : i32 to index
        %get3A_284 = memref.load %arg3[%get3A_282, %get3A_283] : memref<1x1536xi32, #tpu.memory_space<smem>>
        %dma_start3A_285 = tpu.memref_slice %arg19[%select_n3A_41] : memref<2x!tpu.dma_semaphore, #tpu.memory_space<semaphore_mem>> -> memref<1x!tpu.dma_semaphore, #tpu.memory_space<semaphore_mem>>
        %dma_start3A_286 = tpu.memref_squeeze %dma_start3A_285 : memref<1x!tpu.dma_semaphore, #tpu.memory_space<semaphore_mem>> -> memref<!tpu.dma_semaphore, #tpu.memory_space<semaphore_mem>>
        %dma_start3A_287 = arith.constant 336 : i32
        %dma_start3A_288 = arith.constant 0 : i32
        %dma_start3A_289 = tpu.memref_slice %arg18[%select_n3A_41, %dma_start3A_287, %dma_start3A_288] : memref<2x1536x128xf32, #tpu.memory_space<vmem>> -> memref<1x22x128xf32, #tpu.memory_space<vmem>>
        %dma_start3A_290 = tpu.memref_squeeze %dma_start3A_289 : memref<1x22x128xf32, #tpu.memory_space<vmem>> -> memref<22x128xf32, #tpu.memory_space<vmem>>
        %dma_start3A_291 = arith.constant 0 : i32
        %dma_start3A_292 = arith.constant 0 : i32
        %dma_start3A_293 = tpu.memref_slice %arg4[%get3A_284, %dma_start3A_291, %dma_start3A_292] : memref<1024x22x128xf32, #tpu.memory_space<any>> -> memref<1x22x128xf32, #tpu.memory_space<any>>
        %dma_start3A_294 = tpu.memref_squeeze %dma_start3A_293 : memref<1x22x128xf32, #tpu.memory_space<any>> -> memref<22x128xf32, #tpu.memory_space<any>>
        tpu.enqueue_dma source(%dma_start3A_294 : memref<22x128xf32, #tpu.memory_space<any>>) target(%dma_start3A_290 : memref<22x128xf32, #tpu.memory_space<vmem>>) target_semaphore(%dma_start3A_286 : memref<!tpu.dma_semaphore, #tpu.memory_space<semaphore_mem>>)
        %mul3A_295 = arith.constant 64 : i32
        %mul3A_296 = arith.muli %add3A_22, %mul3A_295 : i32
        %add3A_297 = arith.constant 15 : i32
        %add3A_298 = arith.addi %mul3A_296, %add3A_297 : i32
        %get3A_299 = arith.constant 0 : index
        %get3A_300 = arith.index_cast %add3A_298 : i32 to index
        %get3A_301 = memref.load %arg3[%get3A_299, %get3A_300] : memref<1x1536xi32, #tpu.memory_space<smem>>
        %dma_start3A_302 = tpu.memref_slice %arg19[%select_n3A_41] : memref<2x!tpu.dma_semaphore, #tpu.memory_space<semaphore_mem>> -> memref<1x!tpu.dma_semaphore, #tpu.memory_space<semaphore_mem>>
        %dma_start3A_303 = tpu.memref_squeeze %dma_start3A_302 : memref<1x!tpu.dma_semaphore, #tpu.memory_space<semaphore_mem>> -> memref<!tpu.dma_semaphore, #tpu.memory_space<semaphore_mem>>
        %dma_start3A_304 = arith.constant 360 : i32
        %dma_start3A_305 = arith.constant 0 : i32
        %dma_start3A_306 = tpu.memref_slice %arg18[%select_n3A_41, %dma_start3A_304, %dma_start3A_305] : memref<2x1536x128xf32, #tpu.memory_space<vmem>> -> memref<1x22x128xf32, #tpu.memory_space<vmem>>
        %dma_start3A_307 = tpu.memref_squeeze %dma_start3A_306 : memref<1x22x128xf32, #tpu.memory_space<vmem>> -> memref<22x128xf32, #tpu.memory_space<vmem>>
        %dma_start3A_308 = arith.constant 0 : i32
        %dma_start3A_309 = arith.constant 0 : i32
        %dma_start3A_310 = tpu.memref_slice %arg4[%get3A_301, %dma_start3A_308, %dma_start3A_309] : memref<1024x22x128xf32, #tpu.memory_space<any>> -> memref<1x22x128xf32, #tpu.memory_space<any>>
        %dma_start3A_311 = tpu.memref_squeeze %dma_start3A_310 : memref<1x22x128xf32, #tpu.memory_space<any>> -> memref<22x128xf32, #tpu.memory_space<any>>
        tpu.enqueue_dma source(%dma_start3A_311 : memref<22x128xf32, #tpu.memory_space<any>>) target(%dma_start3A_307 : memref<22x128xf32, #tpu.memory_space<vmem>>) target_semaphore(%dma_start3A_303 : memref<!tpu.dma_semaphore, #tpu.memory_space<semaphore_mem>>)
        %mul3A_312 = arith.constant 64 : i32
        %mul3A_313 = arith.muli %add3A_22, %mul3A_312 : i32
        %add3A_314 = arith.constant 16 : i32
        %add3A_315 = arith.addi %mul3A_313, %add3A_314 : i32
        %get3A_316 = arith.constant 0 : index
        %get3A_317 = arith.index_cast %add3A_315 : i32 to index
        %get3A_318 = memref.load %arg3[%get3A_316, %get3A_317] : memref<1x1536xi32, #tpu.memory_space<smem>>
        %dma_start3A_319 = tpu.memref_slice %arg19[%select_n3A_41] : memref<2x!tpu.dma_semaphore, #tpu.memory_space<semaphore_mem>> -> memref<1x!tpu.dma_semaphore, #tpu.memory_space<semaphore_mem>>
        %dma_start3A_320 = tpu.memref_squeeze %dma_start3A_319 : memref<1x!tpu.dma_semaphore, #tpu.memory_space<semaphore_mem>> -> memref<!tpu.dma_semaphore, #tpu.memory_space<semaphore_mem>>
        %dma_start3A_321 = arith.constant 384 : i32
        %dma_start3A_322 = arith.constant 0 : i32
        %dma_start3A_323 = tpu.memref_slice %arg18[%select_n3A_41, %dma_start3A_321, %dma_start3A_322] : memref<2x1536x128xf32, #tpu.memory_space<vmem>> -> memref<1x22x128xf32, #tpu.memory_space<vmem>>
        %dma_start3A_324 = tpu.memref_squeeze %dma_start3A_323 : memref<1x22x128xf32, #tpu.memory_space<vmem>> -> memref<22x128xf32, #tpu.memory_space<vmem>>
        %dma_start3A_325 = arith.constant 0 : i32
        %dma_start3A_326 = arith.constant 0 : i32
        %dma_start3A_327 = tpu.memref_slice %arg4[%get3A_318, %dma_start3A_325, %dma_start3A_326] : memref<1024x22x128xf32, #tpu.memory_space<any>> -> memref<1x22x128xf32, #tpu.memory_space<any>>
        %dma_start3A_328 = tpu.memref_squeeze %dma_start3A_327 : memref<1x22x128xf32, #tpu.memory_space<any>> -> memref<22x128xf32, #tpu.memory_space<any>>
        tpu.enqueue_dma source(%dma_start3A_328 : memref<22x128xf32, #tpu.memory_space<any>>) target(%dma_start3A_324 : memref<22x128xf32, #tpu.memory_space<vmem>>) target_semaphore(%dma_start3A_320 : memref<!tpu.dma_semaphore, #tpu.memory_space<semaphore_mem>>)
        %mul3A_329 = arith.constant 64 : i32
        %mul3A_330 = arith.muli %add3A_22, %mul3A_329 : i32
        %add3A_331 = arith.constant 17 : i32
        %add3A_332 = arith.addi %mul3A_330, %add3A_331 : i32
        %get3A_333 = arith.constant 0 : index
        %get3A_334 = arith.index_cast %add3A_332 : i32 to index
        %get3A_335 = memref.load %arg3[%get3A_333, %get3A_334] : memref<1x1536xi32, #tpu.memory_space<smem>>
        %dma_start3A_336 = tpu.memref_slice %arg19[%select_n3A_41] : memref<2x!tpu.dma_semaphore, #tpu.memory_space<semaphore_mem>> -> memref<1x!tpu.dma_semaphore, #tpu.memory_space<semaphore_mem>>
        %dma_start3A_337 = tpu.memref_squeeze %dma_start3A_336 : memref<1x!tpu.dma_semaphore, #tpu.memory_space<semaphore_mem>> -> memref<!tpu.dma_semaphore, #tpu.memory_space<semaphore_mem>>
        %dma_start3A_338 = arith.constant 408 : i32
        %dma_start3A_339 = arith.constant 0 : i32
        %dma_start3A_340 = tpu.memref_slice %arg18[%select_n3A_41, %dma_start3A_338, %dma_start3A_339] : memref<2x1536x128xf32, #tpu.memory_space<vmem>> -> memref<1x22x128xf32, #tpu.memory_space<vmem>>
        %dma_start3A_341 = tpu.memref_squeeze %dma_start3A_340 : memref<1x22x128xf32, #tpu.memory_space<vmem>> -> memref<22x128xf32, #tpu.memory_space<vmem>>
        %dma_start3A_342 = arith.constant 0 : i32
        %dma_start3A_343 = arith.constant 0 : i32
        %dma_start3A_344 = tpu.memref_slice %arg4[%get3A_335, %dma_start3A_342, %dma_start3A_343] : memref<1024x22x128xf32, #tpu.memory_space<any>> -> memref<1x22x128xf32, #tpu.memory_space<any>>
        %dma_start3A_345 = tpu.memref_squeeze %dma_start3A_344 : memref<1x22x128xf32, #tpu.memory_space<any>> -> memref<22x128xf32, #tpu.memory_space<any>>
        tpu.enqueue_dma source(%dma_start3A_345 : memref<22x128xf32, #tpu.memory_space<any>>) target(%dma_start3A_341 : memref<22x128xf32, #tpu.memory_space<vmem>>) target_semaphore(%dma_start3A_337 : memref<!tpu.dma_semaphore, #tpu.memory_space<semaphore_mem>>)
        %mul3A_346 = arith.constant 64 : i32
        %mul3A_347 = arith.muli %add3A_22, %mul3A_346 : i32
        %add3A_348 = arith.constant 18 : i32
        %add3A_349 = arith.addi %mul3A_347, %add3A_348 : i32
        %get3A_350 = arith.constant 0 : index
        %get3A_351 = arith.index_cast %add3A_349 : i32 to index
        %get3A_352 = memref.load %arg3[%get3A_350, %get3A_351] : memref<1x1536xi32, #tpu.memory_space<smem>>
        %dma_start3A_353 = tpu.memref_slice %arg19[%select_n3A_41] : memref<2x!tpu.dma_semaphore, #tpu.memory_space<semaphore_mem>> -> memref<1x!tpu.dma_semaphore, #tpu.memory_space<semaphore_mem>>
        %dma_start3A_354 = tpu.memref_squeeze %dma_start3A_353 : memref<1x!tpu.dma_semaphore, #tpu.memory_space<semaphore_mem>> -> memref<!tpu.dma_semaphore, #tpu.memory_space<semaphore_mem>>
        %dma_start3A_355 = arith.constant 432 : i32
        %dma_start3A_356 = arith.constant 0 : i32
        %dma_start3A_357 = tpu.memref_slice %arg18[%select_n3A_41, %dma_start3A_355, %dma_start3A_356] : memref<2x1536x128xf32, #tpu.memory_space<vmem>> -> memref<1x22x128xf32, #tpu.memory_space<vmem>>
        %dma_start3A_358 = tpu.memref_squeeze %dma_start3A_357 : memref<1x22x128xf32, #tpu.memory_space<vmem>> -> memref<22x128xf32, #tpu.memory_space<vmem>>
        %dma_start3A_359 = arith.constant 0 : i32
        %dma_start3A_360 = arith.constant 0 : i32
        %dma_start3A_361 = tpu.memref_slice %arg4[%get3A_352, %dma_start3A_359, %dma_start3A_360] : memref<1024x22x128xf32, #tpu.memory_space<any>> -> memref<1x22x128xf32, #tpu.memory_space<any>>
        %dma_start3A_362 = tpu.memref_squeeze %dma_start3A_361 : memref<1x22x128xf32, #tpu.memory_space<any>> -> memref<22x128xf32, #tpu.memory_space<any>>
        tpu.enqueue_dma source(%dma_start3A_362 : memref<22x128xf32, #tpu.memory_space<any>>) target(%dma_start3A_358 : memref<22x128xf32, #tpu.memory_space<vmem>>) target_semaphore(%dma_start3A_354 : memref<!tpu.dma_semaphore, #tpu.memory_space<semaphore_mem>>)
        %mul3A_363 = arith.constant 64 : i32
        %mul3A_364 = arith.muli %add3A_22, %mul3A_363 : i32
        %add3A_365 = arith.constant 19 : i32
        %add3A_366 = arith.addi %mul3A_364, %add3A_365 : i32
        %get3A_367 = arith.constant 0 : index
        %get3A_368 = arith.index_cast %add3A_366 : i32 to index
        %get3A_369 = memref.load %arg3[%get3A_367, %get3A_368] : memref<1x1536xi32, #tpu.memory_space<smem>>
        %dma_start3A_370 = tpu.memref_slice %arg19[%select_n3A_41] : memref<2x!tpu.dma_semaphore, #tpu.memory_space<semaphore_mem>> -> memref<1x!tpu.dma_semaphore, #tpu.memory_space<semaphore_mem>>
        %dma_start3A_371 = tpu.memref_squeeze %dma_start3A_370 : memref<1x!tpu.dma_semaphore, #tpu.memory_space<semaphore_mem>> -> memref<!tpu.dma_semaphore, #tpu.memory_space<semaphore_mem>>
        %dma_start3A_372 = arith.constant 456 : i32
        %dma_start3A_373 = arith.constant 0 : i32
        %dma_start3A_374 = tpu.memref_slice %arg18[%select_n3A_41, %dma_start3A_372, %dma_start3A_373] : memref<2x1536x128xf32, #tpu.memory_space<vmem>> -> memref<1x22x128xf32, #tpu.memory_space<vmem>>
        %dma_start3A_375 = tpu.memref_squeeze %dma_start3A_374 : memref<1x22x128xf32, #tpu.memory_space<vmem>> -> memref<22x128xf32, #tpu.memory_space<vmem>>
        %dma_start3A_376 = arith.constant 0 : i32
        %dma_start3A_377 = arith.constant 0 : i32
        %dma_start3A_378 = tpu.memref_slice %arg4[%get3A_369, %dma_start3A_376, %dma_start3A_377] : memref<1024x22x128xf32, #tpu.memory_space<any>> -> memref<1x22x128xf32, #tpu.memory_space<any>>
        %dma_start3A_379 = tpu.memref_squeeze %dma_start3A_378 : memref<1x22x128xf32, #tpu.memory_space<any>> -> memref<22x128xf32, #tpu.memory_space<any>>
        tpu.enqueue_dma source(%dma_start3A_379 : memref<22x128xf32, #tpu.memory_space<any>>) target(%dma_start3A_375 : memref<22x128xf32, #tpu.memory_space<vmem>>) target_semaphore(%dma_start3A_371 : memref<!tpu.dma_semaphore, #tpu.memory_space<semaphore_mem>>)
        %mul3A_380 = arith.constant 64 : i32
        %mul3A_381 = arith.muli %add3A_22, %mul3A_380 : i32
        %add3A_382 = arith.constant 20 : i32
        %add3A_383 = arith.addi %mul3A_381, %add3A_382 : i32
        %get3A_384 = arith.constant 0 : index
        %get3A_385 = arith.index_cast %add3A_383 : i32 to index
        %get3A_386 = memref.load %arg3[%get3A_384, %get3A_385] : memref<1x1536xi32, #tpu.memory_space<smem>>
        %dma_start3A_387 = tpu.memref_slice %arg19[%select_n3A_41] : memref<2x!tpu.dma_semaphore, #tpu.memory_space<semaphore_mem>> -> memref<1x!tpu.dma_semaphore, #tpu.memory_space<semaphore_mem>>
        %dma_start3A_388 = tpu.memref_squeeze %dma_start3A_387 : memref<1x!tpu.dma_semaphore, #tpu.memory_space<semaphore_mem>> -> memref<!tpu.dma_semaphore, #tpu.memory_space<semaphore_mem>>
        %dma_start3A_389 = arith.constant 480 : i32
        %dma_start3A_390 = arith.constant 0 : i32
        %dma_start3A_391 = tpu.memref_slice %arg18[%select_n3A_41, %dma_start3A_389, %dma_start3A_390] : memref<2x1536x128xf32, #tpu.memory_space<vmem>> -> memref<1x22x128xf32, #tpu.memory_space<vmem>>
        %dma_start3A_392 = tpu.memref_squeeze %dma_start3A_391 : memref<1x22x128xf32, #tpu.memory_space<vmem>> -> memref<22x128xf32, #tpu.memory_space<vmem>>
        %dma_start3A_393 = arith.constant 0 : i32
        %dma_start3A_394 = arith.constant 0 : i32
        %dma_start3A_395 = tpu.memref_slice %arg4[%get3A_386, %dma_start3A_393, %dma_start3A_394] : memref<1024x22x128xf32, #tpu.memory_space<any>> -> memref<1x22x128xf32, #tpu.memory_space<any>>
        %dma_start3A_396 = tpu.memref_squeeze %dma_start3A_395 : memref<1x22x128xf32, #tpu.memory_space<any>> -> memref<22x128xf32, #tpu.memory_space<any>>
        tpu.enqueue_dma source(%dma_start3A_396 : memref<22x128xf32, #tpu.memory_space<any>>) target(%dma_start3A_392 : memref<22x128xf32, #tpu.memory_space<vmem>>) target_semaphore(%dma_start3A_388 : memref<!tpu.dma_semaphore, #tpu.memory_space<semaphore_mem>>)
        %mul3A_397 = arith.constant 64 : i32
        %mul3A_398 = arith.muli %add3A_22, %mul3A_397 : i32
        %add3A_399 = arith.constant 21 : i32
        %add3A_400 = arith.addi %mul3A_398, %add3A_399 : i32
        %get3A_401 = arith.constant 0 : index
        %get3A_402 = arith.index_cast %add3A_400 : i32 to index
        %get3A_403 = memref.load %arg3[%get3A_401, %get3A_402] : memref<1x1536xi32, #tpu.memory_space<smem>>
        %dma_start3A_404 = tpu.memref_slice %arg19[%select_n3A_41] : memref<2x!tpu.dma_semaphore, #tpu.memory_space<semaphore_mem>> -> memref<1x!tpu.dma_semaphore, #tpu.memory_space<semaphore_mem>>
        %dma_start3A_405 = tpu.memref_squeeze %dma_start3A_404 : memref<1x!tpu.dma_semaphore, #tpu.memory_space<semaphore_mem>> -> memref<!tpu.dma_semaphore, #tpu.memory_space<semaphore_mem>>
        %dma_start3A_406 = arith.constant 504 : i32
        %dma_start3A_407 = arith.constant 0 : i32
        %dma_start3A_408 = tpu.memref_slice %arg18[%select_n3A_41, %dma_start3A_406, %dma_start3A_407] : memref<2x1536x128xf32, #tpu.memory_space<vmem>> -> memref<1x22x128xf32, #tpu.memory_space<vmem>>
        %dma_start3A_409 = tpu.memref_squeeze %dma_start3A_408 : memref<1x22x128xf32, #tpu.memory_space<vmem>> -> memref<22x128xf32, #tpu.memory_space<vmem>>
        %dma_start3A_410 = arith.constant 0 : i32
        %dma_start3A_411 = arith.constant 0 : i32
        %dma_start3A_412 = tpu.memref_slice %arg4[%get3A_403, %dma_start3A_410, %dma_start3A_411] : memref<1024x22x128xf32, #tpu.memory_space<any>> -> memref<1x22x128xf32, #tpu.memory_space<any>>
        %dma_start3A_413 = tpu.memref_squeeze %dma_start3A_412 : memref<1x22x128xf32, #tpu.memory_space<any>> -> memref<22x128xf32, #tpu.memory_space<any>>
        tpu.enqueue_dma source(%dma_start3A_413 : memref<22x128xf32, #tpu.memory_space<any>>) target(%dma_start3A_409 : memref<22x128xf32, #tpu.memory_space<vmem>>) target_semaphore(%dma_start3A_405 : memref<!tpu.dma_semaphore, #tpu.memory_space<semaphore_mem>>)
        %mul3A_414 = arith.constant 64 : i32
        %mul3A_415 = arith.muli %add3A_22, %mul3A_414 : i32
        %add3A_416 = arith.constant 22 : i32
        %add3A_417 = arith.addi %mul3A_415, %add3A_416 : i32
        %get3A_418 = arith.constant 0 : index
        %get3A_419 = arith.index_cast %add3A_417 : i32 to index
        %get3A_420 = memref.load %arg3[%get3A_418, %get3A_419] : memref<1x1536xi32, #tpu.memory_space<smem>>
        %dma_start3A_421 = tpu.memref_slice %arg19[%select_n3A_41] : memref<2x!tpu.dma_semaphore, #tpu.memory_space<semaphore_mem>> -> memref<1x!tpu.dma_semaphore, #tpu.memory_space<semaphore_mem>>
        %dma_start3A_422 = tpu.memref_squeeze %dma_start3A_421 : memref<1x!tpu.dma_semaphore, #tpu.memory_space<semaphore_mem>> -> memref<!tpu.dma_semaphore, #tpu.memory_space<semaphore_mem>>
        %dma_start3A_423 = arith.constant 528 : i32
        %dma_start3A_424 = arith.constant 0 : i32
        %dma_start3A_425 = tpu.memref_slice %arg18[%select_n3A_41, %dma_start3A_423, %dma_start3A_424] : memref<2x1536x128xf32, #tpu.memory_space<vmem>> -> memref<1x22x128xf32, #tpu.memory_space<vmem>>
        %dma_start3A_426 = tpu.memref_squeeze %dma_start3A_425 : memref<1x22x128xf32, #tpu.memory_space<vmem>> -> memref<22x128xf32, #tpu.memory_space<vmem>>
        %dma_start3A_427 = arith.constant 0 : i32
        %dma_start3A_428 = arith.constant 0 : i32
        %dma_start3A_429 = tpu.memref_slice %arg4[%get3A_420, %dma_start3A_427, %dma_start3A_428] : memref<1024x22x128xf32, #tpu.memory_space<any>> -> memref<1x22x128xf32, #tpu.memory_space<any>>
        %dma_start3A_430 = tpu.memref_squeeze %dma_start3A_429 : memref<1x22x128xf32, #tpu.memory_space<any>> -> memref<22x128xf32, #tpu.memory_space<any>>
        tpu.enqueue_dma source(%dma_start3A_430 : memref<22x128xf32, #tpu.memory_space<any>>) target(%dma_start3A_426 : memref<22x128xf32, #tpu.memory_space<vmem>>) target_semaphore(%dma_start3A_422 : memref<!tpu.dma_semaphore, #tpu.memory_space<semaphore_mem>>)
        %mul3A_431 = arith.constant 64 : i32
        %mul3A_432 = arith.muli %add3A_22, %mul3A_431 : i32
        %add3A_433 = arith.constant 23 : i32
        %add3A_434 = arith.addi %mul3A_432, %add3A_433 : i32
        %get3A_435 = arith.constant 0 : index
        %get3A_436 = arith.index_cast %add3A_434 : i32 to index
        %get3A_437 = memref.load %arg3[%get3A_435, %get3A_436] : memref<1x1536xi32, #tpu.memory_space<smem>>
        %dma_start3A_438 = tpu.memref_slice %arg19[%select_n3A_41] : memref<2x!tpu.dma_semaphore, #tpu.memory_space<semaphore_mem>> -> memref<1x!tpu.dma_semaphore, #tpu.memory_space<semaphore_mem>>
        %dma_start3A_439 = tpu.memref_squeeze %dma_start3A_438 : memref<1x!tpu.dma_semaphore, #tpu.memory_space<semaphore_mem>> -> memref<!tpu.dma_semaphore, #tpu.memory_space<semaphore_mem>>
        %dma_start3A_440 = arith.constant 552 : i32
        %dma_start3A_441 = arith.constant 0 : i32
        %dma_start3A_442 = tpu.memref_slice %arg18[%select_n3A_41, %dma_start3A_440, %dma_start3A_441] : memref<2x1536x128xf32, #tpu.memory_space<vmem>> -> memref<1x22x128xf32, #tpu.memory_space<vmem>>
        %dma_start3A_443 = tpu.memref_squeeze %dma_start3A_442 : memref<1x22x128xf32, #tpu.memory_space<vmem>> -> memref<22x128xf32, #tpu.memory_space<vmem>>
        %dma_start3A_444 = arith.constant 0 : i32
        %dma_start3A_445 = arith.constant 0 : i32
        %dma_start3A_446 = tpu.memref_slice %arg4[%get3A_437, %dma_start3A_444, %dma_start3A_445] : memref<1024x22x128xf32, #tpu.memory_space<any>> -> memref<1x22x128xf32, #tpu.memory_space<any>>
        %dma_start3A_447 = tpu.memref_squeeze %dma_start3A_446 : memref<1x22x128xf32, #tpu.memory_space<any>> -> memref<22x128xf32, #tpu.memory_space<any>>
        tpu.enqueue_dma source(%dma_start3A_447 : memref<22x128xf32, #tpu.memory_space<any>>) target(%dma_start3A_443 : memref<22x128xf32, #tpu.memory_space<vmem>>) target_semaphore(%dma_start3A_439 : memref<!tpu.dma_semaphore, #tpu.memory_space<semaphore_mem>>)
        %mul3A_448 = arith.constant 64 : i32
        %mul3A_449 = arith.muli %add3A_22, %mul3A_448 : i32
        %add3A_450 = arith.constant 24 : i32
        %add3A_451 = arith.addi %mul3A_449, %add3A_450 : i32
        %get3A_452 = arith.constant 0 : index
        %get3A_453 = arith.index_cast %add3A_451 : i32 to index
        %get3A_454 = memref.load %arg3[%get3A_452, %get3A_453] : memref<1x1536xi32, #tpu.memory_space<smem>>
        %dma_start3A_455 = tpu.memref_slice %arg19[%select_n3A_41] : memref<2x!tpu.dma_semaphore, #tpu.memory_space<semaphore_mem>> -> memref<1x!tpu.dma_semaphore, #tpu.memory_space<semaphore_mem>>
        %dma_start3A_456 = tpu.memref_squeeze %dma_start3A_455 : memref<1x!tpu.dma_semaphore, #tpu.memory_space<semaphore_mem>> -> memref<!tpu.dma_semaphore, #tpu.memory_space<semaphore_mem>>
        %dma_start3A_457 = arith.constant 576 : i32
        %dma_start3A_458 = arith.constant 0 : i32
        %dma_start3A_459 = tpu.memref_slice %arg18[%select_n3A_41, %dma_start3A_457, %dma_start3A_458] : memref<2x1536x128xf32, #tpu.memory_space<vmem>> -> memref<1x22x128xf32, #tpu.memory_space<vmem>>
        %dma_start3A_460 = tpu.memref_squeeze %dma_start3A_459 : memref<1x22x128xf32, #tpu.memory_space<vmem>> -> memref<22x128xf32, #tpu.memory_space<vmem>>
        %dma_start3A_461 = arith.constant 0 : i32
        %dma_start3A_462 = arith.constant 0 : i32
        %dma_start3A_463 = tpu.memref_slice %arg4[%get3A_454, %dma_start3A_461, %dma_start3A_462] : memref<1024x22x128xf32, #tpu.memory_space<any>> -> memref<1x22x128xf32, #tpu.memory_space<any>>
        %dma_start3A_464 = tpu.memref_squeeze %dma_start3A_463 : memref<1x22x128xf32, #tpu.memory_space<any>> -> memref<22x128xf32, #tpu.memory_space<any>>
        tpu.enqueue_dma source(%dma_start3A_464 : memref<22x128xf32, #tpu.memory_space<any>>) target(%dma_start3A_460 : memref<22x128xf32, #tpu.memory_space<vmem>>) target_semaphore(%dma_start3A_456 : memref<!tpu.dma_semaphore, #tpu.memory_space<semaphore_mem>>)
        %mul3A_465 = arith.constant 64 : i32
        %mul3A_466 = arith.muli %add3A_22, %mul3A_465 : i32
        %add3A_467 = arith.constant 25 : i32
        %add3A_468 = arith.addi %mul3A_466, %add3A_467 : i32
        %get3A_469 = arith.constant 0 : index
        %get3A_470 = arith.index_cast %add3A_468 : i32 to index
        %get3A_471 = memref.load %arg3[%get3A_469, %get3A_470] : memref<1x1536xi32, #tpu.memory_space<smem>>
        %dma_start3A_472 = tpu.memref_slice %arg19[%select_n3A_41] : memref<2x!tpu.dma_semaphore, #tpu.memory_space<semaphore_mem>> -> memref<1x!tpu.dma_semaphore, #tpu.memory_space<semaphore_mem>>
        %dma_start3A_473 = tpu.memref_squeeze %dma_start3A_472 : memref<1x!tpu.dma_semaphore, #tpu.memory_space<semaphore_mem>> -> memref<!tpu.dma_semaphore, #tpu.memory_space<semaphore_mem>>
        %dma_start3A_474 = arith.constant 600 : i32
        %dma_start3A_475 = arith.constant 0 : i32
        %dma_start3A_476 = tpu.memref_slice %arg18[%select_n3A_41, %dma_start3A_474, %dma_start3A_475] : memref<2x1536x128xf32, #tpu.memory_space<vmem>> -> memref<1x22x128xf32, #tpu.memory_space<vmem>>
        %dma_start3A_477 = tpu.memref_squeeze %dma_start3A_476 : memref<1x22x128xf32, #tpu.memory_space<vmem>> -> memref<22x128xf32, #tpu.memory_space<vmem>>
        %dma_start3A_478 = arith.constant 0 : i32
        %dma_start3A_479 = arith.constant 0 : i32
        %dma_start3A_480 = tpu.memref_slice %arg4[%get3A_471, %dma_start3A_478, %dma_start3A_479] : memref<1024x22x128xf32, #tpu.memory_space<any>> -> memref<1x22x128xf32, #tpu.memory_space<any>>
        %dma_start3A_481 = tpu.memref_squeeze %dma_start3A_480 : memref<1x22x128xf32, #tpu.memory_space<any>> -> memref<22x128xf32, #tpu.memory_space<any>>
        tpu.enqueue_dma source(%dma_start3A_481 : memref<22x128xf32, #tpu.memory_space<any>>) target(%dma_start3A_477 : memref<22x128xf32, #tpu.memory_space<vmem>>) target_semaphore(%dma_start3A_473 : memref<!tpu.dma_semaphore, #tpu.memory_space<semaphore_mem>>)
        %mul3A_482 = arith.constant 64 : i32
        %mul3A_483 = arith.muli %add3A_22, %mul3A_482 : i32
        %add3A_484 = arith.constant 26 : i32
        %add3A_485 = arith.addi %mul3A_483, %add3A_484 : i32
        %get3A_486 = arith.constant 0 : index
        %get3A_487 = arith.index_cast %add3A_485 : i32 to index
        %get3A_488 = memref.load %arg3[%get3A_486, %get3A_487] : memref<1x1536xi32, #tpu.memory_space<smem>>
        %dma_start3A_489 = tpu.memref_slice %arg19[%select_n3A_41] : memref<2x!tpu.dma_semaphore, #tpu.memory_space<semaphore_mem>> -> memref<1x!tpu.dma_semaphore, #tpu.memory_space<semaphore_mem>>
        %dma_start3A_490 = tpu.memref_squeeze %dma_start3A_489 : memref<1x!tpu.dma_semaphore, #tpu.memory_space<semaphore_mem>> -> memref<!tpu.dma_semaphore, #tpu.memory_space<semaphore_mem>>
        %dma_start3A_491 = arith.constant 624 : i32
        %dma_start3A_492 = arith.constant 0 : i32
        %dma_start3A_493 = tpu.memref_slice %arg18[%select_n3A_41, %dma_start3A_491, %dma_start3A_492] : memref<2x1536x128xf32, #tpu.memory_space<vmem>> -> memref<1x22x128xf32, #tpu.memory_space<vmem>>
        %dma_start3A_494 = tpu.memref_squeeze %dma_start3A_493 : memref<1x22x128xf32, #tpu.memory_space<vmem>> -> memref<22x128xf32, #tpu.memory_space<vmem>>
        %dma_start3A_495 = arith.constant 0 : i32
        %dma_start3A_496 = arith.constant 0 : i32
        %dma_start3A_497 = tpu.memref_slice %arg4[%get3A_488, %dma_start3A_495, %dma_start3A_496] : memref<1024x22x128xf32, #tpu.memory_space<any>> -> memref<1x22x128xf32, #tpu.memory_space<any>>
        %dma_start3A_498 = tpu.memref_squeeze %dma_start3A_497 : memref<1x22x128xf32, #tpu.memory_space<any>> -> memref<22x128xf32, #tpu.memory_space<any>>
        tpu.enqueue_dma source(%dma_start3A_498 : memref<22x128xf32, #tpu.memory_space<any>>) target(%dma_start3A_494 : memref<22x128xf32, #tpu.memory_space<vmem>>) target_semaphore(%dma_start3A_490 : memref<!tpu.dma_semaphore, #tpu.memory_space<semaphore_mem>>)
        %mul3A_499 = arith.constant 64 : i32
        %mul3A_500 = arith.muli %add3A_22, %mul3A_499 : i32
        %add3A_501 = arith.constant 27 : i32
        %add3A_502 = arith.addi %mul3A_500, %add3A_501 : i32
        %get3A_503 = arith.constant 0 : index
        %get3A_504 = arith.index_cast %add3A_502 : i32 to index
        %get3A_505 = memref.load %arg3[%get3A_503, %get3A_504] : memref<1x1536xi32, #tpu.memory_space<smem>>
        %dma_start3A_506 = tpu.memref_slice %arg19[%select_n3A_41] : memref<2x!tpu.dma_semaphore, #tpu.memory_space<semaphore_mem>> -> memref<1x!tpu.dma_semaphore, #tpu.memory_space<semaphore_mem>>
        %dma_start3A_507 = tpu.memref_squeeze %dma_start3A_506 : memref<1x!tpu.dma_semaphore, #tpu.memory_space<semaphore_mem>> -> memref<!tpu.dma_semaphore, #tpu.memory_space<semaphore_mem>>
        %dma_start3A_508 = arith.constant 648 : i32
        %dma_start3A_509 = arith.constant 0 : i32
        %dma_start3A_510 = tpu.memref_slice %arg18[%select_n3A_41, %dma_start3A_508, %dma_start3A_509] : memref<2x1536x128xf32, #tpu.memory_space<vmem>> -> memref<1x22x128xf32, #tpu.memory_space<vmem>>
        %dma_start3A_511 = tpu.memref_squeeze %dma_start3A_510 : memref<1x22x128xf32, #tpu.memory_space<vmem>> -> memref<22x128xf32, #tpu.memory_space<vmem>>
        %dma_start3A_512 = arith.constant 0 : i32
        %dma_start3A_513 = arith.constant 0 : i32
        %dma_start3A_514 = tpu.memref_slice %arg4[%get3A_505, %dma_start3A_512, %dma_start3A_513] : memref<1024x22x128xf32, #tpu.memory_space<any>> -> memref<1x22x128xf32, #tpu.memory_space<any>>
        %dma_start3A_515 = tpu.memref_squeeze %dma_start3A_514 : memref<1x22x128xf32, #tpu.memory_space<any>> -> memref<22x128xf32, #tpu.memory_space<any>>
        tpu.enqueue_dma source(%dma_start3A_515 : memref<22x128xf32, #tpu.memory_space<any>>) target(%dma_start3A_511 : memref<22x128xf32, #tpu.memory_space<vmem>>) target_semaphore(%dma_start3A_507 : memref<!tpu.dma_semaphore, #tpu.memory_space<semaphore_mem>>)
        %mul3A_516 = arith.constant 64 : i32
        %mul3A_517 = arith.muli %add3A_22, %mul3A_516 : i32
        %add3A_518 = arith.constant 28 : i32
        %add3A_519 = arith.addi %mul3A_517, %add3A_518 : i32
        %get3A_520 = arith.constant 0 : index
        %get3A_521 = arith.index_cast %add3A_519 : i32 to index
        %get3A_522 = memref.load %arg3[%get3A_520, %get3A_521] : memref<1x1536xi32, #tpu.memory_space<smem>>
        %dma_start3A_523 = tpu.memref_slice %arg19[%select_n3A_41] : memref<2x!tpu.dma_semaphore, #tpu.memory_space<semaphore_mem>> -> memref<1x!tpu.dma_semaphore, #tpu.memory_space<semaphore_mem>>
        %dma_start3A_524 = tpu.memref_squeeze %dma_start3A_523 : memref<1x!tpu.dma_semaphore, #tpu.memory_space<semaphore_mem>> -> memref<!tpu.dma_semaphore, #tpu.memory_space<semaphore_mem>>
        %dma_start3A_525 = arith.constant 672 : i32
        %dma_start3A_526 = arith.constant 0 : i32
        %dma_start3A_527 = tpu.memref_slice %arg18[%select_n3A_41, %dma_start3A_525, %dma_start3A_526] : memref<2x1536x128xf32, #tpu.memory_space<vmem>> -> memref<1x22x128xf32, #tpu.memory_space<vmem>>
        %dma_start3A_528 = tpu.memref_squeeze %dma_start3A_527 : memref<1x22x128xf32, #tpu.memory_space<vmem>> -> memref<22x128xf32, #tpu.memory_space<vmem>>
        %dma_start3A_529 = arith.constant 0 : i32
        %dma_start3A_530 = arith.constant 0 : i32
        %dma_start3A_531 = tpu.memref_slice %arg4[%get3A_522, %dma_start3A_529, %dma_start3A_530] : memref<1024x22x128xf32, #tpu.memory_space<any>> -> memref<1x22x128xf32, #tpu.memory_space<any>>
        %dma_start3A_532 = tpu.memref_squeeze %dma_start3A_531 : memref<1x22x128xf32, #tpu.memory_space<any>> -> memref<22x128xf32, #tpu.memory_space<any>>
        tpu.enqueue_dma source(%dma_start3A_532 : memref<22x128xf32, #tpu.memory_space<any>>) target(%dma_start3A_528 : memref<22x128xf32, #tpu.memory_space<vmem>>) target_semaphore(%dma_start3A_524 : memref<!tpu.dma_semaphore, #tpu.memory_space<semaphore_mem>>)
        %mul3A_533 = arith.constant 64 : i32
        %mul3A_534 = arith.muli %add3A_22, %mul3A_533 : i32
        %add3A_535 = arith.constant 29 : i32
        %add3A_536 = arith.addi %mul3A_534, %add3A_535 : i32
        %get3A_537 = arith.constant 0 : index
        %get3A_538 = arith.index_cast %add3A_536 : i32 to index
        %get3A_539 = memref.load %arg3[%get3A_537, %get3A_538] : memref<1x1536xi32, #tpu.memory_space<smem>>
        %dma_start3A_540 = tpu.memref_slice %arg19[%select_n3A_41] : memref<2x!tpu.dma_semaphore, #tpu.memory_space<semaphore_mem>> -> memref<1x!tpu.dma_semaphore, #tpu.memory_space<semaphore_mem>>
        %dma_start3A_541 = tpu.memref_squeeze %dma_start3A_540 : memref<1x!tpu.dma_semaphore, #tpu.memory_space<semaphore_mem>> -> memref<!tpu.dma_semaphore, #tpu.memory_space<semaphore_mem>>
        %dma_start3A_542 = arith.constant 696 : i32
        %dma_start3A_543 = arith.constant 0 : i32
        %dma_start3A_544 = tpu.memref_slice %arg18[%select_n3A_41, %dma_start3A_542, %dma_start3A_543] : memref<2x1536x128xf32, #tpu.memory_space<vmem>> -> memref<1x22x128xf32, #tpu.memory_space<vmem>>
        %dma_start3A_545 = tpu.memref_squeeze %dma_start3A_544 : memref<1x22x128xf32, #tpu.memory_space<vmem>> -> memref<22x128xf32, #tpu.memory_space<vmem>>
        %dma_start3A_546 = arith.constant 0 : i32
        %dma_start3A_547 = arith.constant 0 : i32
        %dma_start3A_548 = tpu.memref_slice %arg4[%get3A_539, %dma_start3A_546, %dma_start3A_547] : memref<1024x22x128xf32, #tpu.memory_space<any>> -> memref<1x22x128xf32, #tpu.memory_space<any>>
        %dma_start3A_549 = tpu.memref_squeeze %dma_start3A_548 : memref<1x22x128xf32, #tpu.memory_space<any>> -> memref<22x128xf32, #tpu.memory_space<any>>
        tpu.enqueue_dma source(%dma_start3A_549 : memref<22x128xf32, #tpu.memory_space<any>>) target(%dma_start3A_545 : memref<22x128xf32, #tpu.memory_space<vmem>>) target_semaphore(%dma_start3A_541 : memref<!tpu.dma_semaphore, #tpu.memory_space<semaphore_mem>>)
        %mul3A_550 = arith.constant 64 : i32
        %mul3A_551 = arith.muli %add3A_22, %mul3A_550 : i32
        %add3A_552 = arith.constant 30 : i32
        %add3A_553 = arith.addi %mul3A_551, %add3A_552 : i32
        %get3A_554 = arith.constant 0 : index
        %get3A_555 = arith.index_cast %add3A_553 : i32 to index
        %get3A_556 = memref.load %arg3[%get3A_554, %get3A_555] : memref<1x1536xi32, #tpu.memory_space<smem>>
        %dma_start3A_557 = tpu.memref_slice %arg19[%select_n3A_41] : memref<2x!tpu.dma_semaphore, #tpu.memory_space<semaphore_mem>> -> memref<1x!tpu.dma_semaphore, #tpu.memory_space<semaphore_mem>>
        %dma_start3A_558 = tpu.memref_squeeze %dma_start3A_557 : memref<1x!tpu.dma_semaphore, #tpu.memory_space<semaphore_mem>> -> memref<!tpu.dma_semaphore, #tpu.memory_space<semaphore_mem>>
        %dma_start3A_559 = arith.constant 720 : i32
        %dma_start3A_560 = arith.constant 0 : i32
        %dma_start3A_561 = tpu.memref_slice %arg18[%select_n3A_41, %dma_start3A_559, %dma_start3A_560] : memref<2x1536x128xf32, #tpu.memory_space<vmem>> -> memref<1x22x128xf32, #tpu.memory_space<vmem>>
        %dma_start3A_562 = tpu.memref_squeeze %dma_start3A_561 : memref<1x22x128xf32, #tpu.memory_space<vmem>> -> memref<22x128xf32, #tpu.memory_space<vmem>>
        %dma_start3A_563 = arith.constant 0 : i32
        %dma_start3A_564 = arith.constant 0 : i32
        %dma_start3A_565 = tpu.memref_slice %arg4[%get3A_556, %dma_start3A_563, %dma_start3A_564] : memref<1024x22x128xf32, #tpu.memory_space<any>> -> memref<1x22x128xf32, #tpu.memory_space<any>>
        %dma_start3A_566 = tpu.memref_squeeze %dma_start3A_565 : memref<1x22x128xf32, #tpu.memory_space<any>> -> memref<22x128xf32, #tpu.memory_space<any>>
        tpu.enqueue_dma source(%dma_start3A_566 : memref<22x128xf32, #tpu.memory_space<any>>) target(%dma_start3A_562 : memref<22x128xf32, #tpu.memory_space<vmem>>) target_semaphore(%dma_start3A_558 : memref<!tpu.dma_semaphore, #tpu.memory_space<semaphore_mem>>)
        %mul3A_567 = arith.constant 64 : i32
        %mul3A_568 = arith.muli %add3A_22, %mul3A_567 : i32
        %add3A_569 = arith.constant 31 : i32
        %add3A_570 = arith.addi %mul3A_568, %add3A_569 : i32
        %get3A_571 = arith.constant 0 : index
        %get3A_572 = arith.index_cast %add3A_570 : i32 to index
        %get3A_573 = memref.load %arg3[%get3A_571, %get3A_572] : memref<1x1536xi32, #tpu.memory_space<smem>>
        %dma_start3A_574 = tpu.memref_slice %arg19[%select_n3A_41] : memref<2x!tpu.dma_semaphore, #tpu.memory_space<semaphore_mem>> -> memref<1x!tpu.dma_semaphore, #tpu.memory_space<semaphore_mem>>
        %dma_start3A_575 = tpu.memref_squeeze %dma_start3A_574 : memref<1x!tpu.dma_semaphore, #tpu.memory_space<semaphore_mem>> -> memref<!tpu.dma_semaphore, #tpu.memory_space<semaphore_mem>>
        %dma_start3A_576 = arith.constant 744 : i32
        %dma_start3A_577 = arith.constant 0 : i32
        %dma_start3A_578 = tpu.memref_slice %arg18[%select_n3A_41, %dma_start3A_576, %dma_start3A_577] : memref<2x1536x128xf32, #tpu.memory_space<vmem>> -> memref<1x22x128xf32, #tpu.memory_space<vmem>>
        %dma_start3A_579 = tpu.memref_squeeze %dma_start3A_578 : memref<1x22x128xf32, #tpu.memory_space<vmem>> -> memref<22x128xf32, #tpu.memory_space<vmem>>
        %dma_start3A_580 = arith.constant 0 : i32
        %dma_start3A_581 = arith.constant 0 : i32
        %dma_start3A_582 = tpu.memref_slice %arg4[%get3A_573, %dma_start3A_580, %dma_start3A_581] : memref<1024x22x128xf32, #tpu.memory_space<any>> -> memref<1x22x128xf32, #tpu.memory_space<any>>
        %dma_start3A_583 = tpu.memref_squeeze %dma_start3A_582 : memref<1x22x128xf32, #tpu.memory_space<any>> -> memref<22x128xf32, #tpu.memory_space<any>>
        tpu.enqueue_dma source(%dma_start3A_583 : memref<22x128xf32, #tpu.memory_space<any>>) target(%dma_start3A_579 : memref<22x128xf32, #tpu.memory_space<vmem>>) target_semaphore(%dma_start3A_575 : memref<!tpu.dma_semaphore, #tpu.memory_space<semaphore_mem>>)
        %mul3A_584 = arith.constant 64 : i32
        %mul3A_585 = arith.muli %add3A_22, %mul3A_584 : i32
        %add3A_586 = arith.constant 32 : i32
        %add3A_587 = arith.addi %mul3A_585, %add3A_586 : i32
        %get3A_588 = arith.constant 0 : index
        %get3A_589 = arith.index_cast %add3A_587 : i32 to index
        %get3A_590 = memref.load %arg3[%get3A_588, %get3A_589] : memref<1x1536xi32, #tpu.memory_space<smem>>
        %dma_start3A_591 = tpu.memref_slice %arg19[%select_n3A_41] : memref<2x!tpu.dma_semaphore, #tpu.memory_space<semaphore_mem>> -> memref<1x!tpu.dma_semaphore, #tpu.memory_space<semaphore_mem>>
        %dma_start3A_592 = tpu.memref_squeeze %dma_start3A_591 : memref<1x!tpu.dma_semaphore, #tpu.memory_space<semaphore_mem>> -> memref<!tpu.dma_semaphore, #tpu.memory_space<semaphore_mem>>
        %dma_start3A_593 = arith.constant 768 : i32
        %dma_start3A_594 = arith.constant 0 : i32
        %dma_start3A_595 = tpu.memref_slice %arg18[%select_n3A_41, %dma_start3A_593, %dma_start3A_594] : memref<2x1536x128xf32, #tpu.memory_space<vmem>> -> memref<1x22x128xf32, #tpu.memory_space<vmem>>
        %dma_start3A_596 = tpu.memref_squeeze %dma_start3A_595 : memref<1x22x128xf32, #tpu.memory_space<vmem>> -> memref<22x128xf32, #tpu.memory_space<vmem>>
        %dma_start3A_597 = arith.constant 0 : i32
        %dma_start3A_598 = arith.constant 0 : i32
        %dma_start3A_599 = tpu.memref_slice %arg4[%get3A_590, %dma_start3A_597, %dma_start3A_598] : memref<1024x22x128xf32, #tpu.memory_space<any>> -> memref<1x22x128xf32, #tpu.memory_space<any>>
        %dma_start3A_600 = tpu.memref_squeeze %dma_start3A_599 : memref<1x22x128xf32, #tpu.memory_space<any>> -> memref<22x128xf32, #tpu.memory_space<any>>
        tpu.enqueue_dma source(%dma_start3A_600 : memref<22x128xf32, #tpu.memory_space<any>>) target(%dma_start3A_596 : memref<22x128xf32, #tpu.memory_space<vmem>>) target_semaphore(%dma_start3A_592 : memref<!tpu.dma_semaphore, #tpu.memory_space<semaphore_mem>>)
        %mul3A_601 = arith.constant 64 : i32
        %mul3A_602 = arith.muli %add3A_22, %mul3A_601 : i32
        %add3A_603 = arith.constant 33 : i32
        %add3A_604 = arith.addi %mul3A_602, %add3A_603 : i32
        %get3A_605 = arith.constant 0 : index
        %get3A_606 = arith.index_cast %add3A_604 : i32 to index
        %get3A_607 = memref.load %arg3[%get3A_605, %get3A_606] : memref<1x1536xi32, #tpu.memory_space<smem>>
        %dma_start3A_608 = tpu.memref_slice %arg19[%select_n3A_41] : memref<2x!tpu.dma_semaphore, #tpu.memory_space<semaphore_mem>> -> memref<1x!tpu.dma_semaphore, #tpu.memory_space<semaphore_mem>>
        %dma_start3A_609 = tpu.memref_squeeze %dma_start3A_608 : memref<1x!tpu.dma_semaphore, #tpu.memory_space<semaphore_mem>> -> memref<!tpu.dma_semaphore, #tpu.memory_space<semaphore_mem>>
        %dma_start3A_610 = arith.constant 792 : i32
        %dma_start3A_611 = arith.constant 0 : i32
        %dma_start3A_612 = tpu.memref_slice %arg18[%select_n3A_41, %dma_start3A_610, %dma_start3A_611] : memref<2x1536x128xf32, #tpu.memory_space<vmem>> -> memref<1x22x128xf32, #tpu.memory_space<vmem>>
        %dma_start3A_613 = tpu.memref_squeeze %dma_start3A_612 : memref<1x22x128xf32, #tpu.memory_space<vmem>> -> memref<22x128xf32, #tpu.memory_space<vmem>>
        %dma_start3A_614 = arith.constant 0 : i32
        %dma_start3A_615 = arith.constant 0 : i32
        %dma_start3A_616 = tpu.memref_slice %arg4[%get3A_607, %dma_start3A_614, %dma_start3A_615] : memref<1024x22x128xf32, #tpu.memory_space<any>> -> memref<1x22x128xf32, #tpu.memory_space<any>>
        %dma_start3A_617 = tpu.memref_squeeze %dma_start3A_616 : memref<1x22x128xf32, #tpu.memory_space<any>> -> memref<22x128xf32, #tpu.memory_space<any>>
        tpu.enqueue_dma source(%dma_start3A_617 : memref<22x128xf32, #tpu.memory_space<any>>) target(%dma_start3A_613 : memref<22x128xf32, #tpu.memory_space<vmem>>) target_semaphore(%dma_start3A_609 : memref<!tpu.dma_semaphore, #tpu.memory_space<semaphore_mem>>)
        %mul3A_618 = arith.constant 64 : i32
        %mul3A_619 = arith.muli %add3A_22, %mul3A_618 : i32
        %add3A_620 = arith.constant 34 : i32
        %add3A_621 = arith.addi %mul3A_619, %add3A_620 : i32
        %get3A_622 = arith.constant 0 : index
        %get3A_623 = arith.index_cast %add3A_621 : i32 to index
        %get3A_624 = memref.load %arg3[%get3A_622, %get3A_623] : memref<1x1536xi32, #tpu.memory_space<smem>>
        %dma_start3A_625 = tpu.memref_slice %arg19[%select_n3A_41] : memref<2x!tpu.dma_semaphore, #tpu.memory_space<semaphore_mem>> -> memref<1x!tpu.dma_semaphore, #tpu.memory_space<semaphore_mem>>
        %dma_start3A_626 = tpu.memref_squeeze %dma_start3A_625 : memref<1x!tpu.dma_semaphore, #tpu.memory_space<semaphore_mem>> -> memref<!tpu.dma_semaphore, #tpu.memory_space<semaphore_mem>>
        %dma_start3A_627 = arith.constant 816 : i32
        %dma_start3A_628 = arith.constant 0 : i32
        %dma_start3A_629 = tpu.memref_slice %arg18[%select_n3A_41, %dma_start3A_627, %dma_start3A_628] : memref<2x1536x128xf32, #tpu.memory_space<vmem>> -> memref<1x22x128xf32, #tpu.memory_space<vmem>>
        %dma_start3A_630 = tpu.memref_squeeze %dma_start3A_629 : memref<1x22x128xf32, #tpu.memory_space<vmem>> -> memref<22x128xf32, #tpu.memory_space<vmem>>
        %dma_start3A_631 = arith.constant 0 : i32
        %dma_start3A_632 = arith.constant 0 : i32
        %dma_start3A_633 = tpu.memref_slice %arg4[%get3A_624, %dma_start3A_631, %dma_start3A_632] : memref<1024x22x128xf32, #tpu.memory_space<any>> -> memref<1x22x128xf32, #tpu.memory_space<any>>
        %dma_start3A_634 = tpu.memref_squeeze %dma_start3A_633 : memref<1x22x128xf32, #tpu.memory_space<any>> -> memref<22x128xf32, #tpu.memory_space<any>>
        tpu.enqueue_dma source(%dma_start3A_634 : memref<22x128xf32, #tpu.memory_space<any>>) target(%dma_start3A_630 : memref<22x128xf32, #tpu.memory_space<vmem>>) target_semaphore(%dma_start3A_626 : memref<!tpu.dma_semaphore, #tpu.memory_space<semaphore_mem>>)
        %mul3A_635 = arith.constant 64 : i32
        %mul3A_636 = arith.muli %add3A_22, %mul3A_635 : i32
        %add3A_637 = arith.constant 35 : i32
        %add3A_638 = arith.addi %mul3A_636, %add3A_637 : i32
        %get3A_639 = arith.constant 0 : index
        %get3A_640 = arith.index_cast %add3A_638 : i32 to index
        %get3A_641 = memref.load %arg3[%get3A_639, %get3A_640] : memref<1x1536xi32, #tpu.memory_space<smem>>
        %dma_start3A_642 = tpu.memref_slice %arg19[%select_n3A_41] : memref<2x!tpu.dma_semaphore, #tpu.memory_space<semaphore_mem>> -> memref<1x!tpu.dma_semaphore, #tpu.memory_space<semaphore_mem>>
        %dma_start3A_643 = tpu.memref_squeeze %dma_start3A_642 : memref<1x!tpu.dma_semaphore, #tpu.memory_space<semaphore_mem>> -> memref<!tpu.dma_semaphore, #tpu.memory_space<semaphore_mem>>
        %dma_start3A_644 = arith.constant 840 : i32
        %dma_start3A_645 = arith.constant 0 : i32
        %dma_start3A_646 = tpu.memref_slice %arg18[%select_n3A_41, %dma_start3A_644, %dma_start3A_645] : memref<2x1536x128xf32, #tpu.memory_space<vmem>> -> memref<1x22x128xf32, #tpu.memory_space<vmem>>
        %dma_start3A_647 = tpu.memref_squeeze %dma_start3A_646 : memref<1x22x128xf32, #tpu.memory_space<vmem>> -> memref<22x128xf32, #tpu.memory_space<vmem>>
        %dma_start3A_648 = arith.constant 0 : i32
        %dma_start3A_649 = arith.constant 0 : i32
        %dma_start3A_650 = tpu.memref_slice %arg4[%get3A_641, %dma_start3A_648, %dma_start3A_649] : memref<1024x22x128xf32, #tpu.memory_space<any>> -> memref<1x22x128xf32, #tpu.memory_space<any>>
        %dma_start3A_651 = tpu.memref_squeeze %dma_start3A_650 : memref<1x22x128xf32, #tpu.memory_space<any>> -> memref<22x128xf32, #tpu.memory_space<any>>
        tpu.enqueue_dma source(%dma_start3A_651 : memref<22x128xf32, #tpu.memory_space<any>>) target(%dma_start3A_647 : memref<22x128xf32, #tpu.memory_space<vmem>>) target_semaphore(%dma_start3A_643 : memref<!tpu.dma_semaphore, #tpu.memory_space<semaphore_mem>>)
        %mul3A_652 = arith.constant 64 : i32
        %mul3A_653 = arith.muli %add3A_22, %mul3A_652 : i32
        %add3A_654 = arith.constant 36 : i32
        %add3A_655 = arith.addi %mul3A_653, %add3A_654 : i32
        %get3A_656 = arith.constant 0 : index
        %get3A_657 = arith.index_cast %add3A_655 : i32 to index
        %get3A_658 = memref.load %arg3[%get3A_656, %get3A_657] : memref<1x1536xi32, #tpu.memory_space<smem>>
        %dma_start3A_659 = tpu.memref_slice %arg19[%select_n3A_41] : memref<2x!tpu.dma_semaphore, #tpu.memory_space<semaphore_mem>> -> memref<1x!tpu.dma_semaphore, #tpu.memory_space<semaphore_mem>>
        %dma_start3A_660 = tpu.memref_squeeze %dma_start3A_659 : memref<1x!tpu.dma_semaphore, #tpu.memory_space<semaphore_mem>> -> memref<!tpu.dma_semaphore, #tpu.memory_space<semaphore_mem>>
        %dma_start3A_661 = arith.constant 864 : i32
        %dma_start3A_662 = arith.constant 0 : i32
        %dma_start3A_663 = tpu.memref_slice %arg18[%select_n3A_41, %dma_start3A_661, %dma_start3A_662] : memref<2x1536x128xf32, #tpu.memory_space<vmem>> -> memref<1x22x128xf32, #tpu.memory_space<vmem>>
        %dma_start3A_664 = tpu.memref_squeeze %dma_start3A_663 : memref<1x22x128xf32, #tpu.memory_space<vmem>> -> memref<22x128xf32, #tpu.memory_space<vmem>>
        %dma_start3A_665 = arith.constant 0 : i32
        %dma_start3A_666 = arith.constant 0 : i32
        %dma_start3A_667 = tpu.memref_slice %arg4[%get3A_658, %dma_start3A_665, %dma_start3A_666] : memref<1024x22x128xf32, #tpu.memory_space<any>> -> memref<1x22x128xf32, #tpu.memory_space<any>>
        %dma_start3A_668 = tpu.memref_squeeze %dma_start3A_667 : memref<1x22x128xf32, #tpu.memory_space<any>> -> memref<22x128xf32, #tpu.memory_space<any>>
        tpu.enqueue_dma source(%dma_start3A_668 : memref<22x128xf32, #tpu.memory_space<any>>) target(%dma_start3A_664 : memref<22x128xf32, #tpu.memory_space<vmem>>) target_semaphore(%dma_start3A_660 : memref<!tpu.dma_semaphore, #tpu.memory_space<semaphore_mem>>)
        %mul3A_669 = arith.constant 64 : i32
        %mul3A_670 = arith.muli %add3A_22, %mul3A_669 : i32
        %add3A_671 = arith.constant 37 : i32
        %add3A_672 = arith.addi %mul3A_670, %add3A_671 : i32
        %get3A_673 = arith.constant 0 : index
        %get3A_674 = arith.index_cast %add3A_672 : i32 to index
        %get3A_675 = memref.load %arg3[%get3A_673, %get3A_674] : memref<1x1536xi32, #tpu.memory_space<smem>>
        %dma_start3A_676 = tpu.memref_slice %arg19[%select_n3A_41] : memref<2x!tpu.dma_semaphore, #tpu.memory_space<semaphore_mem>> -> memref<1x!tpu.dma_semaphore, #tpu.memory_space<semaphore_mem>>
        %dma_start3A_677 = tpu.memref_squeeze %dma_start3A_676 : memref<1x!tpu.dma_semaphore, #tpu.memory_space<semaphore_mem>> -> memref<!tpu.dma_semaphore, #tpu.memory_space<semaphore_mem>>
        %dma_start3A_678 = arith.constant 888 : i32
        %dma_start3A_679 = arith.constant 0 : i32
        %dma_start3A_680 = tpu.memref_slice %arg18[%select_n3A_41, %dma_start3A_678, %dma_start3A_679] : memref<2x1536x128xf32, #tpu.memory_space<vmem>> -> memref<1x22x128xf32, #tpu.memory_space<vmem>>
        %dma_start3A_681 = tpu.memref_squeeze %dma_start3A_680 : memref<1x22x128xf32, #tpu.memory_space<vmem>> -> memref<22x128xf32, #tpu.memory_space<vmem>>
        %dma_start3A_682 = arith.constant 0 : i32
        %dma_start3A_683 = arith.constant 0 : i32
        %dma_start3A_684 = tpu.memref_slice %arg4[%get3A_675, %dma_start3A_682, %dma_start3A_683] : memref<1024x22x128xf32, #tpu.memory_space<any>> -> memref<1x22x128xf32, #tpu.memory_space<any>>
        %dma_start3A_685 = tpu.memref_squeeze %dma_start3A_684 : memref<1x22x128xf32, #tpu.memory_space<any>> -> memref<22x128xf32, #tpu.memory_space<any>>
        tpu.enqueue_dma source(%dma_start3A_685 : memref<22x128xf32, #tpu.memory_space<any>>) target(%dma_start3A_681 : memref<22x128xf32, #tpu.memory_space<vmem>>) target_semaphore(%dma_start3A_677 : memref<!tpu.dma_semaphore, #tpu.memory_space<semaphore_mem>>)
        %mul3A_686 = arith.constant 64 : i32
        %mul3A_687 = arith.muli %add3A_22, %mul3A_686 : i32
        %add3A_688 = arith.constant 38 : i32
        %add3A_689 = arith.addi %mul3A_687, %add3A_688 : i32
        %get3A_690 = arith.constant 0 : index
        %get3A_691 = arith.index_cast %add3A_689 : i32 to index
        %get3A_692 = memref.load %arg3[%get3A_690, %get3A_691] : memref<1x1536xi32, #tpu.memory_space<smem>>
        %dma_start3A_693 = tpu.memref_slice %arg19[%select_n3A_41] : memref<2x!tpu.dma_semaphore, #tpu.memory_space<semaphore_mem>> -> memref<1x!tpu.dma_semaphore, #tpu.memory_space<semaphore_mem>>
        %dma_start3A_694 = tpu.memref_squeeze %dma_start3A_693 : memref<1x!tpu.dma_semaphore, #tpu.memory_space<semaphore_mem>> -> memref<!tpu.dma_semaphore, #tpu.memory_space<semaphore_mem>>
        %dma_start3A_695 = arith.constant 912 : i32
        %dma_start3A_696 = arith.constant 0 : i32
        %dma_start3A_697 = tpu.memref_slice %arg18[%select_n3A_41, %dma_start3A_695, %dma_start3A_696] : memref<2x1536x128xf32, #tpu.memory_space<vmem>> -> memref<1x22x128xf32, #tpu.memory_space<vmem>>
        %dma_start3A_698 = tpu.memref_squeeze %dma_start3A_697 : memref<1x22x128xf32, #tpu.memory_space<vmem>> -> memref<22x128xf32, #tpu.memory_space<vmem>>
        %dma_start3A_699 = arith.constant 0 : i32
        %dma_start3A_700 = arith.constant 0 : i32
        %dma_start3A_701 = tpu.memref_slice %arg4[%get3A_692, %dma_start3A_699, %dma_start3A_700] : memref<1024x22x128xf32, #tpu.memory_space<any>> -> memref<1x22x128xf32, #tpu.memory_space<any>>
        %dma_start3A_702 = tpu.memref_squeeze %dma_start3A_701 : memref<1x22x128xf32, #tpu.memory_space<any>> -> memref<22x128xf32, #tpu.memory_space<any>>
        tpu.enqueue_dma source(%dma_start3A_702 : memref<22x128xf32, #tpu.memory_space<any>>) target(%dma_start3A_698 : memref<22x128xf32, #tpu.memory_space<vmem>>) target_semaphore(%dma_start3A_694 : memref<!tpu.dma_semaphore, #tpu.memory_space<semaphore_mem>>)
        %mul3A_703 = arith.constant 64 : i32
        %mul3A_704 = arith.muli %add3A_22, %mul3A_703 : i32
        %add3A_705 = arith.constant 39 : i32
        %add3A_706 = arith.addi %mul3A_704, %add3A_705 : i32
        %get3A_707 = arith.constant 0 : index
        %get3A_708 = arith.index_cast %add3A_706 : i32 to index
        %get3A_709 = memref.load %arg3[%get3A_707, %get3A_708] : memref<1x1536xi32, #tpu.memory_space<smem>>
        %dma_start3A_710 = tpu.memref_slice %arg19[%select_n3A_41] : memref<2x!tpu.dma_semaphore, #tpu.memory_space<semaphore_mem>> -> memref<1x!tpu.dma_semaphore, #tpu.memory_space<semaphore_mem>>
        %dma_start3A_711 = tpu.memref_squeeze %dma_start3A_710 : memref<1x!tpu.dma_semaphore, #tpu.memory_space<semaphore_mem>> -> memref<!tpu.dma_semaphore, #tpu.memory_space<semaphore_mem>>
        %dma_start3A_712 = arith.constant 936 : i32
        %dma_start3A_713 = arith.constant 0 : i32
        %dma_start3A_714 = tpu.memref_slice %arg18[%select_n3A_41, %dma_start3A_712, %dma_start3A_713] : memref<2x1536x128xf32, #tpu.memory_space<vmem>> -> memref<1x22x128xf32, #tpu.memory_space<vmem>>
        %dma_start3A_715 = tpu.memref_squeeze %dma_start3A_714 : memref<1x22x128xf32, #tpu.memory_space<vmem>> -> memref<22x128xf32, #tpu.memory_space<vmem>>
        %dma_start3A_716 = arith.constant 0 : i32
        %dma_start3A_717 = arith.constant 0 : i32
        %dma_start3A_718 = tpu.memref_slice %arg4[%get3A_709, %dma_start3A_716, %dma_start3A_717] : memref<1024x22x128xf32, #tpu.memory_space<any>> -> memref<1x22x128xf32, #tpu.memory_space<any>>
        %dma_start3A_719 = tpu.memref_squeeze %dma_start3A_718 : memref<1x22x128xf32, #tpu.memory_space<any>> -> memref<22x128xf32, #tpu.memory_space<any>>
        tpu.enqueue_dma source(%dma_start3A_719 : memref<22x128xf32, #tpu.memory_space<any>>) target(%dma_start3A_715 : memref<22x128xf32, #tpu.memory_space<vmem>>) target_semaphore(%dma_start3A_711 : memref<!tpu.dma_semaphore, #tpu.memory_space<semaphore_mem>>)
        %mul3A_720 = arith.constant 64 : i32
        %mul3A_721 = arith.muli %add3A_22, %mul3A_720 : i32
        %add3A_722 = arith.constant 40 : i32
        %add3A_723 = arith.addi %mul3A_721, %add3A_722 : i32
        %get3A_724 = arith.constant 0 : index
        %get3A_725 = arith.index_cast %add3A_723 : i32 to index
        %get3A_726 = memref.load %arg3[%get3A_724, %get3A_725] : memref<1x1536xi32, #tpu.memory_space<smem>>
        %dma_start3A_727 = tpu.memref_slice %arg19[%select_n3A_41] : memref<2x!tpu.dma_semaphore, #tpu.memory_space<semaphore_mem>> -> memref<1x!tpu.dma_semaphore, #tpu.memory_space<semaphore_mem>>
        %dma_start3A_728 = tpu.memref_squeeze %dma_start3A_727 : memref<1x!tpu.dma_semaphore, #tpu.memory_space<semaphore_mem>> -> memref<!tpu.dma_semaphore, #tpu.memory_space<semaphore_mem>>
        %dma_start3A_729 = arith.constant 960 : i32
        %dma_start3A_730 = arith.constant 0 : i32
        %dma_start3A_731 = tpu.memref_slice %arg18[%select_n3A_41, %dma_start3A_729, %dma_start3A_730] : memref<2x1536x128xf32, #tpu.memory_space<vmem>> -> memref<1x22x128xf32, #tpu.memory_space<vmem>>
        %dma_start3A_732 = tpu.memref_squeeze %dma_start3A_731 : memref<1x22x128xf32, #tpu.memory_space<vmem>> -> memref<22x128xf32, #tpu.memory_space<vmem>>
        %dma_start3A_733 = arith.constant 0 : i32
        %dma_start3A_734 = arith.constant 0 : i32
        %dma_start3A_735 = tpu.memref_slice %arg4[%get3A_726, %dma_start3A_733, %dma_start3A_734] : memref<1024x22x128xf32, #tpu.memory_space<any>> -> memref<1x22x128xf32, #tpu.memory_space<any>>
        %dma_start3A_736 = tpu.memref_squeeze %dma_start3A_735 : memref<1x22x128xf32, #tpu.memory_space<any>> -> memref<22x128xf32, #tpu.memory_space<any>>
        tpu.enqueue_dma source(%dma_start3A_736 : memref<22x128xf32, #tpu.memory_space<any>>) target(%dma_start3A_732 : memref<22x128xf32, #tpu.memory_space<vmem>>) target_semaphore(%dma_start3A_728 : memref<!tpu.dma_semaphore, #tpu.memory_space<semaphore_mem>>)
        %mul3A_737 = arith.constant 64 : i32
        %mul3A_738 = arith.muli %add3A_22, %mul3A_737 : i32
        %add3A_739 = arith.constant 41 : i32
        %add3A_740 = arith.addi %mul3A_738, %add3A_739 : i32
        %get3A_741 = arith.constant 0 : index
        %get3A_742 = arith.index_cast %add3A_740 : i32 to index
        %get3A_743 = memref.load %arg3[%get3A_741, %get3A_742] : memref<1x1536xi32, #tpu.memory_space<smem>>
        %dma_start3A_744 = tpu.memref_slice %arg19[%select_n3A_41] : memref<2x!tpu.dma_semaphore, #tpu.memory_space<semaphore_mem>> -> memref<1x!tpu.dma_semaphore, #tpu.memory_space<semaphore_mem>>
        %dma_start3A_745 = tpu.memref_squeeze %dma_start3A_744 : memref<1x!tpu.dma_semaphore, #tpu.memory_space<semaphore_mem>> -> memref<!tpu.dma_semaphore, #tpu.memory_space<semaphore_mem>>
        %dma_start3A_746 = arith.constant 984 : i32
        %dma_start3A_747 = arith.constant 0 : i32
        %dma_start3A_748 = tpu.memref_slice %arg18[%select_n3A_41, %dma_start3A_746, %dma_start3A_747] : memref<2x1536x128xf32, #tpu.memory_space<vmem>> -> memref<1x22x128xf32, #tpu.memory_space<vmem>>
        %dma_start3A_749 = tpu.memref_squeeze %dma_start3A_748 : memref<1x22x128xf32, #tpu.memory_space<vmem>> -> memref<22x128xf32, #tpu.memory_space<vmem>>
        %dma_start3A_750 = arith.constant 0 : i32
        %dma_start3A_751 = arith.constant 0 : i32
        %dma_start3A_752 = tpu.memref_slice %arg4[%get3A_743, %dma_start3A_750, %dma_start3A_751] : memref<1024x22x128xf32, #tpu.memory_space<any>> -> memref<1x22x128xf32, #tpu.memory_space<any>>
        %dma_start3A_753 = tpu.memref_squeeze %dma_start3A_752 : memref<1x22x128xf32, #tpu.memory_space<any>> -> memref<22x128xf32, #tpu.memory_space<any>>
        tpu.enqueue_dma source(%dma_start3A_753 : memref<22x128xf32, #tpu.memory_space<any>>) target(%dma_start3A_749 : memref<22x128xf32, #tpu.memory_space<vmem>>) target_semaphore(%dma_start3A_745 : memref<!tpu.dma_semaphore, #tpu.memory_space<semaphore_mem>>)
        %mul3A_754 = arith.constant 64 : i32
        %mul3A_755 = arith.muli %add3A_22, %mul3A_754 : i32
        %add3A_756 = arith.constant 42 : i32
        %add3A_757 = arith.addi %mul3A_755, %add3A_756 : i32
        %get3A_758 = arith.constant 0 : index
        %get3A_759 = arith.index_cast %add3A_757 : i32 to index
        %get3A_760 = memref.load %arg3[%get3A_758, %get3A_759] : memref<1x1536xi32, #tpu.memory_space<smem>>
        %dma_start3A_761 = tpu.memref_slice %arg19[%select_n3A_41] : memref<2x!tpu.dma_semaphore, #tpu.memory_space<semaphore_mem>> -> memref<1x!tpu.dma_semaphore, #tpu.memory_space<semaphore_mem>>
        %dma_start3A_762 = tpu.memref_squeeze %dma_start3A_761 : memref<1x!tpu.dma_semaphore, #tpu.memory_space<semaphore_mem>> -> memref<!tpu.dma_semaphore, #tpu.memory_space<semaphore_mem>>
        %dma_start3A_763 = arith.constant 1008 : i32
        %dma_start3A_764 = arith.constant 0 : i32
        %dma_start3A_765 = tpu.memref_slice %arg18[%select_n3A_41, %dma_start3A_763, %dma_start3A_764] : memref<2x1536x128xf32, #tpu.memory_space<vmem>> -> memref<1x22x128xf32, #tpu.memory_space<vmem>>
        %dma_start3A_766 = tpu.memref_squeeze %dma_start3A_765 : memref<1x22x128xf32, #tpu.memory_space<vmem>> -> memref<22x128xf32, #tpu.memory_space<vmem>>
        %dma_start3A_767 = arith.constant 0 : i32
        %dma_start3A_768 = arith.constant 0 : i32
        %dma_start3A_769 = tpu.memref_slice %arg4[%get3A_760, %dma_start3A_767, %dma_start3A_768] : memref<1024x22x128xf32, #tpu.memory_space<any>> -> memref<1x22x128xf32, #tpu.memory_space<any>>
        %dma_start3A_770 = tpu.memref_squeeze %dma_start3A_769 : memref<1x22x128xf32, #tpu.memory_space<any>> -> memref<22x128xf32, #tpu.memory_space<any>>
        tpu.enqueue_dma source(%dma_start3A_770 : memref<22x128xf32, #tpu.memory_space<any>>) target(%dma_start3A_766 : memref<22x128xf32, #tpu.memory_space<vmem>>) target_semaphore(%dma_start3A_762 : memref<!tpu.dma_semaphore, #tpu.memory_space<semaphore_mem>>)
        %mul3A_771 = arith.constant 64 : i32
        %mul3A_772 = arith.muli %add3A_22, %mul3A_771 : i32
        %add3A_773 = arith.constant 43 : i32
        %add3A_774 = arith.addi %mul3A_772, %add3A_773 : i32
        %get3A_775 = arith.constant 0 : index
        %get3A_776 = arith.index_cast %add3A_774 : i32 to index
        %get3A_777 = memref.load %arg3[%get3A_775, %get3A_776] : memref<1x1536xi32, #tpu.memory_space<smem>>
        %dma_start3A_778 = tpu.memref_slice %arg19[%select_n3A_41] : memref<2x!tpu.dma_semaphore, #tpu.memory_space<semaphore_mem>> -> memref<1x!tpu.dma_semaphore, #tpu.memory_space<semaphore_mem>>
        %dma_start3A_779 = tpu.memref_squeeze %dma_start3A_778 : memref<1x!tpu.dma_semaphore, #tpu.memory_space<semaphore_mem>> -> memref<!tpu.dma_semaphore, #tpu.memory_space<semaphore_mem>>
        %dma_start3A_780 = arith.constant 1032 : i32
        %dma_start3A_781 = arith.constant 0 : i32
        %dma_start3A_782 = tpu.memref_slice %arg18[%select_n3A_41, %dma_start3A_780, %dma_start3A_781] : memref<2x1536x128xf32, #tpu.memory_space<vmem>> -> memref<1x22x128xf32, #tpu.memory_space<vmem>>
        %dma_start3A_783 = tpu.memref_squeeze %dma_start3A_782 : memref<1x22x128xf32, #tpu.memory_space<vmem>> -> memref<22x128xf32, #tpu.memory_space<vmem>>
        %dma_start3A_784 = arith.constant 0 : i32
        %dma_start3A_785 = arith.constant 0 : i32
        %dma_start3A_786 = tpu.memref_slice %arg4[%get3A_777, %dma_start3A_784, %dma_start3A_785] : memref<1024x22x128xf32, #tpu.memory_space<any>> -> memref<1x22x128xf32, #tpu.memory_space<any>>
        %dma_start3A_787 = tpu.memref_squeeze %dma_start3A_786 : memref<1x22x128xf32, #tpu.memory_space<any>> -> memref<22x128xf32, #tpu.memory_space<any>>
        tpu.enqueue_dma source(%dma_start3A_787 : memref<22x128xf32, #tpu.memory_space<any>>) target(%dma_start3A_783 : memref<22x128xf32, #tpu.memory_space<vmem>>) target_semaphore(%dma_start3A_779 : memref<!tpu.dma_semaphore, #tpu.memory_space<semaphore_mem>>)
        %mul3A_788 = arith.constant 64 : i32
        %mul3A_789 = arith.muli %add3A_22, %mul3A_788 : i32
        %add3A_790 = arith.constant 44 : i32
        %add3A_791 = arith.addi %mul3A_789, %add3A_790 : i32
        %get3A_792 = arith.constant 0 : index
        %get3A_793 = arith.index_cast %add3A_791 : i32 to index
        %get3A_794 = memref.load %arg3[%get3A_792, %get3A_793] : memref<1x1536xi32, #tpu.memory_space<smem>>
        %dma_start3A_795 = tpu.memref_slice %arg19[%select_n3A_41] : memref<2x!tpu.dma_semaphore, #tpu.memory_space<semaphore_mem>> -> memref<1x!tpu.dma_semaphore, #tpu.memory_space<semaphore_mem>>
        %dma_start3A_796 = tpu.memref_squeeze %dma_start3A_795 : memref<1x!tpu.dma_semaphore, #tpu.memory_space<semaphore_mem>> -> memref<!tpu.dma_semaphore, #tpu.memory_space<semaphore_mem>>
        %dma_start3A_797 = arith.constant 1056 : i32
        %dma_start3A_798 = arith.constant 0 : i32
        %dma_start3A_799 = tpu.memref_slice %arg18[%select_n3A_41, %dma_start3A_797, %dma_start3A_798] : memref<2x1536x128xf32, #tpu.memory_space<vmem>> -> memref<1x22x128xf32, #tpu.memory_space<vmem>>
        %dma_start3A_800 = tpu.memref_squeeze %dma_start3A_799 : memref<1x22x128xf32, #tpu.memory_space<vmem>> -> memref<22x128xf32, #tpu.memory_space<vmem>>
        %dma_start3A_801 = arith.constant 0 : i32
        %dma_start3A_802 = arith.constant 0 : i32
        %dma_start3A_803 = tpu.memref_slice %arg4[%get3A_794, %dma_start3A_801, %dma_start3A_802] : memref<1024x22x128xf32, #tpu.memory_space<any>> -> memref<1x22x128xf32, #tpu.memory_space<any>>
        %dma_start3A_804 = tpu.memref_squeeze %dma_start3A_803 : memref<1x22x128xf32, #tpu.memory_space<any>> -> memref<22x128xf32, #tpu.memory_space<any>>
        tpu.enqueue_dma source(%dma_start3A_804 : memref<22x128xf32, #tpu.memory_space<any>>) target(%dma_start3A_800 : memref<22x128xf32, #tpu.memory_space<vmem>>) target_semaphore(%dma_start3A_796 : memref<!tpu.dma_semaphore, #tpu.memory_space<semaphore_mem>>)
        %mul3A_805 = arith.constant 64 : i32
        %mul3A_806 = arith.muli %add3A_22, %mul3A_805 : i32
        %add3A_807 = arith.constant 45 : i32
        %add3A_808 = arith.addi %mul3A_806, %add3A_807 : i32
        %get3A_809 = arith.constant 0 : index
        %get3A_810 = arith.index_cast %add3A_808 : i32 to index
        %get3A_811 = memref.load %arg3[%get3A_809, %get3A_810] : memref<1x1536xi32, #tpu.memory_space<smem>>
        %dma_start3A_812 = tpu.memref_slice %arg19[%select_n3A_41] : memref<2x!tpu.dma_semaphore, #tpu.memory_space<semaphore_mem>> -> memref<1x!tpu.dma_semaphore, #tpu.memory_space<semaphore_mem>>
        %dma_start3A_813 = tpu.memref_squeeze %dma_start3A_812 : memref<1x!tpu.dma_semaphore, #tpu.memory_space<semaphore_mem>> -> memref<!tpu.dma_semaphore, #tpu.memory_space<semaphore_mem>>
        %dma_start3A_814 = arith.constant 1080 : i32
        %dma_start3A_815 = arith.constant 0 : i32
        %dma_start3A_816 = tpu.memref_slice %arg18[%select_n3A_41, %dma_start3A_814, %dma_start3A_815] : memref<2x1536x128xf32, #tpu.memory_space<vmem>> -> memref<1x22x128xf32, #tpu.memory_space<vmem>>
        %dma_start3A_817 = tpu.memref_squeeze %dma_start3A_816 : memref<1x22x128xf32, #tpu.memory_space<vmem>> -> memref<22x128xf32, #tpu.memory_space<vmem>>
        %dma_start3A_818 = arith.constant 0 : i32
        %dma_start3A_819 = arith.constant 0 : i32
        %dma_start3A_820 = tpu.memref_slice %arg4[%get3A_811, %dma_start3A_818, %dma_start3A_819] : memref<1024x22x128xf32, #tpu.memory_space<any>> -> memref<1x22x128xf32, #tpu.memory_space<any>>
        %dma_start3A_821 = tpu.memref_squeeze %dma_start3A_820 : memref<1x22x128xf32, #tpu.memory_space<any>> -> memref<22x128xf32, #tpu.memory_space<any>>
        tpu.enqueue_dma source(%dma_start3A_821 : memref<22x128xf32, #tpu.memory_space<any>>) target(%dma_start3A_817 : memref<22x128xf32, #tpu.memory_space<vmem>>) target_semaphore(%dma_start3A_813 : memref<!tpu.dma_semaphore, #tpu.memory_space<semaphore_mem>>)
        %mul3A_822 = arith.constant 64 : i32
        %mul3A_823 = arith.muli %add3A_22, %mul3A_822 : i32
        %add3A_824 = arith.constant 46 : i32
        %add3A_825 = arith.addi %mul3A_823, %add3A_824 : i32
        %get3A_826 = arith.constant 0 : index
        %get3A_827 = arith.index_cast %add3A_825 : i32 to index
        %get3A_828 = memref.load %arg3[%get3A_826, %get3A_827] : memref<1x1536xi32, #tpu.memory_space<smem>>
        %dma_start3A_829 = tpu.memref_slice %arg19[%select_n3A_41] : memref<2x!tpu.dma_semaphore, #tpu.memory_space<semaphore_mem>> -> memref<1x!tpu.dma_semaphore, #tpu.memory_space<semaphore_mem>>
        %dma_start3A_830 = tpu.memref_squeeze %dma_start3A_829 : memref<1x!tpu.dma_semaphore, #tpu.memory_space<semaphore_mem>> -> memref<!tpu.dma_semaphore, #tpu.memory_space<semaphore_mem>>
        %dma_start3A_831 = arith.constant 1104 : i32
        %dma_start3A_832 = arith.constant 0 : i32
        %dma_start3A_833 = tpu.memref_slice %arg18[%select_n3A_41, %dma_start3A_831, %dma_start3A_832] : memref<2x1536x128xf32, #tpu.memory_space<vmem>> -> memref<1x22x128xf32, #tpu.memory_space<vmem>>
        %dma_start3A_834 = tpu.memref_squeeze %dma_start3A_833 : memref<1x22x128xf32, #tpu.memory_space<vmem>> -> memref<22x128xf32, #tpu.memory_space<vmem>>
        %dma_start3A_835 = arith.constant 0 : i32
        %dma_start3A_836 = arith.constant 0 : i32
        %dma_start3A_837 = tpu.memref_slice %arg4[%get3A_828, %dma_start3A_835, %dma_start3A_836] : memref<1024x22x128xf32, #tpu.memory_space<any>> -> memref<1x22x128xf32, #tpu.memory_space<any>>
        %dma_start3A_838 = tpu.memref_squeeze %dma_start3A_837 : memref<1x22x128xf32, #tpu.memory_space<any>> -> memref<22x128xf32, #tpu.memory_space<any>>
        tpu.enqueue_dma source(%dma_start3A_838 : memref<22x128xf32, #tpu.memory_space<any>>) target(%dma_start3A_834 : memref<22x128xf32, #tpu.memory_space<vmem>>) target_semaphore(%dma_start3A_830 : memref<!tpu.dma_semaphore, #tpu.memory_space<semaphore_mem>>)
        %mul3A_839 = arith.constant 64 : i32
        %mul3A_840 = arith.muli %add3A_22, %mul3A_839 : i32
        %add3A_841 = arith.constant 47 : i32
        %add3A_842 = arith.addi %mul3A_840, %add3A_841 : i32
        %get3A_843 = arith.constant 0 : index
        %get3A_844 = arith.index_cast %add3A_842 : i32 to index
        %get3A_845 = memref.load %arg3[%get3A_843, %get3A_844] : memref<1x1536xi32, #tpu.memory_space<smem>>
        %dma_start3A_846 = tpu.memref_slice %arg19[%select_n3A_41] : memref<2x!tpu.dma_semaphore, #tpu.memory_space<semaphore_mem>> -> memref<1x!tpu.dma_semaphore, #tpu.memory_space<semaphore_mem>>
        %dma_start3A_847 = tpu.memref_squeeze %dma_start3A_846 : memref<1x!tpu.dma_semaphore, #tpu.memory_space<semaphore_mem>> -> memref<!tpu.dma_semaphore, #tpu.memory_space<semaphore_mem>>
        %dma_start3A_848 = arith.constant 1128 : i32
        %dma_start3A_849 = arith.constant 0 : i32
        %dma_start3A_850 = tpu.memref_slice %arg18[%select_n3A_41, %dma_start3A_848, %dma_start3A_849] : memref<2x1536x128xf32, #tpu.memory_space<vmem>> -> memref<1x22x128xf32, #tpu.memory_space<vmem>>
        %dma_start3A_851 = tpu.memref_squeeze %dma_start3A_850 : memref<1x22x128xf32, #tpu.memory_space<vmem>> -> memref<22x128xf32, #tpu.memory_space<vmem>>
        %dma_start3A_852 = arith.constant 0 : i32
        %dma_start3A_853 = arith.constant 0 : i32
        %dma_start3A_854 = tpu.memref_slice %arg4[%get3A_845, %dma_start3A_852, %dma_start3A_853] : memref<1024x22x128xf32, #tpu.memory_space<any>> -> memref<1x22x128xf32, #tpu.memory_space<any>>
        %dma_start3A_855 = tpu.memref_squeeze %dma_start3A_854 : memref<1x22x128xf32, #tpu.memory_space<any>> -> memref<22x128xf32, #tpu.memory_space<any>>
        tpu.enqueue_dma source(%dma_start3A_855 : memref<22x128xf32, #tpu.memory_space<any>>) target(%dma_start3A_851 : memref<22x128xf32, #tpu.memory_space<vmem>>) target_semaphore(%dma_start3A_847 : memref<!tpu.dma_semaphore, #tpu.memory_space<semaphore_mem>>)
        %mul3A_856 = arith.constant 64 : i32
        %mul3A_857 = arith.muli %add3A_22, %mul3A_856 : i32
        %add3A_858 = arith.constant 48 : i32
        %add3A_859 = arith.addi %mul3A_857, %add3A_858 : i32
        %get3A_860 = arith.constant 0 : index
        %get3A_861 = arith.index_cast %add3A_859 : i32 to index
        %get3A_862 = memref.load %arg3[%get3A_860, %get3A_861] : memref<1x1536xi32, #tpu.memory_space<smem>>
        %dma_start3A_863 = tpu.memref_slice %arg19[%select_n3A_41] : memref<2x!tpu.dma_semaphore, #tpu.memory_space<semaphore_mem>> -> memref<1x!tpu.dma_semaphore, #tpu.memory_space<semaphore_mem>>
        %dma_start3A_864 = tpu.memref_squeeze %dma_start3A_863 : memref<1x!tpu.dma_semaphore, #tpu.memory_space<semaphore_mem>> -> memref<!tpu.dma_semaphore, #tpu.memory_space<semaphore_mem>>
        %dma_start3A_865 = arith.constant 1152 : i32
        %dma_start3A_866 = arith.constant 0 : i32
        %dma_start3A_867 = tpu.memref_slice %arg18[%select_n3A_41, %dma_start3A_865, %dma_start3A_866] : memref<2x1536x128xf32, #tpu.memory_space<vmem>> -> memref<1x22x128xf32, #tpu.memory_space<vmem>>
        %dma_start3A_868 = tpu.memref_squeeze %dma_start3A_867 : memref<1x22x128xf32, #tpu.memory_space<vmem>> -> memref<22x128xf32, #tpu.memory_space<vmem>>
        %dma_start3A_869 = arith.constant 0 : i32
        %dma_start3A_870 = arith.constant 0 : i32
        %dma_start3A_871 = tpu.memref_slice %arg4[%get3A_862, %dma_start3A_869, %dma_start3A_870] : memref<1024x22x128xf32, #tpu.memory_space<any>> -> memref<1x22x128xf32, #tpu.memory_space<any>>
        %dma_start3A_872 = tpu.memref_squeeze %dma_start3A_871 : memref<1x22x128xf32, #tpu.memory_space<any>> -> memref<22x128xf32, #tpu.memory_space<any>>
        tpu.enqueue_dma source(%dma_start3A_872 : memref<22x128xf32, #tpu.memory_space<any>>) target(%dma_start3A_868 : memref<22x128xf32, #tpu.memory_space<vmem>>) target_semaphore(%dma_start3A_864 : memref<!tpu.dma_semaphore, #tpu.memory_space<semaphore_mem>>)
        %mul3A_873 = arith.constant 64 : i32
        %mul3A_874 = arith.muli %add3A_22, %mul3A_873 : i32
        %add3A_875 = arith.constant 49 : i32
        %add3A_876 = arith.addi %mul3A_874, %add3A_875 : i32
        %get3A_877 = arith.constant 0 : index
        %get3A_878 = arith.index_cast %add3A_876 : i32 to index
        %get3A_879 = memref.load %arg3[%get3A_877, %get3A_878] : memref<1x1536xi32, #tpu.memory_space<smem>>
        %dma_start3A_880 = tpu.memref_slice %arg19[%select_n3A_41] : memref<2x!tpu.dma_semaphore, #tpu.memory_space<semaphore_mem>> -> memref<1x!tpu.dma_semaphore, #tpu.memory_space<semaphore_mem>>
        %dma_start3A_881 = tpu.memref_squeeze %dma_start3A_880 : memref<1x!tpu.dma_semaphore, #tpu.memory_space<semaphore_mem>> -> memref<!tpu.dma_semaphore, #tpu.memory_space<semaphore_mem>>
        %dma_start3A_882 = arith.constant 1176 : i32
        %dma_start3A_883 = arith.constant 0 : i32
        %dma_start3A_884 = tpu.memref_slice %arg18[%select_n3A_41, %dma_start3A_882, %dma_start3A_883] : memref<2x1536x128xf32, #tpu.memory_space<vmem>> -> memref<1x22x128xf32, #tpu.memory_space<vmem>>
        %dma_start3A_885 = tpu.memref_squeeze %dma_start3A_884 : memref<1x22x128xf32, #tpu.memory_space<vmem>> -> memref<22x128xf32, #tpu.memory_space<vmem>>
        %dma_start3A_886 = arith.constant 0 : i32
        %dma_start3A_887 = arith.constant 0 : i32
        %dma_start3A_888 = tpu.memref_slice %arg4[%get3A_879, %dma_start3A_886, %dma_start3A_887] : memref<1024x22x128xf32, #tpu.memory_space<any>> -> memref<1x22x128xf32, #tpu.memory_space<any>>
        %dma_start3A_889 = tpu.memref_squeeze %dma_start3A_888 : memref<1x22x128xf32, #tpu.memory_space<any>> -> memref<22x128xf32, #tpu.memory_space<any>>
        tpu.enqueue_dma source(%dma_start3A_889 : memref<22x128xf32, #tpu.memory_space<any>>) target(%dma_start3A_885 : memref<22x128xf32, #tpu.memory_space<vmem>>) target_semaphore(%dma_start3A_881 : memref<!tpu.dma_semaphore, #tpu.memory_space<semaphore_mem>>)
        %mul3A_890 = arith.constant 64 : i32
        %mul3A_891 = arith.muli %add3A_22, %mul3A_890 : i32
        %add3A_892 = arith.constant 50 : i32
        %add3A_893 = arith.addi %mul3A_891, %add3A_892 : i32
        %get3A_894 = arith.constant 0 : index
        %get3A_895 = arith.index_cast %add3A_893 : i32 to index
        %get3A_896 = memref.load %arg3[%get3A_894, %get3A_895] : memref<1x1536xi32, #tpu.memory_space<smem>>
        %dma_start3A_897 = tpu.memref_slice %arg19[%select_n3A_41] : memref<2x!tpu.dma_semaphore, #tpu.memory_space<semaphore_mem>> -> memref<1x!tpu.dma_semaphore, #tpu.memory_space<semaphore_mem>>
        %dma_start3A_898 = tpu.memref_squeeze %dma_start3A_897 : memref<1x!tpu.dma_semaphore, #tpu.memory_space<semaphore_mem>> -> memref<!tpu.dma_semaphore, #tpu.memory_space<semaphore_mem>>
        %dma_start3A_899 = arith.constant 1200 : i32
        %dma_start3A_900 = arith.constant 0 : i32
        %dma_start3A_901 = tpu.memref_slice %arg18[%select_n3A_41, %dma_start3A_899, %dma_start3A_900] : memref<2x1536x128xf32, #tpu.memory_space<vmem>> -> memref<1x22x128xf32, #tpu.memory_space<vmem>>
        %dma_start3A_902 = tpu.memref_squeeze %dma_start3A_901 : memref<1x22x128xf32, #tpu.memory_space<vmem>> -> memref<22x128xf32, #tpu.memory_space<vmem>>
        %dma_start3A_903 = arith.constant 0 : i32
        %dma_start3A_904 = arith.constant 0 : i32
        %dma_start3A_905 = tpu.memref_slice %arg4[%get3A_896, %dma_start3A_903, %dma_start3A_904] : memref<1024x22x128xf32, #tpu.memory_space<any>> -> memref<1x22x128xf32, #tpu.memory_space<any>>
        %dma_start3A_906 = tpu.memref_squeeze %dma_start3A_905 : memref<1x22x128xf32, #tpu.memory_space<any>> -> memref<22x128xf32, #tpu.memory_space<any>>
        tpu.enqueue_dma source(%dma_start3A_906 : memref<22x128xf32, #tpu.memory_space<any>>) target(%dma_start3A_902 : memref<22x128xf32, #tpu.memory_space<vmem>>) target_semaphore(%dma_start3A_898 : memref<!tpu.dma_semaphore, #tpu.memory_space<semaphore_mem>>)
        %mul3A_907 = arith.constant 64 : i32
        %mul3A_908 = arith.muli %add3A_22, %mul3A_907 : i32
        %add3A_909 = arith.constant 51 : i32
        %add3A_910 = arith.addi %mul3A_908, %add3A_909 : i32
        %get3A_911 = arith.constant 0 : index
        %get3A_912 = arith.index_cast %add3A_910 : i32 to index
        %get3A_913 = memref.load %arg3[%get3A_911, %get3A_912] : memref<1x1536xi32, #tpu.memory_space<smem>>
        %dma_start3A_914 = tpu.memref_slice %arg19[%select_n3A_41] : memref<2x!tpu.dma_semaphore, #tpu.memory_space<semaphore_mem>> -> memref<1x!tpu.dma_semaphore, #tpu.memory_space<semaphore_mem>>
        %dma_start3A_915 = tpu.memref_squeeze %dma_start3A_914 : memref<1x!tpu.dma_semaphore, #tpu.memory_space<semaphore_mem>> -> memref<!tpu.dma_semaphore, #tpu.memory_space<semaphore_mem>>
        %dma_start3A_916 = arith.constant 1224 : i32
        %dma_start3A_917 = arith.constant 0 : i32
        %dma_start3A_918 = tpu.memref_slice %arg18[%select_n3A_41, %dma_start3A_916, %dma_start3A_917] : memref<2x1536x128xf32, #tpu.memory_space<vmem>> -> memref<1x22x128xf32, #tpu.memory_space<vmem>>
        %dma_start3A_919 = tpu.memref_squeeze %dma_start3A_918 : memref<1x22x128xf32, #tpu.memory_space<vmem>> -> memref<22x128xf32, #tpu.memory_space<vmem>>
        %dma_start3A_920 = arith.constant 0 : i32
        %dma_start3A_921 = arith.constant 0 : i32
        %dma_start3A_922 = tpu.memref_slice %arg4[%get3A_913, %dma_start3A_920, %dma_start3A_921] : memref<1024x22x128xf32, #tpu.memory_space<any>> -> memref<1x22x128xf32, #tpu.memory_space<any>>
        %dma_start3A_923 = tpu.memref_squeeze %dma_start3A_922 : memref<1x22x128xf32, #tpu.memory_space<any>> -> memref<22x128xf32, #tpu.memory_space<any>>
        tpu.enqueue_dma source(%dma_start3A_923 : memref<22x128xf32, #tpu.memory_space<any>>) target(%dma_start3A_919 : memref<22x128xf32, #tpu.memory_space<vmem>>) target_semaphore(%dma_start3A_915 : memref<!tpu.dma_semaphore, #tpu.memory_space<semaphore_mem>>)
        %mul3A_924 = arith.constant 64 : i32
        %mul3A_925 = arith.muli %add3A_22, %mul3A_924 : i32
        %add3A_926 = arith.constant 52 : i32
        %add3A_927 = arith.addi %mul3A_925, %add3A_926 : i32
        %get3A_928 = arith.constant 0 : index
        %get3A_929 = arith.index_cast %add3A_927 : i32 to index
        %get3A_930 = memref.load %arg3[%get3A_928, %get3A_929] : memref<1x1536xi32, #tpu.memory_space<smem>>
        %dma_start3A_931 = tpu.memref_slice %arg19[%select_n3A_41] : memref<2x!tpu.dma_semaphore, #tpu.memory_space<semaphore_mem>> -> memref<1x!tpu.dma_semaphore, #tpu.memory_space<semaphore_mem>>
        %dma_start3A_932 = tpu.memref_squeeze %dma_start3A_931 : memref<1x!tpu.dma_semaphore, #tpu.memory_space<semaphore_mem>> -> memref<!tpu.dma_semaphore, #tpu.memory_space<semaphore_mem>>
        %dma_start3A_933 = arith.constant 1248 : i32
        %dma_start3A_934 = arith.constant 0 : i32
        %dma_start3A_935 = tpu.memref_slice %arg18[%select_n3A_41, %dma_start3A_933, %dma_start3A_934] : memref<2x1536x128xf32, #tpu.memory_space<vmem>> -> memref<1x22x128xf32, #tpu.memory_space<vmem>>
        %dma_start3A_936 = tpu.memref_squeeze %dma_start3A_935 : memref<1x22x128xf32, #tpu.memory_space<vmem>> -> memref<22x128xf32, #tpu.memory_space<vmem>>
        %dma_start3A_937 = arith.constant 0 : i32
        %dma_start3A_938 = arith.constant 0 : i32
        %dma_start3A_939 = tpu.memref_slice %arg4[%get3A_930, %dma_start3A_937, %dma_start3A_938] : memref<1024x22x128xf32, #tpu.memory_space<any>> -> memref<1x22x128xf32, #tpu.memory_space<any>>
        %dma_start3A_940 = tpu.memref_squeeze %dma_start3A_939 : memref<1x22x128xf32, #tpu.memory_space<any>> -> memref<22x128xf32, #tpu.memory_space<any>>
        tpu.enqueue_dma source(%dma_start3A_940 : memref<22x128xf32, #tpu.memory_space<any>>) target(%dma_start3A_936 : memref<22x128xf32, #tpu.memory_space<vmem>>) target_semaphore(%dma_start3A_932 : memref<!tpu.dma_semaphore, #tpu.memory_space<semaphore_mem>>)
        %mul3A_941 = arith.constant 64 : i32
        %mul3A_942 = arith.muli %add3A_22, %mul3A_941 : i32
        %add3A_943 = arith.constant 53 : i32
        %add3A_944 = arith.addi %mul3A_942, %add3A_943 : i32
        %get3A_945 = arith.constant 0 : index
        %get3A_946 = arith.index_cast %add3A_944 : i32 to index
        %get3A_947 = memref.load %arg3[%get3A_945, %get3A_946] : memref<1x1536xi32, #tpu.memory_space<smem>>
        %dma_start3A_948 = tpu.memref_slice %arg19[%select_n3A_41] : memref<2x!tpu.dma_semaphore, #tpu.memory_space<semaphore_mem>> -> memref<1x!tpu.dma_semaphore, #tpu.memory_space<semaphore_mem>>
        %dma_start3A_949 = tpu.memref_squeeze %dma_start3A_948 : memref<1x!tpu.dma_semaphore, #tpu.memory_space<semaphore_mem>> -> memref<!tpu.dma_semaphore, #tpu.memory_space<semaphore_mem>>
        %dma_start3A_950 = arith.constant 1272 : i32
        %dma_start3A_951 = arith.constant 0 : i32
        %dma_start3A_952 = tpu.memref_slice %arg18[%select_n3A_41, %dma_start3A_950, %dma_start3A_951] : memref<2x1536x128xf32, #tpu.memory_space<vmem>> -> memref<1x22x128xf32, #tpu.memory_space<vmem>>
        %dma_start3A_953 = tpu.memref_squeeze %dma_start3A_952 : memref<1x22x128xf32, #tpu.memory_space<vmem>> -> memref<22x128xf32, #tpu.memory_space<vmem>>
        %dma_start3A_954 = arith.constant 0 : i32
        %dma_start3A_955 = arith.constant 0 : i32
        %dma_start3A_956 = tpu.memref_slice %arg4[%get3A_947, %dma_start3A_954, %dma_start3A_955] : memref<1024x22x128xf32, #tpu.memory_space<any>> -> memref<1x22x128xf32, #tpu.memory_space<any>>
        %dma_start3A_957 = tpu.memref_squeeze %dma_start3A_956 : memref<1x22x128xf32, #tpu.memory_space<any>> -> memref<22x128xf32, #tpu.memory_space<any>>
        tpu.enqueue_dma source(%dma_start3A_957 : memref<22x128xf32, #tpu.memory_space<any>>) target(%dma_start3A_953 : memref<22x128xf32, #tpu.memory_space<vmem>>) target_semaphore(%dma_start3A_949 : memref<!tpu.dma_semaphore, #tpu.memory_space<semaphore_mem>>)
        %mul3A_958 = arith.constant 64 : i32
        %mul3A_959 = arith.muli %add3A_22, %mul3A_958 : i32
        %add3A_960 = arith.constant 54 : i32
        %add3A_961 = arith.addi %mul3A_959, %add3A_960 : i32
        %get3A_962 = arith.constant 0 : index
        %get3A_963 = arith.index_cast %add3A_961 : i32 to index
        %get3A_964 = memref.load %arg3[%get3A_962, %get3A_963] : memref<1x1536xi32, #tpu.memory_space<smem>>
        %dma_start3A_965 = tpu.memref_slice %arg19[%select_n3A_41] : memref<2x!tpu.dma_semaphore, #tpu.memory_space<semaphore_mem>> -> memref<1x!tpu.dma_semaphore, #tpu.memory_space<semaphore_mem>>
        %dma_start3A_966 = tpu.memref_squeeze %dma_start3A_965 : memref<1x!tpu.dma_semaphore, #tpu.memory_space<semaphore_mem>> -> memref<!tpu.dma_semaphore, #tpu.memory_space<semaphore_mem>>
        %dma_start3A_967 = arith.constant 1296 : i32
        %dma_start3A_968 = arith.constant 0 : i32
        %dma_start3A_969 = tpu.memref_slice %arg18[%select_n3A_41, %dma_start3A_967, %dma_start3A_968] : memref<2x1536x128xf32, #tpu.memory_space<vmem>> -> memref<1x22x128xf32, #tpu.memory_space<vmem>>
        %dma_start3A_970 = tpu.memref_squeeze %dma_start3A_969 : memref<1x22x128xf32, #tpu.memory_space<vmem>> -> memref<22x128xf32, #tpu.memory_space<vmem>>
        %dma_start3A_971 = arith.constant 0 : i32
        %dma_start3A_972 = arith.constant 0 : i32
        %dma_start3A_973 = tpu.memref_slice %arg4[%get3A_964, %dma_start3A_971, %dma_start3A_972] : memref<1024x22x128xf32, #tpu.memory_space<any>> -> memref<1x22x128xf32, #tpu.memory_space<any>>
        %dma_start3A_974 = tpu.memref_squeeze %dma_start3A_973 : memref<1x22x128xf32, #tpu.memory_space<any>> -> memref<22x128xf32, #tpu.memory_space<any>>
        tpu.enqueue_dma source(%dma_start3A_974 : memref<22x128xf32, #tpu.memory_space<any>>) target(%dma_start3A_970 : memref<22x128xf32, #tpu.memory_space<vmem>>) target_semaphore(%dma_start3A_966 : memref<!tpu.dma_semaphore, #tpu.memory_space<semaphore_mem>>)
        %mul3A_975 = arith.constant 64 : i32
        %mul3A_976 = arith.muli %add3A_22, %mul3A_975 : i32
        %add3A_977 = arith.constant 55 : i32
        %add3A_978 = arith.addi %mul3A_976, %add3A_977 : i32
        %get3A_979 = arith.constant 0 : index
        %get3A_980 = arith.index_cast %add3A_978 : i32 to index
        %get3A_981 = memref.load %arg3[%get3A_979, %get3A_980] : memref<1x1536xi32, #tpu.memory_space<smem>>
        %dma_start3A_982 = tpu.memref_slice %arg19[%select_n3A_41] : memref<2x!tpu.dma_semaphore, #tpu.memory_space<semaphore_mem>> -> memref<1x!tpu.dma_semaphore, #tpu.memory_space<semaphore_mem>>
        %dma_start3A_983 = tpu.memref_squeeze %dma_start3A_982 : memref<1x!tpu.dma_semaphore, #tpu.memory_space<semaphore_mem>> -> memref<!tpu.dma_semaphore, #tpu.memory_space<semaphore_mem>>
        %dma_start3A_984 = arith.constant 1320 : i32
        %dma_start3A_985 = arith.constant 0 : i32
        %dma_start3A_986 = tpu.memref_slice %arg18[%select_n3A_41, %dma_start3A_984, %dma_start3A_985] : memref<2x1536x128xf32, #tpu.memory_space<vmem>> -> memref<1x22x128xf32, #tpu.memory_space<vmem>>
        %dma_start3A_987 = tpu.memref_squeeze %dma_start3A_986 : memref<1x22x128xf32, #tpu.memory_space<vmem>> -> memref<22x128xf32, #tpu.memory_space<vmem>>
        %dma_start3A_988 = arith.constant 0 : i32
        %dma_start3A_989 = arith.constant 0 : i32
        %dma_start3A_990 = tpu.memref_slice %arg4[%get3A_981, %dma_start3A_988, %dma_start3A_989] : memref<1024x22x128xf32, #tpu.memory_space<any>> -> memref<1x22x128xf32, #tpu.memory_space<any>>
        %dma_start3A_991 = tpu.memref_squeeze %dma_start3A_990 : memref<1x22x128xf32, #tpu.memory_space<any>> -> memref<22x128xf32, #tpu.memory_space<any>>
        tpu.enqueue_dma source(%dma_start3A_991 : memref<22x128xf32, #tpu.memory_space<any>>) target(%dma_start3A_987 : memref<22x128xf32, #tpu.memory_space<vmem>>) target_semaphore(%dma_start3A_983 : memref<!tpu.dma_semaphore, #tpu.memory_space<semaphore_mem>>)
        %mul3A_992 = arith.constant 64 : i32
        %mul3A_993 = arith.muli %add3A_22, %mul3A_992 : i32
        %add3A_994 = arith.constant 56 : i32
        %add3A_995 = arith.addi %mul3A_993, %add3A_994 : i32
        %get3A_996 = arith.constant 0 : index
        %get3A_997 = arith.index_cast %add3A_995 : i32 to index
        %get3A_998 = memref.load %arg3[%get3A_996, %get3A_997] : memref<1x1536xi32, #tpu.memory_space<smem>>
        %dma_start3A_999 = tpu.memref_slice %arg19[%select_n3A_41] : memref<2x!tpu.dma_semaphore, #tpu.memory_space<semaphore_mem>> -> memref<1x!tpu.dma_semaphore, #tpu.memory_space<semaphore_mem>>
        %dma_start3A_1000 = tpu.memref_squeeze %dma_start3A_999 : memref<1x!tpu.dma_semaphore, #tpu.memory_space<semaphore_mem>> -> memref<!tpu.dma_semaphore, #tpu.memory_space<semaphore_mem>>
        %dma_start3A_1001 = arith.constant 1344 : i32
        %dma_start3A_1002 = arith.constant 0 : i32
        %dma_start3A_1003 = tpu.memref_slice %arg18[%select_n3A_41, %dma_start3A_1001, %dma_start3A_1002] : memref<2x1536x128xf32, #tpu.memory_space<vmem>> -> memref<1x22x128xf32, #tpu.memory_space<vmem>>
        %dma_start3A_1004 = tpu.memref_squeeze %dma_start3A_1003 : memref<1x22x128xf32, #tpu.memory_space<vmem>> -> memref<22x128xf32, #tpu.memory_space<vmem>>
        %dma_start3A_1005 = arith.constant 0 : i32
        %dma_start3A_1006 = arith.constant 0 : i32
        %dma_start3A_1007 = tpu.memref_slice %arg4[%get3A_998, %dma_start3A_1005, %dma_start3A_1006] : memref<1024x22x128xf32, #tpu.memory_space<any>> -> memref<1x22x128xf32, #tpu.memory_space<any>>
        %dma_start3A_1008 = tpu.memref_squeeze %dma_start3A_1007 : memref<1x22x128xf32, #tpu.memory_space<any>> -> memref<22x128xf32, #tpu.memory_space<any>>
        tpu.enqueue_dma source(%dma_start3A_1008 : memref<22x128xf32, #tpu.memory_space<any>>) target(%dma_start3A_1004 : memref<22x128xf32, #tpu.memory_space<vmem>>) target_semaphore(%dma_start3A_1000 : memref<!tpu.dma_semaphore, #tpu.memory_space<semaphore_mem>>)
        %mul3A_1009 = arith.constant 64 : i32
        %mul3A_1010 = arith.muli %add3A_22, %mul3A_1009 : i32
        %add3A_1011 = arith.constant 57 : i32
        %add3A_1012 = arith.addi %mul3A_1010, %add3A_1011 : i32
        %get3A_1013 = arith.constant 0 : index
        %get3A_1014 = arith.index_cast %add3A_1012 : i32 to index
        %get3A_1015 = memref.load %arg3[%get3A_1013, %get3A_1014] : memref<1x1536xi32, #tpu.memory_space<smem>>
        %dma_start3A_1016 = tpu.memref_slice %arg19[%select_n3A_41] : memref<2x!tpu.dma_semaphore, #tpu.memory_space<semaphore_mem>> -> memref<1x!tpu.dma_semaphore, #tpu.memory_space<semaphore_mem>>
        %dma_start3A_1017 = tpu.memref_squeeze %dma_start3A_1016 : memref<1x!tpu.dma_semaphore, #tpu.memory_space<semaphore_mem>> -> memref<!tpu.dma_semaphore, #tpu.memory_space<semaphore_mem>>
        %dma_start3A_1018 = arith.constant 1368 : i32
        %dma_start3A_1019 = arith.constant 0 : i32
        %dma_start3A_1020 = tpu.memref_slice %arg18[%select_n3A_41, %dma_start3A_1018, %dma_start3A_1019] : memref<2x1536x128xf32, #tpu.memory_space<vmem>> -> memref<1x22x128xf32, #tpu.memory_space<vmem>>
        %dma_start3A_1021 = tpu.memref_squeeze %dma_start3A_1020 : memref<1x22x128xf32, #tpu.memory_space<vmem>> -> memref<22x128xf32, #tpu.memory_space<vmem>>
        %dma_start3A_1022 = arith.constant 0 : i32
        %dma_start3A_1023 = arith.constant 0 : i32
        %dma_start3A_1024 = tpu.memref_slice %arg4[%get3A_1015, %dma_start3A_1022, %dma_start3A_1023] : memref<1024x22x128xf32, #tpu.memory_space<any>> -> memref<1x22x128xf32, #tpu.memory_space<any>>
        %dma_start3A_1025 = tpu.memref_squeeze %dma_start3A_1024 : memref<1x22x128xf32, #tpu.memory_space<any>> -> memref<22x128xf32, #tpu.memory_space<any>>
        tpu.enqueue_dma source(%dma_start3A_1025 : memref<22x128xf32, #tpu.memory_space<any>>) target(%dma_start3A_1021 : memref<22x128xf32, #tpu.memory_space<vmem>>) target_semaphore(%dma_start3A_1017 : memref<!tpu.dma_semaphore, #tpu.memory_space<semaphore_mem>>)
        %mul3A_1026 = arith.constant 64 : i32
        %mul3A_1027 = arith.muli %add3A_22, %mul3A_1026 : i32
        %add3A_1028 = arith.constant 58 : i32
        %add3A_1029 = arith.addi %mul3A_1027, %add3A_1028 : i32
        %get3A_1030 = arith.constant 0 : index
        %get3A_1031 = arith.index_cast %add3A_1029 : i32 to index
        %get3A_1032 = memref.load %arg3[%get3A_1030, %get3A_1031] : memref<1x1536xi32, #tpu.memory_space<smem>>
        %dma_start3A_1033 = tpu.memref_slice %arg19[%select_n3A_41] : memref<2x!tpu.dma_semaphore, #tpu.memory_space<semaphore_mem>> -> memref<1x!tpu.dma_semaphore, #tpu.memory_space<semaphore_mem>>
        %dma_start3A_1034 = tpu.memref_squeeze %dma_start3A_1033 : memref<1x!tpu.dma_semaphore, #tpu.memory_space<semaphore_mem>> -> memref<!tpu.dma_semaphore, #tpu.memory_space<semaphore_mem>>
        %dma_start3A_1035 = arith.constant 1392 : i32
        %dma_start3A_1036 = arith.constant 0 : i32
        %dma_start3A_1037 = tpu.memref_slice %arg18[%select_n3A_41, %dma_start3A_1035, %dma_start3A_1036] : memref<2x1536x128xf32, #tpu.memory_space<vmem>> -> memref<1x22x128xf32, #tpu.memory_space<vmem>>
        %dma_start3A_1038 = tpu.memref_squeeze %dma_start3A_1037 : memref<1x22x128xf32, #tpu.memory_space<vmem>> -> memref<22x128xf32, #tpu.memory_space<vmem>>
        %dma_start3A_1039 = arith.constant 0 : i32
        %dma_start3A_1040 = arith.constant 0 : i32
        %dma_start3A_1041 = tpu.memref_slice %arg4[%get3A_1032, %dma_start3A_1039, %dma_start3A_1040] : memref<1024x22x128xf32, #tpu.memory_space<any>> -> memref<1x22x128xf32, #tpu.memory_space<any>>
        %dma_start3A_1042 = tpu.memref_squeeze %dma_start3A_1041 : memref<1x22x128xf32, #tpu.memory_space<any>> -> memref<22x128xf32, #tpu.memory_space<any>>
        tpu.enqueue_dma source(%dma_start3A_1042 : memref<22x128xf32, #tpu.memory_space<any>>) target(%dma_start3A_1038 : memref<22x128xf32, #tpu.memory_space<vmem>>) target_semaphore(%dma_start3A_1034 : memref<!tpu.dma_semaphore, #tpu.memory_space<semaphore_mem>>)
        %mul3A_1043 = arith.constant 64 : i32
        %mul3A_1044 = arith.muli %add3A_22, %mul3A_1043 : i32
        %add3A_1045 = arith.constant 59 : i32
        %add3A_1046 = arith.addi %mul3A_1044, %add3A_1045 : i32
        %get3A_1047 = arith.constant 0 : index
        %get3A_1048 = arith.index_cast %add3A_1046 : i32 to index
        %get3A_1049 = memref.load %arg3[%get3A_1047, %get3A_1048] : memref<1x1536xi32, #tpu.memory_space<smem>>
        %dma_start3A_1050 = tpu.memref_slice %arg19[%select_n3A_41] : memref<2x!tpu.dma_semaphore, #tpu.memory_space<semaphore_mem>> -> memref<1x!tpu.dma_semaphore, #tpu.memory_space<semaphore_mem>>
        %dma_start3A_1051 = tpu.memref_squeeze %dma_start3A_1050 : memref<1x!tpu.dma_semaphore, #tpu.memory_space<semaphore_mem>> -> memref<!tpu.dma_semaphore, #tpu.memory_space<semaphore_mem>>
        %dma_start3A_1052 = arith.constant 1416 : i32
        %dma_start3A_1053 = arith.constant 0 : i32
        %dma_start3A_1054 = tpu.memref_slice %arg18[%select_n3A_41, %dma_start3A_1052, %dma_start3A_1053] : memref<2x1536x128xf32, #tpu.memory_space<vmem>> -> memref<1x22x128xf32, #tpu.memory_space<vmem>>
        %dma_start3A_1055 = tpu.memref_squeeze %dma_start3A_1054 : memref<1x22x128xf32, #tpu.memory_space<vmem>> -> memref<22x128xf32, #tpu.memory_space<vmem>>
        %dma_start3A_1056 = arith.constant 0 : i32
        %dma_start3A_1057 = arith.constant 0 : i32
        %dma_start3A_1058 = tpu.memref_slice %arg4[%get3A_1049, %dma_start3A_1056, %dma_start3A_1057] : memref<1024x22x128xf32, #tpu.memory_space<any>> -> memref<1x22x128xf32, #tpu.memory_space<any>>
        %dma_start3A_1059 = tpu.memref_squeeze %dma_start3A_1058 : memref<1x22x128xf32, #tpu.memory_space<any>> -> memref<22x128xf32, #tpu.memory_space<any>>
        tpu.enqueue_dma source(%dma_start3A_1059 : memref<22x128xf32, #tpu.memory_space<any>>) target(%dma_start3A_1055 : memref<22x128xf32, #tpu.memory_space<vmem>>) target_semaphore(%dma_start3A_1051 : memref<!tpu.dma_semaphore, #tpu.memory_space<semaphore_mem>>)
        %mul3A_1060 = arith.constant 64 : i32
        %mul3A_1061 = arith.muli %add3A_22, %mul3A_1060 : i32
        %add3A_1062 = arith.constant 60 : i32
        %add3A_1063 = arith.addi %mul3A_1061, %add3A_1062 : i32
        %get3A_1064 = arith.constant 0 : index
        %get3A_1065 = arith.index_cast %add3A_1063 : i32 to index
        %get3A_1066 = memref.load %arg3[%get3A_1064, %get3A_1065] : memref<1x1536xi32, #tpu.memory_space<smem>>
        %dma_start3A_1067 = tpu.memref_slice %arg19[%select_n3A_41] : memref<2x!tpu.dma_semaphore, #tpu.memory_space<semaphore_mem>> -> memref<1x!tpu.dma_semaphore, #tpu.memory_space<semaphore_mem>>
        %dma_start3A_1068 = tpu.memref_squeeze %dma_start3A_1067 : memref<1x!tpu.dma_semaphore, #tpu.memory_space<semaphore_mem>> -> memref<!tpu.dma_semaphore, #tpu.memory_space<semaphore_mem>>
        %dma_start3A_1069 = arith.constant 1440 : i32
        %dma_start3A_1070 = arith.constant 0 : i32
        %dma_start3A_1071 = tpu.memref_slice %arg18[%select_n3A_41, %dma_start3A_1069, %dma_start3A_1070] : memref<2x1536x128xf32, #tpu.memory_space<vmem>> -> memref<1x22x128xf32, #tpu.memory_space<vmem>>
        %dma_start3A_1072 = tpu.memref_squeeze %dma_start3A_1071 : memref<1x22x128xf32, #tpu.memory_space<vmem>> -> memref<22x128xf32, #tpu.memory_space<vmem>>
        %dma_start3A_1073 = arith.constant 0 : i32
        %dma_start3A_1074 = arith.constant 0 : i32
        %dma_start3A_1075 = tpu.memref_slice %arg4[%get3A_1066, %dma_start3A_1073, %dma_start3A_1074] : memref<1024x22x128xf32, #tpu.memory_space<any>> -> memref<1x22x128xf32, #tpu.memory_space<any>>
        %dma_start3A_1076 = tpu.memref_squeeze %dma_start3A_1075 : memref<1x22x128xf32, #tpu.memory_space<any>> -> memref<22x128xf32, #tpu.memory_space<any>>
        tpu.enqueue_dma source(%dma_start3A_1076 : memref<22x128xf32, #tpu.memory_space<any>>) target(%dma_start3A_1072 : memref<22x128xf32, #tpu.memory_space<vmem>>) target_semaphore(%dma_start3A_1068 : memref<!tpu.dma_semaphore, #tpu.memory_space<semaphore_mem>>)
        %mul3A_1077 = arith.constant 64 : i32
        %mul3A_1078 = arith.muli %add3A_22, %mul3A_1077 : i32
        %add3A_1079 = arith.constant 61 : i32
        %add3A_1080 = arith.addi %mul3A_1078, %add3A_1079 : i32
        %get3A_1081 = arith.constant 0 : index
        %get3A_1082 = arith.index_cast %add3A_1080 : i32 to index
        %get3A_1083 = memref.load %arg3[%get3A_1081, %get3A_1082] : memref<1x1536xi32, #tpu.memory_space<smem>>
        %dma_start3A_1084 = tpu.memref_slice %arg19[%select_n3A_41] : memref<2x!tpu.dma_semaphore, #tpu.memory_space<semaphore_mem>> -> memref<1x!tpu.dma_semaphore, #tpu.memory_space<semaphore_mem>>
        %dma_start3A_1085 = tpu.memref_squeeze %dma_start3A_1084 : memref<1x!tpu.dma_semaphore, #tpu.memory_space<semaphore_mem>> -> memref<!tpu.dma_semaphore, #tpu.memory_space<semaphore_mem>>
        %dma_start3A_1086 = arith.constant 1464 : i32
        %dma_start3A_1087 = arith.constant 0 : i32
        %dma_start3A_1088 = tpu.memref_slice %arg18[%select_n3A_41, %dma_start3A_1086, %dma_start3A_1087] : memref<2x1536x128xf32, #tpu.memory_space<vmem>> -> memref<1x22x128xf32, #tpu.memory_space<vmem>>
        %dma_start3A_1089 = tpu.memref_squeeze %dma_start3A_1088 : memref<1x22x128xf32, #tpu.memory_space<vmem>> -> memref<22x128xf32, #tpu.memory_space<vmem>>
        %dma_start3A_1090 = arith.constant 0 : i32
        %dma_start3A_1091 = arith.constant 0 : i32
        %dma_start3A_1092 = tpu.memref_slice %arg4[%get3A_1083, %dma_start3A_1090, %dma_start3A_1091] : memref<1024x22x128xf32, #tpu.memory_space<any>> -> memref<1x22x128xf32, #tpu.memory_space<any>>
        %dma_start3A_1093 = tpu.memref_squeeze %dma_start3A_1092 : memref<1x22x128xf32, #tpu.memory_space<any>> -> memref<22x128xf32, #tpu.memory_space<any>>
        tpu.enqueue_dma source(%dma_start3A_1093 : memref<22x128xf32, #tpu.memory_space<any>>) target(%dma_start3A_1089 : memref<22x128xf32, #tpu.memory_space<vmem>>) target_semaphore(%dma_start3A_1085 : memref<!tpu.dma_semaphore, #tpu.memory_space<semaphore_mem>>)
        %mul3A_1094 = arith.constant 64 : i32
        %mul3A_1095 = arith.muli %add3A_22, %mul3A_1094 : i32
        %add3A_1096 = arith.constant 62 : i32
        %add3A_1097 = arith.addi %mul3A_1095, %add3A_1096 : i32
        %get3A_1098 = arith.constant 0 : index
        %get3A_1099 = arith.index_cast %add3A_1097 : i32 to index
        %get3A_1100 = memref.load %arg3[%get3A_1098, %get3A_1099] : memref<1x1536xi32, #tpu.memory_space<smem>>
        %dma_start3A_1101 = tpu.memref_slice %arg19[%select_n3A_41] : memref<2x!tpu.dma_semaphore, #tpu.memory_space<semaphore_mem>> -> memref<1x!tpu.dma_semaphore, #tpu.memory_space<semaphore_mem>>
        %dma_start3A_1102 = tpu.memref_squeeze %dma_start3A_1101 : memref<1x!tpu.dma_semaphore, #tpu.memory_space<semaphore_mem>> -> memref<!tpu.dma_semaphore, #tpu.memory_space<semaphore_mem>>
        %dma_start3A_1103 = arith.constant 1488 : i32
        %dma_start3A_1104 = arith.constant 0 : i32
        %dma_start3A_1105 = tpu.memref_slice %arg18[%select_n3A_41, %dma_start3A_1103, %dma_start3A_1104] : memref<2x1536x128xf32, #tpu.memory_space<vmem>> -> memref<1x22x128xf32, #tpu.memory_space<vmem>>
        %dma_start3A_1106 = tpu.memref_squeeze %dma_start3A_1105 : memref<1x22x128xf32, #tpu.memory_space<vmem>> -> memref<22x128xf32, #tpu.memory_space<vmem>>
        %dma_start3A_1107 = arith.constant 0 : i32
        %dma_start3A_1108 = arith.constant 0 : i32
        %dma_start3A_1109 = tpu.memref_slice %arg4[%get3A_1100, %dma_start3A_1107, %dma_start3A_1108] : memref<1024x22x128xf32, #tpu.memory_space<any>> -> memref<1x22x128xf32, #tpu.memory_space<any>>
        %dma_start3A_1110 = tpu.memref_squeeze %dma_start3A_1109 : memref<1x22x128xf32, #tpu.memory_space<any>> -> memref<22x128xf32, #tpu.memory_space<any>>
        tpu.enqueue_dma source(%dma_start3A_1110 : memref<22x128xf32, #tpu.memory_space<any>>) target(%dma_start3A_1106 : memref<22x128xf32, #tpu.memory_space<vmem>>) target_semaphore(%dma_start3A_1102 : memref<!tpu.dma_semaphore, #tpu.memory_space<semaphore_mem>>)
        %mul3A_1111 = arith.constant 64 : i32
        %mul3A_1112 = arith.muli %add3A_22, %mul3A_1111 : i32
        %add3A_1113 = arith.constant 63 : i32
        %add3A_1114 = arith.addi %mul3A_1112, %add3A_1113 : i32
        %get3A_1115 = arith.constant 0 : index
        %get3A_1116 = arith.index_cast %add3A_1114 : i32 to index
        %get3A_1117 = memref.load %arg3[%get3A_1115, %get3A_1116] : memref<1x1536xi32, #tpu.memory_space<smem>>
        %dma_start3A_1118 = tpu.memref_slice %arg19[%select_n3A_41] : memref<2x!tpu.dma_semaphore, #tpu.memory_space<semaphore_mem>> -> memref<1x!tpu.dma_semaphore, #tpu.memory_space<semaphore_mem>>
        %dma_start3A_1119 = tpu.memref_squeeze %dma_start3A_1118 : memref<1x!tpu.dma_semaphore, #tpu.memory_space<semaphore_mem>> -> memref<!tpu.dma_semaphore, #tpu.memory_space<semaphore_mem>>
        %dma_start3A_1120 = arith.constant 1512 : i32
        %dma_start3A_1121 = arith.constant 0 : i32
        %dma_start3A_1122 = tpu.memref_slice %arg18[%select_n3A_41, %dma_start3A_1120, %dma_start3A_1121] : memref<2x1536x128xf32, #tpu.memory_space<vmem>> -> memref<1x22x128xf32, #tpu.memory_space<vmem>>
        %dma_start3A_1123 = tpu.memref_squeeze %dma_start3A_1122 : memref<1x22x128xf32, #tpu.memory_space<vmem>> -> memref<22x128xf32, #tpu.memory_space<vmem>>
        %dma_start3A_1124 = arith.constant 0 : i32
        %dma_start3A_1125 = arith.constant 0 : i32
        %dma_start3A_1126 = tpu.memref_slice %arg4[%get3A_1117, %dma_start3A_1124, %dma_start3A_1125] : memref<1024x22x128xf32, #tpu.memory_space<any>> -> memref<1x22x128xf32, #tpu.memory_space<any>>
        %dma_start3A_1127 = tpu.memref_squeeze %dma_start3A_1126 : memref<1x22x128xf32, #tpu.memory_space<any>> -> memref<22x128xf32, #tpu.memory_space<any>>
        tpu.enqueue_dma source(%dma_start3A_1127 : memref<22x128xf32, #tpu.memory_space<any>>) target(%dma_start3A_1123 : memref<22x128xf32, #tpu.memory_space<vmem>>) target_semaphore(%dma_start3A_1119 : memref<!tpu.dma_semaphore, #tpu.memory_space<semaphore_mem>>)
      } else {
      }
    } else {
    }
    %get3A = arith.constant 0 : index
    %get3A_7 = arith.index_cast %arg0 : i32 to index
    %get3A_8 = memref.load %arg2[%get3A, %get3A_7] : memref<1x24xi32, #tpu.memory_space<smem>>
    %gt3A = arith.constant 0 : i32
    %gt3A_9 = arith.cmpi sgt, %get3A_8, %gt3A : i32
    %convert_element_type3A_10 = arith.extui %gt3A_9 : i1 to i32
    %cond3A_11 = arith.constant 0 : i32
    %cond3A_12 = arith.cmpi ne, %convert_element_type3A_10, %cond3A_11 : i32
    scf.if %cond3A_12 {
      %jit3A = arith.constant 2 : i32
      %eq3A_21 = arith.constant 0 : i32
      %eq3A_22 = arith.cmpi eq, %jit3A, %eq3A_21 : i32
      %jit3A_23 = arith.constant 1 : i32
      %select_n3A = arith.select %eq3A_22, %jit3A_23, %jit3A : i32
      %rem3A = arith.remsi %arg0, %select_n3A : i32
      %ne3A = arith.constant 0 : i32
      %ne3A_24 = arith.cmpi ne, %rem3A, %ne3A : i32
      %lt3A_25 = arith.constant 0 : i32
      %lt3A_26 = arith.cmpi slt, %rem3A, %lt3A_25 : i32
      %lt3A_27 = arith.constant 0 : i32
      %lt3A_28 = arith.cmpi slt, %select_n3A, %lt3A_27 : i32
      %ne3A_29 = arith.xori %lt3A_26, %lt3A_28 : i1
      %and3A = arith.andi %ne3A_29, %ne3A_24 : i1
      %add3A_30 = arith.addi %rem3A, %select_n3A : i32
      %select_n3A_31 = arith.select %and3A, %add3A_30, %rem3A : i32
      %add3A_32 = arith.constant 1 : i32
      %add3A_33 = arith.addi %select_n3A_31, %add3A_32 : i32
      %jit3A_34 = arith.constant 2 : i32
      %eq3A_35 = arith.constant 0 : i32
      %eq3A_36 = arith.cmpi eq, %jit3A_34, %eq3A_35 : i32
      %jit3A_37 = arith.constant 1 : i32
      %select_n3A_38 = arith.select %eq3A_36, %jit3A_37, %jit3A_34 : i32
      %rem3A_39 = arith.remsi %add3A_33, %select_n3A_38 : i32
      %ne3A_40 = arith.constant 0 : i32
      %ne3A_41 = arith.cmpi ne, %rem3A_39, %ne3A_40 : i32
      %lt3A_42 = arith.constant 0 : i32
      %lt3A_43 = arith.cmpi slt, %rem3A_39, %lt3A_42 : i32
      %lt3A_44 = arith.constant 0 : i32
      %lt3A_45 = arith.cmpi slt, %select_n3A_38, %lt3A_44 : i32
      %ne3A_46 = arith.xori %lt3A_43, %lt3A_45 : i1
      %and3A_47 = arith.andi %ne3A_46, %ne3A_41 : i1
      %add3A_48 = arith.addi %rem3A_39, %select_n3A_38 : i32
      %select_n3A_49 = arith.select %and3A_47, %add3A_48, %rem3A_39 : i32
      %dma_wait3A = tpu.memref_slice %arg19[%select_n3A_31] : memref<2x!tpu.dma_semaphore, #tpu.memory_space<semaphore_mem>> -> memref<1x!tpu.dma_semaphore, #tpu.memory_space<semaphore_mem>>
      %dma_wait3A_50 = tpu.memref_squeeze %dma_wait3A : memref<1x!tpu.dma_semaphore, #tpu.memory_space<semaphore_mem>> -> memref<!tpu.dma_semaphore, #tpu.memory_space<semaphore_mem>>
      %dma_wait3A_51 = arith.constant 0 : i32
      %dma_wait3A_52 = arith.constant 0 : i32
      %dma_wait3A_53 = tpu.memref_slice %arg18[%select_n3A_31, %dma_wait3A_51, %dma_wait3A_52] : memref<2x1536x128xf32, #tpu.memory_space<vmem>> -> memref<1x1408x128xf32, #tpu.memory_space<vmem>>
      %dma_wait3A_54 = tpu.memref_squeeze %dma_wait3A_53 : memref<1x1408x128xf32, #tpu.memory_space<vmem>> -> memref<1408x128xf32, #tpu.memory_space<vmem>>
      %dma_wait3A_55 = arith.constant 0 : i32
      %dma_wait3A_56 = arith.constant 0 : i32
      %dma_wait3A_57 = tpu.memref_slice %arg18[%select_n3A_49, %dma_wait3A_55, %dma_wait3A_56] : memref<2x1536x128xf32, #tpu.memory_space<vmem>> -> memref<1x1408x128xf32, #tpu.memory_space<vmem>>
      %dma_wait3A_58 = tpu.memref_squeeze %dma_wait3A_57 : memref<1x1408x128xf32, #tpu.memory_space<vmem>> -> memref<1408x128xf32, #tpu.memory_space<vmem>>
      tpu.wait_dma2 semaphore(%dma_wait3A_50 : memref<!tpu.dma_semaphore, #tpu.memory_space<semaphore_mem>>) src(%dma_wait3A_58 : memref<1408x128xf32, #tpu.memory_space<vmem>>) dst(%dma_wait3A_54 : memref<1408x128xf32, #tpu.memory_space<vmem>>)
    } else {
    }
    %get3A_13 = arith.constant 0 : index
    %get3A_14 = arith.index_cast %arg0 : i32 to index
    %get3A_15 = memref.load %arg2[%get3A_13, %get3A_14] : memref<1x24xi32, #tpu.memory_space<smem>>
    %gt3A_16 = arith.constant 0 : i32
    %gt3A_17 = arith.cmpi sgt, %get3A_15, %gt3A_16 : i32
    %convert_element_type3A_18 = arith.extui %gt3A_17 : i1 to i32
    %cond3A_19 = arith.constant 0 : i32
    %cond3A_20 = arith.cmpi ne, %convert_element_type3A_18, %cond3A_19 : i32
    scf.if %cond3A_20 {
      %jit3A = arith.constant 2 : i32
      %eq3A_21 = arith.constant 0 : i32
      %eq3A_22 = arith.cmpi eq, %jit3A, %eq3A_21 : i32
      %jit3A_23 = arith.constant 1 : i32
      %select_n3A = arith.select %eq3A_22, %jit3A_23, %jit3A : i32
      %rem3A = arith.remsi %arg0, %select_n3A : i32
      %ne3A = arith.constant 0 : i32
      %ne3A_24 = arith.cmpi ne, %rem3A, %ne3A : i32
      %lt3A_25 = arith.constant 0 : i32
      %lt3A_26 = arith.cmpi slt, %rem3A, %lt3A_25 : i32
      %lt3A_27 = arith.constant 0 : i32
      %lt3A_28 = arith.cmpi slt, %select_n3A, %lt3A_27 : i32
      %ne3A_29 = arith.xori %lt3A_26, %lt3A_28 : i1
      %and3A = arith.andi %ne3A_29, %ne3A_24 : i1
      %add3A_30 = arith.addi %rem3A, %select_n3A : i32
      %select_n3A_31 = arith.select %and3A, %add3A_30, %rem3A : i32
      %get3A_32 = arith.index_cast %select_n3A_31 : i32 to index
      %get3A_33 = arith.constant 0 : index
      %get3A_34 = arith.constant 0 : index
      %get3A_35 = vector.load %arg18[%get3A_32, %get3A_33, %get3A_34] : memref<2x1536x128xf32, #tpu.memory_space<vmem>>, vector<1x1536x128xf32>
      %get3A_36 = vector.shape_cast %get3A_35 : vector<1x1536x128xf32> to vector<1536x128xf32>
      %get3A_37 = arith.constant 0 : index
      %get3A_38 = arith.constant 0 : index
      %get3A_39 = arith.constant 0 : index
      %get3A_40 = vector.load %arg5[%get3A_37, %get3A_38, %get3A_39] : memref<1x128x512xf32, #tpu.memory_space<vmem>>, vector<1x128x512xf32>
      %get3A_41 = vector.shape_cast %get3A_40 : vector<1x128x512xf32> to vector<128x512xf32>
      %get3A_42 = arith.constant 0 : index
      %get3A_43 = arith.constant 0 : index
      %get3A_44 = arith.constant 0 : index
      %get3A_45 = vector.load %arg6[%get3A_42, %get3A_43, %get3A_44] : memref<1x1x512xf32, #tpu.memory_space<vmem>>, vector<1x1x512xf32>
      %get3A_46 = vector.shape_cast %get3A_45 : vector<1x1x512xf32> to vector<1x512xf32>
      %get3A_47 = arith.constant 0 : index
      %get3A_48 = arith.constant 0 : index
      %get3A_49 = arith.constant 0 : index
      %get3A_50 = vector.load %arg7[%get3A_47, %get3A_48, %get3A_49] : memref<1x512x512xf32, #tpu.memory_space<vmem>>, vector<1x512x512xf32>
      %get3A_51 = vector.shape_cast %get3A_50 : vector<1x512x512xf32> to vector<512x512xf32>
      %get3A_52 = arith.constant 0 : index
      %get3A_53 = arith.constant 0 : index
      %get3A_54 = arith.constant 0 : index
      %get3A_55 = vector.load %arg8[%get3A_52, %get3A_53, %get3A_54] : memref<1x1x512xf32, #tpu.memory_space<vmem>>, vector<1x1x512xf32>
      %get3A_56 = vector.shape_cast %get3A_55 : vector<1x1x512xf32> to vector<1x512xf32>
      %get3A_57 = arith.constant 0 : index
      %get3A_58 = arith.constant 0 : index
      %get3A_59 = arith.constant 0 : index
      %get3A_60 = vector.load %arg9[%get3A_57, %get3A_58, %get3A_59] : memref<1x1024x512xf32, #tpu.memory_space<vmem>>, vector<1x1024x512xf32>
      %get3A_61 = vector.shape_cast %get3A_60 : vector<1x1024x512xf32> to vector<1024x512xf32>
      %get3A_62 = arith.constant 0 : index
      %get3A_63 = arith.constant 0 : index
      %get3A_64 = arith.constant 0 : index
      %get3A_65 = vector.load %arg10[%get3A_62, %get3A_63, %get3A_64] : memref<1x1x512xf32, #tpu.memory_space<vmem>>, vector<1x1x512xf32>
      %get3A_66 = vector.shape_cast %get3A_65 : vector<1x1x512xf32> to vector<1x512xf32>
      %get3A_67 = arith.constant 0 : index
      %get3A_68 = arith.constant 0 : index
      %get3A_69 = arith.constant 0 : index
      %get3A_70 = vector.load %arg11[%get3A_67, %get3A_68, %get3A_69] : memref<1x512x32xf32, #tpu.memory_space<vmem>>, vector<1x512x32xf32>
      %get3A_71 = vector.shape_cast %get3A_70 : vector<1x512x32xf32> to vector<512x32xf32>
      %get3A_72 = arith.constant 0 : index
      %get3A_73 = arith.constant 0 : index
      %get3A_74 = arith.constant 0 : index
      %get3A_75 = vector.load %arg12[%get3A_72, %get3A_73, %get3A_74] : memref<1x1x32xf32, #tpu.memory_space<vmem>>, vector<1x1x32xf32>
      %get3A_76 = vector.shape_cast %get3A_75 : vector<1x1x32xf32> to vector<1x32xf32>
      %get3A_77 = arith.constant 0 : index
      %get3A_78 = arith.constant 0 : index
      %get3A_79 = arith.constant 0 : index
      %get3A_80 = vector.load %arg13[%get3A_77, %get3A_78, %get3A_79] : memref<1x1024x512xf32, #tpu.memory_space<vmem>>, vector<1x1024x512xf32>
      %get3A_81 = vector.shape_cast %get3A_80 : vector<1x1024x512xf32> to vector<1024x512xf32>
      %get3A_82 = arith.constant 0 : index
      %get3A_83 = arith.constant 0 : index
      %get3A_84 = arith.constant 0 : index
      %get3A_85 = vector.load %arg14[%get3A_82, %get3A_83, %get3A_84] : memref<1x1x512xf32, #tpu.memory_space<vmem>>, vector<1x1x512xf32>
      %get3A_86 = vector.shape_cast %get3A_85 : vector<1x1x512xf32> to vector<1x512xf32>
      %get3A_87 = arith.constant 0 : index
      %get3A_88 = arith.constant 0 : index
      %get3A_89 = arith.constant 0 : index
      %get3A_90 = vector.load %arg15[%get3A_87, %get3A_88, %get3A_89] : memref<1x1x512xf32, #tpu.memory_space<vmem>>, vector<1x1x512xf32>
      %get3A_91 = vector.shape_cast %get3A_90 : vector<1x1x512xf32> to vector<1x512xf32>
      %get3A_92 = arith.constant 0 : index
      %get3A_93 = arith.constant 0 : index
      %get3A_94 = arith.constant 0 : index
      %get3A_95 = vector.load %arg16[%get3A_92, %get3A_93, %get3A_94] : memref<1x1x1xf32, #tpu.memory_space<vmem>>, vector<1x1x1xf32>
      %get3A_96 = vector.shape_cast %get3A_95 : vector<1x1x1xf32> to vector<1x1xf32>
      %convert_element_type3A_97 = arith.truncf %get3A_36 : vector<1536x128xf32> to vector<1536x128xbf16>
      %convert_element_type3A_98 = arith.truncf %get3A_41 : vector<128x512xf32> to vector<128x512xbf16>
      %dot_general3A = arith.constant dense<0.000000e+00> : vector<1536x512xf32>
      %dot_general3A_99 = tpu.matmul %convert_element_type3A_97, %convert_element_type3A_98, %dot_general3A {dimension_numbers = #tpu.dot_dimension_numbers<[1], [0], [0], [1], [0, 0, 1, 1], [], []>, transpose_lhs_hint = false} : vector<1536x128xbf16>, vector<128x512xbf16>, vector<1536x512xf32> -> vector<1536x512xf32>
      %add3A_100 = vector.broadcast %get3A_46 : vector<1x512xf32> to vector<1536x512xf32>
      %add3A_101 = arith.addf %dot_general3A_99, %add3A_100 : vector<1536x512xf32>
      %max3A = arith.constant 0.000000e+00 : f32
      %max3A_102 = vector.broadcast %max3A : f32 to vector<1536x512xf32>
      %max3A_103 = arith.maximumf %add3A_101, %max3A_102 : vector<1536x512xf32>
      %convert_element_type3A_104 = arith.truncf %max3A_103 : vector<1536x512xf32> to vector<1536x512xbf16>
      %convert_element_type3A_105 = arith.truncf %get3A_51 : vector<512x512xf32> to vector<512x512xbf16>
      %dot_general3A_106 = arith.constant dense<0.000000e+00> : vector<1536x512xf32>
      %dot_general3A_107 = tpu.matmul %convert_element_type3A_104, %convert_element_type3A_105, %dot_general3A_106 {dimension_numbers = #tpu.dot_dimension_numbers<[1], [0], [0], [1], [0, 0, 1, 1], [], []>, transpose_lhs_hint = false} : vector<1536x512xbf16>, vector<512x512xbf16>, vector<1536x512xf32> -> vector<1536x512xf32>
      %add3A_108 = vector.broadcast %get3A_56 : vector<1x512xf32> to vector<1536x512xf32>
      %add3A_109 = arith.addf %dot_general3A_107, %add3A_108 : vector<1536x512xf32>
      %reshape3A = vector.shape_cast %add3A_109 : vector<1536x512xf32> to vector<64x24x512xf32>
      %convert_element_type3A_110 = arith.truncf %reshape3A : vector<64x24x512xf32> to vector<64x24x512xbf16>
      %convert_element_type3A_111 = arith.extf %convert_element_type3A_110 : vector<64x24x512xbf16> to vector<64x24x512xf32>
      %slice3A = vector.extract_strided_slice %convert_element_type3A_111 {offsets = [0, 0, 0], sizes = [64, 1, 512], strides = [1, 1, 1]} : vector<64x24x512xf32> to vector<64x1x512xf32>
      %mul3A = vector.broadcast %slice3A : vector<64x1x512xf32> to vector<64x24x512xf32>
      %mul3A_112 = arith.mulf %mul3A, %convert_element_type3A_111 : vector<64x24x512xf32>
      %reduce_sum3A = arith.constant dense<0.000000e+00> : vector<64x24xf32>
      %reduce_sum3A_113 = vector.multi_reduction <add>, %mul3A_112, %reduce_sum3A [2] : vector<64x24x512xf32> to vector<64x24xf32>
      %broadcast_in_dim3A = vector.shape_cast %reduce_sum3A_113 : vector<64x24xf32> to vector<64x24x1xf32>
      %div3A = arith.constant 22.6274166 : f32
      %div3A_114 = vector.broadcast %div3A : f32 to vector<64x24x1xf32>
      %div3A_115 = arith.divf %broadcast_in_dim3A, %div3A_114 : vector<64x24x1xf32>
      %iota3A = tpu.iota {dimensions = array<i32: 1>} : vector<64x24x1xi32>
      %ge3A = arith.constant 1 : i32
      %ge3A_116 = vector.broadcast %ge3A : i32 to vector<64x24x1xi32>
      %ge3A_117 = arith.cmpi sge, %iota3A, %ge3A_116 : vector<64x24x1xi32>
      %lt3A_118 = arith.constant 11 : i32
      %lt3A_119 = vector.broadcast %lt3A_118 : i32 to vector<64x24x1xi32>
      %lt3A_120 = arith.cmpi slt, %iota3A, %lt3A_119 : vector<64x24x1xi32>
      %and3A_121 = arith.andi %ge3A_117, %lt3A_120 : vector<64x24x1xi1>
      %jit3A_122 = arith.constant -1.000000e+30 : f32
      %broadcast_in_dim3A_123 = vector.broadcast %jit3A_122 : f32 to vector<64x24x1xf32>
      %select_n3A_124 = arith.select %and3A_121, %div3A_115, %broadcast_in_dim3A_123 : vector<64x24x1xi1>, vector<64x24x1xf32>
      %reduce_max3A = arith.constant dense<0xFF800000> : vector<64x1xf32>
      %reduce_max3A_125 = vector.multi_reduction <maximumf>, %select_n3A_124, %reduce_max3A [1] : vector<64x24x1xf32> to vector<64x1xf32>
      %broadcast_in_dim3A_126 = vector.shape_cast %reduce_max3A_125 : vector<64x1xf32> to vector<64x1x1xf32>
      %sub3A = vector.broadcast %broadcast_in_dim3A_126 : vector<64x1x1xf32> to vector<64x24x1xf32>
      %sub3A_127 = arith.subf %div3A_115, %sub3A : vector<64x24x1xf32>
      %exp3A = math.exp %sub3A_127 : vector<64x24x1xf32>
      %jit3A_128 = arith.constant 0.000000e+00 : f32
      %broadcast_in_dim3A_129 = vector.broadcast %jit3A_128 : f32 to vector<64x24x1xf32>
      %select_n3A_130 = arith.select %and3A_121, %exp3A, %broadcast_in_dim3A_129 : vector<64x24x1xi1>, vector<64x24x1xf32>
      %reduce_sum3A_131 = arith.constant dense<0.000000e+00> : vector<64x1xf32>
      %reduce_sum3A_132 = vector.multi_reduction <add>, %select_n3A_130, %reduce_sum3A_131 [1] : vector<64x24x1xf32> to vector<64x1xf32>
      %broadcast_in_dim3A_133 = vector.shape_cast %reduce_sum3A_132 : vector<64x1xf32> to vector<64x1x1xf32>
      %div3A_134 = vector.broadcast %broadcast_in_dim3A_133 : vector<64x1x1xf32> to vector<64x24x1xf32>
      %div3A_135 = arith.divf %select_n3A_130, %div3A_134 : vector<64x24x1xf32>
      %convert_element_type3A_136 = arith.truncf %div3A_135 : vector<64x24x1xf32> to vector<64x24x1xbf16>
      %convert_element_type3A_137 = arith.extf %convert_element_type3A_136 : vector<64x24x1xbf16> to vector<64x24x1xf32>
      %mul3A_138 = vector.broadcast %convert_element_type3A_137 : vector<64x24x1xf32> to vector<64x24x512xf32>
      %mul3A_139 = arith.mulf %mul3A_138, %convert_element_type3A_111 : vector<64x24x512xf32>
      %reduce_sum3A_140 = arith.constant dense<0.000000e+00> : vector<64x512xf32>
      %reduce_sum3A_141 = vector.multi_reduction <add>, %mul3A_139, %reduce_sum3A_140 [1] : vector<64x24x512xf32> to vector<64x512xf32>
      %jit3A_142 = arith.constant -1.000000e+30 : f32
      %broadcast_in_dim3A_143 = vector.shape_cast %and3A_121 : vector<64x24x1xi1> to vector<64x24x1xi1>
      %broadcast_in_dim3A_144 = vector.broadcast %broadcast_in_dim3A_143 : vector<64x24x1xi1> to vector<64x24x512xi1>
      %broadcast_in_dim3A_145 = vector.broadcast %jit3A_142 : f32 to vector<64x24x512xf32>
      %select_n3A_146 = arith.select %broadcast_in_dim3A_144, %reshape3A, %broadcast_in_dim3A_145 : vector<64x24x512xi1>, vector<64x24x512xf32>
      %reduce_max3A_147 = arith.constant dense<0xFF800000> : vector<64x512xf32>
      %reduce_max3A_148 = vector.multi_reduction <maximumf>, %select_n3A_146, %reduce_max3A_147 [1] : vector<64x24x512xf32> to vector<64x512xf32>
      %ge3A_149 = arith.constant 11 : i32
      %ge3A_150 = vector.broadcast %ge3A_149 : i32 to vector<64x24x1xi32>
      %ge3A_151 = arith.cmpi sge, %iota3A, %ge3A_150 : vector<64x24x1xi32>
      %lt3A_152 = arith.constant 22 : i32
      %lt3A_153 = vector.broadcast %lt3A_152 : i32 to vector<64x24x1xi32>
      %lt3A_154 = arith.cmpi slt, %iota3A, %lt3A_153 : vector<64x24x1xi32>
      %and3A_155 = arith.andi %ge3A_151, %lt3A_154 : vector<64x24x1xi1>
      %jit3A_156 = arith.constant -1.000000e+30 : f32
      %broadcast_in_dim3A_157 = vector.broadcast %jit3A_156 : f32 to vector<64x24x1xf32>
      %select_n3A_158 = arith.select %and3A_155, %div3A_115, %broadcast_in_dim3A_157 : vector<64x24x1xi1>, vector<64x24x1xf32>
      %reduce_max3A_159 = arith.constant dense<0xFF800000> : vector<64x1xf32>
      %reduce_max3A_160 = vector.multi_reduction <maximumf>, %select_n3A_158, %reduce_max3A_159 [1] : vector<64x24x1xf32> to vector<64x1xf32>
      %broadcast_in_dim3A_161 = vector.shape_cast %reduce_max3A_160 : vector<64x1xf32> to vector<64x1x1xf32>
      %sub3A_162 = vector.broadcast %broadcast_in_dim3A_161 : vector<64x1x1xf32> to vector<64x24x1xf32>
      %sub3A_163 = arith.subf %div3A_115, %sub3A_162 : vector<64x24x1xf32>
      %exp3A_164 = math.exp %sub3A_163 : vector<64x24x1xf32>
      %jit3A_165 = arith.constant 0.000000e+00 : f32
      %broadcast_in_dim3A_166 = vector.broadcast %jit3A_165 : f32 to vector<64x24x1xf32>
      %select_n3A_167 = arith.select %and3A_155, %exp3A_164, %broadcast_in_dim3A_166 : vector<64x24x1xi1>, vector<64x24x1xf32>
      %reduce_sum3A_168 = arith.constant dense<0.000000e+00> : vector<64x1xf32>
      %reduce_sum3A_169 = vector.multi_reduction <add>, %select_n3A_167, %reduce_sum3A_168 [1] : vector<64x24x1xf32> to vector<64x1xf32>
      %broadcast_in_dim3A_170 = vector.shape_cast %reduce_sum3A_169 : vector<64x1xf32> to vector<64x1x1xf32>
      %div3A_171 = vector.broadcast %broadcast_in_dim3A_170 : vector<64x1x1xf32> to vector<64x24x1xf32>
      %div3A_172 = arith.divf %select_n3A_167, %div3A_171 : vector<64x24x1xf32>
      %convert_element_type3A_173 = arith.truncf %div3A_172 : vector<64x24x1xf32> to vector<64x24x1xbf16>
      %convert_element_type3A_174 = arith.extf %convert_element_type3A_173 : vector<64x24x1xbf16> to vector<64x24x1xf32>
      %mul3A_175 = vector.broadcast %convert_element_type3A_174 : vector<64x24x1xf32> to vector<64x24x512xf32>
      %mul3A_176 = arith.mulf %mul3A_175, %convert_element_type3A_111 : vector<64x24x512xf32>
      %reduce_sum3A_177 = arith.constant dense<0.000000e+00> : vector<64x512xf32>
      %reduce_sum3A_178 = vector.multi_reduction <add>, %mul3A_176, %reduce_sum3A_177 [1] : vector<64x24x512xf32> to vector<64x512xf32>
      %jit3A_179 = arith.constant -1.000000e+30 : f32
      %broadcast_in_dim3A_180 = vector.shape_cast %and3A_155 : vector<64x24x1xi1> to vector<64x24x1xi1>
      %broadcast_in_dim3A_181 = vector.broadcast %broadcast_in_dim3A_180 : vector<64x24x1xi1> to vector<64x24x512xi1>
      %broadcast_in_dim3A_182 = vector.broadcast %jit3A_179 : f32 to vector<64x24x512xf32>
      %select_n3A_183 = arith.select %broadcast_in_dim3A_181, %reshape3A, %broadcast_in_dim3A_182 : vector<64x24x512xi1>, vector<64x24x512xf32>
      %reduce_max3A_184 = arith.constant dense<0xFF800000> : vector<64x512xf32>
      %reduce_max3A_185 = vector.multi_reduction <maximumf>, %select_n3A_183, %reduce_max3A_184 [1] : vector<64x24x512xf32> to vector<64x512xf32>
      %concatenate3A = tpu.concatenate %reduce_sum3A_141, %reduce_sum3A_178 in 1 : vector<64x512xf32>, vector<64x512xf32> -> vector<64x1024xf32>
      %concatenate3A_186 = tpu.concatenate %reduce_max3A_148, %reduce_max3A_185 in 1 : vector<64x512xf32>, vector<64x512xf32> -> vector<64x1024xf32>
      %convert_element_type3A_187 = arith.truncf %concatenate3A : vector<64x1024xf32> to vector<64x1024xbf16>
      %convert_element_type3A_188 = arith.truncf %get3A_61 : vector<1024x512xf32> to vector<1024x512xbf16>
      %dot_general3A_189 = arith.constant dense<0.000000e+00> : vector<64x512xf32>
      %dot_general3A_190 = tpu.matmul %convert_element_type3A_187, %convert_element_type3A_188, %dot_general3A_189 {dimension_numbers = #tpu.dot_dimension_numbers<[1], [0], [0], [1], [0, 0, 1, 1], [], []>, transpose_lhs_hint = false} : vector<64x1024xbf16>, vector<1024x512xbf16>, vector<64x512xf32> -> vector<64x512xf32>
      %add3A_191 = vector.broadcast %get3A_66 : vector<1x512xf32> to vector<64x512xf32>
      %add3A_192 = arith.addf %dot_general3A_190, %add3A_191 : vector<64x512xf32>
      %max3A_193 = arith.constant 0.000000e+00 : f32
      %max3A_194 = vector.broadcast %max3A_193 : f32 to vector<64x512xf32>
      %max3A_195 = arith.maximumf %add3A_192, %max3A_194 : vector<64x512xf32>
      %convert_element_type3A_196 = arith.truncf %max3A_195 : vector<64x512xf32> to vector<64x512xbf16>
      %convert_element_type3A_197 = arith.truncf %get3A_71 : vector<512x32xf32> to vector<512x32xbf16>
      %dot_general3A_198 = arith.constant dense<0.000000e+00> : vector<64x32xf32>
      %dot_general3A_199 = tpu.matmul %convert_element_type3A_196, %convert_element_type3A_197, %dot_general3A_198 {dimension_numbers = #tpu.dot_dimension_numbers<[1], [0], [0], [1], [0, 0, 1, 1], [], []>, transpose_lhs_hint = false} : vector<64x512xbf16>, vector<512x32xbf16>, vector<64x32xf32> -> vector<64x32xf32>
      %add3A_200 = vector.broadcast %get3A_76 : vector<1x32xf32> to vector<64x32xf32>
      %add3A_201 = arith.addf %dot_general3A_199, %add3A_200 : vector<64x32xf32>
      %convert_element_type3A_202 = arith.truncf %concatenate3A_186 : vector<64x1024xf32> to vector<64x1024xbf16>
      %convert_element_type3A_203 = arith.truncf %get3A_81 : vector<1024x512xf32> to vector<1024x512xbf16>
      %dot_general3A_204 = arith.constant dense<0.000000e+00> : vector<64x512xf32>
      %dot_general3A_205 = tpu.matmul %convert_element_type3A_202, %convert_element_type3A_203, %dot_general3A_204 {dimension_numbers = #tpu.dot_dimension_numbers<[1], [0], [0], [1], [0, 0, 1, 1], [], []>, transpose_lhs_hint = false} : vector<64x1024xbf16>, vector<1024x512xbf16>, vector<64x512xf32> -> vector<64x512xf32>
      %add3A_206 = vector.broadcast %get3A_86 : vector<1x512xf32> to vector<64x512xf32>
      %add3A_207 = arith.addf %dot_general3A_205, %add3A_206 : vector<64x512xf32>
      %max3A_208 = arith.constant 0.000000e+00 : f32
      %max3A_209 = vector.broadcast %max3A_208 : f32 to vector<64x512xf32>
      %max3A_210 = arith.maximumf %add3A_207, %max3A_209 : vector<64x512xf32>
      %convert_element_type3A_211 = arith.truncf %max3A_210 : vector<64x512xf32> to vector<64x512xbf16>
      %convert_element_type3A_212 = arith.extf %convert_element_type3A_211 : vector<64x512xbf16> to vector<64x512xf32>
      %convert_element_type3A_213 = arith.truncf %get3A_91 : vector<1x512xf32> to vector<1x512xbf16>
      %convert_element_type3A_214 = arith.extf %convert_element_type3A_213 : vector<1x512xbf16> to vector<1x512xf32>
      %mul3A_215 = vector.broadcast %convert_element_type3A_214 : vector<1x512xf32> to vector<64x512xf32>
      %mul3A_216 = arith.mulf %convert_element_type3A_212, %mul3A_215 : vector<64x512xf32>
      %reduce_sum3A_217 = arith.constant dense<0.000000e+00> : vector<64xf32>
      %reduce_sum3A_218 = vector.multi_reduction <add>, %mul3A_216, %reduce_sum3A_217 [1] : vector<64x512xf32> to vector<64xf32>
      %broadcast_in_dim3A_219 = vector.shape_cast %reduce_sum3A_218 : vector<64xf32> to vector<64x1xf32>
      %add3A_220 = vector.broadcast %get3A_96 : vector<1x1xf32> to vector<64x1xf32>
      %add3A_221 = arith.addf %broadcast_in_dim3A_219, %add3A_220 : vector<64x1xf32>
      %reduce_max3A_222 = arith.constant dense<0xFF800000> : vector<64xf32>
      %reduce_max3A_223 = vector.multi_reduction <maximumf>, %add3A_201, %reduce_max3A_222 [1] : vector<64x32xf32> to vector<64xf32>
      %broadcast_in_dim3A_224 = vector.shape_cast %reduce_max3A_223 : vector<64xf32> to vector<64x1xf32>
      %iota3A_225 = tpu.iota {dimensions = array<i32: 1>} : vector<64x32xi32>
      %eq3A_226 = vector.broadcast %broadcast_in_dim3A_224 : vector<64x1xf32> to vector<64x32xf32>
      %eq3A_227 = arith.cmpf oeq, %add3A_201, %eq3A_226 : vector<64x32xf32>
      %jit3A_228 = arith.constant 32 : i32
      %broadcast_in_dim3A_229 = vector.broadcast %jit3A_228 : i32 to vector<64x32xi32>
      %select_n3A_230 = arith.select %eq3A_227, %iota3A_225, %broadcast_in_dim3A_229 : vector<64x32xi1>, vector<64x32xi32>
      %reduce_min3A = arith.constant dense<2147483647> : vector<64xi32>
      %reduce_min3A_231 = vector.multi_reduction <minsi>, %select_n3A_230, %reduce_min3A [1] : vector<64x32xi32> to vector<64xi32>
      %broadcast_in_dim3A_232 = vector.shape_cast %reduce_min3A_231 : vector<64xi32> to vector<64x1xi32>
      %sub3A_233 = vector.broadcast %broadcast_in_dim3A_224 : vector<64x1xf32> to vector<64x32xf32>
      %sub3A_234 = arith.subf %add3A_201, %sub3A_233 : vector<64x32xf32>
      %exp3A_235 = math.exp %sub3A_234 : vector<64x32xf32>
      %reduce_sum3A_236 = arith.constant dense<0.000000e+00> : vector<64xf32>
      %reduce_sum3A_237 = vector.multi_reduction <add>, %exp3A_235, %reduce_sum3A_236 [1] : vector<64x32xf32> to vector<64xf32>
      %broadcast_in_dim3A_238 = vector.shape_cast %reduce_sum3A_237 : vector<64xf32> to vector<64x1xf32>
      %log3A = math.log %broadcast_in_dim3A_238 : vector<64x1xf32>
      %neg3A = arith.constant 0.000000e+00 : f32
      %neg3A_239 = vector.broadcast %neg3A : f32 to vector<64x1xf32>
      %neg3A_240 = arith.subf %neg3A_239, %log3A : vector<64x1xf32>
      %iota3A_241 = tpu.iota {dimensions = array<i32: 1>} : vector<64x128xi32>
      %eq3A_242 = arith.constant 0 : i32
      %eq3A_243 = vector.broadcast %eq3A_242 : i32 to vector<64x128xi32>
      %eq3A_244 = arith.cmpi eq, %iota3A_241, %eq3A_243 : vector<64x128xi32>
      %convert_element_type3A_245 = arith.sitofp %broadcast_in_dim3A_232 : vector<64x1xi32> to vector<64x1xf32>
      %eq3A_246 = arith.constant 1 : i32
      %eq3A_247 = vector.broadcast %eq3A_246 : i32 to vector<64x128xi32>
      %eq3A_248 = arith.cmpi eq, %iota3A_241, %eq3A_247 : vector<64x128xi32>
      %eq3A_249 = arith.constant 2 : i32
      %eq3A_250 = vector.broadcast %eq3A_249 : i32 to vector<64x128xi32>
      %eq3A_251 = arith.cmpi eq, %iota3A_241, %eq3A_250 : vector<64x128xi32>
      %jit3A_252 = arith.constant 0.000000e+00 : f32
      %broadcast_in_dim3A_253 = vector.shape_cast %neg3A_240 : vector<64x1xf32> to vector<64x1xf32>
      %broadcast_in_dim3A_254 = vector.broadcast %broadcast_in_dim3A_253 : vector<64x1xf32> to vector<64x128xf32>
      %broadcast_in_dim3A_255 = vector.broadcast %jit3A_252 : f32 to vector<64x128xf32>
      %select_n3A_256 = arith.select %eq3A_251, %broadcast_in_dim3A_254, %broadcast_in_dim3A_255 : vector<64x128xi1>, vector<64x128xf32>
      %broadcast_in_dim3A_257 = vector.shape_cast %add3A_221 : vector<64x1xf32> to vector<64x1xf32>
      %broadcast_in_dim3A_258 = vector.broadcast %broadcast_in_dim3A_257 : vector<64x1xf32> to vector<64x128xf32>
      %select_n3A_259 = arith.select %eq3A_248, %broadcast_in_dim3A_258, %select_n3A_256 : vector<64x128xi1>, vector<64x128xf32>
      %broadcast_in_dim3A_260 = vector.shape_cast %convert_element_type3A_245 : vector<64x1xf32> to vector<64x1xf32>
      %broadcast_in_dim3A_261 = vector.broadcast %broadcast_in_dim3A_260 : vector<64x1xf32> to vector<64x128xf32>
      %select_n3A_262 = arith.select %eq3A_244, %broadcast_in_dim3A_261, %select_n3A_259 : vector<64x128xi1>, vector<64x128xf32>
      %swap3A = arith.constant 0 : index
      %swap3A_263 = arith.constant 0 : index
      %swap3A_264 = vector.load %arg17[%swap3A, %swap3A_263] : memref<64x128xf32, #tpu.memory_space<vmem>>, vector<64x128xf32>
      tpu.vector_store %arg17[%swap3A, %swap3A_263], %select_n3A_262 {strides = array<i32>} : memref<64x128xf32, #tpu.memory_space<vmem>>, vector<64x128xf32>,
    } else {
    }
    return
  }
  func.func @transform_1(%arg0: i32, %arg1: memref<1x24xi32, #tpu.memory_space<smem>>, %arg2: memref<1x24xi32, #tpu.memory_space<smem>>, %arg3: memref<1x1536xi32, #tpu.memory_space<smem>>) -> (i32, i32, i32) {
    %get3A = arith.constant 0 : index
    %get3A_0 = arith.index_cast %arg0 : i32 to index
    %get3A_1 = memref.load %arg1[%get3A, %get3A_0] : memref<1x24xi32, #tpu.memory_space<smem>>
    %c0_i32 = arith.constant 0 : i32
    %c0_i32_2 = arith.constant 0 : i32
    %c0_i32_3 = arith.constant 0 : i32
    return %get3A_1, %c0_i32, %c0_i32_2 : i32, i32, i32
  }
  func.func @transform_2(%arg0: i32, %arg1: memref<1x24xi32, #tpu.memory_space<smem>>, %arg2: memref<1x24xi32, #tpu.memory_space<smem>>, %arg3: memref<1x1536xi32, #tpu.memory_space<smem>>) -> (i32, i32, i32) {
    %get3A = arith.constant 0 : index
    %get3A_0 = arith.index_cast %arg0 : i32 to index
    %get3A_1 = memref.load %arg1[%get3A, %get3A_0] : memref<1x24xi32, #tpu.memory_space<smem>>
    %c0_i32 = arith.constant 0 : i32
    %c0_i32_2 = arith.constant 0 : i32
    %c0_i32_3 = arith.constant 0 : i32
    return %get3A_1, %c0_i32, %c0_i32_2 : i32, i32, i32
  }
  func.func @transform_3(%arg0: i32, %arg1: memref<1x24xi32, #tpu.memory_space<smem>>, %arg2: memref<1x24xi32, #tpu.memory_space<smem>>, %arg3: memref<1x1536xi32, #tpu.memory_space<smem>>) -> (i32, i32, i32) {
    %get3A = arith.constant 0 : index
    %get3A_0 = arith.index_cast %arg0 : i32 to index
    %get3A_1 = memref.load %arg1[%get3A, %get3A_0] : memref<1x24xi32, #tpu.memory_space<smem>>
    %c0_i32 = arith.constant 0 : i32
    %c0_i32_2 = arith.constant 0 : i32
    %c0_i32_3 = arith.constant 0 : i32
    return %get3A_1, %c0_i32, %c0_i32_2 : i32, i32, i32
  }
  func.func @transform_4(%arg0: i32, %arg1: memref<1x24xi32, #tpu.memory_space<smem>>, %arg2: memref<1x24xi32, #tpu.memory_space<smem>>, %arg3: memref<1x1536xi32, #tpu.memory_space<smem>>) -> (i32, i32, i32) {
    %get3A = arith.constant 0 : index
    %get3A_0 = arith.index_cast %arg0 : i32 to index
    %get3A_1 = memref.load %arg1[%get3A, %get3A_0] : memref<1x24xi32, #tpu.memory_space<smem>>
    %c0_i32 = arith.constant 0 : i32
    %c0_i32_2 = arith.constant 0 : i32
    %c0_i32_3 = arith.constant 0 : i32
    return %get3A_1, %c0_i32, %c0_i32_2 : i32, i32, i32
  }
  func.func @transform_5(%arg0: i32, %arg1: memref<1x24xi32, #tpu.memory_space<smem>>, %arg2: memref<1x24xi32, #tpu.memory_space<smem>>, %arg3: memref<1x1536xi32, #tpu.memory_space<smem>>) -> (i32, i32, i32) {
    %get3A = arith.constant 0 : index
    %get3A_0 = arith.index_cast %arg0 : i32 to index
    %get3A_1 = memref.load %arg1[%get3A, %get3A_0] : memref<1x24xi32, #tpu.memory_space<smem>>
    %c0_i32 = arith.constant 0 : i32
    %c0_i32_2 = arith.constant 0 : i32
    %c0_i32_3 = arith.constant 0 : i32
    return %get3A_1, %c0_i32, %c0_i32_2 : i32, i32, i32
  }
  func.func @transform_6(%arg0: i32, %arg1: memref<1x24xi32, #tpu.memory_space<smem>>, %arg2: memref<1x24xi32, #tpu.memory_space<smem>>, %arg3: memref<1x1536xi32, #tpu.memory_space<smem>>) -> (i32, i32, i32) {
    %get3A = arith.constant 0 : index
    %get3A_0 = arith.index_cast %arg0 : i32 to index
    %get3A_1 = memref.load %arg1[%get3A, %get3A_0] : memref<1x24xi32, #tpu.memory_space<smem>>
    %c0_i32 = arith.constant 0 : i32
    %c0_i32_2 = arith.constant 0 : i32
    %c0_i32_3 = arith.constant 0 : i32
    return %get3A_1, %c0_i32, %c0_i32_2 : i32, i32, i32
  }
  func.func @transform_7(%arg0: i32, %arg1: memref<1x24xi32, #tpu.memory_space<smem>>, %arg2: memref<1x24xi32, #tpu.memory_space<smem>>, %arg3: memref<1x1536xi32, #tpu.memory_space<smem>>) -> (i32, i32, i32) {
    %get3A = arith.constant 0 : index
    %get3A_0 = arith.index_cast %arg0 : i32 to index
    %get3A_1 = memref.load %arg1[%get3A, %get3A_0] : memref<1x24xi32, #tpu.memory_space<smem>>
    %c0_i32 = arith.constant 0 : i32
    %c0_i32_2 = arith.constant 0 : i32
    %c0_i32_3 = arith.constant 0 : i32
    return %get3A_1, %c0_i32, %c0_i32_2 : i32, i32, i32
  }
  func.func @transform_8(%arg0: i32, %arg1: memref<1x24xi32, #tpu.memory_space<smem>>, %arg2: memref<1x24xi32, #tpu.memory_space<smem>>, %arg3: memref<1x1536xi32, #tpu.memory_space<smem>>) -> (i32, i32, i32) {
    %get3A = arith.constant 0 : index
    %get3A_0 = arith.index_cast %arg0 : i32 to index
    %get3A_1 = memref.load %arg1[%get3A, %get3A_0] : memref<1x24xi32, #tpu.memory_space<smem>>
    %c0_i32 = arith.constant 0 : i32
    %c0_i32_2 = arith.constant 0 : i32
    %c0_i32_3 = arith.constant 0 : i32
    return %get3A_1, %c0_i32, %c0_i32_2 : i32, i32, i32
  }
  func.func @transform_9(%arg0: i32, %arg1: memref<1x24xi32, #tpu.memory_space<smem>>, %arg2: memref<1x24xi32, #tpu.memory_space<smem>>, %arg3: memref<1x1536xi32, #tpu.memory_space<smem>>) -> (i32, i32, i32) {
    %get3A = arith.constant 0 : index
    %get3A_0 = arith.index_cast %arg0 : i32 to index
    %get3A_1 = memref.load %arg1[%get3A, %get3A_0] : memref<1x24xi32, #tpu.memory_space<smem>>
    %c0_i32 = arith.constant 0 : i32
    %c0_i32_2 = arith.constant 0 : i32
    %c0_i32_3 = arith.constant 0 : i32
    return %get3A_1, %c0_i32, %c0_i32_2 : i32, i32, i32
  }
  func.func @transform_10(%arg0: i32, %arg1: memref<1x24xi32, #tpu.memory_space<smem>>, %arg2: memref<1x24xi32, #tpu.memory_space<smem>>, %arg3: memref<1x1536xi32, #tpu.memory_space<smem>>) -> (i32, i32, i32) {
    %get3A = arith.constant 0 : index
    %get3A_0 = arith.index_cast %arg0 : i32 to index
    %get3A_1 = memref.load %arg1[%get3A, %get3A_0] : memref<1x24xi32, #tpu.memory_space<smem>>
    %c0_i32 = arith.constant 0 : i32
    %c0_i32_2 = arith.constant 0 : i32
    %c0_i32_3 = arith.constant 0 : i32
    return %get3A_1, %c0_i32, %c0_i32_2 : i32, i32, i32
  }
  func.func @transform_11(%arg0: i32, %arg1: memref<1x24xi32, #tpu.memory_space<smem>>, %arg2: memref<1x24xi32, #tpu.memory_space<smem>>, %arg3: memref<1x1536xi32, #tpu.memory_space<smem>>) -> (i32, i32, i32) {
    %get3A = arith.constant 0 : index
    %get3A_0 = arith.index_cast %arg0 : i32 to index
    %get3A_1 = memref.load %arg1[%get3A, %get3A_0] : memref<1x24xi32, #tpu.memory_space<smem>>
    %c0_i32 = arith.constant 0 : i32
    %c0_i32_2 = arith.constant 0 : i32
    %c0_i32_3 = arith.constant 0 : i32
    return %get3A_1, %c0_i32, %c0_i32_2 : i32, i32, i32
  }
  func.func @transform_12(%arg0: i32, %arg1: memref<1x24xi32, #tpu.memory_space<smem>>, %arg2: memref<1x24xi32, #tpu.memory_space<smem>>, %arg3: memref<1x1536xi32, #tpu.memory_space<smem>>) -> (i32, i32, i32) {
    %get3A = arith.constant 0 : index
    %get3A_0 = arith.index_cast %arg0 : i32 to index
    %get3A_1 = memref.load %arg1[%get3A, %get3A_0] : memref<1x24xi32, #tpu.memory_space<smem>>
    %c0_i32 = arith.constant 0 : i32
    %c0_i32_2 = arith.constant 0 : i32
    %c0_i32_3 = arith.constant 0 : i32
    return %get3A_1, %c0_i32, %c0_i32_2 : i32, i32, i32
  }
  func.func @transform_13(%arg0: i32, %arg1: memref<1x24xi32, #tpu.memory_space<smem>>, %arg2: memref<1x24xi32, #tpu.memory_space<smem>>, %arg3: memref<1x1536xi32, #tpu.memory_space<smem>>) -> (i32, i32) {
    %c0_i32 = arith.constant 0 : i32
    %c0_i32_0 = arith.constant 0 : i32
    return %arg0, %c0_i32 : i32, i32
  }
}

</mosaic_0001>

<sc_bundles>
// kernel: kernel.5.cloned.1.call-start
scs
__scs_entry_jumppad:
0x0: {  	(pc) =	sbr.rel $0x88, $3  }
0x1: {  	(tag) =	ssettag $0x0;
	lr =	simm.s32 $0x1  }
0x2: {  	[smem:$0x3F93] =	sst lr;
	_ =	strace $0xD0000000  }
0x3: {  	_ = 	snop  }
0x4: {  	_ = 	snop  }
0x5: {  	_ = 	snop  }
0x6: {  	_ = 	snop  }
0x7: {  	_ = 	snop  }
__scs_overlays_trampoline_lowered:
0x8: {  	[smem:$0x3FA2] =	sst s0  }
0x9: {  	[smem:$0x3FA3] =	sst s1  }
0xa: {  	[smem:$0x3FA4] =	sst s2  }
0xb: {  	[smem:$0x3FA5] =	sst s3  }
0xc: {  	[smem:$0x3FA6] =	sst s4  }
0xd: {  	[smem:$0x3FA7] =	sst s5  }
0xe: {  	[smem:$0x3FA8] =	sst s6  }
0xf: {  	[smem:$0x3FA9] =	sst s7  }
0x10: {  	[smem:$0x3FAA] =	sst s8  }
0x11: {  	[smem:$0x3FAB] =	sst s9;
	s0 =	simm.s32 @!p0 $0x0  }
0x12: {  	s1 =	sld [smem:$0x3F91];
	s0 =	simm.s32 @p0 $0x1  }
0x13: {  	[smem:$0x3FAC] =	sst s0;
	s0 =	simm.s32 @!p1 $0x0  }
0x14: {  	s2 =	sld [smem:$0x3F90];
	s0 =	simm.s32 @p1 $0x1  }
0x15: {  	[smem:$0x3FAD] =	sst s0;
	s0 =	simm.s32 @!p2 $0x0  }
0x16: {  	s3 =	sld [smem:$0x3FDB];
	s0 =	simm.s32 @p2 $0x1  }
0x17: {  	s4 =	simm.s32 $0x1BF5;
	[smem:$0x3FAF] =	sst s0  }
0x18: {  	s0 =	sld [smem:$0x3F92];
	_ =	swait.ge [sflag:s4], $0x0  }
0x19: {  	s7 =	sld [smem:$0x3F93]  }
0x1a: {  	s8 =	sadd.s32 $0xFFFFE003, lr  }
0x1b: {  	s9 =	sadd.s32 $0xFFFFFEF7, lr;
	s5 =	simm.s32 $0xFFFFFFFF;
	p2 =	slt.u32 s8, $0xFFFFF086  }
0x1c: {  	p1 =	slt.u32 s9, $0xF7A;
	s5 =	simm.s32 @!p2 $0x0  }
0x1d: {  	s5 =	simm.s32 @p1 $0x1;
	p0 =	seq.s32 s7, s2  }
0x1e: {  	s7 =	smul.u32 @!p0 $0xF7A, s2;
	p2 =	seq.s32 @!p0 s5, $0x0  }
0x1f: {  	s9 =	smul.u32 $0xF7A, s1;
	s8 =	simm.s32 @!p0 $0x1BF5;
	p2 =	por !p2, p0  }
0x20: {  	[sflag:s8] =	ssyncset.s32 @!p0 $0xFFFFF086;
	s6 =	sadd.s32 @!p0 s3, s7;
	s7 =	simm.s32 @!p0 $0x108  }
0x21: {  	s3 =	sadd.s32 s3, s9;
	s6 =	sadd.s32 @!p0 $0x88, s6;
	s7 =	simm.s32 @p2 $0x1082  }
0x22: {  	[simem:s7], [sflag:s8] =	dma.local @!p0 [hbm:s6], $0xF7A  }
0x23: {  	s9 =	sor.u32 $0xD0000000, s2;
	s6 =	simm.s32 $0x108;
	_ =	swait.ge @!p0 [sflag:s8], $0x0  }
0x24: {  	s3 =	sadd.s32 $0x88, s3;
	s6 =	simm.s32 @!p1 $0x1082;
	[sflag:s4] =	ssyncset.s32 $0xFFFFF086  }
0x25: {  	[simem:s6], [sflag:s4] =	dma.local [hbm:s3], $0xF7A  }
0x26: {  	[smem:$0x3F93] =	sst s1;
	(tag) =	ssettag s2;
	_ =	strace s9  }
0x27: {  	s1 =	sld [smem:$0x3FA3]  }
0x28: {  	s2 =	sld [smem:$0x3FA4]  }
0x29: {  	s4 =	sld [smem:$0x3FA6]  }
0x2a: {  	p0 =	seq.s32 s5, $0x0;
	s5 =	sld [smem:$0x3FA7]  }
0x2b: {  	s6 =	sld [smem:$0x3FA8]  }
0x2c: {  	s7 =	sld [smem:$0x3FA9]  }
0x2d: {  	s3 =	simm.s32 $0x108;
	s8 =	sld [smem:$0x3FAA]  }
0x2e: {  	s3 =	simm.s32 @!p0 $0x1082;
	s9 =	sld [smem:$0x3FAB]  }
0x2f: {  	lr =	sadd.s32 s0, s3;
	s0 =	sld [smem:$0x3FA2]  }
0x30: {  	s3 =	sld [smem:$0x3FA5]  }
0x31: {  	[smem:$0x3FAE] =	sst s10  }
0x32: {  	s10 =	sld [smem:$0x3FAC];
	_ =	sdelay $0x3  }
0x33: {  	p0 =	seq.s32 s10, $0x1;
	s10 =	sld [smem:$0x3FAE];
	_ =	sdelay $0x3  }
0x34: {  	[smem:$0x3FAE] =	sst s10  }
0x35: {  	s10 =	sld [smem:$0x3FAD];
	_ =	sdelay $0x3  }
0x36: {  	p1 =	seq.s32 s10, $0x1;
	s10 =	sld [smem:$0x3FAE];
	_ =	sdelay $0x3  }
0x37: {  	[smem:$0x3FAE] =	sst s10  }
0x38: {  	s10 =	sld [smem:$0x3FAF]  }
0x39: {  	_ = 	snop;
	(pc) =	sbr.ind lr, $3  }
0x3a: {  	_ = 	snop  }
0x3b: {  	_ = 	snop  }
0x3c: {  	p2 =	seq.s32 s10, $0x1;
	s10 =	sld [smem:$0x3FAE]  }
0x3d: {  	_ =	shalt  }
0x3e: {  	_ =	shalt  }
0x3f: {  	_ =	shalt  }
0x40: {  	_ =	shalt  }
0x41: {  	_ =	shalt  }
0x42: {  	_ =	shalt  }
0x43: {  	_ =	shalt  }
0x44: {  	_ =	shalt  }
0x45: {  	_ =	shalt  }
0x46: {  	_ =	shalt  }
0x47: {  	_ =	shalt  }
0x48: {  	_ =	shalt  }
0x49: {  	_ =	shalt  }
0x4a: {  	_ =	shalt  }
0x4b: {  	_ =	shalt  }
0x4c: {  	_ =	shalt  }
0x4d: {  	_ =	shalt  }
0x4e: {  	_ =	shalt  }
0x4f: {  	_ =	shalt  }
0x50: {  	_ =	shalt  }
0x51: {  	_ =	shalt  }
0x52: {  	_ =	shalt  }
0x53: {  	_ =	shalt  }
0x54: {  	_ =	shalt  }
0x55: {  	_ =	shalt  }
0x56: {  	_ =	shalt  }
0x57: {  	_ =	shalt  }
0x58: {  	_ =	shalt  }
0x59: {  	_ =	shalt  }
0x5a: {  	_ =	shalt  }
0x5b: {  	_ =	shalt  }
0x5c: {  	_ =	shalt  }
0x5d: {  	_ =	shalt  }
0x5e: {  	_ =	shalt  }
0x5f: {  	_ =	shalt  }
0x60: {  	_ =	shalt  }
0x61: {  	_ =	shalt  }
0x62: {  	_ =	shalt  }
0x63: {  	_ =	shalt  }
0x64: {  	_ =	shalt  }
0x65: {  	_ =	shalt  }
0x66: {  	_ =	shalt  }
0x67: {  	_ =	shalt  }
0x68: {  	_ =	shalt  }
0x69: {  	_ =	shalt  }
0x6a: {  	_ =	shalt  }
0x6b: {  	_ =	shalt  }
0x6c: {  	_ =	shalt  }
0x6d: {  	_ =	shalt  }
0x6e: {  	_ =	shalt  }
0x6f: {  	_ =	shalt  }
0x70: {  	_ =	shalt  }
0x71: {  	_ =	shalt  }
0x72: {  	_ =	shalt  }
0x73: {  	_ =	shalt  }
0x74: {  	_ =	shalt  }
0x75: {  	_ =	shalt  }
0x76: {  	_ =	shalt  }
0x77: {  	_ =	shalt  }
0x78: {  	_ =	shalt  }
0x79: {  	_ =	shalt  }
0x7a: {  	_ =	shalt  }
0x7b: {  	_ =	shalt  }
0x7c: {  	_ =	shalt  }
0x7d: {  	_ =	shalt  }
0x7e: {  	_ =	shalt  }
0x7f: {  	_ =	shalt  }
0x80: {  	_ =	shalt  }
0x81: {  	_ =	shalt  }
0x82: {  	_ =	shalt  }
0x83: {  	_ =	shalt  }
0x84: {  	_ =	shalt  }
0x85: {  	_ =	shalt  }
0x86: {  	_ =	shalt  }
0x87: {  	_ =	shalt  }
.Lfunc_end0:
.L_simem_size_0:
called_computation_lowered:
.L_overlay_start_0:
0x88: {  	s2 =	sld [smem:$0x3FD9]  }
0x89: {  	s3 =	sld [smem:$0x3FFE];
	_ =	sdelay $0x1  }
0x8a: {  	s1 =	srdreg.scid  }
0x8b: {  	s0 =	sand.u32 $0x1, s1  }
0x8c: {  	s14 =	sshll.u32 s0, $0xA;
	s2 =	sadd.s32 s3, s2  }
0x8d: {  	s2 =	sadd.s32 s2, s14  }
0x8e: {  	[smem:$0x3FBA] =	sst s2  }
0x8f: {  	_ = 	snop  }
0x90: {  	s2 =	sld [smem:$0x3FD0];
	_ =	sdelay $0x2  }
0x91: {  	s15 =	simm.s32 $0xA;
	s4 =	simm.s32 $0x10  }
0x92: {  	[smem:s4], [sflag:s15] =	dma.local [hbm:s2], $0x1  }
0x93: {  	_ =	swait.eq [sflag:s15], $0x1  }
0x94: {  	[sflag:s15] =	ssyncset.done $0x0  }
0x95: {  	[sflag:s15] =	ssyncadd.s32 $0xFFFFFFFF  }
0x96: {  	s16 =	sld [smem:$0x12];
	(tm) =	ssettm $0x1  }
0x97: {  	s17 =	sld [smem:$0x3FFB];
	_ =	sdelay $0x3  }
0x98: {  	_ =	strace s17  }
0x99: {  	s3 =	sld [smem:$0x3FFC];
	_ =	sdelay $0x3  }
0x9a: {  	_ =	strace s3  }
0x9b: {  	s3 =	sld [smem:$0x3FFD];
	_ =	sdelay $0x3  }
0x9c: {  	_ =	strace s3  }
0x9d: {  	_ =	strace $0x8FFFFFFF  }
0x9e: {  	s18 =	sld [smem:$0x3FDB];
	_ =	sdelay $0x1  }
0x9f: {  	s19 =	simm.s32 $_scs_section_size  }
0xa0: {  	s5 =	simm.s32 $_size__tile_overlayer_lowered;
	s6 =	simm.s32 $_tile_overlayer_lowered  }
0xa1: {  	s22 =	simm.s32 $0x1BFF;
	s21 =	sshll.u32 s6, $0x1;
	s3 =	sadd.s32 s19, s18  }
0xa2: {  	s7 =	simm.s32 $0x0;
	s20 =	sshll.u32 s5, $0x1;
	s5 =	sadd.s32 s21, s3  }
0xa3: {  	[timem:s7], [sflag:s22] =	dma.local [hbm:s5], s20  }
0xa4: {  	_ =	swait.ge [sflag:s22], s20  }
0xa5: {  	s4 =	ssub.s32 $0x0, s20;
	[sflag:s22] =	ssyncset.done $0x0  }
0xa6: {  	[sflag:s22] =	ssyncadd.s32 s4;
	_ =	sdelay $0x1  }
0xa7: {  	s23 =	simm.s32 $0x1B8B  }
0xa8: {  	_ =	swait.ge [sflag:s23], $0x1  }
0xa9: {  	[sflag:s23] =	ssyncset.done $0x0  }
0xaa: {  	s25 =	simm.s32 $0x1B8E;
	s24 =	sld [smem:$0x3FFE];
	[sflag:s23] =	ssyncadd.s32 $0xFFFFFFFF  }
0xab: {  	s26 =	simm.s32 $execute0_lowered;
	[smem:$0x3FD2] =	sst s25  }
0xac: {  	s5 =	sshll.u32 s26, $0x1;
	_ =	strace $0x80000046;
	[dreg:$0x1] =	wrdreg $0xFFFFFFFF  }
0xad: {  	s28 =	simm.s32 $_size_execute0_lowered;
	s3 =	sadd.s32 s3, s5;
	[dreg:$0x0] =	wrdreg $0x0  }
0xae: {  	s5 =	sshll.u32 s28, $0x1;
	[dreg:$0x2] =	wrdreg s3  }
0xaf: {  	[dreg:$0x3] =	wrdreg s5  }
0xb0: {  	[dreg:$0x4] =	wrdreg $0xC0  }
0xb1: {  	_ =	task [dreg:s7], $0x5FFFF  }
0xb2: {  	[dreg:$0x1] =	wrdreg $0xFFFFFFFF  }
0xb3: {  	[dreg:$0x0] =	wrdreg $0x60  }
0xb4: {  	[dreg:$0x2] =	wrdreg s24  }
0xb5: {  	[dreg:$0x3] =	wrdreg s16  }
0xb6: {  	[dreg:$0x4] =	wrdreg $0x9  }
0xb7: {  	_ =	task.clear_ibuf [dreg:s7], $0x5FFFF;
	_ =	strace $0x90000046  }
0xb8: {  	s29 =	simm.s32 $0x9;
	_ =	strace $0x80000048  }
0xb9: {  	_ =	swait.ge [sflag:s29], $0x1  }
0xba: {  	[sflag:s29] =	ssyncadd.s32 $0xFFFFFFFF  }
0xbb: {  	_ =	strace $0x90000048  }
0xbc: {  	_ =	sfence  }
0xbd: {  	s30 =	sld [smem:$0x0];
	_ =	sdelay $0x2  }
0xbe: {  	s31 =	sshll.u32 s1, $0xD;
	s1 =	sshrl.u32 s1, $0x2  }
0xbf: {  	s3 =	sand.u32 $0x4000, s31;
	s1 =	sadd.s32 s1, s30  }
0xc0: {  	s0 =	sor.u32 s3, s0;
	s1 =	sshll.u32 s1, $0x11  }
0xc1: {  	s0 =	sor.u32 s1, s0  }
0xc2: {  	s0 =	sadd.s32 $0x8F2B, s0  }
0xc3: {  	[sflag:s0] =	ssyncadd.remote.s32 $0x1  }
0xc4: {  	_ =	sfence.sel $0xFFFF  }
0xc5: {  	[dreg:$0x0] =	wrdreg $0xFFFFFFFF;
	(pc) =	sbr.abs _section_cstart, $3  }
0xc6: {  	[dreg:$0x1] =	wrdreg $0xFFFFFFFF  }
0xc7: {  	_ =	task.clear_ibuf [dreg:s7], $0x2FFFF;
	_ =	strace $0x9FFFFFFF  }
0xc8: {  	(tm) =	ssettm $0x7FFFFFFF  }
0xc9: {  	_ =	shalt  }
tec
execute0_lowered:
.L_overlay_start_1:
0x0: {  	(tag) =	ssettag $0x1  }
0x1: {  	s1 =	srdreg.scid;
	s9 =	rddreg [dreg:$0x0]  }
0x2: {  	s0 =	stileid.u32;
	s3 =	rddreg [dreg:$0x1]  }
0x3: {  	s2 =	simm.s32 $0x0;
	s7 =	simm.s32 $0x100;
	s6 =	sand.u32 $0x1, s1  }
0x4: {  	s4 =	sshll.u32 s0, $0x6;
	s1 =	rddreg [dreg:$0x2];
	s5 =	sshll.u32 s6, $0x5  }
0x5: {  	s8 =	simm.s32 $0x1;
	[smem:$0x7FF] =	sst s2;
	s10 =	sor.u32 s5, s4  }
0x6: {  	_ =	strace $0x80000047;
	s11 =	ssub.s32 $0x2, s6;
	s4 =	sshrl.u32 s10, $0x3  }
0x7: {  	s6 =	simm.s32 $0x20;
	s4 =	sadd.s32 s3, s4;
	s3 =	simm.s32 $0x2  }
0x8: {  	[tilespmem:s2], [sflag:$0x2] =	stream.linear.gather [hbm4b:s4+s2], $0x20, $0x38;
	[tilespmem:$0x2100] =	vst v63  }
0x9: {  	s5 =	sadd.s32 $0xA00, s9;
	s12 =	sshrl.u32 s11, $0x1;
	_ =	swait.ge [sflag:s3], $0x20  }
0xa: {  	s10 =	sshll.u32 s10, $0x4;
	s31 =	ssub.s32 s11, s12;
	[sflag:s3] =	ssyncset.done $0x0  }
0xb: {  	s9 =	sadd.s32 s10, s9;
	s10 =	smax.u32 s31, $0x1;
	[sflag:s3] =	ssyncadd.s32 $0xFFFFFFE0  }
0xc: {  	[tilespmem:s7], [sflag:$0x1] =	stream.indirect.gather [hbm4b:s5+s6], $0x80, s2, s6, $0xb8;
	[tilespmem:$0x2100] =	vst v63  }
0xd: {  	p0 =	sne.s32 s10, $0x1;
	_ =	swait.ge [sflag:s8], $0x1000  }
.Ltmp0:
0xe: {  	[sflag:s8] =	ssyncset.done $0x0;
	(pc) =	sbr.rel @!p0 .LBB2_2-.Ltmp0, $4  }
0xf: {  	s9 =	sadd.s32 $0x6A00, s9;
	[sflag:s8] =	ssyncadd.s32 $0xFFFFF000  }
0x10: {  	[hbm4b:s9+s2] =	stream.linear.scatter [tilespmem:s7], [sflag:$0x2], $0x1000, $0x38;
	[tilespmem:$0x2100] =	vst v63  }
0x11: {  	_ =	swait.ge [sflag:s3], $0x1000  }
0x12: {  	s10 =	sadd.s32 $0xFFFFFFFF, s10;
	[sflag:s3] =	ssyncset.done $0x0  }
.LBB2_1:
0x13: {  	p0 =	sne.s32 s10, $0x1;
	s10 =	sadd.s32 $0xFFFFFFFF, s10;
	[sflag:s3] =	ssyncadd.s32 $0xFFFFF000  }
0x14: {  	[tilespmem:s2], [sflag:$0x2] =	stream.linear.gather [hbm4b:s4+s2], $0x20, $0x38;
	[tilespmem:$0x2100] =	vst v63  }
0x15: {  	_ =	swait.ge [sflag:s3], $0x20  }
0x16: {  	[sflag:s3] =	ssyncset.done $0x0  }
0x17: {  	[sflag:s3] =	ssyncadd.s32 $0xFFFFFFE0  }
0x18: {  	[tilespmem:s7], [sflag:$0x1] =	stream.indirect.gather [hbm4b:s5+s6], $0x80, s2, s6, $0xb8;
	[tilespmem:$0x2100] =	vst v63  }
0x19: {  	_ =	swait.ge [sflag:s8], $0x1000  }
.Ltmp1:
0x1a: {  	[sflag:s8] =	ssyncset.done $0x0;
	(pc) =	sbr.rel @p0 .LBB2_1-.Ltmp1, $4  }
0x1b: {  	[sflag:s8] =	ssyncadd.s32 $0xFFFFF000  }
0x1c: {  	[hbm4b:s9+s2] =	stream.linear.scatter [tilespmem:s7], [sflag:$0x2], $0x1000, $0x38;
	[tilespmem:$0x2100] =	vst v63  }
0x1d: {  	_ =	swait.ge [sflag:s3], $0x1000  }
0x1e: {  	[sflag:s3] =	ssyncset.done $0x0  }
.LBB2_2:
0x1f: {  	[sflag:s3] =	ssyncadd.s32 $0xFFFFF000  }
0x20: {  	_ =	sfence.sel $0x180000  }
0x21: {  	[bflag:$0x0] =	sbarrier.arrive $0xFFFF  }
0x22: {  	p0 =	sne.s32 s0, $0x0;
	_ =	strace $0x90000047  }
0x23: {  	s0 =	sadd.s32 @!p0 $0x100000, s1;
	[bflag:$0x2] =	sbarrier.arrive $0xFFFF  }
0x24: {  	[sflag:s0] =	ssyncadd.tile.s32 @!p0 $0x1;
	_ =	shalt  }
.Lfunc_end2:
_tile_overlayer_lowered:
.L_overlay_start_2:
0x25: {  	(tag) =	ssettag $0x2  }
0x26: {  	s0 =	rddreg [dreg:$0x0];
	s2 =	stileid.u32  }
0x27: {  	s1 =	rddreg [dreg:$0x1];
	p0 =	sne.s32 s2, $0x0  }
0x28: {  	s3 =	rddreg [dreg:$0x2];
	[bflag:$0x3] =	sbarrier.arrive $0xFFFF;
	s2 =	simm.s32 @!p0 $0x1C02  }
0x29: {  	[timem:s3], [sflag:s2] =	dma.local @!p0 [hbm:s0], s1  }
0x2a: {  	s0 =	simm.s32 @!p0 $0x2  }
0x2b: {  	_ =	swait.ge @!p0 [sflag:s0], s1  }
0x2c: {  	s1 =	ssub.s32 @!p0 $0x0, s1;
	[sflag:s0] =	ssyncset.done @!p0 $0x0  }
0x2d: {  	[sflag:s0] =	ssyncadd.s32 @!p0 s1  }
0x2e: {  	[bflag:$0x3] =	sbarrier.arrive $0xFFFF  }
0x2f: {  	_ =	shalt  }

</sc_bundles>
